<compile_context>
chip_gen: v7x
topology: tpu7x:2x2x1
jax: 0.10.2.dev20260603
libtpu: 0.0.44.dev20260713+nightly
codegen_flags: <defaults>
</compile_context>

<pallas_src>
import functools

import jax
import jax.numpy as jnp
from jax import lax
from jax.experimental import pallas as pl
from jax.experimental.pallas import tpu as pltpu
from jax.experimental.pallas import tpu_sc as plsc

BATCH = 16384
EMBED = 32
ROWS = 1000000

_NC = 2
_NS = 16
_NW = _NC * _NS

_CH = 2048
_MAIN = (ROWS // 128) * 128
_NCHUNKS = (_MAIN + _CH - 1) // _CH
_PARTIAL = _NCHUNKS - 1
_AUX_TILE = _PARTIAL % _NW
_KLOC_AUX = (_PARTIAL - _AUX_TILE) // _NW
_TAIL = ROWS - _MAIN
_OUT_PAD = 32
_HCAP = BATCH
_RING = 3

_mesh = plsc.VectorSubcoreMesh(core_axis_name="c", subcore_axis_name="s")


@functools.partial(
    pl.kernel,
    mesh=_mesh,
    compiler_params=pltpu.CompilerParams(needs_layout_passes=False),
    out_type=jax.ShapeDtypeStruct((BATCH + _OUT_PAD, 128), jnp.float32),
    scratch_types=[
        pltpu.VMEM((BATCH,), jnp.int32),
        pltpu.VMEM((_HCAP,), jnp.int32),
        pltpu.VMEM((_HCAP,), jnp.int32),
        pltpu.VMEM((EMBED, _CH), jnp.float32),
        pltpu.VMEM((_TAIL, EMBED), jnp.float32),
        pltpu.VMEM((_RING * 16, 128), jnp.float32),
        pltpu.SMEM((8,), jnp.int32),
        pltpu.SemaphoreType.DMA,
        pltpu.SemaphoreType.DMA,
    ],
)
def _scan_kernel(idx_hbm, tt_hbm, aux_hbm, out_hbm, idx_v, hpk_v, cpk_v,
                 chunk_v, aux_v, rowbuf_v, scnt_s, csem, ssem):
    wid = lax.axis_index("s") * _NC + lax.axis_index("c")
    lanes = lax.iota(jnp.int32, 16)
    n_my = (_NCHUNKS - wid + _NW - 1) // _NW

    def fire_chunk(k):
        cid = wid + k * _NW

        @pl.when(cid < _PARTIAL)
        def _():
            c0 = pl.multiple_of(cid * _CH, _CH)
            pltpu.async_copy(tt_hbm.at[:, pl.ds(c0, _CH)], chunk_v, csem)

        @pl.when(cid == _PARTIAL)
        def _():
            c0 = pl.multiple_of(cid * _CH, _CH)
            pltpu.async_copy(tt_hbm.at[:, pl.ds(c0, 512)],
                             chunk_v.at[:, :512], csem)

    def wait_chunk(k):
        cid = wid + k * _NW

        @pl.when(cid < _PARTIAL)
        def _():
            pltpu.make_async_copy(
                tt_hbm.at[:, pl.ds(0, _CH)], chunk_v, csem).wait()

        @pl.when(cid == _PARTIAL)
        def _():
            pltpu.make_async_copy(
                tt_hbm.at[:, pl.ds(0, 512)],
                chunk_v.at[:, :512], csem).wait()

    pltpu.sync_copy(idx_hbm, idx_v)
    pltpu.sync_copy(aux_hbm, aux_v)
    scnt_s[0] = 0

    def prescan(g, offv):
        vs = [idx_v[pl.ds(g * 64 + 16 * u, 16)] for u in range(4)]
        ms = [((v >> 11) & (_NW - 1)) == wid for v in vs]
        pks = [((g * 64 + 16 * u + lanes) << 15)
               | ((vs[u] >> 16) << 11) | (vs[u] & (_CH - 1))
               for u in range(4)]
        cs = [plsc.cumsum(jnp.where(m, 1, 0).astype(jnp.int32)) for m in ms]
        pcs = [plsc.all_reduce_population_count(m) for m in ms]
        base = offv
        for u in range(4):
            plsc.store_scatter(hpk_v, [base + cs[u] - 1], pks[u], mask=ms[u])
            base = base + pcs[u]
        return base

    offv = lax.fori_loop(0, BATCH // 64, prescan,
                         jnp.zeros((16,), jnp.int32))
    nhit = lax.reduce_max(offv, (0,))
    n_grp = (nhit + 15) // 16

    def drain_one():
        pltpu.make_async_copy(
            tt_hbm.at[pl.ds(0, 16), pl.ds(0, 128)],
            rowbuf_v.at[pl.ds(0, 16)], ssem).wait()

    def scatter_rows(pv, make_vals):
        scnt = scnt_s[0]
        slot = pl.multiple_of((scnt % _RING) * 16, 16)

        @pl.when(scnt >= _RING)
        def _():
            drain_one()

        for s in range(EMBED):
            sv = jnp.full((16,), s, jnp.int32)
            plsc.store_scatter(rowbuf_v, [slot + lanes, sv], make_vals(sv))
        pltpu.async_copy(rowbuf_v.at[pl.ds(slot, 16)], out_hbm.at[pv], ssem)
        scnt_s[0] = scnt + 1

    def chunk_body(k):
        cid = wid + k * _NW
        width = jnp.where(cid == _PARTIAL, 512, _CH)
        fire_chunk(k)

        def compact(g, off2v):
            pks = [hpk_v[pl.ds(g * 64 + 16 * u, 16)] for u in range(4)]
            vas = [(g * 64 + 16 * u + lanes) < nhit for u in range(4)]
            jls = [pk & (_CH - 1) for pk in pks]
            ms = [jnp.logical_and(
                vas[u], jnp.logical_and(((pks[u] >> 11) & 15) == k,
                                        jls[u] < width))
                for u in range(4)]
            ccs = [plsc.cumsum(jnp.where(m, 1, 0).astype(jnp.int32))
                   for m in ms]
            pcs = [plsc.all_reduce_population_count(m) for m in ms]
            base = off2v
            for u in range(4):
                plsc.store_scatter(cpk_v, [base + ccs[u] - 1],
                                   ((pks[u] >> 15) << 11) | jls[u],
                                   mask=ms[u])
                base = base + pcs[u]
            return base

        off2v = lax.fori_loop(0, (n_grp + 3) // 4, compact,
                              jnp.zeros((16,), jnp.int32))
        n2 = lax.reduce_max(off2v, (0,))
        wait_chunk(k)

        def extract(e, carry):
            cpk = cpk_v[pl.ds(e * 16, 16)]
            valid = (e * 16 + lanes) < n2
            pv = jnp.where(valid, cpk >> 11, BATCH + lanes)
            jl = jnp.where(valid, cpk & (_CH - 1), 0)
            scatter_rows(
                pv, lambda sv: plsc.load_gather(chunk_v, [sv, jl]))
            return carry

        lax.fori_loop(0, (n2 + 15) // 16, extract, 0)

    def outer_body(k, carry):
        chunk_body(k)
        return carry

    lax.fori_loop(0, n_my, outer_body, 0)

    @pl.when(wid == _AUX_TILE)
    def _():
        def aux_group(g, carry):
            pk = hpk_v[pl.ds(g * 16, 16)]
            valid = (g * 16 + lanes) < nhit
            jl = pk & (_CH - 1)
            m = jnp.logical_and(
                valid,
                jnp.logical_and(((pk >> 11) & 15) == _KLOC_AUX, jl >= 512))

            @pl.when(jnp.any(m))
            def _():
                pv = jnp.where(m, pk >> 15, BATCH + lanes)
                ja = jnp.where(m, jl - 512, 0)
                scatter_rows(
                    pv, lambda sv: plsc.load_gather(aux_v, [ja, sv]))
            return carry

        lax.fori_loop(0, n_grp, aux_group, 0)

    def final_drain(i, carry):
        drain_one()
        return carry

    lax.fori_loop(0, jnp.minimum(scnt_s[0], _RING), final_drain, 0)


def kernel(landmark_i, table):
    tt = table.T
    aux = table[_MAIN:]
    res = _scan_kernel(landmark_i.astype(jnp.int32), tt, aux)
    return res[:BATCH, :EMBED]

# --- scband reference (transcript-rebuilt; emitter-appended) ---
"""Pipeline reference for scband-landmark-module-50929722196538 (READ-ONLY COPY).

The authoritative reference and input builder live on the scoring server;
editing this copy changes nothing except your own understanding.
"""

import jax, jax.numpy as jnp
import numpy as np

NUM_LANDMARKS = 1000000
EMBED_DIM = 32
BATCH = 16384

def setup_inputs(seed: int = 0) -> dict:
    key = jax.random.key(seed)
    k_idx, k_tab = jax.random.split(key)
    landmark_i = jax.random.randint(k_idx, (BATCH,), 0, NUM_LANDMARKS, dtype=jnp.int64 if jax.config.jax_enable_x64 else jnp.int32)
    table = jax.random.normal(k_tab, (NUM_LANDMARKS, EMBED_DIM), dtype=jnp.float32)
    return {"landmark_i": landmark_i, "table": table}

def reference(landmark_i, table):
    # nn.Embedding forward: row gather from the embedding table
    return jnp.take(table, landmark_i, axis=0)

if __name__ == "__main__":
    import jax
    _d = setup_inputs()
    print(jax.jit(kernel)(*tuple(_d.values())))

</pallas_src>

<mosaic_0001>
#map = affine_map<(d0, d1) -> (0)>
#map1 = affine_map<(d0, d1) -> (0, 0)>
module attributes {stable_mosaic.version = 14 : i64} {
  func.func @_scan_kernel(%arg0: i32, %arg1: i32, %arg2: memref<16384xi32, #tpu.memory_space<hbm>>, %arg3: memref<32x1000000xf32, #tpu.memory_space<hbm>>, %arg4: memref<64x32xf32, #tpu.memory_space<hbm>>, %arg5: memref<16416x128xf32, #tpu.memory_space<hbm>>, %arg6: memref<16384xi32, #tpu.memory_space<vmem>>, %arg7: memref<16384xi32, #tpu.memory_space<vmem>>, %arg8: memref<16384xi32, #tpu.memory_space<vmem>>, %arg9: memref<32x2048xf32, #tpu.memory_space<vmem>>, %arg10: memref<64x32xf32, #tpu.memory_space<vmem>>, %arg11: memref<48x128xf32, #tpu.memory_space<vmem>>, %arg12: memref<8xi32, #tpu.memory_space<smem>>, %arg13: memref<!tpu.dma_semaphore, #tpu.memory_space<semaphore_mem>>, %arg14: memref<!tpu.dma_semaphore, #tpu.memory_space<semaphore_mem>>) attributes {dimension_semantics = [#tpu.dimension_semantics<core_parallel>, #tpu.dimension_semantics<subcore_parallel>], iteration_bounds = array<i64: 2, 16>, scalar_prefetch = 0 : i64, scratch_operands = 9 : i64, tpu.core_type = #tpu.core_type<sc_vector_subcore>, window_params = [{transform_indices = #map}, {transform_indices = #map1}, {transform_indices = #map1}, {transform_indices = #map1}]} {
    %mul3A = arith.constant 2 : i32
    %mul3A_0 = arith.muli %arg1, %mul3A : i32
    %add3A = arith.addi %mul3A_0, %arg0 : i32
    %iota3A = tpu.iota {dimensions = array<i32: 0>} : vector<16xi32>
    %sub3A = arith.constant 489 : i32
    %sub3A_1 = arith.subi %sub3A, %add3A : i32
    %add3A_2 = arith.constant 32 : i32
    %add3A_3 = arith.addi %sub3A_1, %add3A_2 : i32
    %sub3A_4 = arith.constant 1 : i32
    %sub3A_5 = arith.subi %add3A_3, %sub3A_4 : i32
    %jit3A = arith.constant 32 : i32
    %div3A = arith.divsi %sub3A_5, %jit3A : i32
    %sign3A = arith.constant 0 : i32
    %sign3A_6 = arith.cmpi sgt, %sub3A_5, %sign3A : i32
    %sign3A_7 = arith.extui %sign3A_6 : i1 to i32
    %sign3A_8 = arith.constant 0 : i32
    %sign3A_9 = arith.cmpi slt, %sub3A_5, %sign3A_8 : i32
    %sign3A_10 = arith.extui %sign3A_9 : i1 to i32
    %sign3A_11 = arith.subi %sign3A_7, %sign3A_10 : i32
    %sign3A_12 = arith.constant 0 : i32
    %sign3A_13 = arith.cmpi sgt, %jit3A, %sign3A_12 : i32
    %sign3A_14 = arith.extui %sign3A_13 : i1 to i32
    %sign3A_15 = arith.constant 0 : i32
    %sign3A_16 = arith.cmpi slt, %jit3A, %sign3A_15 : i32
    %sign3A_17 = arith.extui %sign3A_16 : i1 to i32
    %sign3A_18 = arith.subi %sign3A_14, %sign3A_17 : i32
    %ne3A = arith.cmpi ne, %sign3A_11, %sign3A_18 : i32
    %rem3A = arith.remsi %sub3A_5, %jit3A : i32
    %ne3A_19 = arith.constant 0 : i32
    %ne3A_20 = arith.cmpi ne, %rem3A, %ne3A_19 : i32
    %and3A = arith.andi %ne3A, %ne3A_20 : i1
    %sub3A_21 = arith.constant 1 : i32
    %sub3A_22 = arith.subi %div3A, %sub3A_21 : i32
    %select_n3A = arith.select %and3A, %sub3A_22, %div3A : i32
    "tpu.region"() ({
      %run_scoped3A = tpu.sem_alloc : memref<!tpu.dma_semaphore, #tpu.memory_space<semaphore_mem>>
      tpu.enqueue_dma source(%arg2 : memref<16384xi32, #tpu.memory_space<hbm>>) target(%arg6 : memref<16384xi32, #tpu.memory_space<vmem>>) target_semaphore(%run_scoped3A : memref<!tpu.dma_semaphore, #tpu.memory_space<semaphore_mem>>)
      tpu.wait_dma2 semaphore(%run_scoped3A : memref<!tpu.dma_semaphore, #tpu.memory_space<semaphore_mem>>) src(%arg2 : memref<16384xi32, #tpu.memory_space<hbm>>) dst(%arg6 : memref<16384xi32, #tpu.memory_space<vmem>>)
      tpu.yield
    }) : () -> ()
    "tpu.region"() ({
      %run_scoped3A = tpu.sem_alloc : memref<!tpu.dma_semaphore, #tpu.memory_space<semaphore_mem>>
      tpu.enqueue_dma source(%arg4 : memref<64x32xf32, #tpu.memory_space<hbm>>) target(%arg10 : memref<64x32xf32, #tpu.memory_space<vmem>>) target_semaphore(%run_scoped3A : memref<!tpu.dma_semaphore, #tpu.memory_space<semaphore_mem>>)
      tpu.wait_dma2 semaphore(%run_scoped3A : memref<!tpu.dma_semaphore, #tpu.memory_space<semaphore_mem>>) src(%arg4 : memref<64x32xf32, #tpu.memory_space<hbm>>) dst(%arg10 : memref<64x32xf32, #tpu.memory_space<vmem>>)
      tpu.yield
    }) : () -> ()
    %swap3A = arith.constant 0 : i32
    %swap3A_23 = arith.constant 0 : i32
    %swap3A_24 = arith.index_cast %swap3A_23 : i32 to index
    %swap3A_25 = memref.load %arg12[%swap3A_24] : memref<8xi32, #tpu.memory_space<smem>>
    memref.store %swap3A, %arg12[%swap3A_24] : memref<8xi32, #tpu.memory_space<smem>>
    %broadcast_in_dim3A = arith.constant 0 : i32
    %broadcast_in_dim3A_26 = vector.broadcast %broadcast_in_dim3A : i32 to vector<16xi32>
    %scan3A = arith.constant 0 : i32
    %scan3A_27 = arith.constant 256 : i32
    %scan3A_28 = arith.addi %scan3A, %scan3A_27 : i32
    %scan3A_29 = arith.constant 1 : i32
    %scan3A_30 = scf.for %scan3A_89 = %scan3A to %scan3A_28 step %scan3A_29 iter_args(%scan3A_90 = %broadcast_in_dim3A_26) -> (vector<16xi32>)  : i32 {
      %mul3A_91 = arith.constant 64 : i32
      %mul3A_92 = arith.muli %scan3A_89, %mul3A_91 : i32
      %add3A_93 = arith.constant 0 : i32
      %add3A_94 = arith.addi %mul3A_92, %add3A_93 : i32
      %get3A_95 = arith.index_cast %add3A_94 : i32 to index
      %get3A_96 = tpu.vector_load %arg6[%get3A_95] {strides = array<i32>} : memref<16384xi32, #tpu.memory_space<vmem>>, vector<16xi32>,
      %mul3A_97 = arith.constant 64 : i32
      %mul3A_98 = arith.muli %scan3A_89, %mul3A_97 : i32
      %add3A_99 = arith.constant 16 : i32
      %add3A_100 = arith.addi %mul3A_98, %add3A_99 : i32
      %get3A_101 = arith.index_cast %add3A_100 : i32 to index
      %get3A_102 = tpu.vector_load %arg6[%get3A_101] {strides = array<i32>} : memref<16384xi32, #tpu.memory_space<vmem>>, vector<16xi32>,
      %mul3A_103 = arith.constant 64 : i32
      %mul3A_104 = arith.muli %scan3A_89, %mul3A_103 : i32
      %add3A_105 = arith.constant 32 : i32
      %add3A_106 = arith.addi %mul3A_104, %add3A_105 : i32
      %get3A_107 = arith.index_cast %add3A_106 : i32 to index
      %get3A_108 = tpu.vector_load %arg6[%get3A_107] {strides = array<i32>} : memref<16384xi32, #tpu.memory_space<vmem>>, vector<16xi32>,
      %mul3A_109 = arith.constant 64 : i32
      %mul3A_110 = arith.muli %scan3A_89, %mul3A_109 : i32
      %add3A_111 = arith.constant 48 : i32
      %add3A_112 = arith.addi %mul3A_110, %add3A_111 : i32
      %get3A_113 = arith.index_cast %add3A_112 : i32 to index
      %get3A_114 = tpu.vector_load %arg6[%get3A_113] {strides = array<i32>} : memref<16384xi32, #tpu.memory_space<vmem>>, vector<16xi32>,
      %shift_right_arithmetic3A = arith.constant 11 : i32
      %shift_right_arithmetic3A_115 = vector.broadcast %shift_right_arithmetic3A : i32 to vector<16xi32>
      %shift_right_arithmetic3A_116 = arith.shrsi %get3A_96, %shift_right_arithmetic3A_115 : vector<16xi32>
      %and3A_117 = arith.constant 31 : i32
      %and3A_118 = vector.broadcast %and3A_117 : i32 to vector<16xi32>
      %and3A_119 = arith.andi %shift_right_arithmetic3A_116, %and3A_118 : vector<16xi32>
      %eq3A_120 = vector.broadcast %add3A : i32 to vector<16xi32>
      %eq3A_121 = arith.cmpi eq, %and3A_119, %eq3A_120 : vector<16xi32>
      %shift_right_arithmetic3A_122 = arith.constant 11 : i32
      %shift_right_arithmetic3A_123 = vector.broadcast %shift_right_arithmetic3A_122 : i32 to vector<16xi32>
      %shift_right_arithmetic3A_124 = arith.shrsi %get3A_102, %shift_right_arithmetic3A_123 : vector<16xi32>
      %and3A_125 = arith.constant 31 : i32
      %and3A_126 = vector.broadcast %and3A_125 : i32 to vector<16xi32>
      %and3A_127 = arith.andi %shift_right_arithmetic3A_124, %and3A_126 : vector<16xi32>
      %eq3A_128 = vector.broadcast %add3A : i32 to vector<16xi32>
      %eq3A_129 = arith.cmpi eq, %and3A_127, %eq3A_128 : vector<16xi32>
      %shift_right_arithmetic3A_130 = arith.constant 11 : i32
      %shift_right_arithmetic3A_131 = vector.broadcast %shift_right_arithmetic3A_130 : i32 to vector<16xi32>
      %shift_right_arithmetic3A_132 = arith.shrsi %get3A_108, %shift_right_arithmetic3A_131 : vector<16xi32>
      %and3A_133 = arith.constant 31 : i32
      %and3A_134 = vector.broadcast %and3A_133 : i32 to vector<16xi32>
      %and3A_135 = arith.andi %shift_right_arithmetic3A_132, %and3A_134 : vector<16xi32>
      %eq3A_136 = vector.broadcast %add3A : i32 to vector<16xi32>
      %eq3A_137 = arith.cmpi eq, %and3A_135, %eq3A_136 : vector<16xi32>
      %shift_right_arithmetic3A_138 = arith.constant 11 : i32
      %shift_right_arithmetic3A_139 = vector.broadcast %shift_right_arithmetic3A_138 : i32 to vector<16xi32>
      %shift_right_arithmetic3A_140 = arith.shrsi %get3A_114, %shift_right_arithmetic3A_139 : vector<16xi32>
      %and3A_141 = arith.constant 31 : i32
      %and3A_142 = vector.broadcast %and3A_141 : i32 to vector<16xi32>
      %and3A_143 = arith.andi %shift_right_arithmetic3A_140, %and3A_142 : vector<16xi32>
      %eq3A_144 = vector.broadcast %add3A : i32 to vector<16xi32>
      %eq3A_145 = arith.cmpi eq, %and3A_143, %eq3A_144 : vector<16xi32>
      %mul3A_146 = arith.constant 64 : i32
      %mul3A_147 = arith.muli %scan3A_89, %mul3A_146 : i32
      %add3A_148 = arith.constant 0 : i32
      %add3A_149 = arith.addi %mul3A_147, %add3A_148 : i32
      %add3A_150 = vector.broadcast %add3A_149 : i32 to vector<16xi32>
      %add3A_151 = arith.addi %add3A_150, %iota3A : vector<16xi32>
      %shift_left3A = arith.constant 15 : i32
      %shift_left3A_152 = vector.broadcast %shift_left3A : i32 to vector<16xi32>
      %shift_left3A_153 = arith.shli %add3A_151, %shift_left3A_152 : vector<16xi32>
      %shift_right_arithmetic3A_154 = arith.constant 16 : i32
      %shift_right_arithmetic3A_155 = vector.broadcast %shift_right_arithmetic3A_154 : i32 to vector<16xi32>
      %shift_right_arithmetic3A_156 = arith.shrsi %get3A_96, %shift_right_arithmetic3A_155 : vector<16xi32>
      %shift_left3A_157 = arith.constant 11 : i32
      %shift_left3A_158 = vector.broadcast %shift_left3A_157 : i32 to vector<16xi32>
      %shift_left3A_159 = arith.shli %shift_right_arithmetic3A_156, %shift_left3A_158 : vector<16xi32>
      %or3A = arith.ori %shift_left3A_153, %shift_left3A_159 : vector<16xi32>
      %and3A_160 = arith.constant 2047 : i32
      %and3A_161 = vector.broadcast %and3A_160 : i32 to vector<16xi32>
      %and3A_162 = arith.andi %get3A_96, %and3A_161 : vector<16xi32>
      %or3A_163 = arith.ori %or3A, %and3A_162 : vector<16xi32>
      %mul3A_164 = arith.constant 64 : i32
      %mul3A_165 = arith.muli %scan3A_89, %mul3A_164 : i32
      %add3A_166 = arith.constant 16 : i32
      %add3A_167 = arith.addi %mul3A_165, %add3A_166 : i32
      %add3A_168 = vector.broadcast %add3A_167 : i32 to vector<16xi32>
      %add3A_169 = arith.addi %add3A_168, %iota3A : vector<16xi32>
      %shift_left3A_170 = arith.constant 15 : i32
      %shift_left3A_171 = vector.broadcast %shift_left3A_170 : i32 to vector<16xi32>
      %shift_left3A_172 = arith.shli %add3A_169, %shift_left3A_171 : vector<16xi32>
      %shift_right_arithmetic3A_173 = arith.constant 16 : i32
      %shift_right_arithmetic3A_174 = vector.broadcast %shift_right_arithmetic3A_173 : i32 to vector<16xi32>
      %shift_right_arithmetic3A_175 = arith.shrsi %get3A_102, %shift_right_arithmetic3A_174 : vector<16xi32>
      %shift_left3A_176 = arith.constant 11 : i32
      %shift_left3A_177 = vector.broadcast %shift_left3A_176 : i32 to vector<16xi32>
      %shift_left3A_178 = arith.shli %shift_right_arithmetic3A_175, %shift_left3A_177 : vector<16xi32>
      %or3A_179 = arith.ori %shift_left3A_172, %shift_left3A_178 : vector<16xi32>
      %and3A_180 = arith.constant 2047 : i32
      %and3A_181 = vector.broadcast %and3A_180 : i32 to vector<16xi32>
      %and3A_182 = arith.andi %get3A_102, %and3A_181 : vector<16xi32>
      %or3A_183 = arith.ori %or3A_179, %and3A_182 : vector<16xi32>
      %mul3A_184 = arith.constant 64 : i32
      %mul3A_185 = arith.muli %scan3A_89, %mul3A_184 : i32
      %add3A_186 = arith.constant 32 : i32
      %add3A_187 = arith.addi %mul3A_185, %add3A_186 : i32
      %add3A_188 = vector.broadcast %add3A_187 : i32 to vector<16xi32>
      %add3A_189 = arith.addi %add3A_188, %iota3A : vector<16xi32>
      %shift_left3A_190 = arith.constant 15 : i32
      %shift_left3A_191 = vector.broadcast %shift_left3A_190 : i32 to vector<16xi32>
      %shift_left3A_192 = arith.shli %add3A_189, %shift_left3A_191 : vector<16xi32>
      %shift_right_arithmetic3A_193 = arith.constant 16 : i32
      %shift_right_arithmetic3A_194 = vector.broadcast %shift_right_arithmetic3A_193 : i32 to vector<16xi32>
      %shift_right_arithmetic3A_195 = arith.shrsi %get3A_108, %shift_right_arithmetic3A_194 : vector<16xi32>
      %shift_left3A_196 = arith.constant 11 : i32
      %shift_left3A_197 = vector.broadcast %shift_left3A_196 : i32 to vector<16xi32>
      %shift_left3A_198 = arith.shli %shift_right_arithmetic3A_195, %shift_left3A_197 : vector<16xi32>
      %or3A_199 = arith.ori %shift_left3A_192, %shift_left3A_198 : vector<16xi32>
      %and3A_200 = arith.constant 2047 : i32
      %and3A_201 = vector.broadcast %and3A_200 : i32 to vector<16xi32>
      %and3A_202 = arith.andi %get3A_108, %and3A_201 : vector<16xi32>
      %or3A_203 = arith.ori %or3A_199, %and3A_202 : vector<16xi32>
      %mul3A_204 = arith.constant 64 : i32
      %mul3A_205 = arith.muli %scan3A_89, %mul3A_204 : i32
      %add3A_206 = arith.constant 48 : i32
      %add3A_207 = arith.addi %mul3A_205, %add3A_206 : i32
      %add3A_208 = vector.broadcast %add3A_207 : i32 to vector<16xi32>
      %add3A_209 = arith.addi %add3A_208, %iota3A : vector<16xi32>
      %shift_left3A_210 = arith.constant 15 : i32
      %shift_left3A_211 = vector.broadcast %shift_left3A_210 : i32 to vector<16xi32>
      %shift_left3A_212 = arith.shli %add3A_209, %shift_left3A_211 : vector<16xi32>
      %shift_right_arithmetic3A_213 = arith.constant 16 : i32
      %shift_right_arithmetic3A_214 = vector.broadcast %shift_right_arithmetic3A_213 : i32 to vector<16xi32>
      %shift_right_arithmetic3A_215 = arith.shrsi %get3A_114, %shift_right_arithmetic3A_214 : vector<16xi32>
      %shift_left3A_216 = arith.constant 11 : i32
      %shift_left3A_217 = vector.broadcast %shift_left3A_216 : i32 to vector<16xi32>
      %shift_left3A_218 = arith.shli %shift_right_arithmetic3A_215, %shift_left3A_217 : vector<16xi32>
      %or3A_219 = arith.ori %shift_left3A_212, %shift_left3A_218 : vector<16xi32>
      %and3A_220 = arith.constant 2047 : i32
      %and3A_221 = vector.broadcast %and3A_220 : i32 to vector<16xi32>
      %and3A_222 = arith.andi %get3A_114, %and3A_221 : vector<16xi32>
      %or3A_223 = arith.ori %or3A_219, %and3A_222 : vector<16xi32>
      %jit3A_224 = arith.constant 1 : i32
      %jit3A_225 = arith.constant 0 : i32
      %broadcast_in_dim3A_226 = vector.broadcast %jit3A_224 : i32 to vector<16xi32>
      %broadcast_in_dim3A_227 = vector.broadcast %jit3A_225 : i32 to vector<16xi32>
      %select_n3A_228 = arith.select %eq3A_121, %broadcast_in_dim3A_226, %broadcast_in_dim3A_227 : vector<16xi1>, vector<16xi32>
      %broadcast_in_dim3A_229 = arith.constant true
      %broadcast_in_dim3A_230 = vector.broadcast %broadcast_in_dim3A_229 : i1 to vector<16xi1>
      %masked_cumsum3A = tpu.scan <sum>, %select_n3A_228 masked %broadcast_in_dim3A_230 : vector<16xi32>, vector<16xi1> -> vector<16xi32>
      %jit3A_231 = arith.constant 1 : i32
      %jit3A_232 = arith.constant 0 : i32
      %broadcast_in_dim3A_233 = vector.broadcast %jit3A_231 : i32 to vector<16xi32>
      %broadcast_in_dim3A_234 = vector.broadcast %jit3A_232 : i32 to vector<16xi32>
      %select_n3A_235 = arith.select %eq3A_129, %broadcast_in_dim3A_233, %broadcast_in_dim3A_234 : vector<16xi1>, vector<16xi32>
      %broadcast_in_dim3A_236 = arith.constant true
      %broadcast_in_dim3A_237 = vector.broadcast %broadcast_in_dim3A_236 : i1 to vector<16xi1>
      %masked_cumsum3A_238 = tpu.scan <sum>, %select_n3A_235 masked %broadcast_in_dim3A_237 : vector<16xi32>, vector<16xi1> -> vector<16xi32>
      %jit3A_239 = arith.constant 1 : i32
      %jit3A_240 = arith.constant 0 : i32
      %broadcast_in_dim3A_241 = vector.broadcast %jit3A_239 : i32 to vector<16xi32>
      %broadcast_in_dim3A_242 = vector.broadcast %jit3A_240 : i32 to vector<16xi32>
      %select_n3A_243 = arith.select %eq3A_137, %broadcast_in_dim3A_241, %broadcast_in_dim3A_242 : vector<16xi1>, vector<16xi32>
      %broadcast_in_dim3A_244 = arith.constant true
      %broadcast_in_dim3A_245 = vector.broadcast %broadcast_in_dim3A_244 : i1 to vector<16xi1>
      %masked_cumsum3A_246 = tpu.scan <sum>, %select_n3A_243 masked %broadcast_in_dim3A_245 : vector<16xi32>, vector<16xi1> -> vector<16xi32>
      %jit3A_247 = arith.constant 1 : i32
      %jit3A_248 = arith.constant 0 : i32
      %broadcast_in_dim3A_249 = vector.broadcast %jit3A_247 : i32 to vector<16xi32>
      %broadcast_in_dim3A_250 = vector.broadcast %jit3A_248 : i32 to vector<16xi32>
      %select_n3A_251 = arith.select %eq3A_145, %broadcast_in_dim3A_249, %broadcast_in_dim3A_250 : vector<16xi1>, vector<16xi32>
      %broadcast_in_dim3A_252 = arith.constant true
      %broadcast_in_dim3A_253 = vector.broadcast %broadcast_in_dim3A_252 : i1 to vector<16xi1>
      %masked_cumsum3A_254 = tpu.scan <sum>, %select_n3A_251 masked %broadcast_in_dim3A_253 : vector<16xi32>, vector<16xi1> -> vector<16xi32>
      %all_reduce_population_count3A = tpu.all_reduce %eq3A_121 {dim = 0 : i64, kind = #tpu.reduction_kind<sum>} : vector<16xi1> -> vector<16xi32>
      %all_reduce_population_count3A_255 = tpu.all_reduce %eq3A_129 {dim = 0 : i64, kind = #tpu.reduction_kind<sum>} : vector<16xi1> -> vector<16xi32>
      %all_reduce_population_count3A_256 = tpu.all_reduce %eq3A_137 {dim = 0 : i64, kind = #tpu.reduction_kind<sum>} : vector<16xi1> -> vector<16xi32>
      %all_reduce_population_count3A_257 = tpu.all_reduce %eq3A_145 {dim = 0 : i64, kind = #tpu.reduction_kind<sum>} : vector<16xi1> -> vector<16xi32>
      %add3A_258 = arith.addi %scan3A_90, %masked_cumsum3A : vector<16xi32>
      %sub3A_259 = arith.constant 1 : i32
      %sub3A_260 = vector.broadcast %sub3A_259 : i32 to vector<16xi32>
      %sub3A_261 = arith.subi %add3A_258, %sub3A_260 : vector<16xi32>
      tpu.vector_store_idx %arg7[%sub3A_261], %or3A_163 masked %eq3A_121 : memref<16384xi32, #tpu.memory_space<vmem>>[vector<16xi32>], vector<16xi32>, vector<16xi1>
      %add3A_262 = arith.addi %scan3A_90, %all_reduce_population_count3A : vector<16xi32>
      %add3A_263 = arith.addi %add3A_262, %masked_cumsum3A_238 : vector<16xi32>
      %sub3A_264 = arith.constant 1 : i32
      %sub3A_265 = vector.broadcast %sub3A_264 : i32 to vector<16xi32>
      %sub3A_266 = arith.subi %add3A_263, %sub3A_265 : vector<16xi32>
      tpu.vector_store_idx %arg7[%sub3A_266], %or3A_183 masked %eq3A_129 : memref<16384xi32, #tpu.memory_space<vmem>>[vector<16xi32>], vector<16xi32>, vector<16xi1>
      %add3A_267 = arith.addi %add3A_262, %all_reduce_population_count3A_255 : vector<16xi32>
      %add3A_268 = arith.addi %add3A_267, %masked_cumsum3A_246 : vector<16xi32>
      %sub3A_269 = arith.constant 1 : i32
      %sub3A_270 = vector.broadcast %sub3A_269 : i32 to vector<16xi32>
      %sub3A_271 = arith.subi %add3A_268, %sub3A_270 : vector<16xi32>
      tpu.vector_store_idx %arg7[%sub3A_271], %or3A_203 masked %eq3A_137 : memref<16384xi32, #tpu.memory_space<vmem>>[vector<16xi32>], vector<16xi32>, vector<16xi1>
      %add3A_272 = arith.addi %add3A_267, %all_reduce_population_count3A_256 : vector<16xi32>
      %add3A_273 = arith.addi %add3A_272, %masked_cumsum3A_254 : vector<16xi32>
      %sub3A_274 = arith.constant 1 : i32
      %sub3A_275 = vector.broadcast %sub3A_274 : i32 to vector<16xi32>
      %sub3A_276 = arith.subi %add3A_273, %sub3A_275 : vector<16xi32>
      tpu.vector_store_idx %arg7[%sub3A_276], %or3A_223 masked %eq3A_145 : memref<16384xi32, #tpu.memory_space<vmem>>[vector<16xi32>], vector<16xi32>, vector<16xi1>
      %add3A_277 = arith.addi %add3A_272, %all_reduce_population_count3A_257 : vector<16xi32>
      scf.yield %add3A_277 : vector<16xi32>
    }
    %scan3A_31 = arith.constant 256 : i32
    %reduce_max3A = arith.constant true
    %reduce_max3A_32 = vector.broadcast %reduce_max3A : i1 to vector<16xi1>
    %reduce_max3A_33 = arith.constant -2147483648 : i32
    %reduce_max3A_34 = vector.broadcast %reduce_max3A_33 : i32 to vector<16xi32>
    %reduce_max3A_35 = arith.xori %scan3A_30, %reduce_max3A_34 : vector<16xi32>
    %reduce_max3A_36 = tpu.scan <max>, %reduce_max3A_35 masked %reduce_max3A_32 : vector<16xi32>, vector<16xi1> -> vector<16xi32>
    %reduce_max3A_37 = arith.xori %reduce_max3A_36, %reduce_max3A_34 : vector<16xi32>
    %reduce_max3A_38 = vector.extract %reduce_max3A_37[15] : i32 from vector<16xi32>
    %add3A_39 = arith.constant 15 : i32
    %add3A_40 = arith.addi %reduce_max3A_38, %add3A_39 : i32
    %jit3A_41 = arith.constant 16 : i32
    %div3A_42 = arith.divsi %add3A_40, %jit3A_41 : i32
    %sign3A_43 = arith.constant 0 : i32
    %sign3A_44 = arith.cmpi sgt, %add3A_40, %sign3A_43 : i32
    %sign3A_45 = arith.extui %sign3A_44 : i1 to i32
    %sign3A_46 = arith.constant 0 : i32
    %sign3A_47 = arith.cmpi slt, %add3A_40, %sign3A_46 : i32
    %sign3A_48 = arith.extui %sign3A_47 : i1 to i32
    %sign3A_49 = arith.subi %sign3A_45, %sign3A_48 : i32
    %sign3A_50 = arith.constant 0 : i32
    %sign3A_51 = arith.cmpi sgt, %jit3A_41, %sign3A_50 : i32
    %sign3A_52 = arith.extui %sign3A_51 : i1 to i32
    %sign3A_53 = arith.constant 0 : i32
    %sign3A_54 = arith.cmpi slt, %jit3A_41, %sign3A_53 : i32
    %sign3A_55 = arith.extui %sign3A_54 : i1 to i32
    %sign3A_56 = arith.subi %sign3A_52, %sign3A_55 : i32
    %ne3A_57 = arith.cmpi ne, %sign3A_49, %sign3A_56 : i32
    %rem3A_58 = arith.remsi %add3A_40, %jit3A_41 : i32
    %ne3A_59 = arith.constant 0 : i32
    %ne3A_60 = arith.cmpi ne, %rem3A_58, %ne3A_59 : i32
    %and3A_61 = arith.andi %ne3A_57, %ne3A_60 : i1
    %sub3A_62 = arith.constant 1 : i32
    %sub3A_63 = arith.subi %div3A_42, %sub3A_62 : i32
    %select_n3A_64 = arith.select %and3A_61, %sub3A_63, %div3A_42 : i32
    %while3A = arith.constant 0 : i32
    %while3A_65 = arith.constant 0 : i32
    %while3A_66 = arith.subi %select_n3A, %while3A_65 : i32
    %while3A_67 = arith.addi %while3A_65, %while3A_66 : i32
    %while3A_68 = arith.constant 1 : i32
    %while3A_69 = arith.divsi %while3A_66, %while3A_68 : i32
    %while3A_70 = arith.muli %while3A_69, %while3A_68 : i32
    %while3A_71 = arith.addi %while3A_65, %while3A_70 : i32
    %while3A_72 = arith.constant 1 : i32
    scf.for %while3A_89 = %while3A_65 to %while3A_71 step %while3A_72  : i32 {
      %mul3A_90 = arith.constant 32 : i32
      %mul3A_91 = arith.muli %while3A_89, %mul3A_90 : i32
      %add3A_92 = arith.addi %add3A, %mul3A_91 : i32
      %eq3A_93 = arith.constant 488 : i32
      %eq3A_94 = arith.cmpi eq, %add3A_92, %eq3A_93 : i32
      %jit3A_95 = arith.constant 512 : i32
      %jit3A_96 = arith.constant 2048 : i32
      %select_n3A_97 = arith.select %eq3A_94, %jit3A_95, %jit3A_96 : i32
      %mul3A_98 = arith.constant 32 : i32
      %mul3A_99 = arith.muli %while3A_89, %mul3A_98 : i32
      %add3A_100 = arith.addi %add3A, %mul3A_99 : i32
      %lt3A = arith.constant 488 : i32
      %lt3A_101 = arith.cmpi slt, %add3A_100, %lt3A : i32
      %convert_element_type3A_102 = arith.extui %lt3A_101 : i1 to i32
      %cond3A_103 = arith.constant 0 : i32
      %cond3A_104 = arith.cmpi ne, %convert_element_type3A_102, %cond3A_103 : i32
      scf.if %cond3A_104 {
        %mul3A_206 = arith.constant 2048 : i32
        %mul3A_207 = arith.muli %add3A_100, %mul3A_206 : i32
        %multiple_of3A = tpu.assume_multiple %mul3A_207, 2048 : i32
        %dma_start3A = arith.constant 0 : i32
        %dma_start3A_208 = tpu.memref_slice %arg3[%dma_start3A, %multiple_of3A] : memref<32x1000000xf32, #tpu.memory_space<hbm>> -> memref<32x2048xf32, #tpu.memory_space<hbm>>
        %dma_start3A_209 = arith.constant 0 : i32
        %dma_start3A_210 = tpu.memref_slice %arg3[%dma_start3A_209, %multiple_of3A] : memref<32x1000000xf32, #tpu.memory_space<hbm>> -> memref<32x2048xf32, #tpu.memory_space<hbm>>
        tpu.enqueue_dma source(%dma_start3A_210 : memref<32x2048xf32, #tpu.memory_space<hbm>>) target(%arg9 : memref<32x2048xf32, #tpu.memory_space<vmem>>) target_semaphore(%arg13 : memref<!tpu.dma_semaphore, #tpu.memory_space<semaphore_mem>>)
      } else {
      }
      %eq3A_105 = arith.constant 488 : i32
      %eq3A_106 = arith.cmpi eq, %add3A_100, %eq3A_105 : i32
      %convert_element_type3A_107 = arith.extui %eq3A_106 : i1 to i32
      %cond3A_108 = arith.constant 0 : i32
      %cond3A_109 = arith.cmpi ne, %convert_element_type3A_107, %cond3A_108 : i32
      scf.if %cond3A_109 {
        %mul3A_206 = arith.constant 2048 : i32
        %mul3A_207 = arith.muli %add3A_100, %mul3A_206 : i32
        %multiple_of3A = tpu.assume_multiple %mul3A_207, 2048 : i32
        %dma_start3A = arith.constant 0 : i32
        %dma_start3A_208 = arith.constant 0 : i32
        %dma_start3A_209 = tpu.memref_slice %arg9[%dma_start3A, %dma_start3A_208] : memref<32x2048xf32, #tpu.memory_space<vmem>> -> memref<32x512xf32, #tpu.memory_space<vmem>>
        %dma_start3A_210 = arith.constant 0 : i32
        %dma_start3A_211 = tpu.memref_slice %arg3[%dma_start3A_210, %multiple_of3A] : memref<32x1000000xf32, #tpu.memory_space<hbm>> -> memref<32x512xf32, #tpu.memory_space<hbm>>
        %dma_start3A_212 = arith.constant 0 : i32
        %dma_start3A_213 = arith.constant 0 : i32
        %dma_start3A_214 = tpu.memref_slice %arg9[%dma_start3A_212, %dma_start3A_213] : memref<32x2048xf32, #tpu.memory_space<vmem>> -> memref<32x512xf32, #tpu.memory_space<vmem>>
        %dma_start3A_215 = arith.constant 0 : i32
        %dma_start3A_216 = tpu.memref_slice %arg3[%dma_start3A_215, %multiple_of3A] : memref<32x1000000xf32, #tpu.memory_space<hbm>> -> memref<32x512xf32, #tpu.memory_space<hbm>>
        tpu.enqueue_dma source(%dma_start3A_216 : memref<32x512xf32, #tpu.memory_space<hbm>>) target(%dma_start3A_214 : memref<32x512xf32, #tpu.memory_space<vmem>>) target_semaphore(%arg13 : memref<!tpu.dma_semaphore, #tpu.memory_space<semaphore_mem>>)
      } else {
      }
      %add3A_110 = arith.constant 3 : i32
      %add3A_111 = arith.addi %select_n3A_64, %add3A_110 : i32
      %jit3A_112 = arith.constant 4 : i32
      %div3A_113 = arith.divsi %add3A_111, %jit3A_112 : i32
      %sign3A_114 = arith.constant 0 : i32
      %sign3A_115 = arith.cmpi sgt, %add3A_111, %sign3A_114 : i32
      %sign3A_116 = arith.extui %sign3A_115 : i1 to i32
      %sign3A_117 = arith.constant 0 : i32
      %sign3A_118 = arith.cmpi slt, %add3A_111, %sign3A_117 : i32
      %sign3A_119 = arith.extui %sign3A_118 : i1 to i32
      %sign3A_120 = arith.subi %sign3A_116, %sign3A_119 : i32
      %sign3A_121 = arith.constant 0 : i32
      %sign3A_122 = arith.cmpi sgt, %jit3A_112, %sign3A_121 : i32
      %sign3A_123 = arith.extui %sign3A_122 : i1 to i32
      %sign3A_124 = arith.constant 0 : i32
      %sign3A_125 = arith.cmpi slt, %jit3A_112, %sign3A_124 : i32
      %sign3A_126 = arith.extui %sign3A_125 : i1 to i32
      %sign3A_127 = arith.subi %sign3A_123, %sign3A_126 : i32
      %ne3A_128 = arith.cmpi ne, %sign3A_120, %sign3A_127 : i32
      %rem3A_129 = arith.remsi %add3A_111, %jit3A_112 : i32
      %ne3A_130 = arith.constant 0 : i32
      %ne3A_131 = arith.cmpi ne, %rem3A_129, %ne3A_130 : i32
      %and3A_132 = arith.andi %ne3A_128, %ne3A_131 : i1
      %sub3A_133 = arith.constant 1 : i32
      %sub3A_134 = arith.subi %div3A_113, %sub3A_133 : i32
      %select_n3A_135 = arith.select %and3A_132, %sub3A_134, %div3A_113 : i32
      %broadcast_in_dim3A_136 = arith.constant 0 : i32
      %broadcast_in_dim3A_137 = vector.broadcast %broadcast_in_dim3A_136 : i32 to vector<16xi32>
      %while3A_138 = arith.constant 0 : i32
      %while3A_139 = arith.subi %select_n3A_135, %while3A_138 : i32
      %while3A_140 = arith.addi %while3A_138, %while3A_139 : i32
      %while3A_141 = arith.constant 1 : i32
      %while3A_142 = arith.divsi %while3A_139, %while3A_141 : i32
      %while3A_143 = arith.muli %while3A_142, %while3A_141 : i32
      %while3A_144 = arith.addi %while3A_138, %while3A_143 : i32
      %while3A_145 = arith.constant 1 : i32
      %while3A_146 = scf.for %while3A_206 = %while3A_138 to %while3A_144 step %while3A_145 iter_args(%while3A_207 = %broadcast_in_dim3A_137) -> (vector<16xi32>)  : i32 {
        %mul3A_208 = arith.constant 64 : i32
        %mul3A_209 = arith.muli %while3A_206, %mul3A_208 : i32
        %add3A_210 = arith.constant 0 : i32
        %add3A_211 = arith.addi %mul3A_209, %add3A_210 : i32
        %get3A_212 = arith.index_cast %add3A_211 : i32 to index
        %get3A_213 = tpu.vector_load %arg7[%get3A_212] {strides = array<i32>} : memref<16384xi32, #tpu.memory_space<vmem>>, vector<16xi32>,
        %mul3A_214 = arith.constant 64 : i32
        %mul3A_215 = arith.muli %while3A_206, %mul3A_214 : i32
        %add3A_216 = arith.constant 16 : i32
        %add3A_217 = arith.addi %mul3A_215, %add3A_216 : i32
        %get3A_218 = arith.index_cast %add3A_217 : i32 to index
        %get3A_219 = tpu.vector_load %arg7[%get3A_218] {strides = array<i32>} : memref<16384xi32, #tpu.memory_space<vmem>>, vector<16xi32>,
        %mul3A_220 = arith.constant 64 : i32
        %mul3A_221 = arith.muli %while3A_206, %mul3A_220 : i32
        %add3A_222 = arith.constant 32 : i32
        %add3A_223 = arith.addi %mul3A_221, %add3A_222 : i32
        %get3A_224 = arith.index_cast %add3A_223 : i32 to index
        %get3A_225 = tpu.vector_load %arg7[%get3A_224] {strides = array<i32>} : memref<16384xi32, #tpu.memory_space<vmem>>, vector<16xi32>,
        %mul3A_226 = arith.constant 64 : i32
        %mul3A_227 = arith.muli %while3A_206, %mul3A_226 : i32
        %add3A_228 = arith.constant 48 : i32
        %add3A_229 = arith.addi %mul3A_227, %add3A_228 : i32
        %get3A_230 = arith.index_cast %add3A_229 : i32 to index
        %get3A_231 = tpu.vector_load %arg7[%get3A_230] {strides = array<i32>} : memref<16384xi32, #tpu.memory_space<vmem>>, vector<16xi32>,
        %mul3A_232 = arith.constant 64 : i32
        %mul3A_233 = arith.muli %while3A_206, %mul3A_232 : i32
        %add3A_234 = arith.constant 0 : i32
        %add3A_235 = arith.addi %mul3A_233, %add3A_234 : i32
        %add3A_236 = vector.broadcast %add3A_235 : i32 to vector<16xi32>
        %add3A_237 = arith.addi %add3A_236, %iota3A : vector<16xi32>
        %lt3A_238 = vector.broadcast %reduce_max3A_38 : i32 to vector<16xi32>
        %lt3A_239 = arith.cmpi slt, %add3A_237, %lt3A_238 : vector<16xi32>
        %mul3A_240 = arith.constant 64 : i32
        %mul3A_241 = arith.muli %while3A_206, %mul3A_240 : i32
        %add3A_242 = arith.constant 16 : i32
        %add3A_243 = arith.addi %mul3A_241, %add3A_242 : i32
        %add3A_244 = vector.broadcast %add3A_243 : i32 to vector<16xi32>
        %add3A_245 = arith.addi %add3A_244, %iota3A : vector<16xi32>
        %lt3A_246 = vector.broadcast %reduce_max3A_38 : i32 to vector<16xi32>
        %lt3A_247 = arith.cmpi slt, %add3A_245, %lt3A_246 : vector<16xi32>
        %mul3A_248 = arith.constant 64 : i32
        %mul3A_249 = arith.muli %while3A_206, %mul3A_248 : i32
        %add3A_250 = arith.constant 32 : i32
        %add3A_251 = arith.addi %mul3A_249, %add3A_250 : i32
        %add3A_252 = vector.broadcast %add3A_251 : i32 to vector<16xi32>
        %add3A_253 = arith.addi %add3A_252, %iota3A : vector<16xi32>
        %lt3A_254 = vector.broadcast %reduce_max3A_38 : i32 to vector<16xi32>
        %lt3A_255 = arith.cmpi slt, %add3A_253, %lt3A_254 : vector<16xi32>
        %mul3A_256 = arith.constant 64 : i32
        %mul3A_257 = arith.muli %while3A_206, %mul3A_256 : i32
        %add3A_258 = arith.constant 48 : i32
        %add3A_259 = arith.addi %mul3A_257, %add3A_258 : i32
        %add3A_260 = vector.broadcast %add3A_259 : i32 to vector<16xi32>
        %add3A_261 = arith.addi %add3A_260, %iota3A : vector<16xi32>
        %lt3A_262 = vector.broadcast %reduce_max3A_38 : i32 to vector<16xi32>
        %lt3A_263 = arith.cmpi slt, %add3A_261, %lt3A_262 : vector<16xi32>
        %and3A_264 = arith.constant 2047 : i32
        %and3A_265 = vector.broadcast %and3A_264 : i32 to vector<16xi32>
        %and3A_266 = arith.andi %get3A_213, %and3A_265 : vector<16xi32>
        %and3A_267 = arith.constant 2047 : i32
        %and3A_268 = vector.broadcast %and3A_267 : i32 to vector<16xi32>
        %and3A_269 = arith.andi %get3A_219, %and3A_268 : vector<16xi32>
        %and3A_270 = arith.constant 2047 : i32
        %and3A_271 = vector.broadcast %and3A_270 : i32 to vector<16xi32>
        %and3A_272 = arith.andi %get3A_225, %and3A_271 : vector<16xi32>
        %and3A_273 = arith.constant 2047 : i32
        %and3A_274 = vector.broadcast %and3A_273 : i32 to vector<16xi32>
        %and3A_275 = arith.andi %get3A_231, %and3A_274 : vector<16xi32>
        %shift_right_arithmetic3A = arith.constant 11 : i32
        %shift_right_arithmetic3A_276 = vector.broadcast %shift_right_arithmetic3A : i32 to vector<16xi32>
        %shift_right_arithmetic3A_277 = arith.shrsi %get3A_213, %shift_right_arithmetic3A_276 : vector<16xi32>
        %and3A_278 = arith.constant 15 : i32
        %and3A_279 = vector.broadcast %and3A_278 : i32 to vector<16xi32>
        %and3A_280 = arith.andi %shift_right_arithmetic3A_277, %and3A_279 : vector<16xi32>
        %eq3A_281 = vector.broadcast %while3A_89 : i32 to vector<16xi32>
        %eq3A_282 = arith.cmpi eq, %and3A_280, %eq3A_281 : vector<16xi32>
        %lt3A_283 = vector.broadcast %select_n3A_97 : i32 to vector<16xi32>
        %lt3A_284 = arith.cmpi slt, %and3A_266, %lt3A_283 : vector<16xi32>
        %and3A_285 = arith.andi %eq3A_282, %lt3A_284 : vector<16xi1>
        %and3A_286 = arith.andi %lt3A_239, %and3A_285 : vector<16xi1>
        %shift_right_arithmetic3A_287 = arith.constant 11 : i32
        %shift_right_arithmetic3A_288 = vector.broadcast %shift_right_arithmetic3A_287 : i32 to vector<16xi32>
        %shift_right_arithmetic3A_289 = arith.shrsi %get3A_219, %shift_right_arithmetic3A_288 : vector<16xi32>
        %and3A_290 = arith.constant 15 : i32
        %and3A_291 = vector.broadcast %and3A_290 : i32 to vector<16xi32>
        %and3A_292 = arith.andi %shift_right_arithmetic3A_289, %and3A_291 : vector<16xi32>
        %eq3A_293 = vector.broadcast %while3A_89 : i32 to vector<16xi32>
        %eq3A_294 = arith.cmpi eq, %and3A_292, %eq3A_293 : vector<16xi32>
        %lt3A_295 = vector.broadcast %select_n3A_97 : i32 to vector<16xi32>
        %lt3A_296 = arith.cmpi slt, %and3A_269, %lt3A_295 : vector<16xi32>
        %and3A_297 = arith.andi %eq3A_294, %lt3A_296 : vector<16xi1>
        %and3A_298 = arith.andi %lt3A_247, %and3A_297 : vector<16xi1>
        %shift_right_arithmetic3A_299 = arith.constant 11 : i32
        %shift_right_arithmetic3A_300 = vector.broadcast %shift_right_arithmetic3A_299 : i32 to vector<16xi32>
        %shift_right_arithmetic3A_301 = arith.shrsi %get3A_225, %shift_right_arithmetic3A_300 : vector<16xi32>
        %and3A_302 = arith.constant 15 : i32
        %and3A_303 = vector.broadcast %and3A_302 : i32 to vector<16xi32>
        %and3A_304 = arith.andi %shift_right_arithmetic3A_301, %and3A_303 : vector<16xi32>
        %eq3A_305 = vector.broadcast %while3A_89 : i32 to vector<16xi32>
        %eq3A_306 = arith.cmpi eq, %and3A_304, %eq3A_305 : vector<16xi32>
        %lt3A_307 = vector.broadcast %select_n3A_97 : i32 to vector<16xi32>
        %lt3A_308 = arith.cmpi slt, %and3A_272, %lt3A_307 : vector<16xi32>
        %and3A_309 = arith.andi %eq3A_306, %lt3A_308 : vector<16xi1>
        %and3A_310 = arith.andi %lt3A_255, %and3A_309 : vector<16xi1>
        %shift_right_arithmetic3A_311 = arith.constant 11 : i32
        %shift_right_arithmetic3A_312 = vector.broadcast %shift_right_arithmetic3A_311 : i32 to vector<16xi32>
        %shift_right_arithmetic3A_313 = arith.shrsi %get3A_231, %shift_right_arithmetic3A_312 : vector<16xi32>
        %and3A_314 = arith.constant 15 : i32
        %and3A_315 = vector.broadcast %and3A_314 : i32 to vector<16xi32>
        %and3A_316 = arith.andi %shift_right_arithmetic3A_313, %and3A_315 : vector<16xi32>
        %eq3A_317 = vector.broadcast %while3A_89 : i32 to vector<16xi32>
        %eq3A_318 = arith.cmpi eq, %and3A_316, %eq3A_317 : vector<16xi32>
        %lt3A_319 = vector.broadcast %select_n3A_97 : i32 to vector<16xi32>
        %lt3A_320 = arith.cmpi slt, %and3A_275, %lt3A_319 : vector<16xi32>
        %and3A_321 = arith.andi %eq3A_318, %lt3A_320 : vector<16xi1>
        %and3A_322 = arith.andi %lt3A_263, %and3A_321 : vector<16xi1>
        %jit3A_323 = arith.constant 1 : i32
        %jit3A_324 = arith.constant 0 : i32
        %broadcast_in_dim3A_325 = vector.broadcast %jit3A_323 : i32 to vector<16xi32>
        %broadcast_in_dim3A_326 = vector.broadcast %jit3A_324 : i32 to vector<16xi32>
        %select_n3A_327 = arith.select %and3A_286, %broadcast_in_dim3A_325, %broadcast_in_dim3A_326 : vector<16xi1>, vector<16xi32>
        %broadcast_in_dim3A_328 = arith.constant true
        %broadcast_in_dim3A_329 = vector.broadcast %broadcast_in_dim3A_328 : i1 to vector<16xi1>
        %masked_cumsum3A = tpu.scan <sum>, %select_n3A_327 masked %broadcast_in_dim3A_329 : vector<16xi32>, vector<16xi1> -> vector<16xi32>
        %jit3A_330 = arith.constant 1 : i32
        %jit3A_331 = arith.constant 0 : i32
        %broadcast_in_dim3A_332 = vector.broadcast %jit3A_330 : i32 to vector<16xi32>
        %broadcast_in_dim3A_333 = vector.broadcast %jit3A_331 : i32 to vector<16xi32>
        %select_n3A_334 = arith.select %and3A_298, %broadcast_in_dim3A_332, %broadcast_in_dim3A_333 : vector<16xi1>, vector<16xi32>
        %broadcast_in_dim3A_335 = arith.constant true
        %broadcast_in_dim3A_336 = vector.broadcast %broadcast_in_dim3A_335 : i1 to vector<16xi1>
        %masked_cumsum3A_337 = tpu.scan <sum>, %select_n3A_334 masked %broadcast_in_dim3A_336 : vector<16xi32>, vector<16xi1> -> vector<16xi32>
        %jit3A_338 = arith.constant 1 : i32
        %jit3A_339 = arith.constant 0 : i32
        %broadcast_in_dim3A_340 = vector.broadcast %jit3A_338 : i32 to vector<16xi32>
        %broadcast_in_dim3A_341 = vector.broadcast %jit3A_339 : i32 to vector<16xi32>
        %select_n3A_342 = arith.select %and3A_310, %broadcast_in_dim3A_340, %broadcast_in_dim3A_341 : vector<16xi1>, vector<16xi32>
        %broadcast_in_dim3A_343 = arith.constant true
        %broadcast_in_dim3A_344 = vector.broadcast %broadcast_in_dim3A_343 : i1 to vector<16xi1>
        %masked_cumsum3A_345 = tpu.scan <sum>, %select_n3A_342 masked %broadcast_in_dim3A_344 : vector<16xi32>, vector<16xi1> -> vector<16xi32>
        %jit3A_346 = arith.constant 1 : i32
        %jit3A_347 = arith.constant 0 : i32
        %broadcast_in_dim3A_348 = vector.broadcast %jit3A_346 : i32 to vector<16xi32>
        %broadcast_in_dim3A_349 = vector.broadcast %jit3A_347 : i32 to vector<16xi32>
        %select_n3A_350 = arith.select %and3A_322, %broadcast_in_dim3A_348, %broadcast_in_dim3A_349 : vector<16xi1>, vector<16xi32>
        %broadcast_in_dim3A_351 = arith.constant true
        %broadcast_in_dim3A_352 = vector.broadcast %broadcast_in_dim3A_351 : i1 to vector<16xi1>
        %masked_cumsum3A_353 = tpu.scan <sum>, %select_n3A_350 masked %broadcast_in_dim3A_352 : vector<16xi32>, vector<16xi1> -> vector<16xi32>
        %all_reduce_population_count3A = tpu.all_reduce %and3A_286 {dim = 0 : i64, kind = #tpu.reduction_kind<sum>} : vector<16xi1> -> vector<16xi32>
        %all_reduce_population_count3A_354 = tpu.all_reduce %and3A_298 {dim = 0 : i64, kind = #tpu.reduction_kind<sum>} : vector<16xi1> -> vector<16xi32>
        %all_reduce_population_count3A_355 = tpu.all_reduce %and3A_310 {dim = 0 : i64, kind = #tpu.reduction_kind<sum>} : vector<16xi1> -> vector<16xi32>
        %all_reduce_population_count3A_356 = tpu.all_reduce %and3A_322 {dim = 0 : i64, kind = #tpu.reduction_kind<sum>} : vector<16xi1> -> vector<16xi32>
        %add3A_357 = arith.addi %while3A_207, %masked_cumsum3A : vector<16xi32>
        %sub3A_358 = arith.constant 1 : i32
        %sub3A_359 = vector.broadcast %sub3A_358 : i32 to vector<16xi32>
        %sub3A_360 = arith.subi %add3A_357, %sub3A_359 : vector<16xi32>
        %shift_right_arithmetic3A_361 = arith.constant 15 : i32
        %shift_right_arithmetic3A_362 = vector.broadcast %shift_right_arithmetic3A_361 : i32 to vector<16xi32>
        %shift_right_arithmetic3A_363 = arith.shrsi %get3A_213, %shift_right_arithmetic3A_362 : vector<16xi32>
        %shift_left3A = arith.constant 11 : i32
        %shift_left3A_364 = vector.broadcast %shift_left3A : i32 to vector<16xi32>
        %shift_left3A_365 = arith.shli %shift_right_arithmetic3A_363, %shift_left3A_364 : vector<16xi32>
        %or3A = arith.ori %shift_left3A_365, %and3A_266 : vector<16xi32>
        tpu.vector_store_idx %arg8[%sub3A_360], %or3A masked %and3A_286 : memref<16384xi32, #tpu.memory_space<vmem>>[vector<16xi32>], vector<16xi32>, vector<16xi1>
        %add3A_366 = arith.addi %while3A_207, %all_reduce_population_count3A : vector<16xi32>
        %add3A_367 = arith.addi %add3A_366, %masked_cumsum3A_337 : vector<16xi32>
        %sub3A_368 = arith.constant 1 : i32
        %sub3A_369 = vector.broadcast %sub3A_368 : i32 to vector<16xi32>
        %sub3A_370 = arith.subi %add3A_367, %sub3A_369 : vector<16xi32>
        %shift_right_arithmetic3A_371 = arith.constant 15 : i32
        %shift_right_arithmetic3A_372 = vector.broadcast %shift_right_arithmetic3A_371 : i32 to vector<16xi32>
        %shift_right_arithmetic3A_373 = arith.shrsi %get3A_219, %shift_right_arithmetic3A_372 : vector<16xi32>
        %shift_left3A_374 = arith.constant 11 : i32
        %shift_left3A_375 = vector.broadcast %shift_left3A_374 : i32 to vector<16xi32>
        %shift_left3A_376 = arith.shli %shift_right_arithmetic3A_373, %shift_left3A_375 : vector<16xi32>
        %or3A_377 = arith.ori %shift_left3A_376, %and3A_269 : vector<16xi32>
        tpu.vector_store_idx %arg8[%sub3A_370], %or3A_377 masked %and3A_298 : memref<16384xi32, #tpu.memory_space<vmem>>[vector<16xi32>], vector<16xi32>, vector<16xi1>
        %add3A_378 = arith.addi %add3A_366, %all_reduce_population_count3A_354 : vector<16xi32>
        %add3A_379 = arith.addi %add3A_378, %masked_cumsum3A_345 : vector<16xi32>
        %sub3A_380 = arith.constant 1 : i32
        %sub3A_381 = vector.broadcast %sub3A_380 : i32 to vector<16xi32>
        %sub3A_382 = arith.subi %add3A_379, %sub3A_381 : vector<16xi32>
        %shift_right_arithmetic3A_383 = arith.constant 15 : i32
        %shift_right_arithmetic3A_384 = vector.broadcast %shift_right_arithmetic3A_383 : i32 to vector<16xi32>
        %shift_right_arithmetic3A_385 = arith.shrsi %get3A_225, %shift_right_arithmetic3A_384 : vector<16xi32>
        %shift_left3A_386 = arith.constant 11 : i32
        %shift_left3A_387 = vector.broadcast %shift_left3A_386 : i32 to vector<16xi32>
        %shift_left3A_388 = arith.shli %shift_right_arithmetic3A_385, %shift_left3A_387 : vector<16xi32>
        %or3A_389 = arith.ori %shift_left3A_388, %and3A_272 : vector<16xi32>
        tpu.vector_store_idx %arg8[%sub3A_382], %or3A_389 masked %and3A_310 : memref<16384xi32, #tpu.memory_space<vmem>>[vector<16xi32>], vector<16xi32>, vector<16xi1>
        %add3A_390 = arith.addi %add3A_378, %all_reduce_population_count3A_355 : vector<16xi32>
        %add3A_391 = arith.addi %add3A_390, %masked_cumsum3A_353 : vector<16xi32>
        %sub3A_392 = arith.constant 1 : i32
        %sub3A_393 = vector.broadcast %sub3A_392 : i32 to vector<16xi32>
        %sub3A_394 = arith.subi %add3A_391, %sub3A_393 : vector<16xi32>
        %shift_right_arithmetic3A_395 = arith.constant 15 : i32
        %shift_right_arithmetic3A_396 = vector.broadcast %shift_right_arithmetic3A_395 : i32 to vector<16xi32>
        %shift_right_arithmetic3A_397 = arith.shrsi %get3A_231, %shift_right_arithmetic3A_396 : vector<16xi32>
        %shift_left3A_398 = arith.constant 11 : i32
        %shift_left3A_399 = vector.broadcast %shift_left3A_398 : i32 to vector<16xi32>
        %shift_left3A_400 = arith.shli %shift_right_arithmetic3A_397, %shift_left3A_399 : vector<16xi32>
        %or3A_401 = arith.ori %shift_left3A_400, %and3A_275 : vector<16xi32>
        tpu.vector_store_idx %arg8[%sub3A_394], %or3A_401 masked %and3A_322 : memref<16384xi32, #tpu.memory_space<vmem>>[vector<16xi32>], vector<16xi32>, vector<16xi1>
        %add3A_402 = arith.addi %add3A_390, %all_reduce_population_count3A_356 : vector<16xi32>
        scf.yield %add3A_402 : vector<16xi32>
      }
      %while3A_147 = arith.constant 1 : i32
      %while3A_148 = scf.for %while3A_206 = %while3A_144 to %while3A_140 step %while3A_147 iter_args(%while3A_207 = %while3A_146) -> (vector<16xi32>)  : i32 {
        %mul3A_208 = arith.constant 64 : i32
        %mul3A_209 = arith.muli %while3A_206, %mul3A_208 : i32
        %add3A_210 = arith.constant 0 : i32
        %add3A_211 = arith.addi %mul3A_209, %add3A_210 : i32
        %get3A_212 = arith.index_cast %add3A_211 : i32 to index
        %get3A_213 = tpu.vector_load %arg7[%get3A_212] {strides = array<i32>} : memref<16384xi32, #tpu.memory_space<vmem>>, vector<16xi32>,
        %mul3A_214 = arith.constant 64 : i32
        %mul3A_215 = arith.muli %while3A_206, %mul3A_214 : i32
        %add3A_216 = arith.constant 16 : i32
        %add3A_217 = arith.addi %mul3A_215, %add3A_216 : i32
        %get3A_218 = arith.index_cast %add3A_217 : i32 to index
        %get3A_219 = tpu.vector_load %arg7[%get3A_218] {strides = array<i32>} : memref<16384xi32, #tpu.memory_space<vmem>>, vector<16xi32>,
        %mul3A_220 = arith.constant 64 : i32
        %mul3A_221 = arith.muli %while3A_206, %mul3A_220 : i32
        %add3A_222 = arith.constant 32 : i32
        %add3A_223 = arith.addi %mul3A_221, %add3A_222 : i32
        %get3A_224 = arith.index_cast %add3A_223 : i32 to index
        %get3A_225 = tpu.vector_load %arg7[%get3A_224] {strides = array<i32>} : memref<16384xi32, #tpu.memory_space<vmem>>, vector<16xi32>,
        %mul3A_226 = arith.constant 64 : i32
        %mul3A_227 = arith.muli %while3A_206, %mul3A_226 : i32
        %add3A_228 = arith.constant 48 : i32
        %add3A_229 = arith.addi %mul3A_227, %add3A_228 : i32
        %get3A_230 = arith.index_cast %add3A_229 : i32 to index
        %get3A_231 = tpu.vector_load %arg7[%get3A_230] {strides = array<i32>} : memref<16384xi32, #tpu.memory_space<vmem>>, vector<16xi32>,
        %mul3A_232 = arith.constant 64 : i32
        %mul3A_233 = arith.muli %while3A_206, %mul3A_232 : i32
        %add3A_234 = arith.constant 0 : i32
        %add3A_235 = arith.addi %mul3A_233, %add3A_234 : i32
        %add3A_236 = vector.broadcast %add3A_235 : i32 to vector<16xi32>
        %add3A_237 = arith.addi %add3A_236, %iota3A : vector<16xi32>
        %lt3A_238 = vector.broadcast %reduce_max3A_38 : i32 to vector<16xi32>
        %lt3A_239 = arith.cmpi slt, %add3A_237, %lt3A_238 : vector<16xi32>
        %mul3A_240 = arith.constant 64 : i32
        %mul3A_241 = arith.muli %while3A_206, %mul3A_240 : i32
        %add3A_242 = arith.constant 16 : i32
        %add3A_243 = arith.addi %mul3A_241, %add3A_242 : i32
        %add3A_244 = vector.broadcast %add3A_243 : i32 to vector<16xi32>
        %add3A_245 = arith.addi %add3A_244, %iota3A : vector<16xi32>
        %lt3A_246 = vector.broadcast %reduce_max3A_38 : i32 to vector<16xi32>
        %lt3A_247 = arith.cmpi slt, %add3A_245, %lt3A_246 : vector<16xi32>
        %mul3A_248 = arith.constant 64 : i32
        %mul3A_249 = arith.muli %while3A_206, %mul3A_248 : i32
        %add3A_250 = arith.constant 32 : i32
        %add3A_251 = arith.addi %mul3A_249, %add3A_250 : i32
        %add3A_252 = vector.broadcast %add3A_251 : i32 to vector<16xi32>
        %add3A_253 = arith.addi %add3A_252, %iota3A : vector<16xi32>
        %lt3A_254 = vector.broadcast %reduce_max3A_38 : i32 to vector<16xi32>
        %lt3A_255 = arith.cmpi slt, %add3A_253, %lt3A_254 : vector<16xi32>
        %mul3A_256 = arith.constant 64 : i32
        %mul3A_257 = arith.muli %while3A_206, %mul3A_256 : i32
        %add3A_258 = arith.constant 48 : i32
        %add3A_259 = arith.addi %mul3A_257, %add3A_258 : i32
        %add3A_260 = vector.broadcast %add3A_259 : i32 to vector<16xi32>
        %add3A_261 = arith.addi %add3A_260, %iota3A : vector<16xi32>
        %lt3A_262 = vector.broadcast %reduce_max3A_38 : i32 to vector<16xi32>
        %lt3A_263 = arith.cmpi slt, %add3A_261, %lt3A_262 : vector<16xi32>
        %and3A_264 = arith.constant 2047 : i32
        %and3A_265 = vector.broadcast %and3A_264 : i32 to vector<16xi32>
        %and3A_266 = arith.andi %get3A_213, %and3A_265 : vector<16xi32>
        %and3A_267 = arith.constant 2047 : i32
        %and3A_268 = vector.broadcast %and3A_267 : i32 to vector<16xi32>
        %and3A_269 = arith.andi %get3A_219, %and3A_268 : vector<16xi32>
        %and3A_270 = arith.constant 2047 : i32
        %and3A_271 = vector.broadcast %and3A_270 : i32 to vector<16xi32>
        %and3A_272 = arith.andi %get3A_225, %and3A_271 : vector<16xi32>
        %and3A_273 = arith.constant 2047 : i32
        %and3A_274 = vector.broadcast %and3A_273 : i32 to vector<16xi32>
        %and3A_275 = arith.andi %get3A_231, %and3A_274 : vector<16xi32>
        %shift_right_arithmetic3A = arith.constant 11 : i32
        %shift_right_arithmetic3A_276 = vector.broadcast %shift_right_arithmetic3A : i32 to vector<16xi32>
        %shift_right_arithmetic3A_277 = arith.shrsi %get3A_213, %shift_right_arithmetic3A_276 : vector<16xi32>
        %and3A_278 = arith.constant 15 : i32
        %and3A_279 = vector.broadcast %and3A_278 : i32 to vector<16xi32>
        %and3A_280 = arith.andi %shift_right_arithmetic3A_277, %and3A_279 : vector<16xi32>
        %eq3A_281 = vector.broadcast %while3A_89 : i32 to vector<16xi32>
        %eq3A_282 = arith.cmpi eq, %and3A_280, %eq3A_281 : vector<16xi32>
        %lt3A_283 = vector.broadcast %select_n3A_97 : i32 to vector<16xi32>
        %lt3A_284 = arith.cmpi slt, %and3A_266, %lt3A_283 : vector<16xi32>
        %and3A_285 = arith.andi %eq3A_282, %lt3A_284 : vector<16xi1>
        %and3A_286 = arith.andi %lt3A_239, %and3A_285 : vector<16xi1>
        %shift_right_arithmetic3A_287 = arith.constant 11 : i32
        %shift_right_arithmetic3A_288 = vector.broadcast %shift_right_arithmetic3A_287 : i32 to vector<16xi32>
        %shift_right_arithmetic3A_289 = arith.shrsi %get3A_219, %shift_right_arithmetic3A_288 : vector<16xi32>
        %and3A_290 = arith.constant 15 : i32
        %and3A_291 = vector.broadcast %and3A_290 : i32 to vector<16xi32>
        %and3A_292 = arith.andi %shift_right_arithmetic3A_289, %and3A_291 : vector<16xi32>
        %eq3A_293 = vector.broadcast %while3A_89 : i32 to vector<16xi32>
        %eq3A_294 = arith.cmpi eq, %and3A_292, %eq3A_293 : vector<16xi32>
        %lt3A_295 = vector.broadcast %select_n3A_97 : i32 to vector<16xi32>
        %lt3A_296 = arith.cmpi slt, %and3A_269, %lt3A_295 : vector<16xi32>
        %and3A_297 = arith.andi %eq3A_294, %lt3A_296 : vector<16xi1>
        %and3A_298 = arith.andi %lt3A_247, %and3A_297 : vector<16xi1>
        %shift_right_arithmetic3A_299 = arith.constant 11 : i32
        %shift_right_arithmetic3A_300 = vector.broadcast %shift_right_arithmetic3A_299 : i32 to vector<16xi32>
        %shift_right_arithmetic3A_301 = arith.shrsi %get3A_225, %shift_right_arithmetic3A_300 : vector<16xi32>
        %and3A_302 = arith.constant 15 : i32
        %and3A_303 = vector.broadcast %and3A_302 : i32 to vector<16xi32>
        %and3A_304 = arith.andi %shift_right_arithmetic3A_301, %and3A_303 : vector<16xi32>
        %eq3A_305 = vector.broadcast %while3A_89 : i32 to vector<16xi32>
        %eq3A_306 = arith.cmpi eq, %and3A_304, %eq3A_305 : vector<16xi32>
        %lt3A_307 = vector.broadcast %select_n3A_97 : i32 to vector<16xi32>
        %lt3A_308 = arith.cmpi slt, %and3A_272, %lt3A_307 : vector<16xi32>
        %and3A_309 = arith.andi %eq3A_306, %lt3A_308 : vector<16xi1>
        %and3A_310 = arith.andi %lt3A_255, %and3A_309 : vector<16xi1>
        %shift_right_arithmetic3A_311 = arith.constant 11 : i32
        %shift_right_arithmetic3A_312 = vector.broadcast %shift_right_arithmetic3A_311 : i32 to vector<16xi32>
        %shift_right_arithmetic3A_313 = arith.shrsi %get3A_231, %shift_right_arithmetic3A_312 : vector<16xi32>
        %and3A_314 = arith.constant 15 : i32
        %and3A_315 = vector.broadcast %and3A_314 : i32 to vector<16xi32>
        %and3A_316 = arith.andi %shift_right_arithmetic3A_313, %and3A_315 : vector<16xi32>
        %eq3A_317 = vector.broadcast %while3A_89 : i32 to vector<16xi32>
        %eq3A_318 = arith.cmpi eq, %and3A_316, %eq3A_317 : vector<16xi32>
        %lt3A_319 = vector.broadcast %select_n3A_97 : i32 to vector<16xi32>
        %lt3A_320 = arith.cmpi slt, %and3A_275, %lt3A_319 : vector<16xi32>
        %and3A_321 = arith.andi %eq3A_318, %lt3A_320 : vector<16xi1>
        %and3A_322 = arith.andi %lt3A_263, %and3A_321 : vector<16xi1>
        %jit3A_323 = arith.constant 1 : i32
        %jit3A_324 = arith.constant 0 : i32
        %broadcast_in_dim3A_325 = vector.broadcast %jit3A_323 : i32 to vector<16xi32>
        %broadcast_in_dim3A_326 = vector.broadcast %jit3A_324 : i32 to vector<16xi32>
        %select_n3A_327 = arith.select %and3A_286, %broadcast_in_dim3A_325, %broadcast_in_dim3A_326 : vector<16xi1>, vector<16xi32>
        %broadcast_in_dim3A_328 = arith.constant true
        %broadcast_in_dim3A_329 = vector.broadcast %broadcast_in_dim3A_328 : i1 to vector<16xi1>
        %masked_cumsum3A = tpu.scan <sum>, %select_n3A_327 masked %broadcast_in_dim3A_329 : vector<16xi32>, vector<16xi1> -> vector<16xi32>
        %jit3A_330 = arith.constant 1 : i32
        %jit3A_331 = arith.constant 0 : i32
        %broadcast_in_dim3A_332 = vector.broadcast %jit3A_330 : i32 to vector<16xi32>
        %broadcast_in_dim3A_333 = vector.broadcast %jit3A_331 : i32 to vector<16xi32>
        %select_n3A_334 = arith.select %and3A_298, %broadcast_in_dim3A_332, %broadcast_in_dim3A_333 : vector<16xi1>, vector<16xi32>
        %broadcast_in_dim3A_335 = arith.constant true
        %broadcast_in_dim3A_336 = vector.broadcast %broadcast_in_dim3A_335 : i1 to vector<16xi1>
        %masked_cumsum3A_337 = tpu.scan <sum>, %select_n3A_334 masked %broadcast_in_dim3A_336 : vector<16xi32>, vector<16xi1> -> vector<16xi32>
        %jit3A_338 = arith.constant 1 : i32
        %jit3A_339 = arith.constant 0 : i32
        %broadcast_in_dim3A_340 = vector.broadcast %jit3A_338 : i32 to vector<16xi32>
        %broadcast_in_dim3A_341 = vector.broadcast %jit3A_339 : i32 to vector<16xi32>
        %select_n3A_342 = arith.select %and3A_310, %broadcast_in_dim3A_340, %broadcast_in_dim3A_341 : vector<16xi1>, vector<16xi32>
        %broadcast_in_dim3A_343 = arith.constant true
        %broadcast_in_dim3A_344 = vector.broadcast %broadcast_in_dim3A_343 : i1 to vector<16xi1>
        %masked_cumsum3A_345 = tpu.scan <sum>, %select_n3A_342 masked %broadcast_in_dim3A_344 : vector<16xi32>, vector<16xi1> -> vector<16xi32>
        %jit3A_346 = arith.constant 1 : i32
        %jit3A_347 = arith.constant 0 : i32
        %broadcast_in_dim3A_348 = vector.broadcast %jit3A_346 : i32 to vector<16xi32>
        %broadcast_in_dim3A_349 = vector.broadcast %jit3A_347 : i32 to vector<16xi32>
        %select_n3A_350 = arith.select %and3A_322, %broadcast_in_dim3A_348, %broadcast_in_dim3A_349 : vector<16xi1>, vector<16xi32>
        %broadcast_in_dim3A_351 = arith.constant true
        %broadcast_in_dim3A_352 = vector.broadcast %broadcast_in_dim3A_351 : i1 to vector<16xi1>
        %masked_cumsum3A_353 = tpu.scan <sum>, %select_n3A_350 masked %broadcast_in_dim3A_352 : vector<16xi32>, vector<16xi1> -> vector<16xi32>
        %all_reduce_population_count3A = tpu.all_reduce %and3A_286 {dim = 0 : i64, kind = #tpu.reduction_kind<sum>} : vector<16xi1> -> vector<16xi32>
        %all_reduce_population_count3A_354 = tpu.all_reduce %and3A_298 {dim = 0 : i64, kind = #tpu.reduction_kind<sum>} : vector<16xi1> -> vector<16xi32>
        %all_reduce_population_count3A_355 = tpu.all_reduce %and3A_310 {dim = 0 : i64, kind = #tpu.reduction_kind<sum>} : vector<16xi1> -> vector<16xi32>
        %all_reduce_population_count3A_356 = tpu.all_reduce %and3A_322 {dim = 0 : i64, kind = #tpu.reduction_kind<sum>} : vector<16xi1> -> vector<16xi32>
        %add3A_357 = arith.addi %while3A_207, %masked_cumsum3A : vector<16xi32>
        %sub3A_358 = arith.constant 1 : i32
        %sub3A_359 = vector.broadcast %sub3A_358 : i32 to vector<16xi32>
        %sub3A_360 = arith.subi %add3A_357, %sub3A_359 : vector<16xi32>
        %shift_right_arithmetic3A_361 = arith.constant 15 : i32
        %shift_right_arithmetic3A_362 = vector.broadcast %shift_right_arithmetic3A_361 : i32 to vector<16xi32>
        %shift_right_arithmetic3A_363 = arith.shrsi %get3A_213, %shift_right_arithmetic3A_362 : vector<16xi32>
        %shift_left3A = arith.constant 11 : i32
        %shift_left3A_364 = vector.broadcast %shift_left3A : i32 to vector<16xi32>
        %shift_left3A_365 = arith.shli %shift_right_arithmetic3A_363, %shift_left3A_364 : vector<16xi32>
        %or3A = arith.ori %shift_left3A_365, %and3A_266 : vector<16xi32>
        tpu.vector_store_idx %arg8[%sub3A_360], %or3A masked %and3A_286 : memref<16384xi32, #tpu.memory_space<vmem>>[vector<16xi32>], vector<16xi32>, vector<16xi1>
        %add3A_366 = arith.addi %while3A_207, %all_reduce_population_count3A : vector<16xi32>
        %add3A_367 = arith.addi %add3A_366, %masked_cumsum3A_337 : vector<16xi32>
        %sub3A_368 = arith.constant 1 : i32
        %sub3A_369 = vector.broadcast %sub3A_368 : i32 to vector<16xi32>
        %sub3A_370 = arith.subi %add3A_367, %sub3A_369 : vector<16xi32>
        %shift_right_arithmetic3A_371 = arith.constant 15 : i32
        %shift_right_arithmetic3A_372 = vector.broadcast %shift_right_arithmetic3A_371 : i32 to vector<16xi32>
        %shift_right_arithmetic3A_373 = arith.shrsi %get3A_219, %shift_right_arithmetic3A_372 : vector<16xi32>
        %shift_left3A_374 = arith.constant 11 : i32
        %shift_left3A_375 = vector.broadcast %shift_left3A_374 : i32 to vector<16xi32>
        %shift_left3A_376 = arith.shli %shift_right_arithmetic3A_373, %shift_left3A_375 : vector<16xi32>
        %or3A_377 = arith.ori %shift_left3A_376, %and3A_269 : vector<16xi32>
        tpu.vector_store_idx %arg8[%sub3A_370], %or3A_377 masked %and3A_298 : memref<16384xi32, #tpu.memory_space<vmem>>[vector<16xi32>], vector<16xi32>, vector<16xi1>
        %add3A_378 = arith.addi %add3A_366, %all_reduce_population_count3A_354 : vector<16xi32>
        %add3A_379 = arith.addi %add3A_378, %masked_cumsum3A_345 : vector<16xi32>
        %sub3A_380 = arith.constant 1 : i32
        %sub3A_381 = vector.broadcast %sub3A_380 : i32 to vector<16xi32>
        %sub3A_382 = arith.subi %add3A_379, %sub3A_381 : vector<16xi32>
        %shift_right_arithmetic3A_383 = arith.constant 15 : i32
        %shift_right_arithmetic3A_384 = vector.broadcast %shift_right_arithmetic3A_383 : i32 to vector<16xi32>
        %shift_right_arithmetic3A_385 = arith.shrsi %get3A_225, %shift_right_arithmetic3A_384 : vector<16xi32>
        %shift_left3A_386 = arith.constant 11 : i32
        %shift_left3A_387 = vector.broadcast %shift_left3A_386 : i32 to vector<16xi32>
        %shift_left3A_388 = arith.shli %shift_right_arithmetic3A_385, %shift_left3A_387 : vector<16xi32>
        %or3A_389 = arith.ori %shift_left3A_388, %and3A_272 : vector<16xi32>
        tpu.vector_store_idx %arg8[%sub3A_382], %or3A_389 masked %and3A_310 : memref<16384xi32, #tpu.memory_space<vmem>>[vector<16xi32>], vector<16xi32>, vector<16xi1>
        %add3A_390 = arith.addi %add3A_378, %all_reduce_population_count3A_355 : vector<16xi32>
        %add3A_391 = arith.addi %add3A_390, %masked_cumsum3A_353 : vector<16xi32>
        %sub3A_392 = arith.constant 1 : i32
        %sub3A_393 = vector.broadcast %sub3A_392 : i32 to vector<16xi32>
        %sub3A_394 = arith.subi %add3A_391, %sub3A_393 : vector<16xi32>
        %shift_right_arithmetic3A_395 = arith.constant 15 : i32
        %shift_right_arithmetic3A_396 = vector.broadcast %shift_right_arithmetic3A_395 : i32 to vector<16xi32>
        %shift_right_arithmetic3A_397 = arith.shrsi %get3A_231, %shift_right_arithmetic3A_396 : vector<16xi32>
        %shift_left3A_398 = arith.constant 11 : i32
        %shift_left3A_399 = vector.broadcast %shift_left3A_398 : i32 to vector<16xi32>
        %shift_left3A_400 = arith.shli %shift_right_arithmetic3A_397, %shift_left3A_399 : vector<16xi32>
        %or3A_401 = arith.ori %shift_left3A_400, %and3A_275 : vector<16xi32>
        tpu.vector_store_idx %arg8[%sub3A_394], %or3A_401 masked %and3A_322 : memref<16384xi32, #tpu.memory_space<vmem>>[vector<16xi32>], vector<16xi32>, vector<16xi1>
        %add3A_402 = arith.addi %add3A_390, %all_reduce_population_count3A_356 : vector<16xi32>
        scf.yield %add3A_402 : vector<16xi32>
      }
      %reduce_max3A_149 = arith.constant true
      %reduce_max3A_150 = vector.broadcast %reduce_max3A_149 : i1 to vector<16xi1>
      %reduce_max3A_151 = arith.constant -2147483648 : i32
      %reduce_max3A_152 = vector.broadcast %reduce_max3A_151 : i32 to vector<16xi32>
      %reduce_max3A_153 = arith.xori %while3A_148, %reduce_max3A_152 : vector<16xi32>
      %reduce_max3A_154 = tpu.scan <max>, %reduce_max3A_153 masked %reduce_max3A_150 : vector<16xi32>, vector<16xi1> -> vector<16xi32>
      %reduce_max3A_155 = arith.xori %reduce_max3A_154, %reduce_max3A_152 : vector<16xi32>
      %reduce_max3A_156 = vector.extract %reduce_max3A_155[15] : i32 from vector<16xi32>
      %mul3A_157 = arith.constant 32 : i32
      %mul3A_158 = arith.muli %while3A_89, %mul3A_157 : i32
      %add3A_159 = arith.addi %add3A, %mul3A_158 : i32
      %lt3A_160 = arith.constant 488 : i32
      %lt3A_161 = arith.cmpi slt, %add3A_159, %lt3A_160 : i32
      %convert_element_type3A_162 = arith.extui %lt3A_161 : i1 to i32
      %cond3A_163 = arith.constant 0 : i32
      %cond3A_164 = arith.cmpi ne, %convert_element_type3A_162, %cond3A_163 : i32
      scf.if %cond3A_164 {
        %dma_wait3A = arith.constant 0 : i32
        %dma_wait3A_206 = arith.constant 0 : i32
        %dma_wait3A_207 = tpu.memref_slice %arg3[%dma_wait3A, %dma_wait3A_206] : memref<32x1000000xf32, #tpu.memory_space<hbm>> -> memref<32x2048xf32, #tpu.memory_space<hbm>>
        %dma_wait3A_208 = arith.constant 0 : i32
        %dma_wait3A_209 = arith.constant 0 : i32
        %dma_wait3A_210 = tpu.memref_slice %arg3[%dma_wait3A_208, %dma_wait3A_209] : memref<32x1000000xf32, #tpu.memory_space<hbm>> -> memref<32x2048xf32, #tpu.memory_space<hbm>>
        tpu.wait_dma2 semaphore(%arg13 : memref<!tpu.dma_semaphore, #tpu.memory_space<semaphore_mem>>) src(%dma_wait3A_210 : memref<32x2048xf32, #tpu.memory_space<hbm>>) dst(%arg9 : memref<32x2048xf32, #tpu.memory_space<vmem>>)
      } else {
      }
      %eq3A_165 = arith.constant 488 : i32
      %eq3A_166 = arith.cmpi eq, %add3A_159, %eq3A_165 : i32
      %convert_element_type3A_167 = arith.extui %eq3A_166 : i1 to i32
      %cond3A_168 = arith.constant 0 : i32
      %cond3A_169 = arith.cmpi ne, %convert_element_type3A_167, %cond3A_168 : i32
      scf.if %cond3A_169 {
        %dma_wait3A = arith.constant 0 : i32
        %dma_wait3A_206 = arith.constant 0 : i32
        %dma_wait3A_207 = tpu.memref_slice %arg9[%dma_wait3A, %dma_wait3A_206] : memref<32x2048xf32, #tpu.memory_space<vmem>> -> memref<32x512xf32, #tpu.memory_space<vmem>>
        %dma_wait3A_208 = arith.constant 0 : i32
        %dma_wait3A_209 = arith.constant 0 : i32
        %dma_wait3A_210 = tpu.memref_slice %arg3[%dma_wait3A_208, %dma_wait3A_209] : memref<32x1000000xf32, #tpu.memory_space<hbm>> -> memref<32x512xf32, #tpu.memory_space<hbm>>
        %dma_wait3A_211 = arith.constant 0 : i32
        %dma_wait3A_212 = arith.constant 0 : i32
        %dma_wait3A_213 = tpu.memref_slice %arg9[%dma_wait3A_211, %dma_wait3A_212] : memref<32x2048xf32, #tpu.memory_space<vmem>> -> memref<32x512xf32, #tpu.memory_space<vmem>>
        %dma_wait3A_214 = arith.constant 0 : i32
        %dma_wait3A_215 = arith.constant 0 : i32
        %dma_wait3A_216 = tpu.memref_slice %arg3[%dma_wait3A_214, %dma_wait3A_215] : memref<32x1000000xf32, #tpu.memory_space<hbm>> -> memref<32x512xf32, #tpu.memory_space<hbm>>
        tpu.wait_dma2 semaphore(%arg13 : memref<!tpu.dma_semaphore, #tpu.memory_space<semaphore_mem>>) src(%dma_wait3A_216 : memref<32x512xf32, #tpu.memory_space<hbm>>) dst(%dma_wait3A_213 : memref<32x512xf32, #tpu.memory_space<vmem>>)
      } else {
      }
      %add3A_170 = arith.constant 15 : i32
      %add3A_171 = arith.addi %reduce_max3A_156, %add3A_170 : i32
      %jit3A_172 = arith.constant 16 : i32
      %div3A_173 = arith.divsi %add3A_171, %jit3A_172 : i32
      %sign3A_174 = arith.constant 0 : i32
      %sign3A_175 = arith.cmpi sgt, %add3A_171, %sign3A_174 : i32
      %sign3A_176 = arith.extui %sign3A_175 : i1 to i32
      %sign3A_177 = arith.constant 0 : i32
      %sign3A_178 = arith.cmpi slt, %add3A_171, %sign3A_177 : i32
      %sign3A_179 = arith.extui %sign3A_178 : i1 to i32
      %sign3A_180 = arith.subi %sign3A_176, %sign3A_179 : i32
      %sign3A_181 = arith.constant 0 : i32
      %sign3A_182 = arith.cmpi sgt, %jit3A_172, %sign3A_181 : i32
      %sign3A_183 = arith.extui %sign3A_182 : i1 to i32
      %sign3A_184 = arith.constant 0 : i32
      %sign3A_185 = arith.cmpi slt, %jit3A_172, %sign3A_184 : i32
      %sign3A_186 = arith.extui %sign3A_185 : i1 to i32
      %sign3A_187 = arith.subi %sign3A_183, %sign3A_186 : i32
      %ne3A_188 = arith.cmpi ne, %sign3A_180, %sign3A_187 : i32
      %rem3A_189 = arith.remsi %add3A_171, %jit3A_172 : i32
      %ne3A_190 = arith.constant 0 : i32
      %ne3A_191 = arith.cmpi ne, %rem3A_189, %ne3A_190 : i32
      %and3A_192 = arith.andi %ne3A_188, %ne3A_191 : i1
      %sub3A_193 = arith.constant 1 : i32
      %sub3A_194 = arith.subi %div3A_173, %sub3A_193 : i32
      %select_n3A_195 = arith.select %and3A_192, %sub3A_194, %div3A_173 : i32
      %while3A_196 = arith.constant 0 : i32
      %while3A_197 = arith.constant 0 : i32
      %while3A_198 = arith.subi %select_n3A_195, %while3A_197 : i32
      %while3A_199 = arith.addi %while3A_197, %while3A_198 : i32
      %while3A_200 = arith.constant 1 : i32
      %while3A_201 = arith.divsi %while3A_198, %while3A_200 : i32
      %while3A_202 = arith.muli %while3A_201, %while3A_200 : i32
      %while3A_203 = arith.addi %while3A_197, %while3A_202 : i32
      %while3A_204 = arith.constant 1 : i32
      scf.for %while3A_206 = %while3A_197 to %while3A_203 step %while3A_204  : i32 {
        %mul3A_207 = arith.constant 16 : i32
        %mul3A_208 = arith.muli %while3A_206, %mul3A_207 : i32
        %get3A_209 = arith.index_cast %mul3A_208 : i32 to index
        %get3A_210 = tpu.vector_load %arg8[%get3A_209] {strides = array<i32>} : memref<16384xi32, #tpu.memory_space<vmem>>, vector<16xi32>,
        %mul3A_211 = arith.constant 16 : i32
        %mul3A_212 = arith.muli %while3A_206, %mul3A_211 : i32
        %add3A_213 = vector.broadcast %mul3A_212 : i32 to vector<16xi32>
        %add3A_214 = arith.addi %add3A_213, %iota3A : vector<16xi32>
        %lt3A_215 = vector.broadcast %reduce_max3A_156 : i32 to vector<16xi32>
        %lt3A_216 = arith.cmpi slt, %add3A_214, %lt3A_215 : vector<16xi32>
        %shift_right_arithmetic3A = arith.constant 11 : i32
        %shift_right_arithmetic3A_217 = vector.broadcast %shift_right_arithmetic3A : i32 to vector<16xi32>
        %shift_right_arithmetic3A_218 = arith.shrsi %get3A_210, %shift_right_arithmetic3A_217 : vector<16xi32>
        %add3A_219 = arith.constant 16384 : i32
        %add3A_220 = vector.broadcast %add3A_219 : i32 to vector<16xi32>
        %add3A_221 = arith.addi %add3A_220, %iota3A : vector<16xi32>
        %select_n3A_222 = arith.select %lt3A_216, %shift_right_arithmetic3A_218, %add3A_221 : vector<16xi1>, vector<16xi32>
        %and3A_223 = arith.constant 2047 : i32
        %and3A_224 = vector.broadcast %and3A_223 : i32 to vector<16xi32>
        %and3A_225 = arith.andi %get3A_210, %and3A_224 : vector<16xi32>
        %jit3A_226 = arith.constant 0 : i32
        %broadcast_in_dim3A_227 = vector.broadcast %jit3A_226 : i32 to vector<16xi32>
        %select_n3A_228 = arith.select %lt3A_216, %and3A_225, %broadcast_in_dim3A_227 : vector<16xi1>, vector<16xi32>
        %get3A_229 = arith.constant 0 : i32
        %get3A_230 = arith.index_cast %get3A_229 : i32 to index
        %get3A_231 = memref.load %arg12[%get3A_230] : memref<8xi32, #tpu.memory_space<smem>>
        %jit3A_232 = arith.constant 3 : i32
        %eq3A_233 = arith.constant 0 : i32
        %eq3A_234 = arith.cmpi eq, %jit3A_232, %eq3A_233 : i32
        %jit3A_235 = arith.constant 1 : i32
        %select_n3A_236 = arith.select %eq3A_234, %jit3A_235, %jit3A_232 : i32
        %rem3A_237 = arith.remsi %get3A_231, %select_n3A_236 : i32
        %ne3A_238 = arith.constant 0 : i32
        %ne3A_239 = arith.cmpi ne, %rem3A_237, %ne3A_238 : i32
        %lt3A_240 = arith.constant 0 : i32
        %lt3A_241 = arith.cmpi slt, %rem3A_237, %lt3A_240 : i32
        %lt3A_242 = arith.constant 0 : i32
        %lt3A_243 = arith.cmpi slt, %select_n3A_236, %lt3A_242 : i32
        %ne3A_244 = arith.xori %lt3A_241, %lt3A_243 : i1
        %and3A_245 = arith.andi %ne3A_244, %ne3A_239 : i1
        %add3A_246 = arith.addi %rem3A_237, %select_n3A_236 : i32
        %select_n3A_247 = arith.select %and3A_245, %add3A_246, %rem3A_237 : i32
        %mul3A_248 = arith.constant 16 : i32
        %mul3A_249 = arith.muli %select_n3A_247, %mul3A_248 : i32
        %multiple_of3A = tpu.assume_multiple %mul3A_249, 16 : i32
        %ge3A = arith.constant 3 : i32
        %ge3A_250 = arith.cmpi sge, %get3A_231, %ge3A : i32
        %convert_element_type3A_251 = arith.extui %ge3A_250 : i1 to i32
        %cond3A_252 = arith.constant 0 : i32
        %cond3A_253 = arith.cmpi ne, %convert_element_type3A_251, %cond3A_252 : i32
        scf.if %cond3A_253 {
          %dma_wait3A = arith.constant 0 : i32
          %dma_wait3A_422 = arith.constant 0 : i32
          %dma_wait3A_423 = tpu.memref_slice %arg11[%dma_wait3A, %dma_wait3A_422] : memref<48x128xf32, #tpu.memory_space<vmem>> -> memref<16x128xf32, #tpu.memory_space<vmem>>
          %dma_wait3A_424 = arith.constant 0 : i32
          %dma_wait3A_425 = arith.constant 0 : i32
          %dma_wait3A_426 = tpu.memref_slice %arg3[%dma_wait3A_424, %dma_wait3A_425] : memref<32x1000000xf32, #tpu.memory_space<hbm>> -> memref<16x128xf32, #tpu.memory_space<hbm>>
          %dma_wait3A_427 = arith.constant 0 : i32
          %dma_wait3A_428 = arith.constant 0 : i32
          %dma_wait3A_429 = tpu.memref_slice %arg11[%dma_wait3A_427, %dma_wait3A_428] : memref<48x128xf32, #tpu.memory_space<vmem>> -> memref<16x128xf32, #tpu.memory_space<vmem>>
          %dma_wait3A_430 = arith.constant 0 : i32
          %dma_wait3A_431 = arith.constant 0 : i32
          %dma_wait3A_432 = tpu.memref_slice %arg3[%dma_wait3A_430, %dma_wait3A_431] : memref<32x1000000xf32, #tpu.memory_space<hbm>> -> memref<16x128xf32, #tpu.memory_space<hbm>>
          tpu.wait_dma2 semaphore(%arg14 : memref<!tpu.dma_semaphore, #tpu.memory_space<semaphore_mem>>) src(%dma_wait3A_432 : memref<16x128xf32, #tpu.memory_space<hbm>>) dst(%dma_wait3A_429 : memref<16x128xf32, #tpu.memory_space<vmem>>)
        } else {
        }
        %broadcast_in_dim3A_254 = arith.constant 0 : i32
        %broadcast_in_dim3A_255 = vector.broadcast %broadcast_in_dim3A_254 : i32 to vector<16xi32>
        %add3A_256 = vector.broadcast %multiple_of3A : i32 to vector<16xi32>
        %add3A_257 = arith.addi %add3A_256, %iota3A : vector<16xi32>
        %gather3A = tpu.vector_load_idx %arg9[%broadcast_in_dim3A_255, %select_n3A_228] : memref<32x2048xf32, #tpu.memory_space<vmem>>[vector<16xi32>, vector<16xi32>], vector<16xf32>,
        tpu.vector_store_idx %arg11[%add3A_257, %broadcast_in_dim3A_255], %gather3A : memref<48x128xf32, #tpu.memory_space<vmem>>[vector<16xi32>, vector<16xi32>], vector<16xf32>,
        %broadcast_in_dim3A_258 = arith.constant 1 : i32
        %broadcast_in_dim3A_259 = vector.broadcast %broadcast_in_dim3A_258 : i32 to vector<16xi32>
        %add3A_260 = vector.broadcast %multiple_of3A : i32 to vector<16xi32>
        %add3A_261 = arith.addi %add3A_260, %iota3A : vector<16xi32>
        %gather3A_262 = tpu.vector_load_idx %arg9[%broadcast_in_dim3A_259, %select_n3A_228] : memref<32x2048xf32, #tpu.memory_space<vmem>>[vector<16xi32>, vector<16xi32>], vector<16xf32>,
        tpu.vector_store_idx %arg11[%add3A_261, %broadcast_in_dim3A_259], %gather3A_262 : memref<48x128xf32, #tpu.memory_space<vmem>>[vector<16xi32>, vector<16xi32>], vector<16xf32>,
        %broadcast_in_dim3A_263 = arith.constant 2 : i32
        %broadcast_in_dim3A_264 = vector.broadcast %broadcast_in_dim3A_263 : i32 to vector<16xi32>
        %add3A_265 = vector.broadcast %multiple_of3A : i32 to vector<16xi32>
        %add3A_266 = arith.addi %add3A_265, %iota3A : vector<16xi32>
        %gather3A_267 = tpu.vector_load_idx %arg9[%broadcast_in_dim3A_264, %select_n3A_228] : memref<32x2048xf32, #tpu.memory_space<vmem>>[vector<16xi32>, vector<16xi32>], vector<16xf32>,
        tpu.vector_store_idx %arg11[%add3A_266, %broadcast_in_dim3A_264], %gather3A_267 : memref<48x128xf32, #tpu.memory_space<vmem>>[vector<16xi32>, vector<16xi32>], vector<16xf32>,
        %broadcast_in_dim3A_268 = arith.constant 3 : i32
        %broadcast_in_dim3A_269 = vector.broadcast %broadcast_in_dim3A_268 : i32 to vector<16xi32>
        %add3A_270 = vector.broadcast %multiple_of3A : i32 to vector<16xi32>
        %add3A_271 = arith.addi %add3A_270, %iota3A : vector<16xi32>
        %gather3A_272 = tpu.vector_load_idx %arg9[%broadcast_in_dim3A_269, %select_n3A_228] : memref<32x2048xf32, #tpu.memory_space<vmem>>[vector<16xi32>, vector<16xi32>], vector<16xf32>,
        tpu.vector_store_idx %arg11[%add3A_271, %broadcast_in_dim3A_269], %gather3A_272 : memref<48x128xf32, #tpu.memory_space<vmem>>[vector<16xi32>, vector<16xi32>], vector<16xf32>,
        %broadcast_in_dim3A_273 = arith.constant 4 : i32
        %broadcast_in_dim3A_274 = vector.broadcast %broadcast_in_dim3A_273 : i32 to vector<16xi32>
        %add3A_275 = vector.broadcast %multiple_of3A : i32 to vector<16xi32>
        %add3A_276 = arith.addi %add3A_275, %iota3A : vector<16xi32>
        %gather3A_277 = tpu.vector_load_idx %arg9[%broadcast_in_dim3A_274, %select_n3A_228] : memref<32x2048xf32, #tpu.memory_space<vmem>>[vector<16xi32>, vector<16xi32>], vector<16xf32>,
        tpu.vector_store_idx %arg11[%add3A_276, %broadcast_in_dim3A_274], %gather3A_277 : memref<48x128xf32, #tpu.memory_space<vmem>>[vector<16xi32>, vector<16xi32>], vector<16xf32>,
        %broadcast_in_dim3A_278 = arith.constant 5 : i32
        %broadcast_in_dim3A_279 = vector.broadcast %broadcast_in_dim3A_278 : i32 to vector<16xi32>
        %add3A_280 = vector.broadcast %multiple_of3A : i32 to vector<16xi32>
        %add3A_281 = arith.addi %add3A_280, %iota3A : vector<16xi32>
        %gather3A_282 = tpu.vector_load_idx %arg9[%broadcast_in_dim3A_279, %select_n3A_228] : memref<32x2048xf32, #tpu.memory_space<vmem>>[vector<16xi32>, vector<16xi32>], vector<16xf32>,
        tpu.vector_store_idx %arg11[%add3A_281, %broadcast_in_dim3A_279], %gather3A_282 : memref<48x128xf32, #tpu.memory_space<vmem>>[vector<16xi32>, vector<16xi32>], vector<16xf32>,
        %broadcast_in_dim3A_283 = arith.constant 6 : i32
        %broadcast_in_dim3A_284 = vector.broadcast %broadcast_in_dim3A_283 : i32 to vector<16xi32>
        %add3A_285 = vector.broadcast %multiple_of3A : i32 to vector<16xi32>
        %add3A_286 = arith.addi %add3A_285, %iota3A : vector<16xi32>
        %gather3A_287 = tpu.vector_load_idx %arg9[%broadcast_in_dim3A_284, %select_n3A_228] : memref<32x2048xf32, #tpu.memory_space<vmem>>[vector<16xi32>, vector<16xi32>], vector<16xf32>,
        tpu.vector_store_idx %arg11[%add3A_286, %broadcast_in_dim3A_284], %gather3A_287 : memref<48x128xf32, #tpu.memory_space<vmem>>[vector<16xi32>, vector<16xi32>], vector<16xf32>,
        %broadcast_in_dim3A_288 = arith.constant 7 : i32
        %broadcast_in_dim3A_289 = vector.broadcast %broadcast_in_dim3A_288 : i32 to vector<16xi32>
        %add3A_290 = vector.broadcast %multiple_of3A : i32 to vector<16xi32>
        %add3A_291 = arith.addi %add3A_290, %iota3A : vector<16xi32>
        %gather3A_292 = tpu.vector_load_idx %arg9[%broadcast_in_dim3A_289, %select_n3A_228] : memref<32x2048xf32, #tpu.memory_space<vmem>>[vector<16xi32>, vector<16xi32>], vector<16xf32>,
        tpu.vector_store_idx %arg11[%add3A_291, %broadcast_in_dim3A_289], %gather3A_292 : memref<48x128xf32, #tpu.memory_space<vmem>>[vector<16xi32>, vector<16xi32>], vector<16xf32>,
        %broadcast_in_dim3A_293 = arith.constant 8 : i32
        %broadcast_in_dim3A_294 = vector.broadcast %broadcast_in_dim3A_293 : i32 to vector<16xi32>
        %add3A_295 = vector.broadcast %multiple_of3A : i32 to vector<16xi32>
        %add3A_296 = arith.addi %add3A_295, %iota3A : vector<16xi32>
        %gather3A_297 = tpu.vector_load_idx %arg9[%broadcast_in_dim3A_294, %select_n3A_228] : memref<32x2048xf32, #tpu.memory_space<vmem>>[vector<16xi32>, vector<16xi32>], vector<16xf32>,
        tpu.vector_store_idx %arg11[%add3A_296, %broadcast_in_dim3A_294], %gather3A_297 : memref<48x128xf32, #tpu.memory_space<vmem>>[vector<16xi32>, vector<16xi32>], vector<16xf32>,
        %broadcast_in_dim3A_298 = arith.constant 9 : i32
        %broadcast_in_dim3A_299 = vector.broadcast %broadcast_in_dim3A_298 : i32 to vector<16xi32>
        %add3A_300 = vector.broadcast %multiple_of3A : i32 to vector<16xi32>
        %add3A_301 = arith.addi %add3A_300, %iota3A : vector<16xi32>
        %gather3A_302 = tpu.vector_load_idx %arg9[%broadcast_in_dim3A_299, %select_n3A_228] : memref<32x2048xf32, #tpu.memory_space<vmem>>[vector<16xi32>, vector<16xi32>], vector<16xf32>,
        tpu.vector_store_idx %arg11[%add3A_301, %broadcast_in_dim3A_299], %gather3A_302 : memref<48x128xf32, #tpu.memory_space<vmem>>[vector<16xi32>, vector<16xi32>], vector<16xf32>,
        %broadcast_in_dim3A_303 = arith.constant 10 : i32
        %broadcast_in_dim3A_304 = vector.broadcast %broadcast_in_dim3A_303 : i32 to vector<16xi32>
        %add3A_305 = vector.broadcast %multiple_of3A : i32 to vector<16xi32>
        %add3A_306 = arith.addi %add3A_305, %iota3A : vector<16xi32>
        %gather3A_307 = tpu.vector_load_idx %arg9[%broadcast_in_dim3A_304, %select_n3A_228] : memref<32x2048xf32, #tpu.memory_space<vmem>>[vector<16xi32>, vector<16xi32>], vector<16xf32>,
        tpu.vector_store_idx %arg11[%add3A_306, %broadcast_in_dim3A_304], %gather3A_307 : memref<48x128xf32, #tpu.memory_space<vmem>>[vector<16xi32>, vector<16xi32>], vector<16xf32>,
        %broadcast_in_dim3A_308 = arith.constant 11 : i32
        %broadcast_in_dim3A_309 = vector.broadcast %broadcast_in_dim3A_308 : i32 to vector<16xi32>
        %add3A_310 = vector.broadcast %multiple_of3A : i32 to vector<16xi32>
        %add3A_311 = arith.addi %add3A_310, %iota3A : vector<16xi32>
        %gather3A_312 = tpu.vector_load_idx %arg9[%broadcast_in_dim3A_309, %select_n3A_228] : memref<32x2048xf32, #tpu.memory_space<vmem>>[vector<16xi32>, vector<16xi32>], vector<16xf32>,
        tpu.vector_store_idx %arg11[%add3A_311, %broadcast_in_dim3A_309], %gather3A_312 : memref<48x128xf32, #tpu.memory_space<vmem>>[vector<16xi32>, vector<16xi32>], vector<16xf32>,
        %broadcast_in_dim3A_313 = arith.constant 12 : i32
        %broadcast_in_dim3A_314 = vector.broadcast %broadcast_in_dim3A_313 : i32 to vector<16xi32>
        %add3A_315 = vector.broadcast %multiple_of3A : i32 to vector<16xi32>
        %add3A_316 = arith.addi %add3A_315, %iota3A : vector<16xi32>
        %gather3A_317 = tpu.vector_load_idx %arg9[%broadcast_in_dim3A_314, %select_n3A_228] : memref<32x2048xf32, #tpu.memory_space<vmem>>[vector<16xi32>, vector<16xi32>], vector<16xf32>,
        tpu.vector_store_idx %arg11[%add3A_316, %broadcast_in_dim3A_314], %gather3A_317 : memref<48x128xf32, #tpu.memory_space<vmem>>[vector<16xi32>, vector<16xi32>], vector<16xf32>,
        %broadcast_in_dim3A_318 = arith.constant 13 : i32
        %broadcast_in_dim3A_319 = vector.broadcast %broadcast_in_dim3A_318 : i32 to vector<16xi32>
        %add3A_320 = vector.broadcast %multiple_of3A : i32 to vector<16xi32>
        %add3A_321 = arith.addi %add3A_320, %iota3A : vector<16xi32>
        %gather3A_322 = tpu.vector_load_idx %arg9[%broadcast_in_dim3A_319, %select_n3A_228] : memref<32x2048xf32, #tpu.memory_space<vmem>>[vector<16xi32>, vector<16xi32>], vector<16xf32>,
        tpu.vector_store_idx %arg11[%add3A_321, %broadcast_in_dim3A_319], %gather3A_322 : memref<48x128xf32, #tpu.memory_space<vmem>>[vector<16xi32>, vector<16xi32>], vector<16xf32>,
        %broadcast_in_dim3A_323 = arith.constant 14 : i32
        %broadcast_in_dim3A_324 = vector.broadcast %broadcast_in_dim3A_323 : i32 to vector<16xi32>
        %add3A_325 = vector.broadcast %multiple_of3A : i32 to vector<16xi32>
        %add3A_326 = arith.addi %add3A_325, %iota3A : vector<16xi32>
        %gather3A_327 = tpu.vector_load_idx %arg9[%broadcast_in_dim3A_324, %select_n3A_228] : memref<32x2048xf32, #tpu.memory_space<vmem>>[vector<16xi32>, vector<16xi32>], vector<16xf32>,
        tpu.vector_store_idx %arg11[%add3A_326, %broadcast_in_dim3A_324], %gather3A_327 : memref<48x128xf32, #tpu.memory_space<vmem>>[vector<16xi32>, vector<16xi32>], vector<16xf32>,
        %broadcast_in_dim3A_328 = arith.constant 15 : i32
        %broadcast_in_dim3A_329 = vector.broadcast %broadcast_in_dim3A_328 : i32 to vector<16xi32>
        %add3A_330 = vector.broadcast %multiple_of3A : i32 to vector<16xi32>
        %add3A_331 = arith.addi %add3A_330, %iota3A : vector<16xi32>
        %gather3A_332 = tpu.vector_load_idx %arg9[%broadcast_in_dim3A_329, %select_n3A_228] : memref<32x2048xf32, #tpu.memory_space<vmem>>[vector<16xi32>, vector<16xi32>], vector<16xf32>,
        tpu.vector_store_idx %arg11[%add3A_331, %broadcast_in_dim3A_329], %gather3A_332 : memref<48x128xf32, #tpu.memory_space<vmem>>[vector<16xi32>, vector<16xi32>], vector<16xf32>,
        %broadcast_in_dim3A_333 = arith.constant 16 : i32
        %broadcast_in_dim3A_334 = vector.broadcast %broadcast_in_dim3A_333 : i32 to vector<16xi32>
        %add3A_335 = vector.broadcast %multiple_of3A : i32 to vector<16xi32>
        %add3A_336 = arith.addi %add3A_335, %iota3A : vector<16xi32>
        %gather3A_337 = tpu.vector_load_idx %arg9[%broadcast_in_dim3A_334, %select_n3A_228] : memref<32x2048xf32, #tpu.memory_space<vmem>>[vector<16xi32>, vector<16xi32>], vector<16xf32>,
        tpu.vector_store_idx %arg11[%add3A_336, %broadcast_in_dim3A_334], %gather3A_337 : memref<48x128xf32, #tpu.memory_space<vmem>>[vector<16xi32>, vector<16xi32>], vector<16xf32>,
        %broadcast_in_dim3A_338 = arith.constant 17 : i32
        %broadcast_in_dim3A_339 = vector.broadcast %broadcast_in_dim3A_338 : i32 to vector<16xi32>
        %add3A_340 = vector.broadcast %multiple_of3A : i32 to vector<16xi32>
        %add3A_341 = arith.addi %add3A_340, %iota3A : vector<16xi32>
        %gather3A_342 = tpu.vector_load_idx %arg9[%broadcast_in_dim3A_339, %select_n3A_228] : memref<32x2048xf32, #tpu.memory_space<vmem>>[vector<16xi32>, vector<16xi32>], vector<16xf32>,
        tpu.vector_store_idx %arg11[%add3A_341, %broadcast_in_dim3A_339], %gather3A_342 : memref<48x128xf32, #tpu.memory_space<vmem>>[vector<16xi32>, vector<16xi32>], vector<16xf32>,
        %broadcast_in_dim3A_343 = arith.constant 18 : i32
        %broadcast_in_dim3A_344 = vector.broadcast %broadcast_in_dim3A_343 : i32 to vector<16xi32>
        %add3A_345 = vector.broadcast %multiple_of3A : i32 to vector<16xi32>
        %add3A_346 = arith.addi %add3A_345, %iota3A : vector<16xi32>
        %gather3A_347 = tpu.vector_load_idx %arg9[%broadcast_in_dim3A_344, %select_n3A_228] : memref<32x2048xf32, #tpu.memory_space<vmem>>[vector<16xi32>, vector<16xi32>], vector<16xf32>,
        tpu.vector_store_idx %arg11[%add3A_346, %broadcast_in_dim3A_344], %gather3A_347 : memref<48x128xf32, #tpu.memory_space<vmem>>[vector<16xi32>, vector<16xi32>], vector<16xf32>,
        %broadcast_in_dim3A_348 = arith.constant 19 : i32
        %broadcast_in_dim3A_349 = vector.broadcast %broadcast_in_dim3A_348 : i32 to vector<16xi32>
        %add3A_350 = vector.broadcast %multiple_of3A : i32 to vector<16xi32>
        %add3A_351 = arith.addi %add3A_350, %iota3A : vector<16xi32>
        %gather3A_352 = tpu.vector_load_idx %arg9[%broadcast_in_dim3A_349, %select_n3A_228] : memref<32x2048xf32, #tpu.memory_space<vmem>>[vector<16xi32>, vector<16xi32>], vector<16xf32>,
        tpu.vector_store_idx %arg11[%add3A_351, %broadcast_in_dim3A_349], %gather3A_352 : memref<48x128xf32, #tpu.memory_space<vmem>>[vector<16xi32>, vector<16xi32>], vector<16xf32>,
        %broadcast_in_dim3A_353 = arith.constant 20 : i32
        %broadcast_in_dim3A_354 = vector.broadcast %broadcast_in_dim3A_353 : i32 to vector<16xi32>
        %add3A_355 = vector.broadcast %multiple_of3A : i32 to vector<16xi32>
        %add3A_356 = arith.addi %add3A_355, %iota3A : vector<16xi32>
        %gather3A_357 = tpu.vector_load_idx %arg9[%broadcast_in_dim3A_354, %select_n3A_228] : memref<32x2048xf32, #tpu.memory_space<vmem>>[vector<16xi32>, vector<16xi32>], vector<16xf32>,
        tpu.vector_store_idx %arg11[%add3A_356, %broadcast_in_dim3A_354], %gather3A_357 : memref<48x128xf32, #tpu.memory_space<vmem>>[vector<16xi32>, vector<16xi32>], vector<16xf32>,
        %broadcast_in_dim3A_358 = arith.constant 21 : i32
        %broadcast_in_dim3A_359 = vector.broadcast %broadcast_in_dim3A_358 : i32 to vector<16xi32>
        %add3A_360 = vector.broadcast %multiple_of3A : i32 to vector<16xi32>
        %add3A_361 = arith.addi %add3A_360, %iota3A : vector<16xi32>
        %gather3A_362 = tpu.vector_load_idx %arg9[%broadcast_in_dim3A_359, %select_n3A_228] : memref<32x2048xf32, #tpu.memory_space<vmem>>[vector<16xi32>, vector<16xi32>], vector<16xf32>,
        tpu.vector_store_idx %arg11[%add3A_361, %broadcast_in_dim3A_359], %gather3A_362 : memref<48x128xf32, #tpu.memory_space<vmem>>[vector<16xi32>, vector<16xi32>], vector<16xf32>,
        %broadcast_in_dim3A_363 = arith.constant 22 : i32
        %broadcast_in_dim3A_364 = vector.broadcast %broadcast_in_dim3A_363 : i32 to vector<16xi32>
        %add3A_365 = vector.broadcast %multiple_of3A : i32 to vector<16xi32>
        %add3A_366 = arith.addi %add3A_365, %iota3A : vector<16xi32>
        %gather3A_367 = tpu.vector_load_idx %arg9[%broadcast_in_dim3A_364, %select_n3A_228] : memref<32x2048xf32, #tpu.memory_space<vmem>>[vector<16xi32>, vector<16xi32>], vector<16xf32>,
        tpu.vector_store_idx %arg11[%add3A_366, %broadcast_in_dim3A_364], %gather3A_367 : memref<48x128xf32, #tpu.memory_space<vmem>>[vector<16xi32>, vector<16xi32>], vector<16xf32>,
        %broadcast_in_dim3A_368 = arith.constant 23 : i32
        %broadcast_in_dim3A_369 = vector.broadcast %broadcast_in_dim3A_368 : i32 to vector<16xi32>
        %add3A_370 = vector.broadcast %multiple_of3A : i32 to vector<16xi32>
        %add3A_371 = arith.addi %add3A_370, %iota3A : vector<16xi32>
        %gather3A_372 = tpu.vector_load_idx %arg9[%broadcast_in_dim3A_369, %select_n3A_228] : memref<32x2048xf32, #tpu.memory_space<vmem>>[vector<16xi32>, vector<16xi32>], vector<16xf32>,
        tpu.vector_store_idx %arg11[%add3A_371, %broadcast_in_dim3A_369], %gather3A_372 : memref<48x128xf32, #tpu.memory_space<vmem>>[vector<16xi32>, vector<16xi32>], vector<16xf32>,
        %broadcast_in_dim3A_373 = arith.constant 24 : i32
        %broadcast_in_dim3A_374 = vector.broadcast %broadcast_in_dim3A_373 : i32 to vector<16xi32>
        %add3A_375 = vector.broadcast %multiple_of3A : i32 to vector<16xi32>
        %add3A_376 = arith.addi %add3A_375, %iota3A : vector<16xi32>
        %gather3A_377 = tpu.vector_load_idx %arg9[%broadcast_in_dim3A_374, %select_n3A_228] : memref<32x2048xf32, #tpu.memory_space<vmem>>[vector<16xi32>, vector<16xi32>], vector<16xf32>,
        tpu.vector_store_idx %arg11[%add3A_376, %broadcast_in_dim3A_374], %gather3A_377 : memref<48x128xf32, #tpu.memory_space<vmem>>[vector<16xi32>, vector<16xi32>], vector<16xf32>,
        %broadcast_in_dim3A_378 = arith.constant 25 : i32
        %broadcast_in_dim3A_379 = vector.broadcast %broadcast_in_dim3A_378 : i32 to vector<16xi32>
        %add3A_380 = vector.broadcast %multiple_of3A : i32 to vector<16xi32>
        %add3A_381 = arith.addi %add3A_380, %iota3A : vector<16xi32>
        %gather3A_382 = tpu.vector_load_idx %arg9[%broadcast_in_dim3A_379, %select_n3A_228] : memref<32x2048xf32, #tpu.memory_space<vmem>>[vector<16xi32>, vector<16xi32>], vector<16xf32>,
        tpu.vector_store_idx %arg11[%add3A_381, %broadcast_in_dim3A_379], %gather3A_382 : memref<48x128xf32, #tpu.memory_space<vmem>>[vector<16xi32>, vector<16xi32>], vector<16xf32>,
        %broadcast_in_dim3A_383 = arith.constant 26 : i32
        %broadcast_in_dim3A_384 = vector.broadcast %broadcast_in_dim3A_383 : i32 to vector<16xi32>
        %add3A_385 = vector.broadcast %multiple_of3A : i32 to vector<16xi32>
        %add3A_386 = arith.addi %add3A_385, %iota3A : vector<16xi32>
        %gather3A_387 = tpu.vector_load_idx %arg9[%broadcast_in_dim3A_384, %select_n3A_228] : memref<32x2048xf32, #tpu.memory_space<vmem>>[vector<16xi32>, vector<16xi32>], vector<16xf32>,
        tpu.vector_store_idx %arg11[%add3A_386, %broadcast_in_dim3A_384], %gather3A_387 : memref<48x128xf32, #tpu.memory_space<vmem>>[vector<16xi32>, vector<16xi32>], vector<16xf32>,
        %broadcast_in_dim3A_388 = arith.constant 27 : i32
        %broadcast_in_dim3A_389 = vector.broadcast %broadcast_in_dim3A_388 : i32 to vector<16xi32>
        %add3A_390 = vector.broadcast %multiple_of3A : i32 to vector<16xi32>
        %add3A_391 = arith.addi %add3A_390, %iota3A : vector<16xi32>
        %gather3A_392 = tpu.vector_load_idx %arg9[%broadcast_in_dim3A_389, %select_n3A_228] : memref<32x2048xf32, #tpu.memory_space<vmem>>[vector<16xi32>, vector<16xi32>], vector<16xf32>,
        tpu.vector_store_idx %arg11[%add3A_391, %broadcast_in_dim3A_389], %gather3A_392 : memref<48x128xf32, #tpu.memory_space<vmem>>[vector<16xi32>, vector<16xi32>], vector<16xf32>,
        %broadcast_in_dim3A_393 = arith.constant 28 : i32
        %broadcast_in_dim3A_394 = vector.broadcast %broadcast_in_dim3A_393 : i32 to vector<16xi32>
        %add3A_395 = vector.broadcast %multiple_of3A : i32 to vector<16xi32>
        %add3A_396 = arith.addi %add3A_395, %iota3A : vector<16xi32>
        %gather3A_397 = tpu.vector_load_idx %arg9[%broadcast_in_dim3A_394, %select_n3A_228] : memref<32x2048xf32, #tpu.memory_space<vmem>>[vector<16xi32>, vector<16xi32>], vector<16xf32>,
        tpu.vector_store_idx %arg11[%add3A_396, %broadcast_in_dim3A_394], %gather3A_397 : memref<48x128xf32, #tpu.memory_space<vmem>>[vector<16xi32>, vector<16xi32>], vector<16xf32>,
        %broadcast_in_dim3A_398 = arith.constant 29 : i32
        %broadcast_in_dim3A_399 = vector.broadcast %broadcast_in_dim3A_398 : i32 to vector<16xi32>
        %add3A_400 = vector.broadcast %multiple_of3A : i32 to vector<16xi32>
        %add3A_401 = arith.addi %add3A_400, %iota3A : vector<16xi32>
        %gather3A_402 = tpu.vector_load_idx %arg9[%broadcast_in_dim3A_399, %select_n3A_228] : memref<32x2048xf32, #tpu.memory_space<vmem>>[vector<16xi32>, vector<16xi32>], vector<16xf32>,
        tpu.vector_store_idx %arg11[%add3A_401, %broadcast_in_dim3A_399], %gather3A_402 : memref<48x128xf32, #tpu.memory_space<vmem>>[vector<16xi32>, vector<16xi32>], vector<16xf32>,
        %broadcast_in_dim3A_403 = arith.constant 30 : i32
        %broadcast_in_dim3A_404 = vector.broadcast %broadcast_in_dim3A_403 : i32 to vector<16xi32>
        %add3A_405 = vector.broadcast %multiple_of3A : i32 to vector<16xi32>
        %add3A_406 = arith.addi %add3A_405, %iota3A : vector<16xi32>
        %gather3A_407 = tpu.vector_load_idx %arg9[%broadcast_in_dim3A_404, %select_n3A_228] : memref<32x2048xf32, #tpu.memory_space<vmem>>[vector<16xi32>, vector<16xi32>], vector<16xf32>,
        tpu.vector_store_idx %arg11[%add3A_406, %broadcast_in_dim3A_404], %gather3A_407 : memref<48x128xf32, #tpu.memory_space<vmem>>[vector<16xi32>, vector<16xi32>], vector<16xf32>,
        %broadcast_in_dim3A_408 = arith.constant 31 : i32
        %broadcast_in_dim3A_409 = vector.broadcast %broadcast_in_dim3A_408 : i32 to vector<16xi32>
        %add3A_410 = vector.broadcast %multiple_of3A : i32 to vector<16xi32>
        %add3A_411 = arith.addi %add3A_410, %iota3A : vector<16xi32>
        %gather3A_412 = tpu.vector_load_idx %arg9[%broadcast_in_dim3A_409, %select_n3A_228] : memref<32x2048xf32, #tpu.memory_space<vmem>>[vector<16xi32>, vector<16xi32>], vector<16xf32>,
        tpu.vector_store_idx %arg11[%add3A_411, %broadcast_in_dim3A_409], %gather3A_412 : memref<48x128xf32, #tpu.memory_space<vmem>>[vector<16xi32>, vector<16xi32>], vector<16xf32>,
        %dma_start3A = arith.constant 0 : i32
        %dma_start3A_413 = tpu.memref_slice %arg11[%multiple_of3A, %dma_start3A] : memref<48x128xf32, #tpu.memory_space<vmem>> -> memref<16x128xf32, #tpu.memory_space<vmem>>
        %dma_start3A_414 = arith.constant 0 : i32
        %dma_start3A_415 = arith.constant 0 : i32
        %dma_start3A_416 = tpu.memref_slice %arg5[%dma_start3A_414, %dma_start3A_415] : memref<16416x128xf32, #tpu.memory_space<hbm>> -> memref<16416x128xf32, #tpu.memory_space<hbm>>
        tpu.enqueue_indirect_dma source(%dma_start3A_413 : memref<16x128xf32, #tpu.memory_space<vmem>>) target(%dma_start3A_416 : memref<16416x128xf32, #tpu.memory_space<hbm>>) offsets(%select_n3A_222 : vector<16xi32>) semaphore(%arg14 : memref<!tpu.dma_semaphore, #tpu.memory_space<semaphore_mem>>)
        %add3A_417 = arith.constant 1 : i32
        %add3A_418 = arith.addi %get3A_231, %add3A_417 : i32
        %swap3A_419 = arith.constant 0 : i32
        %swap3A_420 = arith.index_cast %swap3A_419 : i32 to index
        %swap3A_421 = memref.load %arg12[%swap3A_420] : memref<8xi32, #tpu.memory_space<smem>>
        memref.store %add3A_418, %arg12[%swap3A_420] : memref<8xi32, #tpu.memory_space<smem>>
      }
      %while3A_205 = arith.constant 1 : i32
      scf.for %while3A_206 = %while3A_203 to %while3A_199 step %while3A_205  : i32 {
        %mul3A_207 = arith.constant 16 : i32
        %mul3A_208 = arith.muli %while3A_206, %mul3A_207 : i32
        %get3A_209 = arith.index_cast %mul3A_208 : i32 to index
        %get3A_210 = tpu.vector_load %arg8[%get3A_209] {strides = array<i32>} : memref<16384xi32, #tpu.memory_space<vmem>>, vector<16xi32>,
        %mul3A_211 = arith.constant 16 : i32
        %mul3A_212 = arith.muli %while3A_206, %mul3A_211 : i32
        %add3A_213 = vector.broadcast %mul3A_212 : i32 to vector<16xi32>
        %add3A_214 = arith.addi %add3A_213, %iota3A : vector<16xi32>
        %lt3A_215 = vector.broadcast %reduce_max3A_156 : i32 to vector<16xi32>
        %lt3A_216 = arith.cmpi slt, %add3A_214, %lt3A_215 : vector<16xi32>
        %shift_right_arithmetic3A = arith.constant 11 : i32
        %shift_right_arithmetic3A_217 = vector.broadcast %shift_right_arithmetic3A : i32 to vector<16xi32>
        %shift_right_arithmetic3A_218 = arith.shrsi %get3A_210, %shift_right_arithmetic3A_217 : vector<16xi32>
        %add3A_219 = arith.constant 16384 : i32
        %add3A_220 = vector.broadcast %add3A_219 : i32 to vector<16xi32>
        %add3A_221 = arith.addi %add3A_220, %iota3A : vector<16xi32>
        %select_n3A_222 = arith.select %lt3A_216, %shift_right_arithmetic3A_218, %add3A_221 : vector<16xi1>, vector<16xi32>
        %and3A_223 = arith.constant 2047 : i32
        %and3A_224 = vector.broadcast %and3A_223 : i32 to vector<16xi32>
        %and3A_225 = arith.andi %get3A_210, %and3A_224 : vector<16xi32>
        %jit3A_226 = arith.constant 0 : i32
        %broadcast_in_dim3A_227 = vector.broadcast %jit3A_226 : i32 to vector<16xi32>
        %select_n3A_228 = arith.select %lt3A_216, %and3A_225, %broadcast_in_dim3A_227 : vector<16xi1>, vector<16xi32>
        %get3A_229 = arith.constant 0 : i32
        %get3A_230 = arith.index_cast %get3A_229 : i32 to index
        %get3A_231 = memref.load %arg12[%get3A_230] : memref<8xi32, #tpu.memory_space<smem>>
        %jit3A_232 = arith.constant 3 : i32
        %eq3A_233 = arith.constant 0 : i32
        %eq3A_234 = arith.cmpi eq, %jit3A_232, %eq3A_233 : i32
        %jit3A_235 = arith.constant 1 : i32
        %select_n3A_236 = arith.select %eq3A_234, %jit3A_235, %jit3A_232 : i32
        %rem3A_237 = arith.remsi %get3A_231, %select_n3A_236 : i32
        %ne3A_238 = arith.constant 0 : i32
        %ne3A_239 = arith.cmpi ne, %rem3A_237, %ne3A_238 : i32
        %lt3A_240 = arith.constant 0 : i32
        %lt3A_241 = arith.cmpi slt, %rem3A_237, %lt3A_240 : i32
        %lt3A_242 = arith.constant 0 : i32
        %lt3A_243 = arith.cmpi slt, %select_n3A_236, %lt3A_242 : i32
        %ne3A_244 = arith.xori %lt3A_241, %lt3A_243 : i1
        %and3A_245 = arith.andi %ne3A_244, %ne3A_239 : i1
        %add3A_246 = arith.addi %rem3A_237, %select_n3A_236 : i32
        %select_n3A_247 = arith.select %and3A_245, %add3A_246, %rem3A_237 : i32
        %mul3A_248 = arith.constant 16 : i32
        %mul3A_249 = arith.muli %select_n3A_247, %mul3A_248 : i32
        %multiple_of3A = tpu.assume_multiple %mul3A_249, 16 : i32
        %ge3A = arith.constant 3 : i32
        %ge3A_250 = arith.cmpi sge, %get3A_231, %ge3A : i32
        %convert_element_type3A_251 = arith.extui %ge3A_250 : i1 to i32
        %cond3A_252 = arith.constant 0 : i32
        %cond3A_253 = arith.cmpi ne, %convert_element_type3A_251, %cond3A_252 : i32
        scf.if %cond3A_253 {
          %dma_wait3A = arith.constant 0 : i32
          %dma_wait3A_422 = arith.constant 0 : i32
          %dma_wait3A_423 = tpu.memref_slice %arg11[%dma_wait3A, %dma_wait3A_422] : memref<48x128xf32, #tpu.memory_space<vmem>> -> memref<16x128xf32, #tpu.memory_space<vmem>>
          %dma_wait3A_424 = arith.constant 0 : i32
          %dma_wait3A_425 = arith.constant 0 : i32
          %dma_wait3A_426 = tpu.memref_slice %arg3[%dma_wait3A_424, %dma_wait3A_425] : memref<32x1000000xf32, #tpu.memory_space<hbm>> -> memref<16x128xf32, #tpu.memory_space<hbm>>
          %dma_wait3A_427 = arith.constant 0 : i32
          %dma_wait3A_428 = arith.constant 0 : i32
          %dma_wait3A_429 = tpu.memref_slice %arg11[%dma_wait3A_427, %dma_wait3A_428] : memref<48x128xf32, #tpu.memory_space<vmem>> -> memref<16x128xf32, #tpu.memory_space<vmem>>
          %dma_wait3A_430 = arith.constant 0 : i32
          %dma_wait3A_431 = arith.constant 0 : i32
          %dma_wait3A_432 = tpu.memref_slice %arg3[%dma_wait3A_430, %dma_wait3A_431] : memref<32x1000000xf32, #tpu.memory_space<hbm>> -> memref<16x128xf32, #tpu.memory_space<hbm>>
          tpu.wait_dma2 semaphore(%arg14 : memref<!tpu.dma_semaphore, #tpu.memory_space<semaphore_mem>>) src(%dma_wait3A_432 : memref<16x128xf32, #tpu.memory_space<hbm>>) dst(%dma_wait3A_429 : memref<16x128xf32, #tpu.memory_space<vmem>>)
        } else {
        }
        %broadcast_in_dim3A_254 = arith.constant 0 : i32
        %broadcast_in_dim3A_255 = vector.broadcast %broadcast_in_dim3A_254 : i32 to vector<16xi32>
        %add3A_256 = vector.broadcast %multiple_of3A : i32 to vector<16xi32>
        %add3A_257 = arith.addi %add3A_256, %iota3A : vector<16xi32>
        %gather3A = tpu.vector_load_idx %arg9[%broadcast_in_dim3A_255, %select_n3A_228] : memref<32x2048xf32, #tpu.memory_space<vmem>>[vector<16xi32>, vector<16xi32>], vector<16xf32>,
        tpu.vector_store_idx %arg11[%add3A_257, %broadcast_in_dim3A_255], %gather3A : memref<48x128xf32, #tpu.memory_space<vmem>>[vector<16xi32>, vector<16xi32>], vector<16xf32>,
        %broadcast_in_dim3A_258 = arith.constant 1 : i32
        %broadcast_in_dim3A_259 = vector.broadcast %broadcast_in_dim3A_258 : i32 to vector<16xi32>
        %add3A_260 = vector.broadcast %multiple_of3A : i32 to vector<16xi32>
        %add3A_261 = arith.addi %add3A_260, %iota3A : vector<16xi32>
        %gather3A_262 = tpu.vector_load_idx %arg9[%broadcast_in_dim3A_259, %select_n3A_228] : memref<32x2048xf32, #tpu.memory_space<vmem>>[vector<16xi32>, vector<16xi32>], vector<16xf32>,
        tpu.vector_store_idx %arg11[%add3A_261, %broadcast_in_dim3A_259], %gather3A_262 : memref<48x128xf32, #tpu.memory_space<vmem>>[vector<16xi32>, vector<16xi32>], vector<16xf32>,
        %broadcast_in_dim3A_263 = arith.constant 2 : i32
        %broadcast_in_dim3A_264 = vector.broadcast %broadcast_in_dim3A_263 : i32 to vector<16xi32>
        %add3A_265 = vector.broadcast %multiple_of3A : i32 to vector<16xi32>
        %add3A_266 = arith.addi %add3A_265, %iota3A : vector<16xi32>
        %gather3A_267 = tpu.vector_load_idx %arg9[%broadcast_in_dim3A_264, %select_n3A_228] : memref<32x2048xf32, #tpu.memory_space<vmem>>[vector<16xi32>, vector<16xi32>], vector<16xf32>,
        tpu.vector_store_idx %arg11[%add3A_266, %broadcast_in_dim3A_264], %gather3A_267 : memref<48x128xf32, #tpu.memory_space<vmem>>[vector<16xi32>, vector<16xi32>], vector<16xf32>,
        %broadcast_in_dim3A_268 = arith.constant 3 : i32
        %broadcast_in_dim3A_269 = vector.broadcast %broadcast_in_dim3A_268 : i32 to vector<16xi32>
        %add3A_270 = vector.broadcast %multiple_of3A : i32 to vector<16xi32>
        %add3A_271 = arith.addi %add3A_270, %iota3A : vector<16xi32>
        %gather3A_272 = tpu.vector_load_idx %arg9[%broadcast_in_dim3A_269, %select_n3A_228] : memref<32x2048xf32, #tpu.memory_space<vmem>>[vector<16xi32>, vector<16xi32>], vector<16xf32>,
        tpu.vector_store_idx %arg11[%add3A_271, %broadcast_in_dim3A_269], %gather3A_272 : memref<48x128xf32, #tpu.memory_space<vmem>>[vector<16xi32>, vector<16xi32>], vector<16xf32>,
        %broadcast_in_dim3A_273 = arith.constant 4 : i32
        %broadcast_in_dim3A_274 = vector.broadcast %broadcast_in_dim3A_273 : i32 to vector<16xi32>
        %add3A_275 = vector.broadcast %multiple_of3A : i32 to vector<16xi32>
        %add3A_276 = arith.addi %add3A_275, %iota3A : vector<16xi32>
        %gather3A_277 = tpu.vector_load_idx %arg9[%broadcast_in_dim3A_274, %select_n3A_228] : memref<32x2048xf32, #tpu.memory_space<vmem>>[vector<16xi32>, vector<16xi32>], vector<16xf32>,
        tpu.vector_store_idx %arg11[%add3A_276, %broadcast_in_dim3A_274], %gather3A_277 : memref<48x128xf32, #tpu.memory_space<vmem>>[vector<16xi32>, vector<16xi32>], vector<16xf32>,
        %broadcast_in_dim3A_278 = arith.constant 5 : i32
        %broadcast_in_dim3A_279 = vector.broadcast %broadcast_in_dim3A_278 : i32 to vector<16xi32>
        %add3A_280 = vector.broadcast %multiple_of3A : i32 to vector<16xi32>
        %add3A_281 = arith.addi %add3A_280, %iota3A : vector<16xi32>
        %gather3A_282 = tpu.vector_load_idx %arg9[%broadcast_in_dim3A_279, %select_n3A_228] : memref<32x2048xf32, #tpu.memory_space<vmem>>[vector<16xi32>, vector<16xi32>], vector<16xf32>,
        tpu.vector_store_idx %arg11[%add3A_281, %broadcast_in_dim3A_279], %gather3A_282 : memref<48x128xf32, #tpu.memory_space<vmem>>[vector<16xi32>, vector<16xi32>], vector<16xf32>,
        %broadcast_in_dim3A_283 = arith.constant 6 : i32
        %broadcast_in_dim3A_284 = vector.broadcast %broadcast_in_dim3A_283 : i32 to vector<16xi32>
        %add3A_285 = vector.broadcast %multiple_of3A : i32 to vector<16xi32>
        %add3A_286 = arith.addi %add3A_285, %iota3A : vector<16xi32>
        %gather3A_287 = tpu.vector_load_idx %arg9[%broadcast_in_dim3A_284, %select_n3A_228] : memref<32x2048xf32, #tpu.memory_space<vmem>>[vector<16xi32>, vector<16xi32>], vector<16xf32>,
        tpu.vector_store_idx %arg11[%add3A_286, %broadcast_in_dim3A_284], %gather3A_287 : memref<48x128xf32, #tpu.memory_space<vmem>>[vector<16xi32>, vector<16xi32>], vector<16xf32>,
        %broadcast_in_dim3A_288 = arith.constant 7 : i32
        %broadcast_in_dim3A_289 = vector.broadcast %broadcast_in_dim3A_288 : i32 to vector<16xi32>
        %add3A_290 = vector.broadcast %multiple_of3A : i32 to vector<16xi32>
        %add3A_291 = arith.addi %add3A_290, %iota3A : vector<16xi32>
        %gather3A_292 = tpu.vector_load_idx %arg9[%broadcast_in_dim3A_289, %select_n3A_228] : memref<32x2048xf32, #tpu.memory_space<vmem>>[vector<16xi32>, vector<16xi32>], vector<16xf32>,
        tpu.vector_store_idx %arg11[%add3A_291, %broadcast_in_dim3A_289], %gather3A_292 : memref<48x128xf32, #tpu.memory_space<vmem>>[vector<16xi32>, vector<16xi32>], vector<16xf32>,
        %broadcast_in_dim3A_293 = arith.constant 8 : i32
        %broadcast_in_dim3A_294 = vector.broadcast %broadcast_in_dim3A_293 : i32 to vector<16xi32>
        %add3A_295 = vector.broadcast %multiple_of3A : i32 to vector<16xi32>
        %add3A_296 = arith.addi %add3A_295, %iota3A : vector<16xi32>
        %gather3A_297 = tpu.vector_load_idx %arg9[%broadcast_in_dim3A_294, %select_n3A_228] : memref<32x2048xf32, #tpu.memory_space<vmem>>[vector<16xi32>, vector<16xi32>], vector<16xf32>,
        tpu.vector_store_idx %arg11[%add3A_296, %broadcast_in_dim3A_294], %gather3A_297 : memref<48x128xf32, #tpu.memory_space<vmem>>[vector<16xi32>, vector<16xi32>], vector<16xf32>,
        %broadcast_in_dim3A_298 = arith.constant 9 : i32
        %broadcast_in_dim3A_299 = vector.broadcast %broadcast_in_dim3A_298 : i32 to vector<16xi32>
        %add3A_300 = vector.broadcast %multiple_of3A : i32 to vector<16xi32>
        %add3A_301 = arith.addi %add3A_300, %iota3A : vector<16xi32>
        %gather3A_302 = tpu.vector_load_idx %arg9[%broadcast_in_dim3A_299, %select_n3A_228] : memref<32x2048xf32, #tpu.memory_space<vmem>>[vector<16xi32>, vector<16xi32>], vector<16xf32>,
        tpu.vector_store_idx %arg11[%add3A_301, %broadcast_in_dim3A_299], %gather3A_302 : memref<48x128xf32, #tpu.memory_space<vmem>>[vector<16xi32>, vector<16xi32>], vector<16xf32>,
        %broadcast_in_dim3A_303 = arith.constant 10 : i32
        %broadcast_in_dim3A_304 = vector.broadcast %broadcast_in_dim3A_303 : i32 to vector<16xi32>
        %add3A_305 = vector.broadcast %multiple_of3A : i32 to vector<16xi32>
        %add3A_306 = arith.addi %add3A_305, %iota3A : vector<16xi32>
        %gather3A_307 = tpu.vector_load_idx %arg9[%broadcast_in_dim3A_304, %select_n3A_228] : memref<32x2048xf32, #tpu.memory_space<vmem>>[vector<16xi32>, vector<16xi32>], vector<16xf32>,
        tpu.vector_store_idx %arg11[%add3A_306, %broadcast_in_dim3A_304], %gather3A_307 : memref<48x128xf32, #tpu.memory_space<vmem>>[vector<16xi32>, vector<16xi32>], vector<16xf32>,
        %broadcast_in_dim3A_308 = arith.constant 11 : i32
        %broadcast_in_dim3A_309 = vector.broadcast %broadcast_in_dim3A_308 : i32 to vector<16xi32>
        %add3A_310 = vector.broadcast %multiple_of3A : i32 to vector<16xi32>
        %add3A_311 = arith.addi %add3A_310, %iota3A : vector<16xi32>
        %gather3A_312 = tpu.vector_load_idx %arg9[%broadcast_in_dim3A_309, %select_n3A_228] : memref<32x2048xf32, #tpu.memory_space<vmem>>[vector<16xi32>, vector<16xi32>], vector<16xf32>,
        tpu.vector_store_idx %arg11[%add3A_311, %broadcast_in_dim3A_309], %gather3A_312 : memref<48x128xf32, #tpu.memory_space<vmem>>[vector<16xi32>, vector<16xi32>], vector<16xf32>,
        %broadcast_in_dim3A_313 = arith.constant 12 : i32
        %broadcast_in_dim3A_314 = vector.broadcast %broadcast_in_dim3A_313 : i32 to vector<16xi32>
        %add3A_315 = vector.broadcast %multiple_of3A : i32 to vector<16xi32>
        %add3A_316 = arith.addi %add3A_315, %iota3A : vector<16xi32>
        %gather3A_317 = tpu.vector_load_idx %arg9[%broadcast_in_dim3A_314, %select_n3A_228] : memref<32x2048xf32, #tpu.memory_space<vmem>>[vector<16xi32>, vector<16xi32>], vector<16xf32>,
        tpu.vector_store_idx %arg11[%add3A_316, %broadcast_in_dim3A_314], %gather3A_317 : memref<48x128xf32, #tpu.memory_space<vmem>>[vector<16xi32>, vector<16xi32>], vector<16xf32>,
        %broadcast_in_dim3A_318 = arith.constant 13 : i32
        %broadcast_in_dim3A_319 = vector.broadcast %broadcast_in_dim3A_318 : i32 to vector<16xi32>
        %add3A_320 = vector.broadcast %multiple_of3A : i32 to vector<16xi32>
        %add3A_321 = arith.addi %add3A_320, %iota3A : vector<16xi32>
        %gather3A_322 = tpu.vector_load_idx %arg9[%broadcast_in_dim3A_319, %select_n3A_228] : memref<32x2048xf32, #tpu.memory_space<vmem>>[vector<16xi32>, vector<16xi32>], vector<16xf32>,
        tpu.vector_store_idx %arg11[%add3A_321, %broadcast_in_dim3A_319], %gather3A_322 : memref<48x128xf32, #tpu.memory_space<vmem>>[vector<16xi32>, vector<16xi32>], vector<16xf32>,
        %broadcast_in_dim3A_323 = arith.constant 14 : i32
        %broadcast_in_dim3A_324 = vector.broadcast %broadcast_in_dim3A_323 : i32 to vector<16xi32>
        %add3A_325 = vector.broadcast %multiple_of3A : i32 to vector<16xi32>
        %add3A_326 = arith.addi %add3A_325, %iota3A : vector<16xi32>
        %gather3A_327 = tpu.vector_load_idx %arg9[%broadcast_in_dim3A_324, %select_n3A_228] : memref<32x2048xf32, #tpu.memory_space<vmem>>[vector<16xi32>, vector<16xi32>], vector<16xf32>,
        tpu.vector_store_idx %arg11[%add3A_326, %broadcast_in_dim3A_324], %gather3A_327 : memref<48x128xf32, #tpu.memory_space<vmem>>[vector<16xi32>, vector<16xi32>], vector<16xf32>,
        %broadcast_in_dim3A_328 = arith.constant 15 : i32
        %broadcast_in_dim3A_329 = vector.broadcast %broadcast_in_dim3A_328 : i32 to vector<16xi32>
        %add3A_330 = vector.broadcast %multiple_of3A : i32 to vector<16xi32>
        %add3A_331 = arith.addi %add3A_330, %iota3A : vector<16xi32>
        %gather3A_332 = tpu.vector_load_idx %arg9[%broadcast_in_dim3A_329, %select_n3A_228] : memref<32x2048xf32, #tpu.memory_space<vmem>>[vector<16xi32>, vector<16xi32>], vector<16xf32>,
        tpu.vector_store_idx %arg11[%add3A_331, %broadcast_in_dim3A_329], %gather3A_332 : memref<48x128xf32, #tpu.memory_space<vmem>>[vector<16xi32>, vector<16xi32>], vector<16xf32>,
        %broadcast_in_dim3A_333 = arith.constant 16 : i32
        %broadcast_in_dim3A_334 = vector.broadcast %broadcast_in_dim3A_333 : i32 to vector<16xi32>
        %add3A_335 = vector.broadcast %multiple_of3A : i32 to vector<16xi32>
        %add3A_336 = arith.addi %add3A_335, %iota3A : vector<16xi32>
        %gather3A_337 = tpu.vector_load_idx %arg9[%broadcast_in_dim3A_334, %select_n3A_228] : memref<32x2048xf32, #tpu.memory_space<vmem>>[vector<16xi32>, vector<16xi32>], vector<16xf32>,
        tpu.vector_store_idx %arg11[%add3A_336, %broadcast_in_dim3A_334], %gather3A_337 : memref<48x128xf32, #tpu.memory_space<vmem>>[vector<16xi32>, vector<16xi32>], vector<16xf32>,
        %broadcast_in_dim3A_338 = arith.constant 17 : i32
        %broadcast_in_dim3A_339 = vector.broadcast %broadcast_in_dim3A_338 : i32 to vector<16xi32>
        %add3A_340 = vector.broadcast %multiple_of3A : i32 to vector<16xi32>
        %add3A_341 = arith.addi %add3A_340, %iota3A : vector<16xi32>
        %gather3A_342 = tpu.vector_load_idx %arg9[%broadcast_in_dim3A_339, %select_n3A_228] : memref<32x2048xf32, #tpu.memory_space<vmem>>[vector<16xi32>, vector<16xi32>], vector<16xf32>,
        tpu.vector_store_idx %arg11[%add3A_341, %broadcast_in_dim3A_339], %gather3A_342 : memref<48x128xf32, #tpu.memory_space<vmem>>[vector<16xi32>, vector<16xi32>], vector<16xf32>,
        %broadcast_in_dim3A_343 = arith.constant 18 : i32
        %broadcast_in_dim3A_344 = vector.broadcast %broadcast_in_dim3A_343 : i32 to vector<16xi32>
        %add3A_345 = vector.broadcast %multiple_of3A : i32 to vector<16xi32>
        %add3A_346 = arith.addi %add3A_345, %iota3A : vector<16xi32>
        %gather3A_347 = tpu.vector_load_idx %arg9[%broadcast_in_dim3A_344, %select_n3A_228] : memref<32x2048xf32, #tpu.memory_space<vmem>>[vector<16xi32>, vector<16xi32>], vector<16xf32>,
        tpu.vector_store_idx %arg11[%add3A_346, %broadcast_in_dim3A_344], %gather3A_347 : memref<48x128xf32, #tpu.memory_space<vmem>>[vector<16xi32>, vector<16xi32>], vector<16xf32>,
        %broadcast_in_dim3A_348 = arith.constant 19 : i32
        %broadcast_in_dim3A_349 = vector.broadcast %broadcast_in_dim3A_348 : i32 to vector<16xi32>
        %add3A_350 = vector.broadcast %multiple_of3A : i32 to vector<16xi32>
        %add3A_351 = arith.addi %add3A_350, %iota3A : vector<16xi32>
        %gather3A_352 = tpu.vector_load_idx %arg9[%broadcast_in_dim3A_349, %select_n3A_228] : memref<32x2048xf32, #tpu.memory_space<vmem>>[vector<16xi32>, vector<16xi32>], vector<16xf32>,
        tpu.vector_store_idx %arg11[%add3A_351, %broadcast_in_dim3A_349], %gather3A_352 : memref<48x128xf32, #tpu.memory_space<vmem>>[vector<16xi32>, vector<16xi32>], vector<16xf32>,
        %broadcast_in_dim3A_353 = arith.constant 20 : i32
        %broadcast_in_dim3A_354 = vector.broadcast %broadcast_in_dim3A_353 : i32 to vector<16xi32>
        %add3A_355 = vector.broadcast %multiple_of3A : i32 to vector<16xi32>
        %add3A_356 = arith.addi %add3A_355, %iota3A : vector<16xi32>
        %gather3A_357 = tpu.vector_load_idx %arg9[%broadcast_in_dim3A_354, %select_n3A_228] : memref<32x2048xf32, #tpu.memory_space<vmem>>[vector<16xi32>, vector<16xi32>], vector<16xf32>,
        tpu.vector_store_idx %arg11[%add3A_356, %broadcast_in_dim3A_354], %gather3A_357 : memref<48x128xf32, #tpu.memory_space<vmem>>[vector<16xi32>, vector<16xi32>], vector<16xf32>,
        %broadcast_in_dim3A_358 = arith.constant 21 : i32
        %broadcast_in_dim3A_359 = vector.broadcast %broadcast_in_dim3A_358 : i32 to vector<16xi32>
        %add3A_360 = vector.broadcast %multiple_of3A : i32 to vector<16xi32>
        %add3A_361 = arith.addi %add3A_360, %iota3A : vector<16xi32>
        %gather3A_362 = tpu.vector_load_idx %arg9[%broadcast_in_dim3A_359, %select_n3A_228] : memref<32x2048xf32, #tpu.memory_space<vmem>>[vector<16xi32>, vector<16xi32>], vector<16xf32>,
        tpu.vector_store_idx %arg11[%add3A_361, %broadcast_in_dim3A_359], %gather3A_362 : memref<48x128xf32, #tpu.memory_space<vmem>>[vector<16xi32>, vector<16xi32>], vector<16xf32>,
        %broadcast_in_dim3A_363 = arith.constant 22 : i32
        %broadcast_in_dim3A_364 = vector.broadcast %broadcast_in_dim3A_363 : i32 to vector<16xi32>
        %add3A_365 = vector.broadcast %multiple_of3A : i32 to vector<16xi32>
        %add3A_366 = arith.addi %add3A_365, %iota3A : vector<16xi32>
        %gather3A_367 = tpu.vector_load_idx %arg9[%broadcast_in_dim3A_364, %select_n3A_228] : memref<32x2048xf32, #tpu.memory_space<vmem>>[vector<16xi32>, vector<16xi32>], vector<16xf32>,
        tpu.vector_store_idx %arg11[%add3A_366, %broadcast_in_dim3A_364], %gather3A_367 : memref<48x128xf32, #tpu.memory_space<vmem>>[vector<16xi32>, vector<16xi32>], vector<16xf32>,
        %broadcast_in_dim3A_368 = arith.constant 23 : i32
        %broadcast_in_dim3A_369 = vector.broadcast %broadcast_in_dim3A_368 : i32 to vector<16xi32>
        %add3A_370 = vector.broadcast %multiple_of3A : i32 to vector<16xi32>
        %add3A_371 = arith.addi %add3A_370, %iota3A : vector<16xi32>
        %gather3A_372 = tpu.vector_load_idx %arg9[%broadcast_in_dim3A_369, %select_n3A_228] : memref<32x2048xf32, #tpu.memory_space<vmem>>[vector<16xi32>, vector<16xi32>], vector<16xf32>,
        tpu.vector_store_idx %arg11[%add3A_371, %broadcast_in_dim3A_369], %gather3A_372 : memref<48x128xf32, #tpu.memory_space<vmem>>[vector<16xi32>, vector<16xi32>], vector<16xf32>,
        %broadcast_in_dim3A_373 = arith.constant 24 : i32
        %broadcast_in_dim3A_374 = vector.broadcast %broadcast_in_dim3A_373 : i32 to vector<16xi32>
        %add3A_375 = vector.broadcast %multiple_of3A : i32 to vector<16xi32>
        %add3A_376 = arith.addi %add3A_375, %iota3A : vector<16xi32>
        %gather3A_377 = tpu.vector_load_idx %arg9[%broadcast_in_dim3A_374, %select_n3A_228] : memref<32x2048xf32, #tpu.memory_space<vmem>>[vector<16xi32>, vector<16xi32>], vector<16xf32>,
        tpu.vector_store_idx %arg11[%add3A_376, %broadcast_in_dim3A_374], %gather3A_377 : memref<48x128xf32, #tpu.memory_space<vmem>>[vector<16xi32>, vector<16xi32>], vector<16xf32>,
        %broadcast_in_dim3A_378 = arith.constant 25 : i32
        %broadcast_in_dim3A_379 = vector.broadcast %broadcast_in_dim3A_378 : i32 to vector<16xi32>
        %add3A_380 = vector.broadcast %multiple_of3A : i32 to vector<16xi32>
        %add3A_381 = arith.addi %add3A_380, %iota3A : vector<16xi32>
        %gather3A_382 = tpu.vector_load_idx %arg9[%broadcast_in_dim3A_379, %select_n3A_228] : memref<32x2048xf32, #tpu.memory_space<vmem>>[vector<16xi32>, vector<16xi32>], vector<16xf32>,
        tpu.vector_store_idx %arg11[%add3A_381, %broadcast_in_dim3A_379], %gather3A_382 : memref<48x128xf32, #tpu.memory_space<vmem>>[vector<16xi32>, vector<16xi32>], vector<16xf32>,
        %broadcast_in_dim3A_383 = arith.constant 26 : i32
        %broadcast_in_dim3A_384 = vector.broadcast %broadcast_in_dim3A_383 : i32 to vector<16xi32>
        %add3A_385 = vector.broadcast %multiple_of3A : i32 to vector<16xi32>
        %add3A_386 = arith.addi %add3A_385, %iota3A : vector<16xi32>
        %gather3A_387 = tpu.vector_load_idx %arg9[%broadcast_in_dim3A_384, %select_n3A_228] : memref<32x2048xf32, #tpu.memory_space<vmem>>[vector<16xi32>, vector<16xi32>], vector<16xf32>,
        tpu.vector_store_idx %arg11[%add3A_386, %broadcast_in_dim3A_384], %gather3A_387 : memref<48x128xf32, #tpu.memory_space<vmem>>[vector<16xi32>, vector<16xi32>], vector<16xf32>,
        %broadcast_in_dim3A_388 = arith.constant 27 : i32
        %broadcast_in_dim3A_389 = vector.broadcast %broadcast_in_dim3A_388 : i32 to vector<16xi32>
        %add3A_390 = vector.broadcast %multiple_of3A : i32 to vector<16xi32>
        %add3A_391 = arith.addi %add3A_390, %iota3A : vector<16xi32>
        %gather3A_392 = tpu.vector_load_idx %arg9[%broadcast_in_dim3A_389, %select_n3A_228] : memref<32x2048xf32, #tpu.memory_space<vmem>>[vector<16xi32>, vector<16xi32>], vector<16xf32>,
        tpu.vector_store_idx %arg11[%add3A_391, %broadcast_in_dim3A_389], %gather3A_392 : memref<48x128xf32, #tpu.memory_space<vmem>>[vector<16xi32>, vector<16xi32>], vector<16xf32>,
        %broadcast_in_dim3A_393 = arith.constant 28 : i32
        %broadcast_in_dim3A_394 = vector.broadcast %broadcast_in_dim3A_393 : i32 to vector<16xi32>
        %add3A_395 = vector.broadcast %multiple_of3A : i32 to vector<16xi32>
        %add3A_396 = arith.addi %add3A_395, %iota3A : vector<16xi32>
        %gather3A_397 = tpu.vector_load_idx %arg9[%broadcast_in_dim3A_394, %select_n3A_228] : memref<32x2048xf32, #tpu.memory_space<vmem>>[vector<16xi32>, vector<16xi32>], vector<16xf32>,
        tpu.vector_store_idx %arg11[%add3A_396, %broadcast_in_dim3A_394], %gather3A_397 : memref<48x128xf32, #tpu.memory_space<vmem>>[vector<16xi32>, vector<16xi32>], vector<16xf32>,
        %broadcast_in_dim3A_398 = arith.constant 29 : i32
        %broadcast_in_dim3A_399 = vector.broadcast %broadcast_in_dim3A_398 : i32 to vector<16xi32>
        %add3A_400 = vector.broadcast %multiple_of3A : i32 to vector<16xi32>
        %add3A_401 = arith.addi %add3A_400, %iota3A : vector<16xi32>
        %gather3A_402 = tpu.vector_load_idx %arg9[%broadcast_in_dim3A_399, %select_n3A_228] : memref<32x2048xf32, #tpu.memory_space<vmem>>[vector<16xi32>, vector<16xi32>], vector<16xf32>,
        tpu.vector_store_idx %arg11[%add3A_401, %broadcast_in_dim3A_399], %gather3A_402 : memref<48x128xf32, #tpu.memory_space<vmem>>[vector<16xi32>, vector<16xi32>], vector<16xf32>,
        %broadcast_in_dim3A_403 = arith.constant 30 : i32
        %broadcast_in_dim3A_404 = vector.broadcast %broadcast_in_dim3A_403 : i32 to vector<16xi32>
        %add3A_405 = vector.broadcast %multiple_of3A : i32 to vector<16xi32>
        %add3A_406 = arith.addi %add3A_405, %iota3A : vector<16xi32>
        %gather3A_407 = tpu.vector_load_idx %arg9[%broadcast_in_dim3A_404, %select_n3A_228] : memref<32x2048xf32, #tpu.memory_space<vmem>>[vector<16xi32>, vector<16xi32>], vector<16xf32>,
        tpu.vector_store_idx %arg11[%add3A_406, %broadcast_in_dim3A_404], %gather3A_407 : memref<48x128xf32, #tpu.memory_space<vmem>>[vector<16xi32>, vector<16xi32>], vector<16xf32>,
        %broadcast_in_dim3A_408 = arith.constant 31 : i32
        %broadcast_in_dim3A_409 = vector.broadcast %broadcast_in_dim3A_408 : i32 to vector<16xi32>
        %add3A_410 = vector.broadcast %multiple_of3A : i32 to vector<16xi32>
        %add3A_411 = arith.addi %add3A_410, %iota3A : vector<16xi32>
        %gather3A_412 = tpu.vector_load_idx %arg9[%broadcast_in_dim3A_409, %select_n3A_228] : memref<32x2048xf32, #tpu.memory_space<vmem>>[vector<16xi32>, vector<16xi32>], vector<16xf32>,
        tpu.vector_store_idx %arg11[%add3A_411, %broadcast_in_dim3A_409], %gather3A_412 : memref<48x128xf32, #tpu.memory_space<vmem>>[vector<16xi32>, vector<16xi32>], vector<16xf32>,
        %dma_start3A = arith.constant 0 : i32
        %dma_start3A_413 = tpu.memref_slice %arg11[%multiple_of3A, %dma_start3A] : memref<48x128xf32, #tpu.memory_space<vmem>> -> memref<16x128xf32, #tpu.memory_space<vmem>>
        %dma_start3A_414 = arith.constant 0 : i32
        %dma_start3A_415 = arith.constant 0 : i32
        %dma_start3A_416 = tpu.memref_slice %arg5[%dma_start3A_414, %dma_start3A_415] : memref<16416x128xf32, #tpu.memory_space<hbm>> -> memref<16416x128xf32, #tpu.memory_space<hbm>>
        tpu.enqueue_indirect_dma source(%dma_start3A_413 : memref<16x128xf32, #tpu.memory_space<vmem>>) target(%dma_start3A_416 : memref<16416x128xf32, #tpu.memory_space<hbm>>) offsets(%select_n3A_222 : vector<16xi32>) semaphore(%arg14 : memref<!tpu.dma_semaphore, #tpu.memory_space<semaphore_mem>>)
        %add3A_417 = arith.constant 1 : i32
        %add3A_418 = arith.addi %get3A_231, %add3A_417 : i32
        %swap3A_419 = arith.constant 0 : i32
        %swap3A_420 = arith.index_cast %swap3A_419 : i32 to index
        %swap3A_421 = memref.load %arg12[%swap3A_420] : memref<8xi32, #tpu.memory_space<smem>>
        memref.store %add3A_418, %arg12[%swap3A_420] : memref<8xi32, #tpu.memory_space<smem>>
      }
    }
    %while3A_73 = arith.constant 1 : i32
    scf.for %while3A_89 = %while3A_71 to %while3A_67 step %while3A_73  : i32 {
      %mul3A_90 = arith.constant 32 : i32
      %mul3A_91 = arith.muli %while3A_89, %mul3A_90 : i32
      %add3A_92 = arith.addi %add3A, %mul3A_91 : i32
      %eq3A_93 = arith.constant 488 : i32
      %eq3A_94 = arith.cmpi eq, %add3A_92, %eq3A_93 : i32
      %jit3A_95 = arith.constant 512 : i32
      %jit3A_96 = arith.constant 2048 : i32
      %select_n3A_97 = arith.select %eq3A_94, %jit3A_95, %jit3A_96 : i32
      %mul3A_98 = arith.constant 32 : i32
      %mul3A_99 = arith.muli %while3A_89, %mul3A_98 : i32
      %add3A_100 = arith.addi %add3A, %mul3A_99 : i32
      %lt3A = arith.constant 488 : i32
      %lt3A_101 = arith.cmpi slt, %add3A_100, %lt3A : i32
      %convert_element_type3A_102 = arith.extui %lt3A_101 : i1 to i32
      %cond3A_103 = arith.constant 0 : i32
      %cond3A_104 = arith.cmpi ne, %convert_element_type3A_102, %cond3A_103 : i32
      scf.if %cond3A_104 {
        %mul3A_206 = arith.constant 2048 : i32
        %mul3A_207 = arith.muli %add3A_100, %mul3A_206 : i32
        %multiple_of3A = tpu.assume_multiple %mul3A_207, 2048 : i32
        %dma_start3A = arith.constant 0 : i32
        %dma_start3A_208 = tpu.memref_slice %arg3[%dma_start3A, %multiple_of3A] : memref<32x1000000xf32, #tpu.memory_space<hbm>> -> memref<32x2048xf32, #tpu.memory_space<hbm>>
        %dma_start3A_209 = arith.constant 0 : i32
        %dma_start3A_210 = tpu.memref_slice %arg3[%dma_start3A_209, %multiple_of3A] : memref<32x1000000xf32, #tpu.memory_space<hbm>> -> memref<32x2048xf32, #tpu.memory_space<hbm>>
        tpu.enqueue_dma source(%dma_start3A_210 : memref<32x2048xf32, #tpu.memory_space<hbm>>) target(%arg9 : memref<32x2048xf32, #tpu.memory_space<vmem>>) target_semaphore(%arg13 : memref<!tpu.dma_semaphore, #tpu.memory_space<semaphore_mem>>)
      } else {
      }
      %eq3A_105 = arith.constant 488 : i32
      %eq3A_106 = arith.cmpi eq, %add3A_100, %eq3A_105 : i32
      %convert_element_type3A_107 = arith.extui %eq3A_106 : i1 to i32
      %cond3A_108 = arith.constant 0 : i32
      %cond3A_109 = arith.cmpi ne, %convert_element_type3A_107, %cond3A_108 : i32
      scf.if %cond3A_109 {
        %mul3A_206 = arith.constant 2048 : i32
        %mul3A_207 = arith.muli %add3A_100, %mul3A_206 : i32
        %multiple_of3A = tpu.assume_multiple %mul3A_207, 2048 : i32
        %dma_start3A = arith.constant 0 : i32
        %dma_start3A_208 = arith.constant 0 : i32
        %dma_start3A_209 = tpu.memref_slice %arg9[%dma_start3A, %dma_start3A_208] : memref<32x2048xf32, #tpu.memory_space<vmem>> -> memref<32x512xf32, #tpu.memory_space<vmem>>
        %dma_start3A_210 = arith.constant 0 : i32
        %dma_start3A_211 = tpu.memref_slice %arg3[%dma_start3A_210, %multiple_of3A] : memref<32x1000000xf32, #tpu.memory_space<hbm>> -> memref<32x512xf32, #tpu.memory_space<hbm>>
        %dma_start3A_212 = arith.constant 0 : i32
        %dma_start3A_213 = arith.constant 0 : i32
        %dma_start3A_214 = tpu.memref_slice %arg9[%dma_start3A_212, %dma_start3A_213] : memref<32x2048xf32, #tpu.memory_space<vmem>> -> memref<32x512xf32, #tpu.memory_space<vmem>>
        %dma_start3A_215 = arith.constant 0 : i32
        %dma_start3A_216 = tpu.memref_slice %arg3[%dma_start3A_215, %multiple_of3A] : memref<32x1000000xf32, #tpu.memory_space<hbm>> -> memref<32x512xf32, #tpu.memory_space<hbm>>
        tpu.enqueue_dma source(%dma_start3A_216 : memref<32x512xf32, #tpu.memory_space<hbm>>) target(%dma_start3A_214 : memref<32x512xf32, #tpu.memory_space<vmem>>) target_semaphore(%arg13 : memref<!tpu.dma_semaphore, #tpu.memory_space<semaphore_mem>>)
      } else {
      }
      %add3A_110 = arith.constant 3 : i32
      %add3A_111 = arith.addi %select_n3A_64, %add3A_110 : i32
      %jit3A_112 = arith.constant 4 : i32
      %div3A_113 = arith.divsi %add3A_111, %jit3A_112 : i32
      %sign3A_114 = arith.constant 0 : i32
      %sign3A_115 = arith.cmpi sgt, %add3A_111, %sign3A_114 : i32
      %sign3A_116 = arith.extui %sign3A_115 : i1 to i32
      %sign3A_117 = arith.constant 0 : i32
      %sign3A_118 = arith.cmpi slt, %add3A_111, %sign3A_117 : i32
      %sign3A_119 = arith.extui %sign3A_118 : i1 to i32
      %sign3A_120 = arith.subi %sign3A_116, %sign3A_119 : i32
      %sign3A_121 = arith.constant 0 : i32
      %sign3A_122 = arith.cmpi sgt, %jit3A_112, %sign3A_121 : i32
      %sign3A_123 = arith.extui %sign3A_122 : i1 to i32
      %sign3A_124 = arith.constant 0 : i32
      %sign3A_125 = arith.cmpi slt, %jit3A_112, %sign3A_124 : i32
      %sign3A_126 = arith.extui %sign3A_125 : i1 to i32
      %sign3A_127 = arith.subi %sign3A_123, %sign3A_126 : i32
      %ne3A_128 = arith.cmpi ne, %sign3A_120, %sign3A_127 : i32
      %rem3A_129 = arith.remsi %add3A_111, %jit3A_112 : i32
      %ne3A_130 = arith.constant 0 : i32
      %ne3A_131 = arith.cmpi ne, %rem3A_129, %ne3A_130 : i32
      %and3A_132 = arith.andi %ne3A_128, %ne3A_131 : i1
      %sub3A_133 = arith.constant 1 : i32
      %sub3A_134 = arith.subi %div3A_113, %sub3A_133 : i32
      %select_n3A_135 = arith.select %and3A_132, %sub3A_134, %div3A_113 : i32
      %broadcast_in_dim3A_136 = arith.constant 0 : i32
      %broadcast_in_dim3A_137 = vector.broadcast %broadcast_in_dim3A_136 : i32 to vector<16xi32>
      %while3A_138 = arith.constant 0 : i32
      %while3A_139 = arith.subi %select_n3A_135, %while3A_138 : i32
      %while3A_140 = arith.addi %while3A_138, %while3A_139 : i32
      %while3A_141 = arith.constant 1 : i32
      %while3A_142 = arith.divsi %while3A_139, %while3A_141 : i32
      %while3A_143 = arith.muli %while3A_142, %while3A_141 : i32
      %while3A_144 = arith.addi %while3A_138, %while3A_143 : i32
      %while3A_145 = arith.constant 1 : i32
      %while3A_146 = scf.for %while3A_206 = %while3A_138 to %while3A_144 step %while3A_145 iter_args(%while3A_207 = %broadcast_in_dim3A_137) -> (vector<16xi32>)  : i32 {
        %mul3A_208 = arith.constant 64 : i32
        %mul3A_209 = arith.muli %while3A_206, %mul3A_208 : i32
        %add3A_210 = arith.constant 0 : i32
        %add3A_211 = arith.addi %mul3A_209, %add3A_210 : i32
        %get3A_212 = arith.index_cast %add3A_211 : i32 to index
        %get3A_213 = tpu.vector_load %arg7[%get3A_212] {strides = array<i32>} : memref<16384xi32, #tpu.memory_space<vmem>>, vector<16xi32>,
        %mul3A_214 = arith.constant 64 : i32
        %mul3A_215 = arith.muli %while3A_206, %mul3A_214 : i32
        %add3A_216 = arith.constant 16 : i32
        %add3A_217 = arith.addi %mul3A_215, %add3A_216 : i32
        %get3A_218 = arith.index_cast %add3A_217 : i32 to index
        %get3A_219 = tpu.vector_load %arg7[%get3A_218] {strides = array<i32>} : memref<16384xi32, #tpu.memory_space<vmem>>, vector<16xi32>,
        %mul3A_220 = arith.constant 64 : i32
        %mul3A_221 = arith.muli %while3A_206, %mul3A_220 : i32
        %add3A_222 = arith.constant 32 : i32
        %add3A_223 = arith.addi %mul3A_221, %add3A_222 : i32
        %get3A_224 = arith.index_cast %add3A_223 : i32 to index
        %get3A_225 = tpu.vector_load %arg7[%get3A_224] {strides = array<i32>} : memref<16384xi32, #tpu.memory_space<vmem>>, vector<16xi32>,
        %mul3A_226 = arith.constant 64 : i32
        %mul3A_227 = arith.muli %while3A_206, %mul3A_226 : i32
        %add3A_228 = arith.constant 48 : i32
        %add3A_229 = arith.addi %mul3A_227, %add3A_228 : i32
        %get3A_230 = arith.index_cast %add3A_229 : i32 to index
        %get3A_231 = tpu.vector_load %arg7[%get3A_230] {strides = array<i32>} : memref<16384xi32, #tpu.memory_space<vmem>>, vector<16xi32>,
        %mul3A_232 = arith.constant 64 : i32
        %mul3A_233 = arith.muli %while3A_206, %mul3A_232 : i32
        %add3A_234 = arith.constant 0 : i32
        %add3A_235 = arith.addi %mul3A_233, %add3A_234 : i32
        %add3A_236 = vector.broadcast %add3A_235 : i32 to vector<16xi32>
        %add3A_237 = arith.addi %add3A_236, %iota3A : vector<16xi32>
        %lt3A_238 = vector.broadcast %reduce_max3A_38 : i32 to vector<16xi32>
        %lt3A_239 = arith.cmpi slt, %add3A_237, %lt3A_238 : vector<16xi32>
        %mul3A_240 = arith.constant 64 : i32
        %mul3A_241 = arith.muli %while3A_206, %mul3A_240 : i32
        %add3A_242 = arith.constant 16 : i32
        %add3A_243 = arith.addi %mul3A_241, %add3A_242 : i32
        %add3A_244 = vector.broadcast %add3A_243 : i32 to vector<16xi32>
        %add3A_245 = arith.addi %add3A_244, %iota3A : vector<16xi32>
        %lt3A_246 = vector.broadcast %reduce_max3A_38 : i32 to vector<16xi32>
        %lt3A_247 = arith.cmpi slt, %add3A_245, %lt3A_246 : vector<16xi32>
        %mul3A_248 = arith.constant 64 : i32
        %mul3A_249 = arith.muli %while3A_206, %mul3A_248 : i32
        %add3A_250 = arith.constant 32 : i32
        %add3A_251 = arith.addi %mul3A_249, %add3A_250 : i32
        %add3A_252 = vector.broadcast %add3A_251 : i32 to vector<16xi32>
        %add3A_253 = arith.addi %add3A_252, %iota3A : vector<16xi32>
        %lt3A_254 = vector.broadcast %reduce_max3A_38 : i32 to vector<16xi32>
        %lt3A_255 = arith.cmpi slt, %add3A_253, %lt3A_254 : vector<16xi32>
        %mul3A_256 = arith.constant 64 : i32
        %mul3A_257 = arith.muli %while3A_206, %mul3A_256 : i32
        %add3A_258 = arith.constant 48 : i32
        %add3A_259 = arith.addi %mul3A_257, %add3A_258 : i32
        %add3A_260 = vector.broadcast %add3A_259 : i32 to vector<16xi32>
        %add3A_261 = arith.addi %add3A_260, %iota3A : vector<16xi32>
        %lt3A_262 = vector.broadcast %reduce_max3A_38 : i32 to vector<16xi32>
        %lt3A_263 = arith.cmpi slt, %add3A_261, %lt3A_262 : vector<16xi32>
        %and3A_264 = arith.constant 2047 : i32
        %and3A_265 = vector.broadcast %and3A_264 : i32 to vector<16xi32>
        %and3A_266 = arith.andi %get3A_213, %and3A_265 : vector<16xi32>
        %and3A_267 = arith.constant 2047 : i32
        %and3A_268 = vector.broadcast %and3A_267 : i32 to vector<16xi32>
        %and3A_269 = arith.andi %get3A_219, %and3A_268 : vector<16xi32>
        %and3A_270 = arith.constant 2047 : i32
        %and3A_271 = vector.broadcast %and3A_270 : i32 to vector<16xi32>
        %and3A_272 = arith.andi %get3A_225, %and3A_271 : vector<16xi32>
        %and3A_273 = arith.constant 2047 : i32
        %and3A_274 = vector.broadcast %and3A_273 : i32 to vector<16xi32>
        %and3A_275 = arith.andi %get3A_231, %and3A_274 : vector<16xi32>
        %shift_right_arithmetic3A = arith.constant 11 : i32
        %shift_right_arithmetic3A_276 = vector.broadcast %shift_right_arithmetic3A : i32 to vector<16xi32>
        %shift_right_arithmetic3A_277 = arith.shrsi %get3A_213, %shift_right_arithmetic3A_276 : vector<16xi32>
        %and3A_278 = arith.constant 15 : i32
        %and3A_279 = vector.broadcast %and3A_278 : i32 to vector<16xi32>
        %and3A_280 = arith.andi %shift_right_arithmetic3A_277, %and3A_279 : vector<16xi32>
        %eq3A_281 = vector.broadcast %while3A_89 : i32 to vector<16xi32>
        %eq3A_282 = arith.cmpi eq, %and3A_280, %eq3A_281 : vector<16xi32>
        %lt3A_283 = vector.broadcast %select_n3A_97 : i32 to vector<16xi32>
        %lt3A_284 = arith.cmpi slt, %and3A_266, %lt3A_283 : vector<16xi32>
        %and3A_285 = arith.andi %eq3A_282, %lt3A_284 : vector<16xi1>
        %and3A_286 = arith.andi %lt3A_239, %and3A_285 : vector<16xi1>
        %shift_right_arithmetic3A_287 = arith.constant 11 : i32
        %shift_right_arithmetic3A_288 = vector.broadcast %shift_right_arithmetic3A_287 : i32 to vector<16xi32>
        %shift_right_arithmetic3A_289 = arith.shrsi %get3A_219, %shift_right_arithmetic3A_288 : vector<16xi32>
        %and3A_290 = arith.constant 15 : i32
        %and3A_291 = vector.broadcast %and3A_290 : i32 to vector<16xi32>
        %and3A_292 = arith.andi %shift_right_arithmetic3A_289, %and3A_291 : vector<16xi32>
        %eq3A_293 = vector.broadcast %while3A_89 : i32 to vector<16xi32>
        %eq3A_294 = arith.cmpi eq, %and3A_292, %eq3A_293 : vector<16xi32>
        %lt3A_295 = vector.broadcast %select_n3A_97 : i32 to vector<16xi32>
        %lt3A_296 = arith.cmpi slt, %and3A_269, %lt3A_295 : vector<16xi32>
        %and3A_297 = arith.andi %eq3A_294, %lt3A_296 : vector<16xi1>
        %and3A_298 = arith.andi %lt3A_247, %and3A_297 : vector<16xi1>
        %shift_right_arithmetic3A_299 = arith.constant 11 : i32
        %shift_right_arithmetic3A_300 = vector.broadcast %shift_right_arithmetic3A_299 : i32 to vector<16xi32>
        %shift_right_arithmetic3A_301 = arith.shrsi %get3A_225, %shift_right_arithmetic3A_300 : vector<16xi32>
        %and3A_302 = arith.constant 15 : i32
        %and3A_303 = vector.broadcast %and3A_302 : i32 to vector<16xi32>
        %and3A_304 = arith.andi %shift_right_arithmetic3A_301, %and3A_303 : vector<16xi32>
        %eq3A_305 = vector.broadcast %while3A_89 : i32 to vector<16xi32>
        %eq3A_306 = arith.cmpi eq, %and3A_304, %eq3A_305 : vector<16xi32>
        %lt3A_307 = vector.broadcast %select_n3A_97 : i32 to vector<16xi32>
        %lt3A_308 = arith.cmpi slt, %and3A_272, %lt3A_307 : vector<16xi32>
        %and3A_309 = arith.andi %eq3A_306, %lt3A_308 : vector<16xi1>
        %and3A_310 = arith.andi %lt3A_255, %and3A_309 : vector<16xi1>
        %shift_right_arithmetic3A_311 = arith.constant 11 : i32
        %shift_right_arithmetic3A_312 = vector.broadcast %shift_right_arithmetic3A_311 : i32 to vector<16xi32>
        %shift_right_arithmetic3A_313 = arith.shrsi %get3A_231, %shift_right_arithmetic3A_312 : vector<16xi32>
        %and3A_314 = arith.constant 15 : i32
        %and3A_315 = vector.broadcast %and3A_314 : i32 to vector<16xi32>
        %and3A_316 = arith.andi %shift_right_arithmetic3A_313, %and3A_315 : vector<16xi32>
        %eq3A_317 = vector.broadcast %while3A_89 : i32 to vector<16xi32>
        %eq3A_318 = arith.cmpi eq, %and3A_316, %eq3A_317 : vector<16xi32>
        %lt3A_319 = vector.broadcast %select_n3A_97 : i32 to vector<16xi32>
        %lt3A_320 = arith.cmpi slt, %and3A_275, %lt3A_319 : vector<16xi32>
        %and3A_321 = arith.andi %eq3A_318, %lt3A_320 : vector<16xi1>
        %and3A_322 = arith.andi %lt3A_263, %and3A_321 : vector<16xi1>
        %jit3A_323 = arith.constant 1 : i32
        %jit3A_324 = arith.constant 0 : i32
        %broadcast_in_dim3A_325 = vector.broadcast %jit3A_323 : i32 to vector<16xi32>
        %broadcast_in_dim3A_326 = vector.broadcast %jit3A_324 : i32 to vector<16xi32>
        %select_n3A_327 = arith.select %and3A_286, %broadcast_in_dim3A_325, %broadcast_in_dim3A_326 : vector<16xi1>, vector<16xi32>
        %broadcast_in_dim3A_328 = arith.constant true
        %broadcast_in_dim3A_329 = vector.broadcast %broadcast_in_dim3A_328 : i1 to vector<16xi1>
        %masked_cumsum3A = tpu.scan <sum>, %select_n3A_327 masked %broadcast_in_dim3A_329 : vector<16xi32>, vector<16xi1> -> vector<16xi32>
        %jit3A_330 = arith.constant 1 : i32
        %jit3A_331 = arith.constant 0 : i32
        %broadcast_in_dim3A_332 = vector.broadcast %jit3A_330 : i32 to vector<16xi32>
        %broadcast_in_dim3A_333 = vector.broadcast %jit3A_331 : i32 to vector<16xi32>
        %select_n3A_334 = arith.select %and3A_298, %broadcast_in_dim3A_332, %broadcast_in_dim3A_333 : vector<16xi1>, vector<16xi32>
        %broadcast_in_dim3A_335 = arith.constant true
        %broadcast_in_dim3A_336 = vector.broadcast %broadcast_in_dim3A_335 : i1 to vector<16xi1>
        %masked_cumsum3A_337 = tpu.scan <sum>, %select_n3A_334 masked %broadcast_in_dim3A_336 : vector<16xi32>, vector<16xi1> -> vector<16xi32>
        %jit3A_338 = arith.constant 1 : i32
        %jit3A_339 = arith.constant 0 : i32
        %broadcast_in_dim3A_340 = vector.broadcast %jit3A_338 : i32 to vector<16xi32>
        %broadcast_in_dim3A_341 = vector.broadcast %jit3A_339 : i32 to vector<16xi32>
        %select_n3A_342 = arith.select %and3A_310, %broadcast_in_dim3A_340, %broadcast_in_dim3A_341 : vector<16xi1>, vector<16xi32>
        %broadcast_in_dim3A_343 = arith.constant true
        %broadcast_in_dim3A_344 = vector.broadcast %broadcast_in_dim3A_343 : i1 to vector<16xi1>
        %masked_cumsum3A_345 = tpu.scan <sum>, %select_n3A_342 masked %broadcast_in_dim3A_344 : vector<16xi32>, vector<16xi1> -> vector<16xi32>
        %jit3A_346 = arith.constant 1 : i32
        %jit3A_347 = arith.constant 0 : i32
        %broadcast_in_dim3A_348 = vector.broadcast %jit3A_346 : i32 to vector<16xi32>
        %broadcast_in_dim3A_349 = vector.broadcast %jit3A_347 : i32 to vector<16xi32>
        %select_n3A_350 = arith.select %and3A_322, %broadcast_in_dim3A_348, %broadcast_in_dim3A_349 : vector<16xi1>, vector<16xi32>
        %broadcast_in_dim3A_351 = arith.constant true
        %broadcast_in_dim3A_352 = vector.broadcast %broadcast_in_dim3A_351 : i1 to vector<16xi1>
        %masked_cumsum3A_353 = tpu.scan <sum>, %select_n3A_350 masked %broadcast_in_dim3A_352 : vector<16xi32>, vector<16xi1> -> vector<16xi32>
        %all_reduce_population_count3A = tpu.all_reduce %and3A_286 {dim = 0 : i64, kind = #tpu.reduction_kind<sum>} : vector<16xi1> -> vector<16xi32>
        %all_reduce_population_count3A_354 = tpu.all_reduce %and3A_298 {dim = 0 : i64, kind = #tpu.reduction_kind<sum>} : vector<16xi1> -> vector<16xi32>
        %all_reduce_population_count3A_355 = tpu.all_reduce %and3A_310 {dim = 0 : i64, kind = #tpu.reduction_kind<sum>} : vector<16xi1> -> vector<16xi32>
        %all_reduce_population_count3A_356 = tpu.all_reduce %and3A_322 {dim = 0 : i64, kind = #tpu.reduction_kind<sum>} : vector<16xi1> -> vector<16xi32>
        %add3A_357 = arith.addi %while3A_207, %masked_cumsum3A : vector<16xi32>
        %sub3A_358 = arith.constant 1 : i32
        %sub3A_359 = vector.broadcast %sub3A_358 : i32 to vector<16xi32>
        %sub3A_360 = arith.subi %add3A_357, %sub3A_359 : vector<16xi32>
        %shift_right_arithmetic3A_361 = arith.constant 15 : i32
        %shift_right_arithmetic3A_362 = vector.broadcast %shift_right_arithmetic3A_361 : i32 to vector<16xi32>
        %shift_right_arithmetic3A_363 = arith.shrsi %get3A_213, %shift_right_arithmetic3A_362 : vector<16xi32>
        %shift_left3A = arith.constant 11 : i32
        %shift_left3A_364 = vector.broadcast %shift_left3A : i32 to vector<16xi32>
        %shift_left3A_365 = arith.shli %shift_right_arithmetic3A_363, %shift_left3A_364 : vector<16xi32>
        %or3A = arith.ori %shift_left3A_365, %and3A_266 : vector<16xi32>
        tpu.vector_store_idx %arg8[%sub3A_360], %or3A masked %and3A_286 : memref<16384xi32, #tpu.memory_space<vmem>>[vector<16xi32>], vector<16xi32>, vector<16xi1>
        %add3A_366 = arith.addi %while3A_207, %all_reduce_population_count3A : vector<16xi32>
        %add3A_367 = arith.addi %add3A_366, %masked_cumsum3A_337 : vector<16xi32>
        %sub3A_368 = arith.constant 1 : i32
        %sub3A_369 = vector.broadcast %sub3A_368 : i32 to vector<16xi32>
        %sub3A_370 = arith.subi %add3A_367, %sub3A_369 : vector<16xi32>
        %shift_right_arithmetic3A_371 = arith.constant 15 : i32
        %shift_right_arithmetic3A_372 = vector.broadcast %shift_right_arithmetic3A_371 : i32 to vector<16xi32>
        %shift_right_arithmetic3A_373 = arith.shrsi %get3A_219, %shift_right_arithmetic3A_372 : vector<16xi32>
        %shift_left3A_374 = arith.constant 11 : i32
        %shift_left3A_375 = vector.broadcast %shift_left3A_374 : i32 to vector<16xi32>
        %shift_left3A_376 = arith.shli %shift_right_arithmetic3A_373, %shift_left3A_375 : vector<16xi32>
        %or3A_377 = arith.ori %shift_left3A_376, %and3A_269 : vector<16xi32>
        tpu.vector_store_idx %arg8[%sub3A_370], %or3A_377 masked %and3A_298 : memref<16384xi32, #tpu.memory_space<vmem>>[vector<16xi32>], vector<16xi32>, vector<16xi1>
        %add3A_378 = arith.addi %add3A_366, %all_reduce_population_count3A_354 : vector<16xi32>
        %add3A_379 = arith.addi %add3A_378, %masked_cumsum3A_345 : vector<16xi32>
        %sub3A_380 = arith.constant 1 : i32
        %sub3A_381 = vector.broadcast %sub3A_380 : i32 to vector<16xi32>
        %sub3A_382 = arith.subi %add3A_379, %sub3A_381 : vector<16xi32>
        %shift_right_arithmetic3A_383 = arith.constant 15 : i32
        %shift_right_arithmetic3A_384 = vector.broadcast %shift_right_arithmetic3A_383 : i32 to vector<16xi32>
        %shift_right_arithmetic3A_385 = arith.shrsi %get3A_225, %shift_right_arithmetic3A_384 : vector<16xi32>
        %shift_left3A_386 = arith.constant 11 : i32
        %shift_left3A_387 = vector.broadcast %shift_left3A_386 : i32 to vector<16xi32>
        %shift_left3A_388 = arith.shli %shift_right_arithmetic3A_385, %shift_left3A_387 : vector<16xi32>
        %or3A_389 = arith.ori %shift_left3A_388, %and3A_272 : vector<16xi32>
        tpu.vector_store_idx %arg8[%sub3A_382], %or3A_389 masked %and3A_310 : memref<16384xi32, #tpu.memory_space<vmem>>[vector<16xi32>], vector<16xi32>, vector<16xi1>
        %add3A_390 = arith.addi %add3A_378, %all_reduce_population_count3A_355 : vector<16xi32>
        %add3A_391 = arith.addi %add3A_390, %masked_cumsum3A_353 : vector<16xi32>
        %sub3A_392 = arith.constant 1 : i32
        %sub3A_393 = vector.broadcast %sub3A_392 : i32 to vector<16xi32>
        %sub3A_394 = arith.subi %add3A_391, %sub3A_393 : vector<16xi32>
        %shift_right_arithmetic3A_395 = arith.constant 15 : i32
        %shift_right_arithmetic3A_396 = vector.broadcast %shift_right_arithmetic3A_395 : i32 to vector<16xi32>
        %shift_right_arithmetic3A_397 = arith.shrsi %get3A_231, %shift_right_arithmetic3A_396 : vector<16xi32>
        %shift_left3A_398 = arith.constant 11 : i32
        %shift_left3A_399 = vector.broadcast %shift_left3A_398 : i32 to vector<16xi32>
        %shift_left3A_400 = arith.shli %shift_right_arithmetic3A_397, %shift_left3A_399 : vector<16xi32>
        %or3A_401 = arith.ori %shift_left3A_400, %and3A_275 : vector<16xi32>
        tpu.vector_store_idx %arg8[%sub3A_394], %or3A_401 masked %and3A_322 : memref<16384xi32, #tpu.memory_space<vmem>>[vector<16xi32>], vector<16xi32>, vector<16xi1>
        %add3A_402 = arith.addi %add3A_390, %all_reduce_population_count3A_356 : vector<16xi32>
        scf.yield %add3A_402 : vector<16xi32>
      }
      %while3A_147 = arith.constant 1 : i32
      %while3A_148 = scf.for %while3A_206 = %while3A_144 to %while3A_140 step %while3A_147 iter_args(%while3A_207 = %while3A_146) -> (vector<16xi32>)  : i32 {
        %mul3A_208 = arith.constant 64 : i32
        %mul3A_209 = arith.muli %while3A_206, %mul3A_208 : i32
        %add3A_210 = arith.constant 0 : i32
        %add3A_211 = arith.addi %mul3A_209, %add3A_210 : i32
        %get3A_212 = arith.index_cast %add3A_211 : i32 to index
        %get3A_213 = tpu.vector_load %arg7[%get3A_212] {strides = array<i32>} : memref<16384xi32, #tpu.memory_space<vmem>>, vector<16xi32>,
        %mul3A_214 = arith.constant 64 : i32
        %mul3A_215 = arith.muli %while3A_206, %mul3A_214 : i32
        %add3A_216 = arith.constant 16 : i32
        %add3A_217 = arith.addi %mul3A_215, %add3A_216 : i32
        %get3A_218 = arith.index_cast %add3A_217 : i32 to index
        %get3A_219 = tpu.vector_load %arg7[%get3A_218] {strides = array<i32>} : memref<16384xi32, #tpu.memory_space<vmem>>, vector<16xi32>,
        %mul3A_220 = arith.constant 64 : i32
        %mul3A_221 = arith.muli %while3A_206, %mul3A_220 : i32
        %add3A_222 = arith.constant 32 : i32
        %add3A_223 = arith.addi %mul3A_221, %add3A_222 : i32
        %get3A_224 = arith.index_cast %add3A_223 : i32 to index
        %get3A_225 = tpu.vector_load %arg7[%get3A_224] {strides = array<i32>} : memref<16384xi32, #tpu.memory_space<vmem>>, vector<16xi32>,
        %mul3A_226 = arith.constant 64 : i32
        %mul3A_227 = arith.muli %while3A_206, %mul3A_226 : i32
        %add3A_228 = arith.constant 48 : i32
        %add3A_229 = arith.addi %mul3A_227, %add3A_228 : i32
        %get3A_230 = arith.index_cast %add3A_229 : i32 to index
        %get3A_231 = tpu.vector_load %arg7[%get3A_230] {strides = array<i32>} : memref<16384xi32, #tpu.memory_space<vmem>>, vector<16xi32>,
        %mul3A_232 = arith.constant 64 : i32
        %mul3A_233 = arith.muli %while3A_206, %mul3A_232 : i32
        %add3A_234 = arith.constant 0 : i32
        %add3A_235 = arith.addi %mul3A_233, %add3A_234 : i32
        %add3A_236 = vector.broadcast %add3A_235 : i32 to vector<16xi32>
        %add3A_237 = arith.addi %add3A_236, %iota3A : vector<16xi32>
        %lt3A_238 = vector.broadcast %reduce_max3A_38 : i32 to vector<16xi32>
        %lt3A_239 = arith.cmpi slt, %add3A_237, %lt3A_238 : vector<16xi32>
        %mul3A_240 = arith.constant 64 : i32
        %mul3A_241 = arith.muli %while3A_206, %mul3A_240 : i32
        %add3A_242 = arith.constant 16 : i32
        %add3A_243 = arith.addi %mul3A_241, %add3A_242 : i32
        %add3A_244 = vector.broadcast %add3A_243 : i32 to vector<16xi32>
        %add3A_245 = arith.addi %add3A_244, %iota3A : vector<16xi32>
        %lt3A_246 = vector.broadcast %reduce_max3A_38 : i32 to vector<16xi32>
        %lt3A_247 = arith.cmpi slt, %add3A_245, %lt3A_246 : vector<16xi32>
        %mul3A_248 = arith.constant 64 : i32
        %mul3A_249 = arith.muli %while3A_206, %mul3A_248 : i32
        %add3A_250 = arith.constant 32 : i32
        %add3A_251 = arith.addi %mul3A_249, %add3A_250 : i32
        %add3A_252 = vector.broadcast %add3A_251 : i32 to vector<16xi32>
        %add3A_253 = arith.addi %add3A_252, %iota3A : vector<16xi32>
        %lt3A_254 = vector.broadcast %reduce_max3A_38 : i32 to vector<16xi32>
        %lt3A_255 = arith.cmpi slt, %add3A_253, %lt3A_254 : vector<16xi32>
        %mul3A_256 = arith.constant 64 : i32
        %mul3A_257 = arith.muli %while3A_206, %mul3A_256 : i32
        %add3A_258 = arith.constant 48 : i32
        %add3A_259 = arith.addi %mul3A_257, %add3A_258 : i32
        %add3A_260 = vector.broadcast %add3A_259 : i32 to vector<16xi32>
        %add3A_261 = arith.addi %add3A_260, %iota3A : vector<16xi32>
        %lt3A_262 = vector.broadcast %reduce_max3A_38 : i32 to vector<16xi32>
        %lt3A_263 = arith.cmpi slt, %add3A_261, %lt3A_262 : vector<16xi32>
        %and3A_264 = arith.constant 2047 : i32
        %and3A_265 = vector.broadcast %and3A_264 : i32 to vector<16xi32>
        %and3A_266 = arith.andi %get3A_213, %and3A_265 : vector<16xi32>
        %and3A_267 = arith.constant 2047 : i32
        %and3A_268 = vector.broadcast %and3A_267 : i32 to vector<16xi32>
        %and3A_269 = arith.andi %get3A_219, %and3A_268 : vector<16xi32>
        %and3A_270 = arith.constant 2047 : i32
        %and3A_271 = vector.broadcast %and3A_270 : i32 to vector<16xi32>
        %and3A_272 = arith.andi %get3A_225, %and3A_271 : vector<16xi32>
        %and3A_273 = arith.constant 2047 : i32
        %and3A_274 = vector.broadcast %and3A_273 : i32 to vector<16xi32>
        %and3A_275 = arith.andi %get3A_231, %and3A_274 : vector<16xi32>
        %shift_right_arithmetic3A = arith.constant 11 : i32
        %shift_right_arithmetic3A_276 = vector.broadcast %shift_right_arithmetic3A : i32 to vector<16xi32>
        %shift_right_arithmetic3A_277 = arith.shrsi %get3A_213, %shift_right_arithmetic3A_276 : vector<16xi32>
        %and3A_278 = arith.constant 15 : i32
        %and3A_279 = vector.broadcast %and3A_278 : i32 to vector<16xi32>
        %and3A_280 = arith.andi %shift_right_arithmetic3A_277, %and3A_279 : vector<16xi32>
        %eq3A_281 = vector.broadcast %while3A_89 : i32 to vector<16xi32>
        %eq3A_282 = arith.cmpi eq, %and3A_280, %eq3A_281 : vector<16xi32>
        %lt3A_283 = vector.broadcast %select_n3A_97 : i32 to vector<16xi32>
        %lt3A_284 = arith.cmpi slt, %and3A_266, %lt3A_283 : vector<16xi32>
        %and3A_285 = arith.andi %eq3A_282, %lt3A_284 : vector<16xi1>
        %and3A_286 = arith.andi %lt3A_239, %and3A_285 : vector<16xi1>
        %shift_right_arithmetic3A_287 = arith.constant 11 : i32
        %shift_right_arithmetic3A_288 = vector.broadcast %shift_right_arithmetic3A_287 : i32 to vector<16xi32>
        %shift_right_arithmetic3A_289 = arith.shrsi %get3A_219, %shift_right_arithmetic3A_288 : vector<16xi32>
        %and3A_290 = arith.constant 15 : i32
        %and3A_291 = vector.broadcast %and3A_290 : i32 to vector<16xi32>
        %and3A_292 = arith.andi %shift_right_arithmetic3A_289, %and3A_291 : vector<16xi32>
        %eq3A_293 = vector.broadcast %while3A_89 : i32 to vector<16xi32>
        %eq3A_294 = arith.cmpi eq, %and3A_292, %eq3A_293 : vector<16xi32>
        %lt3A_295 = vector.broadcast %select_n3A_97 : i32 to vector<16xi32>
        %lt3A_296 = arith.cmpi slt, %and3A_269, %lt3A_295 : vector<16xi32>
        %and3A_297 = arith.andi %eq3A_294, %lt3A_296 : vector<16xi1>
        %and3A_298 = arith.andi %lt3A_247, %and3A_297 : vector<16xi1>
        %shift_right_arithmetic3A_299 = arith.constant 11 : i32
        %shift_right_arithmetic3A_300 = vector.broadcast %shift_right_arithmetic3A_299 : i32 to vector<16xi32>
        %shift_right_arithmetic3A_301 = arith.shrsi %get3A_225, %shift_right_arithmetic3A_300 : vector<16xi32>
        %and3A_302 = arith.constant 15 : i32
        %and3A_303 = vector.broadcast %and3A_302 : i32 to vector<16xi32>
        %and3A_304 = arith.andi %shift_right_arithmetic3A_301, %and3A_303 : vector<16xi32>
        %eq3A_305 = vector.broadcast %while3A_89 : i32 to vector<16xi32>
        %eq3A_306 = arith.cmpi eq, %and3A_304, %eq3A_305 : vector<16xi32>
        %lt3A_307 = vector.broadcast %select_n3A_97 : i32 to vector<16xi32>
        %lt3A_308 = arith.cmpi slt, %and3A_272, %lt3A_307 : vector<16xi32>
        %and3A_309 = arith.andi %eq3A_306, %lt3A_308 : vector<16xi1>
        %and3A_310 = arith.andi %lt3A_255, %and3A_309 : vector<16xi1>
        %shift_right_arithmetic3A_311 = arith.constant 11 : i32
        %shift_right_arithmetic3A_312 = vector.broadcast %shift_right_arithmetic3A_311 : i32 to vector<16xi32>
        %shift_right_arithmetic3A_313 = arith.shrsi %get3A_231, %shift_right_arithmetic3A_312 : vector<16xi32>
        %and3A_314 = arith.constant 15 : i32
        %and3A_315 = vector.broadcast %and3A_314 : i32 to vector<16xi32>
        %and3A_316 = arith.andi %shift_right_arithmetic3A_313, %and3A_315 : vector<16xi32>
        %eq3A_317 = vector.broadcast %while3A_89 : i32 to vector<16xi32>
        %eq3A_318 = arith.cmpi eq, %and3A_316, %eq3A_317 : vector<16xi32>
        %lt3A_319 = vector.broadcast %select_n3A_97 : i32 to vector<16xi32>
        %lt3A_320 = arith.cmpi slt, %and3A_275, %lt3A_319 : vector<16xi32>
        %and3A_321 = arith.andi %eq3A_318, %lt3A_320 : vector<16xi1>
        %and3A_322 = arith.andi %lt3A_263, %and3A_321 : vector<16xi1>
        %jit3A_323 = arith.constant 1 : i32
        %jit3A_324 = arith.constant 0 : i32
        %broadcast_in_dim3A_325 = vector.broadcast %jit3A_323 : i32 to vector<16xi32>
        %broadcast_in_dim3A_326 = vector.broadcast %jit3A_324 : i32 to vector<16xi32>
        %select_n3A_327 = arith.select %and3A_286, %broadcast_in_dim3A_325, %broadcast_in_dim3A_326 : vector<16xi1>, vector<16xi32>
        %broadcast_in_dim3A_328 = arith.constant true
        %broadcast_in_dim3A_329 = vector.broadcast %broadcast_in_dim3A_328 : i1 to vector<16xi1>
        %masked_cumsum3A = tpu.scan <sum>, %select_n3A_327 masked %broadcast_in_dim3A_329 : vector<16xi32>, vector<16xi1> -> vector<16xi32>
        %jit3A_330 = arith.constant 1 : i32
        %jit3A_331 = arith.constant 0 : i32
        %broadcast_in_dim3A_332 = vector.broadcast %jit3A_330 : i32 to vector<16xi32>
        %broadcast_in_dim3A_333 = vector.broadcast %jit3A_331 : i32 to vector<16xi32>
        %select_n3A_334 = arith.select %and3A_298, %broadcast_in_dim3A_332, %broadcast_in_dim3A_333 : vector<16xi1>, vector<16xi32>
        %broadcast_in_dim3A_335 = arith.constant true
        %broadcast_in_dim3A_336 = vector.broadcast %broadcast_in_dim3A_335 : i1 to vector<16xi1>
        %masked_cumsum3A_337 = tpu.scan <sum>, %select_n3A_334 masked %broadcast_in_dim3A_336 : vector<16xi32>, vector<16xi1> -> vector<16xi32>
        %jit3A_338 = arith.constant 1 : i32
        %jit3A_339 = arith.constant 0 : i32
        %broadcast_in_dim3A_340 = vector.broadcast %jit3A_338 : i32 to vector<16xi32>
        %broadcast_in_dim3A_341 = vector.broadcast %jit3A_339 : i32 to vector<16xi32>
        %select_n3A_342 = arith.select %and3A_310, %broadcast_in_dim3A_340, %broadcast_in_dim3A_341 : vector<16xi1>, vector<16xi32>
        %broadcast_in_dim3A_343 = arith.constant true
        %broadcast_in_dim3A_344 = vector.broadcast %broadcast_in_dim3A_343 : i1 to vector<16xi1>
        %masked_cumsum3A_345 = tpu.scan <sum>, %select_n3A_342 masked %broadcast_in_dim3A_344 : vector<16xi32>, vector<16xi1> -> vector<16xi32>
        %jit3A_346 = arith.constant 1 : i32
        %jit3A_347 = arith.constant 0 : i32
        %broadcast_in_dim3A_348 = vector.broadcast %jit3A_346 : i32 to vector<16xi32>
        %broadcast_in_dim3A_349 = vector.broadcast %jit3A_347 : i32 to vector<16xi32>
        %select_n3A_350 = arith.select %and3A_322, %broadcast_in_dim3A_348, %broadcast_in_dim3A_349 : vector<16xi1>, vector<16xi32>
        %broadcast_in_dim3A_351 = arith.constant true
        %broadcast_in_dim3A_352 = vector.broadcast %broadcast_in_dim3A_351 : i1 to vector<16xi1>
        %masked_cumsum3A_353 = tpu.scan <sum>, %select_n3A_350 masked %broadcast_in_dim3A_352 : vector<16xi32>, vector<16xi1> -> vector<16xi32>
        %all_reduce_population_count3A = tpu.all_reduce %and3A_286 {dim = 0 : i64, kind = #tpu.reduction_kind<sum>} : vector<16xi1> -> vector<16xi32>
        %all_reduce_population_count3A_354 = tpu.all_reduce %and3A_298 {dim = 0 : i64, kind = #tpu.reduction_kind<sum>} : vector<16xi1> -> vector<16xi32>
        %all_reduce_population_count3A_355 = tpu.all_reduce %and3A_310 {dim = 0 : i64, kind = #tpu.reduction_kind<sum>} : vector<16xi1> -> vector<16xi32>
        %all_reduce_population_count3A_356 = tpu.all_reduce %and3A_322 {dim = 0 : i64, kind = #tpu.reduction_kind<sum>} : vector<16xi1> -> vector<16xi32>
        %add3A_357 = arith.addi %while3A_207, %masked_cumsum3A : vector<16xi32>
        %sub3A_358 = arith.constant 1 : i32
        %sub3A_359 = vector.broadcast %sub3A_358 : i32 to vector<16xi32>
        %sub3A_360 = arith.subi %add3A_357, %sub3A_359 : vector<16xi32>
        %shift_right_arithmetic3A_361 = arith.constant 15 : i32
        %shift_right_arithmetic3A_362 = vector.broadcast %shift_right_arithmetic3A_361 : i32 to vector<16xi32>
        %shift_right_arithmetic3A_363 = arith.shrsi %get3A_213, %shift_right_arithmetic3A_362 : vector<16xi32>
        %shift_left3A = arith.constant 11 : i32
        %shift_left3A_364 = vector.broadcast %shift_left3A : i32 to vector<16xi32>
        %shift_left3A_365 = arith.shli %shift_right_arithmetic3A_363, %shift_left3A_364 : vector<16xi32>
        %or3A = arith.ori %shift_left3A_365, %and3A_266 : vector<16xi32>
        tpu.vector_store_idx %arg8[%sub3A_360], %or3A masked %and3A_286 : memref<16384xi32, #tpu.memory_space<vmem>>[vector<16xi32>], vector<16xi32>, vector<16xi1>
        %add3A_366 = arith.addi %while3A_207, %all_reduce_population_count3A : vector<16xi32>
        %add3A_367 = arith.addi %add3A_366, %masked_cumsum3A_337 : vector<16xi32>
        %sub3A_368 = arith.constant 1 : i32
        %sub3A_369 = vector.broadcast %sub3A_368 : i32 to vector<16xi32>
        %sub3A_370 = arith.subi %add3A_367, %sub3A_369 : vector<16xi32>
        %shift_right_arithmetic3A_371 = arith.constant 15 : i32
        %shift_right_arithmetic3A_372 = vector.broadcast %shift_right_arithmetic3A_371 : i32 to vector<16xi32>
        %shift_right_arithmetic3A_373 = arith.shrsi %get3A_219, %shift_right_arithmetic3A_372 : vector<16xi32>
        %shift_left3A_374 = arith.constant 11 : i32
        %shift_left3A_375 = vector.broadcast %shift_left3A_374 : i32 to vector<16xi32>
        %shift_left3A_376 = arith.shli %shift_right_arithmetic3A_373, %shift_left3A_375 : vector<16xi32>
        %or3A_377 = arith.ori %shift_left3A_376, %and3A_269 : vector<16xi32>
        tpu.vector_store_idx %arg8[%sub3A_370], %or3A_377 masked %and3A_298 : memref<16384xi32, #tpu.memory_space<vmem>>[vector<16xi32>], vector<16xi32>, vector<16xi1>
        %add3A_378 = arith.addi %add3A_366, %all_reduce_population_count3A_354 : vector<16xi32>
        %add3A_379 = arith.addi %add3A_378, %masked_cumsum3A_345 : vector<16xi32>
        %sub3A_380 = arith.constant 1 : i32
        %sub3A_381 = vector.broadcast %sub3A_380 : i32 to vector<16xi32>
        %sub3A_382 = arith.subi %add3A_379, %sub3A_381 : vector<16xi32>
        %shift_right_arithmetic3A_383 = arith.constant 15 : i32
        %shift_right_arithmetic3A_384 = vector.broadcast %shift_right_arithmetic3A_383 : i32 to vector<16xi32>
        %shift_right_arithmetic3A_385 = arith.shrsi %get3A_225, %shift_right_arithmetic3A_384 : vector<16xi32>
        %shift_left3A_386 = arith.constant 11 : i32
        %shift_left3A_387 = vector.broadcast %shift_left3A_386 : i32 to vector<16xi32>
        %shift_left3A_388 = arith.shli %shift_right_arithmetic3A_385, %shift_left3A_387 : vector<16xi32>
        %or3A_389 = arith.ori %shift_left3A_388, %and3A_272 : vector<16xi32>
        tpu.vector_store_idx %arg8[%sub3A_382], %or3A_389 masked %and3A_310 : memref<16384xi32, #tpu.memory_space<vmem>>[vector<16xi32>], vector<16xi32>, vector<16xi1>
        %add3A_390 = arith.addi %add3A_378, %all_reduce_population_count3A_355 : vector<16xi32>
        %add3A_391 = arith.addi %add3A_390, %masked_cumsum3A_353 : vector<16xi32>
        %sub3A_392 = arith.constant 1 : i32
        %sub3A_393 = vector.broadcast %sub3A_392 : i32 to vector<16xi32>
        %sub3A_394 = arith.subi %add3A_391, %sub3A_393 : vector<16xi32>
        %shift_right_arithmetic3A_395 = arith.constant 15 : i32
        %shift_right_arithmetic3A_396 = vector.broadcast %shift_right_arithmetic3A_395 : i32 to vector<16xi32>
        %shift_right_arithmetic3A_397 = arith.shrsi %get3A_231, %shift_right_arithmetic3A_396 : vector<16xi32>
        %shift_left3A_398 = arith.constant 11 : i32
        %shift_left3A_399 = vector.broadcast %shift_left3A_398 : i32 to vector<16xi32>
        %shift_left3A_400 = arith.shli %shift_right_arithmetic3A_397, %shift_left3A_399 : vector<16xi32>
        %or3A_401 = arith.ori %shift_left3A_400, %and3A_275 : vector<16xi32>
        tpu.vector_store_idx %arg8[%sub3A_394], %or3A_401 masked %and3A_322 : memref<16384xi32, #tpu.memory_space<vmem>>[vector<16xi32>], vector<16xi32>, vector<16xi1>
        %add3A_402 = arith.addi %add3A_390, %all_reduce_population_count3A_356 : vector<16xi32>
        scf.yield %add3A_402 : vector<16xi32>
      }
      %reduce_max3A_149 = arith.constant true
      %reduce_max3A_150 = vector.broadcast %reduce_max3A_149 : i1 to vector<16xi1>
      %reduce_max3A_151 = arith.constant -2147483648 : i32
      %reduce_max3A_152 = vector.broadcast %reduce_max3A_151 : i32 to vector<16xi32>
      %reduce_max3A_153 = arith.xori %while3A_148, %reduce_max3A_152 : vector<16xi32>
      %reduce_max3A_154 = tpu.scan <max>, %reduce_max3A_153 masked %reduce_max3A_150 : vector<16xi32>, vector<16xi1> -> vector<16xi32>
      %reduce_max3A_155 = arith.xori %reduce_max3A_154, %reduce_max3A_152 : vector<16xi32>
      %reduce_max3A_156 = vector.extract %reduce_max3A_155[15] : i32 from vector<16xi32>
      %mul3A_157 = arith.constant 32 : i32
      %mul3A_158 = arith.muli %while3A_89, %mul3A_157 : i32
      %add3A_159 = arith.addi %add3A, %mul3A_158 : i32
      %lt3A_160 = arith.constant 488 : i32
      %lt3A_161 = arith.cmpi slt, %add3A_159, %lt3A_160 : i32
      %convert_element_type3A_162 = arith.extui %lt3A_161 : i1 to i32
      %cond3A_163 = arith.constant 0 : i32
      %cond3A_164 = arith.cmpi ne, %convert_element_type3A_162, %cond3A_163 : i32
      scf.if %cond3A_164 {
        %dma_wait3A = arith.constant 0 : i32
        %dma_wait3A_206 = arith.constant 0 : i32
        %dma_wait3A_207 = tpu.memref_slice %arg3[%dma_wait3A, %dma_wait3A_206] : memref<32x1000000xf32, #tpu.memory_space<hbm>> -> memref<32x2048xf32, #tpu.memory_space<hbm>>
        %dma_wait3A_208 = arith.constant 0 : i32
        %dma_wait3A_209 = arith.constant 0 : i32
        %dma_wait3A_210 = tpu.memref_slice %arg3[%dma_wait3A_208, %dma_wait3A_209] : memref<32x1000000xf32, #tpu.memory_space<hbm>> -> memref<32x2048xf32, #tpu.memory_space<hbm>>
        tpu.wait_dma2 semaphore(%arg13 : memref<!tpu.dma_semaphore, #tpu.memory_space<semaphore_mem>>) src(%dma_wait3A_210 : memref<32x2048xf32, #tpu.memory_space<hbm>>) dst(%arg9 : memref<32x2048xf32, #tpu.memory_space<vmem>>)
      } else {
      }
      %eq3A_165 = arith.constant 488 : i32
      %eq3A_166 = arith.cmpi eq, %add3A_159, %eq3A_165 : i32
      %convert_element_type3A_167 = arith.extui %eq3A_166 : i1 to i32
      %cond3A_168 = arith.constant 0 : i32
      %cond3A_169 = arith.cmpi ne, %convert_element_type3A_167, %cond3A_168 : i32
      scf.if %cond3A_169 {
        %dma_wait3A = arith.constant 0 : i32
        %dma_wait3A_206 = arith.constant 0 : i32
        %dma_wait3A_207 = tpu.memref_slice %arg9[%dma_wait3A, %dma_wait3A_206] : memref<32x2048xf32, #tpu.memory_space<vmem>> -> memref<32x512xf32, #tpu.memory_space<vmem>>
        %dma_wait3A_208 = arith.constant 0 : i32
        %dma_wait3A_209 = arith.constant 0 : i32
        %dma_wait3A_210 = tpu.memref_slice %arg3[%dma_wait3A_208, %dma_wait3A_209] : memref<32x1000000xf32, #tpu.memory_space<hbm>> -> memref<32x512xf32, #tpu.memory_space<hbm>>
        %dma_wait3A_211 = arith.constant 0 : i32
        %dma_wait3A_212 = arith.constant 0 : i32
        %dma_wait3A_213 = tpu.memref_slice %arg9[%dma_wait3A_211, %dma_wait3A_212] : memref<32x2048xf32, #tpu.memory_space<vmem>> -> memref<32x512xf32, #tpu.memory_space<vmem>>
        %dma_wait3A_214 = arith.constant 0 : i32
        %dma_wait3A_215 = arith.constant 0 : i32
        %dma_wait3A_216 = tpu.memref_slice %arg3[%dma_wait3A_214, %dma_wait3A_215] : memref<32x1000000xf32, #tpu.memory_space<hbm>> -> memref<32x512xf32, #tpu.memory_space<hbm>>
        tpu.wait_dma2 semaphore(%arg13 : memref<!tpu.dma_semaphore, #tpu.memory_space<semaphore_mem>>) src(%dma_wait3A_216 : memref<32x512xf32, #tpu.memory_space<hbm>>) dst(%dma_wait3A_213 : memref<32x512xf32, #tpu.memory_space<vmem>>)
      } else {
      }
      %add3A_170 = arith.constant 15 : i32
      %add3A_171 = arith.addi %reduce_max3A_156, %add3A_170 : i32
      %jit3A_172 = arith.constant 16 : i32
      %div3A_173 = arith.divsi %add3A_171, %jit3A_172 : i32
      %sign3A_174 = arith.constant 0 : i32
      %sign3A_175 = arith.cmpi sgt, %add3A_171, %sign3A_174 : i32
      %sign3A_176 = arith.extui %sign3A_175 : i1 to i32
      %sign3A_177 = arith.constant 0 : i32
      %sign3A_178 = arith.cmpi slt, %add3A_171, %sign3A_177 : i32
      %sign3A_179 = arith.extui %sign3A_178 : i1 to i32
      %sign3A_180 = arith.subi %sign3A_176, %sign3A_179 : i32
      %sign3A_181 = arith.constant 0 : i32
      %sign3A_182 = arith.cmpi sgt, %jit3A_172, %sign3A_181 : i32
      %sign3A_183 = arith.extui %sign3A_182 : i1 to i32
      %sign3A_184 = arith.constant 0 : i32
      %sign3A_185 = arith.cmpi slt, %jit3A_172, %sign3A_184 : i32
      %sign3A_186 = arith.extui %sign3A_185 : i1 to i32
      %sign3A_187 = arith.subi %sign3A_183, %sign3A_186 : i32
      %ne3A_188 = arith.cmpi ne, %sign3A_180, %sign3A_187 : i32
      %rem3A_189 = arith.remsi %add3A_171, %jit3A_172 : i32
      %ne3A_190 = arith.constant 0 : i32
      %ne3A_191 = arith.cmpi ne, %rem3A_189, %ne3A_190 : i32
      %and3A_192 = arith.andi %ne3A_188, %ne3A_191 : i1
      %sub3A_193 = arith.constant 1 : i32
      %sub3A_194 = arith.subi %div3A_173, %sub3A_193 : i32
      %select_n3A_195 = arith.select %and3A_192, %sub3A_194, %div3A_173 : i32
      %while3A_196 = arith.constant 0 : i32
      %while3A_197 = arith.constant 0 : i32
      %while3A_198 = arith.subi %select_n3A_195, %while3A_197 : i32
      %while3A_199 = arith.addi %while3A_197, %while3A_198 : i32
      %while3A_200 = arith.constant 1 : i32
      %while3A_201 = arith.divsi %while3A_198, %while3A_200 : i32
      %while3A_202 = arith.muli %while3A_201, %while3A_200 : i32
      %while3A_203 = arith.addi %while3A_197, %while3A_202 : i32
      %while3A_204 = arith.constant 1 : i32
      scf.for %while3A_206 = %while3A_197 to %while3A_203 step %while3A_204  : i32 {
        %mul3A_207 = arith.constant 16 : i32
        %mul3A_208 = arith.muli %while3A_206, %mul3A_207 : i32
        %get3A_209 = arith.index_cast %mul3A_208 : i32 to index
        %get3A_210 = tpu.vector_load %arg8[%get3A_209] {strides = array<i32>} : memref<16384xi32, #tpu.memory_space<vmem>>, vector<16xi32>,
        %mul3A_211 = arith.constant 16 : i32
        %mul3A_212 = arith.muli %while3A_206, %mul3A_211 : i32
        %add3A_213 = vector.broadcast %mul3A_212 : i32 to vector<16xi32>
        %add3A_214 = arith.addi %add3A_213, %iota3A : vector<16xi32>
        %lt3A_215 = vector.broadcast %reduce_max3A_156 : i32 to vector<16xi32>
        %lt3A_216 = arith.cmpi slt, %add3A_214, %lt3A_215 : vector<16xi32>
        %shift_right_arithmetic3A = arith.constant 11 : i32
        %shift_right_arithmetic3A_217 = vector.broadcast %shift_right_arithmetic3A : i32 to vector<16xi32>
        %shift_right_arithmetic3A_218 = arith.shrsi %get3A_210, %shift_right_arithmetic3A_217 : vector<16xi32>
        %add3A_219 = arith.constant 16384 : i32
        %add3A_220 = vector.broadcast %add3A_219 : i32 to vector<16xi32>
        %add3A_221 = arith.addi %add3A_220, %iota3A : vector<16xi32>
        %select_n3A_222 = arith.select %lt3A_216, %shift_right_arithmetic3A_218, %add3A_221 : vector<16xi1>, vector<16xi32>
        %and3A_223 = arith.constant 2047 : i32
        %and3A_224 = vector.broadcast %and3A_223 : i32 to vector<16xi32>
        %and3A_225 = arith.andi %get3A_210, %and3A_224 : vector<16xi32>
        %jit3A_226 = arith.constant 0 : i32
        %broadcast_in_dim3A_227 = vector.broadcast %jit3A_226 : i32 to vector<16xi32>
        %select_n3A_228 = arith.select %lt3A_216, %and3A_225, %broadcast_in_dim3A_227 : vector<16xi1>, vector<16xi32>
        %get3A_229 = arith.constant 0 : i32
        %get3A_230 = arith.index_cast %get3A_229 : i32 to index
        %get3A_231 = memref.load %arg12[%get3A_230] : memref<8xi32, #tpu.memory_space<smem>>
        %jit3A_232 = arith.constant 3 : i32
        %eq3A_233 = arith.constant 0 : i32
        %eq3A_234 = arith.cmpi eq, %jit3A_232, %eq3A_233 : i32
        %jit3A_235 = arith.constant 1 : i32
        %select_n3A_236 = arith.select %eq3A_234, %jit3A_235, %jit3A_232 : i32
        %rem3A_237 = arith.remsi %get3A_231, %select_n3A_236 : i32
        %ne3A_238 = arith.constant 0 : i32
        %ne3A_239 = arith.cmpi ne, %rem3A_237, %ne3A_238 : i32
        %lt3A_240 = arith.constant 0 : i32
        %lt3A_241 = arith.cmpi slt, %rem3A_237, %lt3A_240 : i32
        %lt3A_242 = arith.constant 0 : i32
        %lt3A_243 = arith.cmpi slt, %select_n3A_236, %lt3A_242 : i32
        %ne3A_244 = arith.xori %lt3A_241, %lt3A_243 : i1
        %and3A_245 = arith.andi %ne3A_244, %ne3A_239 : i1
        %add3A_246 = arith.addi %rem3A_237, %select_n3A_236 : i32
        %select_n3A_247 = arith.select %and3A_245, %add3A_246, %rem3A_237 : i32
        %mul3A_248 = arith.constant 16 : i32
        %mul3A_249 = arith.muli %select_n3A_247, %mul3A_248 : i32
        %multiple_of3A = tpu.assume_multiple %mul3A_249, 16 : i32
        %ge3A = arith.constant 3 : i32
        %ge3A_250 = arith.cmpi sge, %get3A_231, %ge3A : i32
        %convert_element_type3A_251 = arith.extui %ge3A_250 : i1 to i32
        %cond3A_252 = arith.constant 0 : i32
        %cond3A_253 = arith.cmpi ne, %convert_element_type3A_251, %cond3A_252 : i32
        scf.if %cond3A_253 {
          %dma_wait3A = arith.constant 0 : i32
          %dma_wait3A_422 = arith.constant 0 : i32
          %dma_wait3A_423 = tpu.memref_slice %arg11[%dma_wait3A, %dma_wait3A_422] : memref<48x128xf32, #tpu.memory_space<vmem>> -> memref<16x128xf32, #tpu.memory_space<vmem>>
          %dma_wait3A_424 = arith.constant 0 : i32
          %dma_wait3A_425 = arith.constant 0 : i32
          %dma_wait3A_426 = tpu.memref_slice %arg3[%dma_wait3A_424, %dma_wait3A_425] : memref<32x1000000xf32, #tpu.memory_space<hbm>> -> memref<16x128xf32, #tpu.memory_space<hbm>>
          %dma_wait3A_427 = arith.constant 0 : i32
          %dma_wait3A_428 = arith.constant 0 : i32
          %dma_wait3A_429 = tpu.memref_slice %arg11[%dma_wait3A_427, %dma_wait3A_428] : memref<48x128xf32, #tpu.memory_space<vmem>> -> memref<16x128xf32, #tpu.memory_space<vmem>>
          %dma_wait3A_430 = arith.constant 0 : i32
          %dma_wait3A_431 = arith.constant 0 : i32
          %dma_wait3A_432 = tpu.memref_slice %arg3[%dma_wait3A_430, %dma_wait3A_431] : memref<32x1000000xf32, #tpu.memory_space<hbm>> -> memref<16x128xf32, #tpu.memory_space<hbm>>
          tpu.wait_dma2 semaphore(%arg14 : memref<!tpu.dma_semaphore, #tpu.memory_space<semaphore_mem>>) src(%dma_wait3A_432 : memref<16x128xf32, #tpu.memory_space<hbm>>) dst(%dma_wait3A_429 : memref<16x128xf32, #tpu.memory_space<vmem>>)
        } else {
        }
        %broadcast_in_dim3A_254 = arith.constant 0 : i32
        %broadcast_in_dim3A_255 = vector.broadcast %broadcast_in_dim3A_254 : i32 to vector<16xi32>
        %add3A_256 = vector.broadcast %multiple_of3A : i32 to vector<16xi32>
        %add3A_257 = arith.addi %add3A_256, %iota3A : vector<16xi32>
        %gather3A = tpu.vector_load_idx %arg9[%broadcast_in_dim3A_255, %select_n3A_228] : memref<32x2048xf32, #tpu.memory_space<vmem>>[vector<16xi32>, vector<16xi32>], vector<16xf32>,
        tpu.vector_store_idx %arg11[%add3A_257, %broadcast_in_dim3A_255], %gather3A : memref<48x128xf32, #tpu.memory_space<vmem>>[vector<16xi32>, vector<16xi32>], vector<16xf32>,
        %broadcast_in_dim3A_258 = arith.constant 1 : i32
        %broadcast_in_dim3A_259 = vector.broadcast %broadcast_in_dim3A_258 : i32 to vector<16xi32>
        %add3A_260 = vector.broadcast %multiple_of3A : i32 to vector<16xi32>
        %add3A_261 = arith.addi %add3A_260, %iota3A : vector<16xi32>
        %gather3A_262 = tpu.vector_load_idx %arg9[%broadcast_in_dim3A_259, %select_n3A_228] : memref<32x2048xf32, #tpu.memory_space<vmem>>[vector<16xi32>, vector<16xi32>], vector<16xf32>,
        tpu.vector_store_idx %arg11[%add3A_261, %broadcast_in_dim3A_259], %gather3A_262 : memref<48x128xf32, #tpu.memory_space<vmem>>[vector<16xi32>, vector<16xi32>], vector<16xf32>,
        %broadcast_in_dim3A_263 = arith.constant 2 : i32
        %broadcast_in_dim3A_264 = vector.broadcast %broadcast_in_dim3A_263 : i32 to vector<16xi32>
        %add3A_265 = vector.broadcast %multiple_of3A : i32 to vector<16xi32>
        %add3A_266 = arith.addi %add3A_265, %iota3A : vector<16xi32>
        %gather3A_267 = tpu.vector_load_idx %arg9[%broadcast_in_dim3A_264, %select_n3A_228] : memref<32x2048xf32, #tpu.memory_space<vmem>>[vector<16xi32>, vector<16xi32>], vector<16xf32>,
        tpu.vector_store_idx %arg11[%add3A_266, %broadcast_in_dim3A_264], %gather3A_267 : memref<48x128xf32, #tpu.memory_space<vmem>>[vector<16xi32>, vector<16xi32>], vector<16xf32>,
        %broadcast_in_dim3A_268 = arith.constant 3 : i32
        %broadcast_in_dim3A_269 = vector.broadcast %broadcast_in_dim3A_268 : i32 to vector<16xi32>
        %add3A_270 = vector.broadcast %multiple_of3A : i32 to vector<16xi32>
        %add3A_271 = arith.addi %add3A_270, %iota3A : vector<16xi32>
        %gather3A_272 = tpu.vector_load_idx %arg9[%broadcast_in_dim3A_269, %select_n3A_228] : memref<32x2048xf32, #tpu.memory_space<vmem>>[vector<16xi32>, vector<16xi32>], vector<16xf32>,
        tpu.vector_store_idx %arg11[%add3A_271, %broadcast_in_dim3A_269], %gather3A_272 : memref<48x128xf32, #tpu.memory_space<vmem>>[vector<16xi32>, vector<16xi32>], vector<16xf32>,
        %broadcast_in_dim3A_273 = arith.constant 4 : i32
        %broadcast_in_dim3A_274 = vector.broadcast %broadcast_in_dim3A_273 : i32 to vector<16xi32>
        %add3A_275 = vector.broadcast %multiple_of3A : i32 to vector<16xi32>
        %add3A_276 = arith.addi %add3A_275, %iota3A : vector<16xi32>
        %gather3A_277 = tpu.vector_load_idx %arg9[%broadcast_in_dim3A_274, %select_n3A_228] : memref<32x2048xf32, #tpu.memory_space<vmem>>[vector<16xi32>, vector<16xi32>], vector<16xf32>,
        tpu.vector_store_idx %arg11[%add3A_276, %broadcast_in_dim3A_274], %gather3A_277 : memref<48x128xf32, #tpu.memory_space<vmem>>[vector<16xi32>, vector<16xi32>], vector<16xf32>,
        %broadcast_in_dim3A_278 = arith.constant 5 : i32
        %broadcast_in_dim3A_279 = vector.broadcast %broadcast_in_dim3A_278 : i32 to vector<16xi32>
        %add3A_280 = vector.broadcast %multiple_of3A : i32 to vector<16xi32>
        %add3A_281 = arith.addi %add3A_280, %iota3A : vector<16xi32>
        %gather3A_282 = tpu.vector_load_idx %arg9[%broadcast_in_dim3A_279, %select_n3A_228] : memref<32x2048xf32, #tpu.memory_space<vmem>>[vector<16xi32>, vector<16xi32>], vector<16xf32>,
        tpu.vector_store_idx %arg11[%add3A_281, %broadcast_in_dim3A_279], %gather3A_282 : memref<48x128xf32, #tpu.memory_space<vmem>>[vector<16xi32>, vector<16xi32>], vector<16xf32>,
        %broadcast_in_dim3A_283 = arith.constant 6 : i32
        %broadcast_in_dim3A_284 = vector.broadcast %broadcast_in_dim3A_283 : i32 to vector<16xi32>
        %add3A_285 = vector.broadcast %multiple_of3A : i32 to vector<16xi32>
        %add3A_286 = arith.addi %add3A_285, %iota3A : vector<16xi32>
        %gather3A_287 = tpu.vector_load_idx %arg9[%broadcast_in_dim3A_284, %select_n3A_228] : memref<32x2048xf32, #tpu.memory_space<vmem>>[vector<16xi32>, vector<16xi32>], vector<16xf32>,
        tpu.vector_store_idx %arg11[%add3A_286, %broadcast_in_dim3A_284], %gather3A_287 : memref<48x128xf32, #tpu.memory_space<vmem>>[vector<16xi32>, vector<16xi32>], vector<16xf32>,
        %broadcast_in_dim3A_288 = arith.constant 7 : i32
        %broadcast_in_dim3A_289 = vector.broadcast %broadcast_in_dim3A_288 : i32 to vector<16xi32>
        %add3A_290 = vector.broadcast %multiple_of3A : i32 to vector<16xi32>
        %add3A_291 = arith.addi %add3A_290, %iota3A : vector<16xi32>
        %gather3A_292 = tpu.vector_load_idx %arg9[%broadcast_in_dim3A_289, %select_n3A_228] : memref<32x2048xf32, #tpu.memory_space<vmem>>[vector<16xi32>, vector<16xi32>], vector<16xf32>,
        tpu.vector_store_idx %arg11[%add3A_291, %broadcast_in_dim3A_289], %gather3A_292 : memref<48x128xf32, #tpu.memory_space<vmem>>[vector<16xi32>, vector<16xi32>], vector<16xf32>,
        %broadcast_in_dim3A_293 = arith.constant 8 : i32
        %broadcast_in_dim3A_294 = vector.broadcast %broadcast_in_dim3A_293 : i32 to vector<16xi32>
        %add3A_295 = vector.broadcast %multiple_of3A : i32 to vector<16xi32>
        %add3A_296 = arith.addi %add3A_295, %iota3A : vector<16xi32>
        %gather3A_297 = tpu.vector_load_idx %arg9[%broadcast_in_dim3A_294, %select_n3A_228] : memref<32x2048xf32, #tpu.memory_space<vmem>>[vector<16xi32>, vector<16xi32>], vector<16xf32>,
        tpu.vector_store_idx %arg11[%add3A_296, %broadcast_in_dim3A_294], %gather3A_297 : memref<48x128xf32, #tpu.memory_space<vmem>>[vector<16xi32>, vector<16xi32>], vector<16xf32>,
        %broadcast_in_dim3A_298 = arith.constant 9 : i32
        %broadcast_in_dim3A_299 = vector.broadcast %broadcast_in_dim3A_298 : i32 to vector<16xi32>
        %add3A_300 = vector.broadcast %multiple_of3A : i32 to vector<16xi32>
        %add3A_301 = arith.addi %add3A_300, %iota3A : vector<16xi32>
        %gather3A_302 = tpu.vector_load_idx %arg9[%broadcast_in_dim3A_299, %select_n3A_228] : memref<32x2048xf32, #tpu.memory_space<vmem>>[vector<16xi32>, vector<16xi32>], vector<16xf32>,
        tpu.vector_store_idx %arg11[%add3A_301, %broadcast_in_dim3A_299], %gather3A_302 : memref<48x128xf32, #tpu.memory_space<vmem>>[vector<16xi32>, vector<16xi32>], vector<16xf32>,
        %broadcast_in_dim3A_303 = arith.constant 10 : i32
        %broadcast_in_dim3A_304 = vector.broadcast %broadcast_in_dim3A_303 : i32 to vector<16xi32>
        %add3A_305 = vector.broadcast %multiple_of3A : i32 to vector<16xi32>
        %add3A_306 = arith.addi %add3A_305, %iota3A : vector<16xi32>
        %gather3A_307 = tpu.vector_load_idx %arg9[%broadcast_in_dim3A_304, %select_n3A_228] : memref<32x2048xf32, #tpu.memory_space<vmem>>[vector<16xi32>, vector<16xi32>], vector<16xf32>,
        tpu.vector_store_idx %arg11[%add3A_306, %broadcast_in_dim3A_304], %gather3A_307 : memref<48x128xf32, #tpu.memory_space<vmem>>[vector<16xi32>, vector<16xi32>], vector<16xf32>,
        %broadcast_in_dim3A_308 = arith.constant 11 : i32
        %broadcast_in_dim3A_309 = vector.broadcast %broadcast_in_dim3A_308 : i32 to vector<16xi32>
        %add3A_310 = vector.broadcast %multiple_of3A : i32 to vector<16xi32>
        %add3A_311 = arith.addi %add3A_310, %iota3A : vector<16xi32>
        %gather3A_312 = tpu.vector_load_idx %arg9[%broadcast_in_dim3A_309, %select_n3A_228] : memref<32x2048xf32, #tpu.memory_space<vmem>>[vector<16xi32>, vector<16xi32>], vector<16xf32>,
        tpu.vector_store_idx %arg11[%add3A_311, %broadcast_in_dim3A_309], %gather3A_312 : memref<48x128xf32, #tpu.memory_space<vmem>>[vector<16xi32>, vector<16xi32>], vector<16xf32>,
        %broadcast_in_dim3A_313 = arith.constant 12 : i32
        %broadcast_in_dim3A_314 = vector.broadcast %broadcast_in_dim3A_313 : i32 to vector<16xi32>
        %add3A_315 = vector.broadcast %multiple_of3A : i32 to vector<16xi32>
        %add3A_316 = arith.addi %add3A_315, %iota3A : vector<16xi32>
        %gather3A_317 = tpu.vector_load_idx %arg9[%broadcast_in_dim3A_314, %select_n3A_228] : memref<32x2048xf32, #tpu.memory_space<vmem>>[vector<16xi32>, vector<16xi32>], vector<16xf32>,
        tpu.vector_store_idx %arg11[%add3A_316, %broadcast_in_dim3A_314], %gather3A_317 : memref<48x128xf32, #tpu.memory_space<vmem>>[vector<16xi32>, vector<16xi32>], vector<16xf32>,
        %broadcast_in_dim3A_318 = arith.constant 13 : i32
        %broadcast_in_dim3A_319 = vector.broadcast %broadcast_in_dim3A_318 : i32 to vector<16xi32>
        %add3A_320 = vector.broadcast %multiple_of3A : i32 to vector<16xi32>
        %add3A_321 = arith.addi %add3A_320, %iota3A : vector<16xi32>
        %gather3A_322 = tpu.vector_load_idx %arg9[%broadcast_in_dim3A_319, %select_n3A_228] : memref<32x2048xf32, #tpu.memory_space<vmem>>[vector<16xi32>, vector<16xi32>], vector<16xf32>,
        tpu.vector_store_idx %arg11[%add3A_321, %broadcast_in_dim3A_319], %gather3A_322 : memref<48x128xf32, #tpu.memory_space<vmem>>[vector<16xi32>, vector<16xi32>], vector<16xf32>,
        %broadcast_in_dim3A_323 = arith.constant 14 : i32
        %broadcast_in_dim3A_324 = vector.broadcast %broadcast_in_dim3A_323 : i32 to vector<16xi32>
        %add3A_325 = vector.broadcast %multiple_of3A : i32 to vector<16xi32>
        %add3A_326 = arith.addi %add3A_325, %iota3A : vector<16xi32>
        %gather3A_327 = tpu.vector_load_idx %arg9[%broadcast_in_dim3A_324, %select_n3A_228] : memref<32x2048xf32, #tpu.memory_space<vmem>>[vector<16xi32>, vector<16xi32>], vector<16xf32>,
        tpu.vector_store_idx %arg11[%add3A_326, %broadcast_in_dim3A_324], %gather3A_327 : memref<48x128xf32, #tpu.memory_space<vmem>>[vector<16xi32>, vector<16xi32>], vector<16xf32>,
        %broadcast_in_dim3A_328 = arith.constant 15 : i32
        %broadcast_in_dim3A_329 = vector.broadcast %broadcast_in_dim3A_328 : i32 to vector<16xi32>
        %add3A_330 = vector.broadcast %multiple_of3A : i32 to vector<16xi32>
        %add3A_331 = arith.addi %add3A_330, %iota3A : vector<16xi32>
        %gather3A_332 = tpu.vector_load_idx %arg9[%broadcast_in_dim3A_329, %select_n3A_228] : memref<32x2048xf32, #tpu.memory_space<vmem>>[vector<16xi32>, vector<16xi32>], vector<16xf32>,
        tpu.vector_store_idx %arg11[%add3A_331, %broadcast_in_dim3A_329], %gather3A_332 : memref<48x128xf32, #tpu.memory_space<vmem>>[vector<16xi32>, vector<16xi32>], vector<16xf32>,
        %broadcast_in_dim3A_333 = arith.constant 16 : i32
        %broadcast_in_dim3A_334 = vector.broadcast %broadcast_in_dim3A_333 : i32 to vector<16xi32>
        %add3A_335 = vector.broadcast %multiple_of3A : i32 to vector<16xi32>
        %add3A_336 = arith.addi %add3A_335, %iota3A : vector<16xi32>
        %gather3A_337 = tpu.vector_load_idx %arg9[%broadcast_in_dim3A_334, %select_n3A_228] : memref<32x2048xf32, #tpu.memory_space<vmem>>[vector<16xi32>, vector<16xi32>], vector<16xf32>,
        tpu.vector_store_idx %arg11[%add3A_336, %broadcast_in_dim3A_334], %gather3A_337 : memref<48x128xf32, #tpu.memory_space<vmem>>[vector<16xi32>, vector<16xi32>], vector<16xf32>,
        %broadcast_in_dim3A_338 = arith.constant 17 : i32
        %broadcast_in_dim3A_339 = vector.broadcast %broadcast_in_dim3A_338 : i32 to vector<16xi32>
        %add3A_340 = vector.broadcast %multiple_of3A : i32 to vector<16xi32>
        %add3A_341 = arith.addi %add3A_340, %iota3A : vector<16xi32>
        %gather3A_342 = tpu.vector_load_idx %arg9[%broadcast_in_dim3A_339, %select_n3A_228] : memref<32x2048xf32, #tpu.memory_space<vmem>>[vector<16xi32>, vector<16xi32>], vector<16xf32>,
        tpu.vector_store_idx %arg11[%add3A_341, %broadcast_in_dim3A_339], %gather3A_342 : memref<48x128xf32, #tpu.memory_space<vmem>>[vector<16xi32>, vector<16xi32>], vector<16xf32>,
        %broadcast_in_dim3A_343 = arith.constant 18 : i32
        %broadcast_in_dim3A_344 = vector.broadcast %broadcast_in_dim3A_343 : i32 to vector<16xi32>
        %add3A_345 = vector.broadcast %multiple_of3A : i32 to vector<16xi32>
        %add3A_346 = arith.addi %add3A_345, %iota3A : vector<16xi32>
        %gather3A_347 = tpu.vector_load_idx %arg9[%broadcast_in_dim3A_344, %select_n3A_228] : memref<32x2048xf32, #tpu.memory_space<vmem>>[vector<16xi32>, vector<16xi32>], vector<16xf32>,
        tpu.vector_store_idx %arg11[%add3A_346, %broadcast_in_dim3A_344], %gather3A_347 : memref<48x128xf32, #tpu.memory_space<vmem>>[vector<16xi32>, vector<16xi32>], vector<16xf32>,
        %broadcast_in_dim3A_348 = arith.constant 19 : i32
        %broadcast_in_dim3A_349 = vector.broadcast %broadcast_in_dim3A_348 : i32 to vector<16xi32>
        %add3A_350 = vector.broadcast %multiple_of3A : i32 to vector<16xi32>
        %add3A_351 = arith.addi %add3A_350, %iota3A : vector<16xi32>
        %gather3A_352 = tpu.vector_load_idx %arg9[%broadcast_in_dim3A_349, %select_n3A_228] : memref<32x2048xf32, #tpu.memory_space<vmem>>[vector<16xi32>, vector<16xi32>], vector<16xf32>,
        tpu.vector_store_idx %arg11[%add3A_351, %broadcast_in_dim3A_349], %gather3A_352 : memref<48x128xf32, #tpu.memory_space<vmem>>[vector<16xi32>, vector<16xi32>], vector<16xf32>,
        %broadcast_in_dim3A_353 = arith.constant 20 : i32
        %broadcast_in_dim3A_354 = vector.broadcast %broadcast_in_dim3A_353 : i32 to vector<16xi32>
        %add3A_355 = vector.broadcast %multiple_of3A : i32 to vector<16xi32>
        %add3A_356 = arith.addi %add3A_355, %iota3A : vector<16xi32>
        %gather3A_357 = tpu.vector_load_idx %arg9[%broadcast_in_dim3A_354, %select_n3A_228] : memref<32x2048xf32, #tpu.memory_space<vmem>>[vector<16xi32>, vector<16xi32>], vector<16xf32>,
        tpu.vector_store_idx %arg11[%add3A_356, %broadcast_in_dim3A_354], %gather3A_357 : memref<48x128xf32, #tpu.memory_space<vmem>>[vector<16xi32>, vector<16xi32>], vector<16xf32>,
        %broadcast_in_dim3A_358 = arith.constant 21 : i32
        %broadcast_in_dim3A_359 = vector.broadcast %broadcast_in_dim3A_358 : i32 to vector<16xi32>
        %add3A_360 = vector.broadcast %multiple_of3A : i32 to vector<16xi32>
        %add3A_361 = arith.addi %add3A_360, %iota3A : vector<16xi32>
        %gather3A_362 = tpu.vector_load_idx %arg9[%broadcast_in_dim3A_359, %select_n3A_228] : memref<32x2048xf32, #tpu.memory_space<vmem>>[vector<16xi32>, vector<16xi32>], vector<16xf32>,
        tpu.vector_store_idx %arg11[%add3A_361, %broadcast_in_dim3A_359], %gather3A_362 : memref<48x128xf32, #tpu.memory_space<vmem>>[vector<16xi32>, vector<16xi32>], vector<16xf32>,
        %broadcast_in_dim3A_363 = arith.constant 22 : i32
        %broadcast_in_dim3A_364 = vector.broadcast %broadcast_in_dim3A_363 : i32 to vector<16xi32>
        %add3A_365 = vector.broadcast %multiple_of3A : i32 to vector<16xi32>
        %add3A_366 = arith.addi %add3A_365, %iota3A : vector<16xi32>
        %gather3A_367 = tpu.vector_load_idx %arg9[%broadcast_in_dim3A_364, %select_n3A_228] : memref<32x2048xf32, #tpu.memory_space<vmem>>[vector<16xi32>, vector<16xi32>], vector<16xf32>,
        tpu.vector_store_idx %arg11[%add3A_366, %broadcast_in_dim3A_364], %gather3A_367 : memref<48x128xf32, #tpu.memory_space<vmem>>[vector<16xi32>, vector<16xi32>], vector<16xf32>,
        %broadcast_in_dim3A_368 = arith.constant 23 : i32
        %broadcast_in_dim3A_369 = vector.broadcast %broadcast_in_dim3A_368 : i32 to vector<16xi32>
        %add3A_370 = vector.broadcast %multiple_of3A : i32 to vector<16xi32>
        %add3A_371 = arith.addi %add3A_370, %iota3A : vector<16xi32>
        %gather3A_372 = tpu.vector_load_idx %arg9[%broadcast_in_dim3A_369, %select_n3A_228] : memref<32x2048xf32, #tpu.memory_space<vmem>>[vector<16xi32>, vector<16xi32>], vector<16xf32>,
        tpu.vector_store_idx %arg11[%add3A_371, %broadcast_in_dim3A_369], %gather3A_372 : memref<48x128xf32, #tpu.memory_space<vmem>>[vector<16xi32>, vector<16xi32>], vector<16xf32>,
        %broadcast_in_dim3A_373 = arith.constant 24 : i32
        %broadcast_in_dim3A_374 = vector.broadcast %broadcast_in_dim3A_373 : i32 to vector<16xi32>
        %add3A_375 = vector.broadcast %multiple_of3A : i32 to vector<16xi32>
        %add3A_376 = arith.addi %add3A_375, %iota3A : vector<16xi32>
        %gather3A_377 = tpu.vector_load_idx %arg9[%broadcast_in_dim3A_374, %select_n3A_228] : memref<32x2048xf32, #tpu.memory_space<vmem>>[vector<16xi32>, vector<16xi32>], vector<16xf32>,
        tpu.vector_store_idx %arg11[%add3A_376, %broadcast_in_dim3A_374], %gather3A_377 : memref<48x128xf32, #tpu.memory_space<vmem>>[vector<16xi32>, vector<16xi32>], vector<16xf32>,
        %broadcast_in_dim3A_378 = arith.constant 25 : i32
        %broadcast_in_dim3A_379 = vector.broadcast %broadcast_in_dim3A_378 : i32 to vector<16xi32>
        %add3A_380 = vector.broadcast %multiple_of3A : i32 to vector<16xi32>
        %add3A_381 = arith.addi %add3A_380, %iota3A : vector<16xi32>
        %gather3A_382 = tpu.vector_load_idx %arg9[%broadcast_in_dim3A_379, %select_n3A_228] : memref<32x2048xf32, #tpu.memory_space<vmem>>[vector<16xi32>, vector<16xi32>], vector<16xf32>,
        tpu.vector_store_idx %arg11[%add3A_381, %broadcast_in_dim3A_379], %gather3A_382 : memref<48x128xf32, #tpu.memory_space<vmem>>[vector<16xi32>, vector<16xi32>], vector<16xf32>,
        %broadcast_in_dim3A_383 = arith.constant 26 : i32
        %broadcast_in_dim3A_384 = vector.broadcast %broadcast_in_dim3A_383 : i32 to vector<16xi32>
        %add3A_385 = vector.broadcast %multiple_of3A : i32 to vector<16xi32>
        %add3A_386 = arith.addi %add3A_385, %iota3A : vector<16xi32>
        %gather3A_387 = tpu.vector_load_idx %arg9[%broadcast_in_dim3A_384, %select_n3A_228] : memref<32x2048xf32, #tpu.memory_space<vmem>>[vector<16xi32>, vector<16xi32>], vector<16xf32>,
        tpu.vector_store_idx %arg11[%add3A_386, %broadcast_in_dim3A_384], %gather3A_387 : memref<48x128xf32, #tpu.memory_space<vmem>>[vector<16xi32>, vector<16xi32>], vector<16xf32>,
        %broadcast_in_dim3A_388 = arith.constant 27 : i32
        %broadcast_in_dim3A_389 = vector.broadcast %broadcast_in_dim3A_388 : i32 to vector<16xi32>
        %add3A_390 = vector.broadcast %multiple_of3A : i32 to vector<16xi32>
        %add3A_391 = arith.addi %add3A_390, %iota3A : vector<16xi32>
        %gather3A_392 = tpu.vector_load_idx %arg9[%broadcast_in_dim3A_389, %select_n3A_228] : memref<32x2048xf32, #tpu.memory_space<vmem>>[vector<16xi32>, vector<16xi32>], vector<16xf32>,
        tpu.vector_store_idx %arg11[%add3A_391, %broadcast_in_dim3A_389], %gather3A_392 : memref<48x128xf32, #tpu.memory_space<vmem>>[vector<16xi32>, vector<16xi32>], vector<16xf32>,
        %broadcast_in_dim3A_393 = arith.constant 28 : i32
        %broadcast_in_dim3A_394 = vector.broadcast %broadcast_in_dim3A_393 : i32 to vector<16xi32>
        %add3A_395 = vector.broadcast %multiple_of3A : i32 to vector<16xi32>
        %add3A_396 = arith.addi %add3A_395, %iota3A : vector<16xi32>
        %gather3A_397 = tpu.vector_load_idx %arg9[%broadcast_in_dim3A_394, %select_n3A_228] : memref<32x2048xf32, #tpu.memory_space<vmem>>[vector<16xi32>, vector<16xi32>], vector<16xf32>,
        tpu.vector_store_idx %arg11[%add3A_396, %broadcast_in_dim3A_394], %gather3A_397 : memref<48x128xf32, #tpu.memory_space<vmem>>[vector<16xi32>, vector<16xi32>], vector<16xf32>,
        %broadcast_in_dim3A_398 = arith.constant 29 : i32
        %broadcast_in_dim3A_399 = vector.broadcast %broadcast_in_dim3A_398 : i32 to vector<16xi32>
        %add3A_400 = vector.broadcast %multiple_of3A : i32 to vector<16xi32>
        %add3A_401 = arith.addi %add3A_400, %iota3A : vector<16xi32>
        %gather3A_402 = tpu.vector_load_idx %arg9[%broadcast_in_dim3A_399, %select_n3A_228] : memref<32x2048xf32, #tpu.memory_space<vmem>>[vector<16xi32>, vector<16xi32>], vector<16xf32>,
        tpu.vector_store_idx %arg11[%add3A_401, %broadcast_in_dim3A_399], %gather3A_402 : memref<48x128xf32, #tpu.memory_space<vmem>>[vector<16xi32>, vector<16xi32>], vector<16xf32>,
        %broadcast_in_dim3A_403 = arith.constant 30 : i32
        %broadcast_in_dim3A_404 = vector.broadcast %broadcast_in_dim3A_403 : i32 to vector<16xi32>
        %add3A_405 = vector.broadcast %multiple_of3A : i32 to vector<16xi32>
        %add3A_406 = arith.addi %add3A_405, %iota3A : vector<16xi32>
        %gather3A_407 = tpu.vector_load_idx %arg9[%broadcast_in_dim3A_404, %select_n3A_228] : memref<32x2048xf32, #tpu.memory_space<vmem>>[vector<16xi32>, vector<16xi32>], vector<16xf32>,
        tpu.vector_store_idx %arg11[%add3A_406, %broadcast_in_dim3A_404], %gather3A_407 : memref<48x128xf32, #tpu.memory_space<vmem>>[vector<16xi32>, vector<16xi32>], vector<16xf32>,
        %broadcast_in_dim3A_408 = arith.constant 31 : i32
        %broadcast_in_dim3A_409 = vector.broadcast %broadcast_in_dim3A_408 : i32 to vector<16xi32>
        %add3A_410 = vector.broadcast %multiple_of3A : i32 to vector<16xi32>
        %add3A_411 = arith.addi %add3A_410, %iota3A : vector<16xi32>
        %gather3A_412 = tpu.vector_load_idx %arg9[%broadcast_in_dim3A_409, %select_n3A_228] : memref<32x2048xf32, #tpu.memory_space<vmem>>[vector<16xi32>, vector<16xi32>], vector<16xf32>,
        tpu.vector_store_idx %arg11[%add3A_411, %broadcast_in_dim3A_409], %gather3A_412 : memref<48x128xf32, #tpu.memory_space<vmem>>[vector<16xi32>, vector<16xi32>], vector<16xf32>,
        %dma_start3A = arith.constant 0 : i32
        %dma_start3A_413 = tpu.memref_slice %arg11[%multiple_of3A, %dma_start3A] : memref<48x128xf32, #tpu.memory_space<vmem>> -> memref<16x128xf32, #tpu.memory_space<vmem>>
        %dma_start3A_414 = arith.constant 0 : i32
        %dma_start3A_415 = arith.constant 0 : i32
        %dma_start3A_416 = tpu.memref_slice %arg5[%dma_start3A_414, %dma_start3A_415] : memref<16416x128xf32, #tpu.memory_space<hbm>> -> memref<16416x128xf32, #tpu.memory_space<hbm>>
        tpu.enqueue_indirect_dma source(%dma_start3A_413 : memref<16x128xf32, #tpu.memory_space<vmem>>) target(%dma_start3A_416 : memref<16416x128xf32, #tpu.memory_space<hbm>>) offsets(%select_n3A_222 : vector<16xi32>) semaphore(%arg14 : memref<!tpu.dma_semaphore, #tpu.memory_space<semaphore_mem>>)
        %add3A_417 = arith.constant 1 : i32
        %add3A_418 = arith.addi %get3A_231, %add3A_417 : i32
        %swap3A_419 = arith.constant 0 : i32
        %swap3A_420 = arith.index_cast %swap3A_419 : i32 to index
        %swap3A_421 = memref.load %arg12[%swap3A_420] : memref<8xi32, #tpu.memory_space<smem>>
        memref.store %add3A_418, %arg12[%swap3A_420] : memref<8xi32, #tpu.memory_space<smem>>
      }
      %while3A_205 = arith.constant 1 : i32
      scf.for %while3A_206 = %while3A_203 to %while3A_199 step %while3A_205  : i32 {
        %mul3A_207 = arith.constant 16 : i32
        %mul3A_208 = arith.muli %while3A_206, %mul3A_207 : i32
        %get3A_209 = arith.index_cast %mul3A_208 : i32 to index
        %get3A_210 = tpu.vector_load %arg8[%get3A_209] {strides = array<i32>} : memref<16384xi32, #tpu.memory_space<vmem>>, vector<16xi32>,
        %mul3A_211 = arith.constant 16 : i32
        %mul3A_212 = arith.muli %while3A_206, %mul3A_211 : i32
        %add3A_213 = vector.broadcast %mul3A_212 : i32 to vector<16xi32>
        %add3A_214 = arith.addi %add3A_213, %iota3A : vector<16xi32>
        %lt3A_215 = vector.broadcast %reduce_max3A_156 : i32 to vector<16xi32>
        %lt3A_216 = arith.cmpi slt, %add3A_214, %lt3A_215 : vector<16xi32>
        %shift_right_arithmetic3A = arith.constant 11 : i32
        %shift_right_arithmetic3A_217 = vector.broadcast %shift_right_arithmetic3A : i32 to vector<16xi32>
        %shift_right_arithmetic3A_218 = arith.shrsi %get3A_210, %shift_right_arithmetic3A_217 : vector<16xi32>
        %add3A_219 = arith.constant 16384 : i32
        %add3A_220 = vector.broadcast %add3A_219 : i32 to vector<16xi32>
        %add3A_221 = arith.addi %add3A_220, %iota3A : vector<16xi32>
        %select_n3A_222 = arith.select %lt3A_216, %shift_right_arithmetic3A_218, %add3A_221 : vector<16xi1>, vector<16xi32>
        %and3A_223 = arith.constant 2047 : i32
        %and3A_224 = vector.broadcast %and3A_223 : i32 to vector<16xi32>
        %and3A_225 = arith.andi %get3A_210, %and3A_224 : vector<16xi32>
        %jit3A_226 = arith.constant 0 : i32
        %broadcast_in_dim3A_227 = vector.broadcast %jit3A_226 : i32 to vector<16xi32>
        %select_n3A_228 = arith.select %lt3A_216, %and3A_225, %broadcast_in_dim3A_227 : vector<16xi1>, vector<16xi32>
        %get3A_229 = arith.constant 0 : i32
        %get3A_230 = arith.index_cast %get3A_229 : i32 to index
        %get3A_231 = memref.load %arg12[%get3A_230] : memref<8xi32, #tpu.memory_space<smem>>
        %jit3A_232 = arith.constant 3 : i32
        %eq3A_233 = arith.constant 0 : i32
        %eq3A_234 = arith.cmpi eq, %jit3A_232, %eq3A_233 : i32
        %jit3A_235 = arith.constant 1 : i32
        %select_n3A_236 = arith.select %eq3A_234, %jit3A_235, %jit3A_232 : i32
        %rem3A_237 = arith.remsi %get3A_231, %select_n3A_236 : i32
        %ne3A_238 = arith.constant 0 : i32
        %ne3A_239 = arith.cmpi ne, %rem3A_237, %ne3A_238 : i32
        %lt3A_240 = arith.constant 0 : i32
        %lt3A_241 = arith.cmpi slt, %rem3A_237, %lt3A_240 : i32
        %lt3A_242 = arith.constant 0 : i32
        %lt3A_243 = arith.cmpi slt, %select_n3A_236, %lt3A_242 : i32
        %ne3A_244 = arith.xori %lt3A_241, %lt3A_243 : i1
        %and3A_245 = arith.andi %ne3A_244, %ne3A_239 : i1
        %add3A_246 = arith.addi %rem3A_237, %select_n3A_236 : i32
        %select_n3A_247 = arith.select %and3A_245, %add3A_246, %rem3A_237 : i32
        %mul3A_248 = arith.constant 16 : i32
        %mul3A_249 = arith.muli %select_n3A_247, %mul3A_248 : i32
        %multiple_of3A = tpu.assume_multiple %mul3A_249, 16 : i32
        %ge3A = arith.constant 3 : i32
        %ge3A_250 = arith.cmpi sge, %get3A_231, %ge3A : i32
        %convert_element_type3A_251 = arith.extui %ge3A_250 : i1 to i32
        %cond3A_252 = arith.constant 0 : i32
        %cond3A_253 = arith.cmpi ne, %convert_element_type3A_251, %cond3A_252 : i32
        scf.if %cond3A_253 {
          %dma_wait3A = arith.constant 0 : i32
          %dma_wait3A_422 = arith.constant 0 : i32
          %dma_wait3A_423 = tpu.memref_slice %arg11[%dma_wait3A, %dma_wait3A_422] : memref<48x128xf32, #tpu.memory_space<vmem>> -> memref<16x128xf32, #tpu.memory_space<vmem>>
          %dma_wait3A_424 = arith.constant 0 : i32
          %dma_wait3A_425 = arith.constant 0 : i32
          %dma_wait3A_426 = tpu.memref_slice %arg3[%dma_wait3A_424, %dma_wait3A_425] : memref<32x1000000xf32, #tpu.memory_space<hbm>> -> memref<16x128xf32, #tpu.memory_space<hbm>>
          %dma_wait3A_427 = arith.constant 0 : i32
          %dma_wait3A_428 = arith.constant 0 : i32
          %dma_wait3A_429 = tpu.memref_slice %arg11[%dma_wait3A_427, %dma_wait3A_428] : memref<48x128xf32, #tpu.memory_space<vmem>> -> memref<16x128xf32, #tpu.memory_space<vmem>>
          %dma_wait3A_430 = arith.constant 0 : i32
          %dma_wait3A_431 = arith.constant 0 : i32
          %dma_wait3A_432 = tpu.memref_slice %arg3[%dma_wait3A_430, %dma_wait3A_431] : memref<32x1000000xf32, #tpu.memory_space<hbm>> -> memref<16x128xf32, #tpu.memory_space<hbm>>
          tpu.wait_dma2 semaphore(%arg14 : memref<!tpu.dma_semaphore, #tpu.memory_space<semaphore_mem>>) src(%dma_wait3A_432 : memref<16x128xf32, #tpu.memory_space<hbm>>) dst(%dma_wait3A_429 : memref<16x128xf32, #tpu.memory_space<vmem>>)
        } else {
        }
        %broadcast_in_dim3A_254 = arith.constant 0 : i32
        %broadcast_in_dim3A_255 = vector.broadcast %broadcast_in_dim3A_254 : i32 to vector<16xi32>
        %add3A_256 = vector.broadcast %multiple_of3A : i32 to vector<16xi32>
        %add3A_257 = arith.addi %add3A_256, %iota3A : vector<16xi32>
        %gather3A = tpu.vector_load_idx %arg9[%broadcast_in_dim3A_255, %select_n3A_228] : memref<32x2048xf32, #tpu.memory_space<vmem>>[vector<16xi32>, vector<16xi32>], vector<16xf32>,
        tpu.vector_store_idx %arg11[%add3A_257, %broadcast_in_dim3A_255], %gather3A : memref<48x128xf32, #tpu.memory_space<vmem>>[vector<16xi32>, vector<16xi32>], vector<16xf32>,
        %broadcast_in_dim3A_258 = arith.constant 1 : i32
        %broadcast_in_dim3A_259 = vector.broadcast %broadcast_in_dim3A_258 : i32 to vector<16xi32>
        %add3A_260 = vector.broadcast %multiple_of3A : i32 to vector<16xi32>
        %add3A_261 = arith.addi %add3A_260, %iota3A : vector<16xi32>
        %gather3A_262 = tpu.vector_load_idx %arg9[%broadcast_in_dim3A_259, %select_n3A_228] : memref<32x2048xf32, #tpu.memory_space<vmem>>[vector<16xi32>, vector<16xi32>], vector<16xf32>,
        tpu.vector_store_idx %arg11[%add3A_261, %broadcast_in_dim3A_259], %gather3A_262 : memref<48x128xf32, #tpu.memory_space<vmem>>[vector<16xi32>, vector<16xi32>], vector<16xf32>,
        %broadcast_in_dim3A_263 = arith.constant 2 : i32
        %broadcast_in_dim3A_264 = vector.broadcast %broadcast_in_dim3A_263 : i32 to vector<16xi32>
        %add3A_265 = vector.broadcast %multiple_of3A : i32 to vector<16xi32>
        %add3A_266 = arith.addi %add3A_265, %iota3A : vector<16xi32>
        %gather3A_267 = tpu.vector_load_idx %arg9[%broadcast_in_dim3A_264, %select_n3A_228] : memref<32x2048xf32, #tpu.memory_space<vmem>>[vector<16xi32>, vector<16xi32>], vector<16xf32>,
        tpu.vector_store_idx %arg11[%add3A_266, %broadcast_in_dim3A_264], %gather3A_267 : memref<48x128xf32, #tpu.memory_space<vmem>>[vector<16xi32>, vector<16xi32>], vector<16xf32>,
        %broadcast_in_dim3A_268 = arith.constant 3 : i32
        %broadcast_in_dim3A_269 = vector.broadcast %broadcast_in_dim3A_268 : i32 to vector<16xi32>
        %add3A_270 = vector.broadcast %multiple_of3A : i32 to vector<16xi32>
        %add3A_271 = arith.addi %add3A_270, %iota3A : vector<16xi32>
        %gather3A_272 = tpu.vector_load_idx %arg9[%broadcast_in_dim3A_269, %select_n3A_228] : memref<32x2048xf32, #tpu.memory_space<vmem>>[vector<16xi32>, vector<16xi32>], vector<16xf32>,
        tpu.vector_store_idx %arg11[%add3A_271, %broadcast_in_dim3A_269], %gather3A_272 : memref<48x128xf32, #tpu.memory_space<vmem>>[vector<16xi32>, vector<16xi32>], vector<16xf32>,
        %broadcast_in_dim3A_273 = arith.constant 4 : i32
        %broadcast_in_dim3A_274 = vector.broadcast %broadcast_in_dim3A_273 : i32 to vector<16xi32>
        %add3A_275 = vector.broadcast %multiple_of3A : i32 to vector<16xi32>
        %add3A_276 = arith.addi %add3A_275, %iota3A : vector<16xi32>
        %gather3A_277 = tpu.vector_load_idx %arg9[%broadcast_in_dim3A_274, %select_n3A_228] : memref<32x2048xf32, #tpu.memory_space<vmem>>[vector<16xi32>, vector<16xi32>], vector<16xf32>,
        tpu.vector_store_idx %arg11[%add3A_276, %broadcast_in_dim3A_274], %gather3A_277 : memref<48x128xf32, #tpu.memory_space<vmem>>[vector<16xi32>, vector<16xi32>], vector<16xf32>,
        %broadcast_in_dim3A_278 = arith.constant 5 : i32
        %broadcast_in_dim3A_279 = vector.broadcast %broadcast_in_dim3A_278 : i32 to vector<16xi32>
        %add3A_280 = vector.broadcast %multiple_of3A : i32 to vector<16xi32>
        %add3A_281 = arith.addi %add3A_280, %iota3A : vector<16xi32>
        %gather3A_282 = tpu.vector_load_idx %arg9[%broadcast_in_dim3A_279, %select_n3A_228] : memref<32x2048xf32, #tpu.memory_space<vmem>>[vector<16xi32>, vector<16xi32>], vector<16xf32>,
        tpu.vector_store_idx %arg11[%add3A_281, %broadcast_in_dim3A_279], %gather3A_282 : memref<48x128xf32, #tpu.memory_space<vmem>>[vector<16xi32>, vector<16xi32>], vector<16xf32>,
        %broadcast_in_dim3A_283 = arith.constant 6 : i32
        %broadcast_in_dim3A_284 = vector.broadcast %broadcast_in_dim3A_283 : i32 to vector<16xi32>
        %add3A_285 = vector.broadcast %multiple_of3A : i32 to vector<16xi32>
        %add3A_286 = arith.addi %add3A_285, %iota3A : vector<16xi32>
        %gather3A_287 = tpu.vector_load_idx %arg9[%broadcast_in_dim3A_284, %select_n3A_228] : memref<32x2048xf32, #tpu.memory_space<vmem>>[vector<16xi32>, vector<16xi32>], vector<16xf32>,
        tpu.vector_store_idx %arg11[%add3A_286, %broadcast_in_dim3A_284], %gather3A_287 : memref<48x128xf32, #tpu.memory_space<vmem>>[vector<16xi32>, vector<16xi32>], vector<16xf32>,
        %broadcast_in_dim3A_288 = arith.constant 7 : i32
        %broadcast_in_dim3A_289 = vector.broadcast %broadcast_in_dim3A_288 : i32 to vector<16xi32>
        %add3A_290 = vector.broadcast %multiple_of3A : i32 to vector<16xi32>
        %add3A_291 = arith.addi %add3A_290, %iota3A : vector<16xi32>
        %gather3A_292 = tpu.vector_load_idx %arg9[%broadcast_in_dim3A_289, %select_n3A_228] : memref<32x2048xf32, #tpu.memory_space<vmem>>[vector<16xi32>, vector<16xi32>], vector<16xf32>,
        tpu.vector_store_idx %arg11[%add3A_291, %broadcast_in_dim3A_289], %gather3A_292 : memref<48x128xf32, #tpu.memory_space<vmem>>[vector<16xi32>, vector<16xi32>], vector<16xf32>,
        %broadcast_in_dim3A_293 = arith.constant 8 : i32
        %broadcast_in_dim3A_294 = vector.broadcast %broadcast_in_dim3A_293 : i32 to vector<16xi32>
        %add3A_295 = vector.broadcast %multiple_of3A : i32 to vector<16xi32>
        %add3A_296 = arith.addi %add3A_295, %iota3A : vector<16xi32>
        %gather3A_297 = tpu.vector_load_idx %arg9[%broadcast_in_dim3A_294, %select_n3A_228] : memref<32x2048xf32, #tpu.memory_space<vmem>>[vector<16xi32>, vector<16xi32>], vector<16xf32>,
        tpu.vector_store_idx %arg11[%add3A_296, %broadcast_in_dim3A_294], %gather3A_297 : memref<48x128xf32, #tpu.memory_space<vmem>>[vector<16xi32>, vector<16xi32>], vector<16xf32>,
        %broadcast_in_dim3A_298 = arith.constant 9 : i32
        %broadcast_in_dim3A_299 = vector.broadcast %broadcast_in_dim3A_298 : i32 to vector<16xi32>
        %add3A_300 = vector.broadcast %multiple_of3A : i32 to vector<16xi32>
        %add3A_301 = arith.addi %add3A_300, %iota3A : vector<16xi32>
        %gather3A_302 = tpu.vector_load_idx %arg9[%broadcast_in_dim3A_299, %select_n3A_228] : memref<32x2048xf32, #tpu.memory_space<vmem>>[vector<16xi32>, vector<16xi32>], vector<16xf32>,
        tpu.vector_store_idx %arg11[%add3A_301, %broadcast_in_dim3A_299], %gather3A_302 : memref<48x128xf32, #tpu.memory_space<vmem>>[vector<16xi32>, vector<16xi32>], vector<16xf32>,
        %broadcast_in_dim3A_303 = arith.constant 10 : i32
        %broadcast_in_dim3A_304 = vector.broadcast %broadcast_in_dim3A_303 : i32 to vector<16xi32>
        %add3A_305 = vector.broadcast %multiple_of3A : i32 to vector<16xi32>
        %add3A_306 = arith.addi %add3A_305, %iota3A : vector<16xi32>
        %gather3A_307 = tpu.vector_load_idx %arg9[%broadcast_in_dim3A_304, %select_n3A_228] : memref<32x2048xf32, #tpu.memory_space<vmem>>[vector<16xi32>, vector<16xi32>], vector<16xf32>,
        tpu.vector_store_idx %arg11[%add3A_306, %broadcast_in_dim3A_304], %gather3A_307 : memref<48x128xf32, #tpu.memory_space<vmem>>[vector<16xi32>, vector<16xi32>], vector<16xf32>,
        %broadcast_in_dim3A_308 = arith.constant 11 : i32
        %broadcast_in_dim3A_309 = vector.broadcast %broadcast_in_dim3A_308 : i32 to vector<16xi32>
        %add3A_310 = vector.broadcast %multiple_of3A : i32 to vector<16xi32>
        %add3A_311 = arith.addi %add3A_310, %iota3A : vector<16xi32>
        %gather3A_312 = tpu.vector_load_idx %arg9[%broadcast_in_dim3A_309, %select_n3A_228] : memref<32x2048xf32, #tpu.memory_space<vmem>>[vector<16xi32>, vector<16xi32>], vector<16xf32>,
        tpu.vector_store_idx %arg11[%add3A_311, %broadcast_in_dim3A_309], %gather3A_312 : memref<48x128xf32, #tpu.memory_space<vmem>>[vector<16xi32>, vector<16xi32>], vector<16xf32>,
        %broadcast_in_dim3A_313 = arith.constant 12 : i32
        %broadcast_in_dim3A_314 = vector.broadcast %broadcast_in_dim3A_313 : i32 to vector<16xi32>
        %add3A_315 = vector.broadcast %multiple_of3A : i32 to vector<16xi32>
        %add3A_316 = arith.addi %add3A_315, %iota3A : vector<16xi32>
        %gather3A_317 = tpu.vector_load_idx %arg9[%broadcast_in_dim3A_314, %select_n3A_228] : memref<32x2048xf32, #tpu.memory_space<vmem>>[vector<16xi32>, vector<16xi32>], vector<16xf32>,
        tpu.vector_store_idx %arg11[%add3A_316, %broadcast_in_dim3A_314], %gather3A_317 : memref<48x128xf32, #tpu.memory_space<vmem>>[vector<16xi32>, vector<16xi32>], vector<16xf32>,
        %broadcast_in_dim3A_318 = arith.constant 13 : i32
        %broadcast_in_dim3A_319 = vector.broadcast %broadcast_in_dim3A_318 : i32 to vector<16xi32>
        %add3A_320 = vector.broadcast %multiple_of3A : i32 to vector<16xi32>
        %add3A_321 = arith.addi %add3A_320, %iota3A : vector<16xi32>
        %gather3A_322 = tpu.vector_load_idx %arg9[%broadcast_in_dim3A_319, %select_n3A_228] : memref<32x2048xf32, #tpu.memory_space<vmem>>[vector<16xi32>, vector<16xi32>], vector<16xf32>,
        tpu.vector_store_idx %arg11[%add3A_321, %broadcast_in_dim3A_319], %gather3A_322 : memref<48x128xf32, #tpu.memory_space<vmem>>[vector<16xi32>, vector<16xi32>], vector<16xf32>,
        %broadcast_in_dim3A_323 = arith.constant 14 : i32
        %broadcast_in_dim3A_324 = vector.broadcast %broadcast_in_dim3A_323 : i32 to vector<16xi32>
        %add3A_325 = vector.broadcast %multiple_of3A : i32 to vector<16xi32>
        %add3A_326 = arith.addi %add3A_325, %iota3A : vector<16xi32>
        %gather3A_327 = tpu.vector_load_idx %arg9[%broadcast_in_dim3A_324, %select_n3A_228] : memref<32x2048xf32, #tpu.memory_space<vmem>>[vector<16xi32>, vector<16xi32>], vector<16xf32>,
        tpu.vector_store_idx %arg11[%add3A_326, %broadcast_in_dim3A_324], %gather3A_327 : memref<48x128xf32, #tpu.memory_space<vmem>>[vector<16xi32>, vector<16xi32>], vector<16xf32>,
        %broadcast_in_dim3A_328 = arith.constant 15 : i32
        %broadcast_in_dim3A_329 = vector.broadcast %broadcast_in_dim3A_328 : i32 to vector<16xi32>
        %add3A_330 = vector.broadcast %multiple_of3A : i32 to vector<16xi32>
        %add3A_331 = arith.addi %add3A_330, %iota3A : vector<16xi32>
        %gather3A_332 = tpu.vector_load_idx %arg9[%broadcast_in_dim3A_329, %select_n3A_228] : memref<32x2048xf32, #tpu.memory_space<vmem>>[vector<16xi32>, vector<16xi32>], vector<16xf32>,
        tpu.vector_store_idx %arg11[%add3A_331, %broadcast_in_dim3A_329], %gather3A_332 : memref<48x128xf32, #tpu.memory_space<vmem>>[vector<16xi32>, vector<16xi32>], vector<16xf32>,
        %broadcast_in_dim3A_333 = arith.constant 16 : i32
        %broadcast_in_dim3A_334 = vector.broadcast %broadcast_in_dim3A_333 : i32 to vector<16xi32>
        %add3A_335 = vector.broadcast %multiple_of3A : i32 to vector<16xi32>
        %add3A_336 = arith.addi %add3A_335, %iota3A : vector<16xi32>
        %gather3A_337 = tpu.vector_load_idx %arg9[%broadcast_in_dim3A_334, %select_n3A_228] : memref<32x2048xf32, #tpu.memory_space<vmem>>[vector<16xi32>, vector<16xi32>], vector<16xf32>,
        tpu.vector_store_idx %arg11[%add3A_336, %broadcast_in_dim3A_334], %gather3A_337 : memref<48x128xf32, #tpu.memory_space<vmem>>[vector<16xi32>, vector<16xi32>], vector<16xf32>,
        %broadcast_in_dim3A_338 = arith.constant 17 : i32
        %broadcast_in_dim3A_339 = vector.broadcast %broadcast_in_dim3A_338 : i32 to vector<16xi32>
        %add3A_340 = vector.broadcast %multiple_of3A : i32 to vector<16xi32>
        %add3A_341 = arith.addi %add3A_340, %iota3A : vector<16xi32>
        %gather3A_342 = tpu.vector_load_idx %arg9[%broadcast_in_dim3A_339, %select_n3A_228] : memref<32x2048xf32, #tpu.memory_space<vmem>>[vector<16xi32>, vector<16xi32>], vector<16xf32>,
        tpu.vector_store_idx %arg11[%add3A_341, %broadcast_in_dim3A_339], %gather3A_342 : memref<48x128xf32, #tpu.memory_space<vmem>>[vector<16xi32>, vector<16xi32>], vector<16xf32>,
        %broadcast_in_dim3A_343 = arith.constant 18 : i32
        %broadcast_in_dim3A_344 = vector.broadcast %broadcast_in_dim3A_343 : i32 to vector<16xi32>
        %add3A_345 = vector.broadcast %multiple_of3A : i32 to vector<16xi32>
        %add3A_346 = arith.addi %add3A_345, %iota3A : vector<16xi32>
        %gather3A_347 = tpu.vector_load_idx %arg9[%broadcast_in_dim3A_344, %select_n3A_228] : memref<32x2048xf32, #tpu.memory_space<vmem>>[vector<16xi32>, vector<16xi32>], vector<16xf32>,
        tpu.vector_store_idx %arg11[%add3A_346, %broadcast_in_dim3A_344], %gather3A_347 : memref<48x128xf32, #tpu.memory_space<vmem>>[vector<16xi32>, vector<16xi32>], vector<16xf32>,
        %broadcast_in_dim3A_348 = arith.constant 19 : i32
        %broadcast_in_dim3A_349 = vector.broadcast %broadcast_in_dim3A_348 : i32 to vector<16xi32>
        %add3A_350 = vector.broadcast %multiple_of3A : i32 to vector<16xi32>
        %add3A_351 = arith.addi %add3A_350, %iota3A : vector<16xi32>
        %gather3A_352 = tpu.vector_load_idx %arg9[%broadcast_in_dim3A_349, %select_n3A_228] : memref<32x2048xf32, #tpu.memory_space<vmem>>[vector<16xi32>, vector<16xi32>], vector<16xf32>,
        tpu.vector_store_idx %arg11[%add3A_351, %broadcast_in_dim3A_349], %gather3A_352 : memref<48x128xf32, #tpu.memory_space<vmem>>[vector<16xi32>, vector<16xi32>], vector<16xf32>,
        %broadcast_in_dim3A_353 = arith.constant 20 : i32
        %broadcast_in_dim3A_354 = vector.broadcast %broadcast_in_dim3A_353 : i32 to vector<16xi32>
        %add3A_355 = vector.broadcast %multiple_of3A : i32 to vector<16xi32>
        %add3A_356 = arith.addi %add3A_355, %iota3A : vector<16xi32>
        %gather3A_357 = tpu.vector_load_idx %arg9[%broadcast_in_dim3A_354, %select_n3A_228] : memref<32x2048xf32, #tpu.memory_space<vmem>>[vector<16xi32>, vector<16xi32>], vector<16xf32>,
        tpu.vector_store_idx %arg11[%add3A_356, %broadcast_in_dim3A_354], %gather3A_357 : memref<48x128xf32, #tpu.memory_space<vmem>>[vector<16xi32>, vector<16xi32>], vector<16xf32>,
        %broadcast_in_dim3A_358 = arith.constant 21 : i32
        %broadcast_in_dim3A_359 = vector.broadcast %broadcast_in_dim3A_358 : i32 to vector<16xi32>
        %add3A_360 = vector.broadcast %multiple_of3A : i32 to vector<16xi32>
        %add3A_361 = arith.addi %add3A_360, %iota3A : vector<16xi32>
        %gather3A_362 = tpu.vector_load_idx %arg9[%broadcast_in_dim3A_359, %select_n3A_228] : memref<32x2048xf32, #tpu.memory_space<vmem>>[vector<16xi32>, vector<16xi32>], vector<16xf32>,
        tpu.vector_store_idx %arg11[%add3A_361, %broadcast_in_dim3A_359], %gather3A_362 : memref<48x128xf32, #tpu.memory_space<vmem>>[vector<16xi32>, vector<16xi32>], vector<16xf32>,
        %broadcast_in_dim3A_363 = arith.constant 22 : i32
        %broadcast_in_dim3A_364 = vector.broadcast %broadcast_in_dim3A_363 : i32 to vector<16xi32>
        %add3A_365 = vector.broadcast %multiple_of3A : i32 to vector<16xi32>
        %add3A_366 = arith.addi %add3A_365, %iota3A : vector<16xi32>
        %gather3A_367 = tpu.vector_load_idx %arg9[%broadcast_in_dim3A_364, %select_n3A_228] : memref<32x2048xf32, #tpu.memory_space<vmem>>[vector<16xi32>, vector<16xi32>], vector<16xf32>,
        tpu.vector_store_idx %arg11[%add3A_366, %broadcast_in_dim3A_364], %gather3A_367 : memref<48x128xf32, #tpu.memory_space<vmem>>[vector<16xi32>, vector<16xi32>], vector<16xf32>,
        %broadcast_in_dim3A_368 = arith.constant 23 : i32
        %broadcast_in_dim3A_369 = vector.broadcast %broadcast_in_dim3A_368 : i32 to vector<16xi32>
        %add3A_370 = vector.broadcast %multiple_of3A : i32 to vector<16xi32>
        %add3A_371 = arith.addi %add3A_370, %iota3A : vector<16xi32>
        %gather3A_372 = tpu.vector_load_idx %arg9[%broadcast_in_dim3A_369, %select_n3A_228] : memref<32x2048xf32, #tpu.memory_space<vmem>>[vector<16xi32>, vector<16xi32>], vector<16xf32>,
        tpu.vector_store_idx %arg11[%add3A_371, %broadcast_in_dim3A_369], %gather3A_372 : memref<48x128xf32, #tpu.memory_space<vmem>>[vector<16xi32>, vector<16xi32>], vector<16xf32>,
        %broadcast_in_dim3A_373 = arith.constant 24 : i32
        %broadcast_in_dim3A_374 = vector.broadcast %broadcast_in_dim3A_373 : i32 to vector<16xi32>
        %add3A_375 = vector.broadcast %multiple_of3A : i32 to vector<16xi32>
        %add3A_376 = arith.addi %add3A_375, %iota3A : vector<16xi32>
        %gather3A_377 = tpu.vector_load_idx %arg9[%broadcast_in_dim3A_374, %select_n3A_228] : memref<32x2048xf32, #tpu.memory_space<vmem>>[vector<16xi32>, vector<16xi32>], vector<16xf32>,
        tpu.vector_store_idx %arg11[%add3A_376, %broadcast_in_dim3A_374], %gather3A_377 : memref<48x128xf32, #tpu.memory_space<vmem>>[vector<16xi32>, vector<16xi32>], vector<16xf32>,
        %broadcast_in_dim3A_378 = arith.constant 25 : i32
        %broadcast_in_dim3A_379 = vector.broadcast %broadcast_in_dim3A_378 : i32 to vector<16xi32>
        %add3A_380 = vector.broadcast %multiple_of3A : i32 to vector<16xi32>
        %add3A_381 = arith.addi %add3A_380, %iota3A : vector<16xi32>
        %gather3A_382 = tpu.vector_load_idx %arg9[%broadcast_in_dim3A_379, %select_n3A_228] : memref<32x2048xf32, #tpu.memory_space<vmem>>[vector<16xi32>, vector<16xi32>], vector<16xf32>,
        tpu.vector_store_idx %arg11[%add3A_381, %broadcast_in_dim3A_379], %gather3A_382 : memref<48x128xf32, #tpu.memory_space<vmem>>[vector<16xi32>, vector<16xi32>], vector<16xf32>,
        %broadcast_in_dim3A_383 = arith.constant 26 : i32
        %broadcast_in_dim3A_384 = vector.broadcast %broadcast_in_dim3A_383 : i32 to vector<16xi32>
        %add3A_385 = vector.broadcast %multiple_of3A : i32 to vector<16xi32>
        %add3A_386 = arith.addi %add3A_385, %iota3A : vector<16xi32>
        %gather3A_387 = tpu.vector_load_idx %arg9[%broadcast_in_dim3A_384, %select_n3A_228] : memref<32x2048xf32, #tpu.memory_space<vmem>>[vector<16xi32>, vector<16xi32>], vector<16xf32>,
        tpu.vector_store_idx %arg11[%add3A_386, %broadcast_in_dim3A_384], %gather3A_387 : memref<48x128xf32, #tpu.memory_space<vmem>>[vector<16xi32>, vector<16xi32>], vector<16xf32>,
        %broadcast_in_dim3A_388 = arith.constant 27 : i32
        %broadcast_in_dim3A_389 = vector.broadcast %broadcast_in_dim3A_388 : i32 to vector<16xi32>
        %add3A_390 = vector.broadcast %multiple_of3A : i32 to vector<16xi32>
        %add3A_391 = arith.addi %add3A_390, %iota3A : vector<16xi32>
        %gather3A_392 = tpu.vector_load_idx %arg9[%broadcast_in_dim3A_389, %select_n3A_228] : memref<32x2048xf32, #tpu.memory_space<vmem>>[vector<16xi32>, vector<16xi32>], vector<16xf32>,
        tpu.vector_store_idx %arg11[%add3A_391, %broadcast_in_dim3A_389], %gather3A_392 : memref<48x128xf32, #tpu.memory_space<vmem>>[vector<16xi32>, vector<16xi32>], vector<16xf32>,
        %broadcast_in_dim3A_393 = arith.constant 28 : i32
        %broadcast_in_dim3A_394 = vector.broadcast %broadcast_in_dim3A_393 : i32 to vector<16xi32>
        %add3A_395 = vector.broadcast %multiple_of3A : i32 to vector<16xi32>
        %add3A_396 = arith.addi %add3A_395, %iota3A : vector<16xi32>
        %gather3A_397 = tpu.vector_load_idx %arg9[%broadcast_in_dim3A_394, %select_n3A_228] : memref<32x2048xf32, #tpu.memory_space<vmem>>[vector<16xi32>, vector<16xi32>], vector<16xf32>,
        tpu.vector_store_idx %arg11[%add3A_396, %broadcast_in_dim3A_394], %gather3A_397 : memref<48x128xf32, #tpu.memory_space<vmem>>[vector<16xi32>, vector<16xi32>], vector<16xf32>,
        %broadcast_in_dim3A_398 = arith.constant 29 : i32
        %broadcast_in_dim3A_399 = vector.broadcast %broadcast_in_dim3A_398 : i32 to vector<16xi32>
        %add3A_400 = vector.broadcast %multiple_of3A : i32 to vector<16xi32>
        %add3A_401 = arith.addi %add3A_400, %iota3A : vector<16xi32>
        %gather3A_402 = tpu.vector_load_idx %arg9[%broadcast_in_dim3A_399, %select_n3A_228] : memref<32x2048xf32, #tpu.memory_space<vmem>>[vector<16xi32>, vector<16xi32>], vector<16xf32>,
        tpu.vector_store_idx %arg11[%add3A_401, %broadcast_in_dim3A_399], %gather3A_402 : memref<48x128xf32, #tpu.memory_space<vmem>>[vector<16xi32>, vector<16xi32>], vector<16xf32>,
        %broadcast_in_dim3A_403 = arith.constant 30 : i32
        %broadcast_in_dim3A_404 = vector.broadcast %broadcast_in_dim3A_403 : i32 to vector<16xi32>
        %add3A_405 = vector.broadcast %multiple_of3A : i32 to vector<16xi32>
        %add3A_406 = arith.addi %add3A_405, %iota3A : vector<16xi32>
        %gather3A_407 = tpu.vector_load_idx %arg9[%broadcast_in_dim3A_404, %select_n3A_228] : memref<32x2048xf32, #tpu.memory_space<vmem>>[vector<16xi32>, vector<16xi32>], vector<16xf32>,
        tpu.vector_store_idx %arg11[%add3A_406, %broadcast_in_dim3A_404], %gather3A_407 : memref<48x128xf32, #tpu.memory_space<vmem>>[vector<16xi32>, vector<16xi32>], vector<16xf32>,
        %broadcast_in_dim3A_408 = arith.constant 31 : i32
        %broadcast_in_dim3A_409 = vector.broadcast %broadcast_in_dim3A_408 : i32 to vector<16xi32>
        %add3A_410 = vector.broadcast %multiple_of3A : i32 to vector<16xi32>
        %add3A_411 = arith.addi %add3A_410, %iota3A : vector<16xi32>
        %gather3A_412 = tpu.vector_load_idx %arg9[%broadcast_in_dim3A_409, %select_n3A_228] : memref<32x2048xf32, #tpu.memory_space<vmem>>[vector<16xi32>, vector<16xi32>], vector<16xf32>,
        tpu.vector_store_idx %arg11[%add3A_411, %broadcast_in_dim3A_409], %gather3A_412 : memref<48x128xf32, #tpu.memory_space<vmem>>[vector<16xi32>, vector<16xi32>], vector<16xf32>,
        %dma_start3A = arith.constant 0 : i32
        %dma_start3A_413 = tpu.memref_slice %arg11[%multiple_of3A, %dma_start3A] : memref<48x128xf32, #tpu.memory_space<vmem>> -> memref<16x128xf32, #tpu.memory_space<vmem>>
        %dma_start3A_414 = arith.constant 0 : i32
        %dma_start3A_415 = arith.constant 0 : i32
        %dma_start3A_416 = tpu.memref_slice %arg5[%dma_start3A_414, %dma_start3A_415] : memref<16416x128xf32, #tpu.memory_space<hbm>> -> memref<16416x128xf32, #tpu.memory_space<hbm>>
        tpu.enqueue_indirect_dma source(%dma_start3A_413 : memref<16x128xf32, #tpu.memory_space<vmem>>) target(%dma_start3A_416 : memref<16416x128xf32, #tpu.memory_space<hbm>>) offsets(%select_n3A_222 : vector<16xi32>) semaphore(%arg14 : memref<!tpu.dma_semaphore, #tpu.memory_space<semaphore_mem>>)
        %add3A_417 = arith.constant 1 : i32
        %add3A_418 = arith.addi %get3A_231, %add3A_417 : i32
        %swap3A_419 = arith.constant 0 : i32
        %swap3A_420 = arith.index_cast %swap3A_419 : i32 to index
        %swap3A_421 = memref.load %arg12[%swap3A_420] : memref<8xi32, #tpu.memory_space<smem>>
        memref.store %add3A_418, %arg12[%swap3A_420] : memref<8xi32, #tpu.memory_space<smem>>
      }
    }
    %eq3A = arith.constant 8 : i32
    %eq3A_74 = arith.cmpi eq, %add3A, %eq3A : i32
    %convert_element_type3A = arith.extui %eq3A_74 : i1 to i32
    %cond3A = arith.constant 0 : i32
    %cond3A_75 = arith.cmpi ne, %convert_element_type3A, %cond3A : i32
    scf.if %cond3A_75 {
      %while3A_89 = arith.constant 0 : i32
      %while3A_90 = arith.constant 0 : i32
      %while3A_91 = arith.subi %select_n3A_64, %while3A_90 : i32
      %while3A_92 = arith.addi %while3A_90, %while3A_91 : i32
      %while3A_93 = arith.constant 1 : i32
      %while3A_94 = arith.divsi %while3A_91, %while3A_93 : i32
      %while3A_95 = arith.muli %while3A_94, %while3A_93 : i32
      %while3A_96 = arith.addi %while3A_90, %while3A_95 : i32
      %while3A_97 = arith.constant 1 : i32
      scf.for %while3A_99 = %while3A_90 to %while3A_96 step %while3A_97  : i32 {
        %mul3A_100 = arith.constant 16 : i32
        %mul3A_101 = arith.muli %while3A_99, %mul3A_100 : i32
        %get3A_102 = arith.index_cast %mul3A_101 : i32 to index
        %get3A_103 = tpu.vector_load %arg7[%get3A_102] {strides = array<i32>} : memref<16384xi32, #tpu.memory_space<vmem>>, vector<16xi32>,
        %mul3A_104 = arith.constant 16 : i32
        %mul3A_105 = arith.muli %while3A_99, %mul3A_104 : i32
        %add3A_106 = vector.broadcast %mul3A_105 : i32 to vector<16xi32>
        %add3A_107 = arith.addi %add3A_106, %iota3A : vector<16xi32>
        %lt3A = vector.broadcast %reduce_max3A_38 : i32 to vector<16xi32>
        %lt3A_108 = arith.cmpi slt, %add3A_107, %lt3A : vector<16xi32>
        %and3A_109 = arith.constant 2047 : i32
        %and3A_110 = vector.broadcast %and3A_109 : i32 to vector<16xi32>
        %and3A_111 = arith.andi %get3A_103, %and3A_110 : vector<16xi32>
        %shift_right_arithmetic3A = arith.constant 11 : i32
        %shift_right_arithmetic3A_112 = vector.broadcast %shift_right_arithmetic3A : i32 to vector<16xi32>
        %shift_right_arithmetic3A_113 = arith.shrsi %get3A_103, %shift_right_arithmetic3A_112 : vector<16xi32>
        %and3A_114 = arith.constant 15 : i32
        %and3A_115 = vector.broadcast %and3A_114 : i32 to vector<16xi32>
        %and3A_116 = arith.andi %shift_right_arithmetic3A_113, %and3A_115 : vector<16xi32>
        %eq3A_117 = arith.constant 15 : i32
        %eq3A_118 = vector.broadcast %eq3A_117 : i32 to vector<16xi32>
        %eq3A_119 = arith.cmpi eq, %and3A_116, %eq3A_118 : vector<16xi32>
        %ge3A = arith.constant 512 : i32
        %ge3A_120 = vector.broadcast %ge3A : i32 to vector<16xi32>
        %ge3A_121 = arith.cmpi sge, %and3A_111, %ge3A_120 : vector<16xi32>
        %and3A_122 = arith.andi %eq3A_119, %ge3A_121 : vector<16xi1>
        %and3A_123 = arith.andi %lt3A_108, %and3A_122 : vector<16xi1>
        %reduce_or3A = arith.constant 1.000000e+00 : f32
        %reduce_or3A_124 = arith.constant 0.000000e+00 : f32
        %reduce_or3A_125 = vector.broadcast %reduce_or3A : f32 to vector<16xf32>
        %reduce_or3A_126 = vector.broadcast %reduce_or3A_124 : f32 to vector<16xf32>
        %reduce_or3A_127 = arith.select %and3A_123, %reduce_or3A_125, %reduce_or3A_126 : vector<16xi1>, vector<16xf32>
        %reduce_or3A_128 = arith.constant true
        %reduce_or3A_129 = vector.broadcast %reduce_or3A_128 : i1 to vector<16xi1>
        %reduce_or3A_130 = tpu.scan <max>, %reduce_or3A_127 masked %reduce_or3A_129 : vector<16xf32>, vector<16xi1> -> vector<16xf32>
        %reduce_or3A_131 = vector.extract %reduce_or3A_130[15] : f32 from vector<16xf32>
        %reduce_or3A_132 = arith.constant 0.000000e+00 : f32
        %reduce_or3A_133 = arith.cmpf ogt, %reduce_or3A_131, %reduce_or3A_132 : f32
        %convert_element_type3A_134 = arith.extui %reduce_or3A_133 : i1 to i32
        %cond3A_135 = arith.constant 0 : i32
        %cond3A_136 = arith.cmpi ne, %convert_element_type3A_134, %cond3A_135 : i32
        scf.if %cond3A_136 {
          %shift_right_arithmetic3A_137 = arith.constant 15 : i32
          %shift_right_arithmetic3A_138 = vector.broadcast %shift_right_arithmetic3A_137 : i32 to vector<16xi32>
          %shift_right_arithmetic3A_139 = arith.shrsi %get3A_103, %shift_right_arithmetic3A_138 : vector<16xi32>
          %add3A_140 = arith.constant 16384 : i32
          %add3A_141 = vector.broadcast %add3A_140 : i32 to vector<16xi32>
          %add3A_142 = arith.addi %add3A_141, %iota3A : vector<16xi32>
          %select_n3A_143 = arith.select %and3A_123, %shift_right_arithmetic3A_139, %add3A_142 : vector<16xi1>, vector<16xi32>
          %sub3A_144 = arith.constant 512 : i32
          %sub3A_145 = vector.broadcast %sub3A_144 : i32 to vector<16xi32>
          %sub3A_146 = arith.subi %and3A_111, %sub3A_145 : vector<16xi32>
          %jit3A_147 = arith.constant 0 : i32
          %broadcast_in_dim3A_148 = vector.broadcast %jit3A_147 : i32 to vector<16xi32>
          %select_n3A_149 = arith.select %and3A_123, %sub3A_146, %broadcast_in_dim3A_148 : vector<16xi1>, vector<16xi32>
          %get3A_150 = arith.constant 0 : i32
          %get3A_151 = arith.index_cast %get3A_150 : i32 to index
          %get3A_152 = memref.load %arg12[%get3A_151] : memref<8xi32, #tpu.memory_space<smem>>
          %jit3A_153 = arith.constant 3 : i32
          %eq3A_154 = arith.constant 0 : i32
          %eq3A_155 = arith.cmpi eq, %jit3A_153, %eq3A_154 : i32
          %jit3A_156 = arith.constant 1 : i32
          %select_n3A_157 = arith.select %eq3A_155, %jit3A_156, %jit3A_153 : i32
          %rem3A_158 = arith.remsi %get3A_152, %select_n3A_157 : i32
          %ne3A_159 = arith.constant 0 : i32
          %ne3A_160 = arith.cmpi ne, %rem3A_158, %ne3A_159 : i32
          %lt3A_161 = arith.constant 0 : i32
          %lt3A_162 = arith.cmpi slt, %rem3A_158, %lt3A_161 : i32
          %lt3A_163 = arith.constant 0 : i32
          %lt3A_164 = arith.cmpi slt, %select_n3A_157, %lt3A_163 : i32
          %ne3A_165 = arith.xori %lt3A_162, %lt3A_164 : i1
          %and3A_166 = arith.andi %ne3A_165, %ne3A_160 : i1
          %add3A_167 = arith.addi %rem3A_158, %select_n3A_157 : i32
          %select_n3A_168 = arith.select %and3A_166, %add3A_167, %rem3A_158 : i32
          %mul3A_169 = arith.constant 16 : i32
          %mul3A_170 = arith.muli %select_n3A_168, %mul3A_169 : i32
          %multiple_of3A = tpu.assume_multiple %mul3A_170, 16 : i32
          %ge3A_171 = arith.constant 3 : i32
          %ge3A_172 = arith.cmpi sge, %get3A_152, %ge3A_171 : i32
          %convert_element_type3A_173 = arith.extui %ge3A_172 : i1 to i32
          %cond3A_174 = arith.constant 0 : i32
          %cond3A_175 = arith.cmpi ne, %convert_element_type3A_173, %cond3A_174 : i32
          scf.if %cond3A_175 {
            %dma_wait3A = arith.constant 0 : i32
            %dma_wait3A_344 = arith.constant 0 : i32
            %dma_wait3A_345 = tpu.memref_slice %arg11[%dma_wait3A, %dma_wait3A_344] : memref<48x128xf32, #tpu.memory_space<vmem>> -> memref<16x128xf32, #tpu.memory_space<vmem>>
            %dma_wait3A_346 = arith.constant 0 : i32
            %dma_wait3A_347 = arith.constant 0 : i32
            %dma_wait3A_348 = tpu.memref_slice %arg3[%dma_wait3A_346, %dma_wait3A_347] : memref<32x1000000xf32, #tpu.memory_space<hbm>> -> memref<16x128xf32, #tpu.memory_space<hbm>>
            %dma_wait3A_349 = arith.constant 0 : i32
            %dma_wait3A_350 = arith.constant 0 : i32
            %dma_wait3A_351 = tpu.memref_slice %arg11[%dma_wait3A_349, %dma_wait3A_350] : memref<48x128xf32, #tpu.memory_space<vmem>> -> memref<16x128xf32, #tpu.memory_space<vmem>>
            %dma_wait3A_352 = arith.constant 0 : i32
            %dma_wait3A_353 = arith.constant 0 : i32
            %dma_wait3A_354 = tpu.memref_slice %arg3[%dma_wait3A_352, %dma_wait3A_353] : memref<32x1000000xf32, #tpu.memory_space<hbm>> -> memref<16x128xf32, #tpu.memory_space<hbm>>
            tpu.wait_dma2 semaphore(%arg14 : memref<!tpu.dma_semaphore, #tpu.memory_space<semaphore_mem>>) src(%dma_wait3A_354 : memref<16x128xf32, #tpu.memory_space<hbm>>) dst(%dma_wait3A_351 : memref<16x128xf32, #tpu.memory_space<vmem>>)
          } else {
          }
          %broadcast_in_dim3A_176 = arith.constant 0 : i32
          %broadcast_in_dim3A_177 = vector.broadcast %broadcast_in_dim3A_176 : i32 to vector<16xi32>
          %add3A_178 = vector.broadcast %multiple_of3A : i32 to vector<16xi32>
          %add3A_179 = arith.addi %add3A_178, %iota3A : vector<16xi32>
          %gather3A = tpu.vector_load_idx %arg10[%select_n3A_149, %broadcast_in_dim3A_177] : memref<64x32xf32, #tpu.memory_space<vmem>>[vector<16xi32>, vector<16xi32>], vector<16xf32>,
          tpu.vector_store_idx %arg11[%add3A_179, %broadcast_in_dim3A_177], %gather3A : memref<48x128xf32, #tpu.memory_space<vmem>>[vector<16xi32>, vector<16xi32>], vector<16xf32>,
          %broadcast_in_dim3A_180 = arith.constant 1 : i32
          %broadcast_in_dim3A_181 = vector.broadcast %broadcast_in_dim3A_180 : i32 to vector<16xi32>
          %add3A_182 = vector.broadcast %multiple_of3A : i32 to vector<16xi32>
          %add3A_183 = arith.addi %add3A_182, %iota3A : vector<16xi32>
          %gather3A_184 = tpu.vector_load_idx %arg10[%select_n3A_149, %broadcast_in_dim3A_181] : memref<64x32xf32, #tpu.memory_space<vmem>>[vector<16xi32>, vector<16xi32>], vector<16xf32>,
          tpu.vector_store_idx %arg11[%add3A_183, %broadcast_in_dim3A_181], %gather3A_184 : memref<48x128xf32, #tpu.memory_space<vmem>>[vector<16xi32>, vector<16xi32>], vector<16xf32>,
          %broadcast_in_dim3A_185 = arith.constant 2 : i32
          %broadcast_in_dim3A_186 = vector.broadcast %broadcast_in_dim3A_185 : i32 to vector<16xi32>
          %add3A_187 = vector.broadcast %multiple_of3A : i32 to vector<16xi32>
          %add3A_188 = arith.addi %add3A_187, %iota3A : vector<16xi32>
          %gather3A_189 = tpu.vector_load_idx %arg10[%select_n3A_149, %broadcast_in_dim3A_186] : memref<64x32xf32, #tpu.memory_space<vmem>>[vector<16xi32>, vector<16xi32>], vector<16xf32>,
          tpu.vector_store_idx %arg11[%add3A_188, %broadcast_in_dim3A_186], %gather3A_189 : memref<48x128xf32, #tpu.memory_space<vmem>>[vector<16xi32>, vector<16xi32>], vector<16xf32>,
          %broadcast_in_dim3A_190 = arith.constant 3 : i32
          %broadcast_in_dim3A_191 = vector.broadcast %broadcast_in_dim3A_190 : i32 to vector<16xi32>
          %add3A_192 = vector.broadcast %multiple_of3A : i32 to vector<16xi32>
          %add3A_193 = arith.addi %add3A_192, %iota3A : vector<16xi32>
          %gather3A_194 = tpu.vector_load_idx %arg10[%select_n3A_149, %broadcast_in_dim3A_191] : memref<64x32xf32, #tpu.memory_space<vmem>>[vector<16xi32>, vector<16xi32>], vector<16xf32>,
          tpu.vector_store_idx %arg11[%add3A_193, %broadcast_in_dim3A_191], %gather3A_194 : memref<48x128xf32, #tpu.memory_space<vmem>>[vector<16xi32>, vector<16xi32>], vector<16xf32>,
          %broadcast_in_dim3A_195 = arith.constant 4 : i32
          %broadcast_in_dim3A_196 = vector.broadcast %broadcast_in_dim3A_195 : i32 to vector<16xi32>
          %add3A_197 = vector.broadcast %multiple_of3A : i32 to vector<16xi32>
          %add3A_198 = arith.addi %add3A_197, %iota3A : vector<16xi32>
          %gather3A_199 = tpu.vector_load_idx %arg10[%select_n3A_149, %broadcast_in_dim3A_196] : memref<64x32xf32, #tpu.memory_space<vmem>>[vector<16xi32>, vector<16xi32>], vector<16xf32>,
          tpu.vector_store_idx %arg11[%add3A_198, %broadcast_in_dim3A_196], %gather3A_199 : memref<48x128xf32, #tpu.memory_space<vmem>>[vector<16xi32>, vector<16xi32>], vector<16xf32>,
          %broadcast_in_dim3A_200 = arith.constant 5 : i32
          %broadcast_in_dim3A_201 = vector.broadcast %broadcast_in_dim3A_200 : i32 to vector<16xi32>
          %add3A_202 = vector.broadcast %multiple_of3A : i32 to vector<16xi32>
          %add3A_203 = arith.addi %add3A_202, %iota3A : vector<16xi32>
          %gather3A_204 = tpu.vector_load_idx %arg10[%select_n3A_149, %broadcast_in_dim3A_201] : memref<64x32xf32, #tpu.memory_space<vmem>>[vector<16xi32>, vector<16xi32>], vector<16xf32>,
          tpu.vector_store_idx %arg11[%add3A_203, %broadcast_in_dim3A_201], %gather3A_204 : memref<48x128xf32, #tpu.memory_space<vmem>>[vector<16xi32>, vector<16xi32>], vector<16xf32>,
          %broadcast_in_dim3A_205 = arith.constant 6 : i32
          %broadcast_in_dim3A_206 = vector.broadcast %broadcast_in_dim3A_205 : i32 to vector<16xi32>
          %add3A_207 = vector.broadcast %multiple_of3A : i32 to vector<16xi32>
          %add3A_208 = arith.addi %add3A_207, %iota3A : vector<16xi32>
          %gather3A_209 = tpu.vector_load_idx %arg10[%select_n3A_149, %broadcast_in_dim3A_206] : memref<64x32xf32, #tpu.memory_space<vmem>>[vector<16xi32>, vector<16xi32>], vector<16xf32>,
          tpu.vector_store_idx %arg11[%add3A_208, %broadcast_in_dim3A_206], %gather3A_209 : memref<48x128xf32, #tpu.memory_space<vmem>>[vector<16xi32>, vector<16xi32>], vector<16xf32>,
          %broadcast_in_dim3A_210 = arith.constant 7 : i32
          %broadcast_in_dim3A_211 = vector.broadcast %broadcast_in_dim3A_210 : i32 to vector<16xi32>
          %add3A_212 = vector.broadcast %multiple_of3A : i32 to vector<16xi32>
          %add3A_213 = arith.addi %add3A_212, %iota3A : vector<16xi32>
          %gather3A_214 = tpu.vector_load_idx %arg10[%select_n3A_149, %broadcast_in_dim3A_211] : memref<64x32xf32, #tpu.memory_space<vmem>>[vector<16xi32>, vector<16xi32>], vector<16xf32>,
          tpu.vector_store_idx %arg11[%add3A_213, %broadcast_in_dim3A_211], %gather3A_214 : memref<48x128xf32, #tpu.memory_space<vmem>>[vector<16xi32>, vector<16xi32>], vector<16xf32>,
          %broadcast_in_dim3A_215 = arith.constant 8 : i32
          %broadcast_in_dim3A_216 = vector.broadcast %broadcast_in_dim3A_215 : i32 to vector<16xi32>
          %add3A_217 = vector.broadcast %multiple_of3A : i32 to vector<16xi32>
          %add3A_218 = arith.addi %add3A_217, %iota3A : vector<16xi32>
          %gather3A_219 = tpu.vector_load_idx %arg10[%select_n3A_149, %broadcast_in_dim3A_216] : memref<64x32xf32, #tpu.memory_space<vmem>>[vector<16xi32>, vector<16xi32>], vector<16xf32>,
          tpu.vector_store_idx %arg11[%add3A_218, %broadcast_in_dim3A_216], %gather3A_219 : memref<48x128xf32, #tpu.memory_space<vmem>>[vector<16xi32>, vector<16xi32>], vector<16xf32>,
          %broadcast_in_dim3A_220 = arith.constant 9 : i32
          %broadcast_in_dim3A_221 = vector.broadcast %broadcast_in_dim3A_220 : i32 to vector<16xi32>
          %add3A_222 = vector.broadcast %multiple_of3A : i32 to vector<16xi32>
          %add3A_223 = arith.addi %add3A_222, %iota3A : vector<16xi32>
          %gather3A_224 = tpu.vector_load_idx %arg10[%select_n3A_149, %broadcast_in_dim3A_221] : memref<64x32xf32, #tpu.memory_space<vmem>>[vector<16xi32>, vector<16xi32>], vector<16xf32>,
          tpu.vector_store_idx %arg11[%add3A_223, %broadcast_in_dim3A_221], %gather3A_224 : memref<48x128xf32, #tpu.memory_space<vmem>>[vector<16xi32>, vector<16xi32>], vector<16xf32>,
          %broadcast_in_dim3A_225 = arith.constant 10 : i32
          %broadcast_in_dim3A_226 = vector.broadcast %broadcast_in_dim3A_225 : i32 to vector<16xi32>
          %add3A_227 = vector.broadcast %multiple_of3A : i32 to vector<16xi32>
          %add3A_228 = arith.addi %add3A_227, %iota3A : vector<16xi32>
          %gather3A_229 = tpu.vector_load_idx %arg10[%select_n3A_149, %broadcast_in_dim3A_226] : memref<64x32xf32, #tpu.memory_space<vmem>>[vector<16xi32>, vector<16xi32>], vector<16xf32>,
          tpu.vector_store_idx %arg11[%add3A_228, %broadcast_in_dim3A_226], %gather3A_229 : memref<48x128xf32, #tpu.memory_space<vmem>>[vector<16xi32>, vector<16xi32>], vector<16xf32>,
          %broadcast_in_dim3A_230 = arith.constant 11 : i32
          %broadcast_in_dim3A_231 = vector.broadcast %broadcast_in_dim3A_230 : i32 to vector<16xi32>
          %add3A_232 = vector.broadcast %multiple_of3A : i32 to vector<16xi32>
          %add3A_233 = arith.addi %add3A_232, %iota3A : vector<16xi32>
          %gather3A_234 = tpu.vector_load_idx %arg10[%select_n3A_149, %broadcast_in_dim3A_231] : memref<64x32xf32, #tpu.memory_space<vmem>>[vector<16xi32>, vector<16xi32>], vector<16xf32>,
          tpu.vector_store_idx %arg11[%add3A_233, %broadcast_in_dim3A_231], %gather3A_234 : memref<48x128xf32, #tpu.memory_space<vmem>>[vector<16xi32>, vector<16xi32>], vector<16xf32>,
          %broadcast_in_dim3A_235 = arith.constant 12 : i32
          %broadcast_in_dim3A_236 = vector.broadcast %broadcast_in_dim3A_235 : i32 to vector<16xi32>
          %add3A_237 = vector.broadcast %multiple_of3A : i32 to vector<16xi32>
          %add3A_238 = arith.addi %add3A_237, %iota3A : vector<16xi32>
          %gather3A_239 = tpu.vector_load_idx %arg10[%select_n3A_149, %broadcast_in_dim3A_236] : memref<64x32xf32, #tpu.memory_space<vmem>>[vector<16xi32>, vector<16xi32>], vector<16xf32>,
          tpu.vector_store_idx %arg11[%add3A_238, %broadcast_in_dim3A_236], %gather3A_239 : memref<48x128xf32, #tpu.memory_space<vmem>>[vector<16xi32>, vector<16xi32>], vector<16xf32>,
          %broadcast_in_dim3A_240 = arith.constant 13 : i32
          %broadcast_in_dim3A_241 = vector.broadcast %broadcast_in_dim3A_240 : i32 to vector<16xi32>
          %add3A_242 = vector.broadcast %multiple_of3A : i32 to vector<16xi32>
          %add3A_243 = arith.addi %add3A_242, %iota3A : vector<16xi32>
          %gather3A_244 = tpu.vector_load_idx %arg10[%select_n3A_149, %broadcast_in_dim3A_241] : memref<64x32xf32, #tpu.memory_space<vmem>>[vector<16xi32>, vector<16xi32>], vector<16xf32>,
          tpu.vector_store_idx %arg11[%add3A_243, %broadcast_in_dim3A_241], %gather3A_244 : memref<48x128xf32, #tpu.memory_space<vmem>>[vector<16xi32>, vector<16xi32>], vector<16xf32>,
          %broadcast_in_dim3A_245 = arith.constant 14 : i32
          %broadcast_in_dim3A_246 = vector.broadcast %broadcast_in_dim3A_245 : i32 to vector<16xi32>
          %add3A_247 = vector.broadcast %multiple_of3A : i32 to vector<16xi32>
          %add3A_248 = arith.addi %add3A_247, %iota3A : vector<16xi32>
          %gather3A_249 = tpu.vector_load_idx %arg10[%select_n3A_149, %broadcast_in_dim3A_246] : memref<64x32xf32, #tpu.memory_space<vmem>>[vector<16xi32>, vector<16xi32>], vector<16xf32>,
          tpu.vector_store_idx %arg11[%add3A_248, %broadcast_in_dim3A_246], %gather3A_249 : memref<48x128xf32, #tpu.memory_space<vmem>>[vector<16xi32>, vector<16xi32>], vector<16xf32>,
          %broadcast_in_dim3A_250 = arith.constant 15 : i32
          %broadcast_in_dim3A_251 = vector.broadcast %broadcast_in_dim3A_250 : i32 to vector<16xi32>
          %add3A_252 = vector.broadcast %multiple_of3A : i32 to vector<16xi32>
          %add3A_253 = arith.addi %add3A_252, %iota3A : vector<16xi32>
          %gather3A_254 = tpu.vector_load_idx %arg10[%select_n3A_149, %broadcast_in_dim3A_251] : memref<64x32xf32, #tpu.memory_space<vmem>>[vector<16xi32>, vector<16xi32>], vector<16xf32>,
          tpu.vector_store_idx %arg11[%add3A_253, %broadcast_in_dim3A_251], %gather3A_254 : memref<48x128xf32, #tpu.memory_space<vmem>>[vector<16xi32>, vector<16xi32>], vector<16xf32>,
          %broadcast_in_dim3A_255 = arith.constant 16 : i32
          %broadcast_in_dim3A_256 = vector.broadcast %broadcast_in_dim3A_255 : i32 to vector<16xi32>
          %add3A_257 = vector.broadcast %multiple_of3A : i32 to vector<16xi32>
          %add3A_258 = arith.addi %add3A_257, %iota3A : vector<16xi32>
          %gather3A_259 = tpu.vector_load_idx %arg10[%select_n3A_149, %broadcast_in_dim3A_256] : memref<64x32xf32, #tpu.memory_space<vmem>>[vector<16xi32>, vector<16xi32>], vector<16xf32>,
          tpu.vector_store_idx %arg11[%add3A_258, %broadcast_in_dim3A_256], %gather3A_259 : memref<48x128xf32, #tpu.memory_space<vmem>>[vector<16xi32>, vector<16xi32>], vector<16xf32>,
          %broadcast_in_dim3A_260 = arith.constant 17 : i32
          %broadcast_in_dim3A_261 = vector.broadcast %broadcast_in_dim3A_260 : i32 to vector<16xi32>
          %add3A_262 = vector.broadcast %multiple_of3A : i32 to vector<16xi32>
          %add3A_263 = arith.addi %add3A_262, %iota3A : vector<16xi32>
          %gather3A_264 = tpu.vector_load_idx %arg10[%select_n3A_149, %broadcast_in_dim3A_261] : memref<64x32xf32, #tpu.memory_space<vmem>>[vector<16xi32>, vector<16xi32>], vector<16xf32>,
          tpu.vector_store_idx %arg11[%add3A_263, %broadcast_in_dim3A_261], %gather3A_264 : memref<48x128xf32, #tpu.memory_space<vmem>>[vector<16xi32>, vector<16xi32>], vector<16xf32>,
          %broadcast_in_dim3A_265 = arith.constant 18 : i32
          %broadcast_in_dim3A_266 = vector.broadcast %broadcast_in_dim3A_265 : i32 to vector<16xi32>
          %add3A_267 = vector.broadcast %multiple_of3A : i32 to vector<16xi32>
          %add3A_268 = arith.addi %add3A_267, %iota3A : vector<16xi32>
          %gather3A_269 = tpu.vector_load_idx %arg10[%select_n3A_149, %broadcast_in_dim3A_266] : memref<64x32xf32, #tpu.memory_space<vmem>>[vector<16xi32>, vector<16xi32>], vector<16xf32>,
          tpu.vector_store_idx %arg11[%add3A_268, %broadcast_in_dim3A_266], %gather3A_269 : memref<48x128xf32, #tpu.memory_space<vmem>>[vector<16xi32>, vector<16xi32>], vector<16xf32>,
          %broadcast_in_dim3A_270 = arith.constant 19 : i32
          %broadcast_in_dim3A_271 = vector.broadcast %broadcast_in_dim3A_270 : i32 to vector<16xi32>
          %add3A_272 = vector.broadcast %multiple_of3A : i32 to vector<16xi32>
          %add3A_273 = arith.addi %add3A_272, %iota3A : vector<16xi32>
          %gather3A_274 = tpu.vector_load_idx %arg10[%select_n3A_149, %broadcast_in_dim3A_271] : memref<64x32xf32, #tpu.memory_space<vmem>>[vector<16xi32>, vector<16xi32>], vector<16xf32>,
          tpu.vector_store_idx %arg11[%add3A_273, %broadcast_in_dim3A_271], %gather3A_274 : memref<48x128xf32, #tpu.memory_space<vmem>>[vector<16xi32>, vector<16xi32>], vector<16xf32>,
          %broadcast_in_dim3A_275 = arith.constant 20 : i32
          %broadcast_in_dim3A_276 = vector.broadcast %broadcast_in_dim3A_275 : i32 to vector<16xi32>
          %add3A_277 = vector.broadcast %multiple_of3A : i32 to vector<16xi32>
          %add3A_278 = arith.addi %add3A_277, %iota3A : vector<16xi32>
          %gather3A_279 = tpu.vector_load_idx %arg10[%select_n3A_149, %broadcast_in_dim3A_276] : memref<64x32xf32, #tpu.memory_space<vmem>>[vector<16xi32>, vector<16xi32>], vector<16xf32>,
          tpu.vector_store_idx %arg11[%add3A_278, %broadcast_in_dim3A_276], %gather3A_279 : memref<48x128xf32, #tpu.memory_space<vmem>>[vector<16xi32>, vector<16xi32>], vector<16xf32>,
          %broadcast_in_dim3A_280 = arith.constant 21 : i32
          %broadcast_in_dim3A_281 = vector.broadcast %broadcast_in_dim3A_280 : i32 to vector<16xi32>
          %add3A_282 = vector.broadcast %multiple_of3A : i32 to vector<16xi32>
          %add3A_283 = arith.addi %add3A_282, %iota3A : vector<16xi32>
          %gather3A_284 = tpu.vector_load_idx %arg10[%select_n3A_149, %broadcast_in_dim3A_281] : memref<64x32xf32, #tpu.memory_space<vmem>>[vector<16xi32>, vector<16xi32>], vector<16xf32>,
          tpu.vector_store_idx %arg11[%add3A_283, %broadcast_in_dim3A_281], %gather3A_284 : memref<48x128xf32, #tpu.memory_space<vmem>>[vector<16xi32>, vector<16xi32>], vector<16xf32>,
          %broadcast_in_dim3A_285 = arith.constant 22 : i32
          %broadcast_in_dim3A_286 = vector.broadcast %broadcast_in_dim3A_285 : i32 to vector<16xi32>
          %add3A_287 = vector.broadcast %multiple_of3A : i32 to vector<16xi32>
          %add3A_288 = arith.addi %add3A_287, %iota3A : vector<16xi32>
          %gather3A_289 = tpu.vector_load_idx %arg10[%select_n3A_149, %broadcast_in_dim3A_286] : memref<64x32xf32, #tpu.memory_space<vmem>>[vector<16xi32>, vector<16xi32>], vector<16xf32>,
          tpu.vector_store_idx %arg11[%add3A_288, %broadcast_in_dim3A_286], %gather3A_289 : memref<48x128xf32, #tpu.memory_space<vmem>>[vector<16xi32>, vector<16xi32>], vector<16xf32>,
          %broadcast_in_dim3A_290 = arith.constant 23 : i32
          %broadcast_in_dim3A_291 = vector.broadcast %broadcast_in_dim3A_290 : i32 to vector<16xi32>
          %add3A_292 = vector.broadcast %multiple_of3A : i32 to vector<16xi32>
          %add3A_293 = arith.addi %add3A_292, %iota3A : vector<16xi32>
          %gather3A_294 = tpu.vector_load_idx %arg10[%select_n3A_149, %broadcast_in_dim3A_291] : memref<64x32xf32, #tpu.memory_space<vmem>>[vector<16xi32>, vector<16xi32>], vector<16xf32>,
          tpu.vector_store_idx %arg11[%add3A_293, %broadcast_in_dim3A_291], %gather3A_294 : memref<48x128xf32, #tpu.memory_space<vmem>>[vector<16xi32>, vector<16xi32>], vector<16xf32>,
          %broadcast_in_dim3A_295 = arith.constant 24 : i32
          %broadcast_in_dim3A_296 = vector.broadcast %broadcast_in_dim3A_295 : i32 to vector<16xi32>
          %add3A_297 = vector.broadcast %multiple_of3A : i32 to vector<16xi32>
          %add3A_298 = arith.addi %add3A_297, %iota3A : vector<16xi32>
          %gather3A_299 = tpu.vector_load_idx %arg10[%select_n3A_149, %broadcast_in_dim3A_296] : memref<64x32xf32, #tpu.memory_space<vmem>>[vector<16xi32>, vector<16xi32>], vector<16xf32>,
          tpu.vector_store_idx %arg11[%add3A_298, %broadcast_in_dim3A_296], %gather3A_299 : memref<48x128xf32, #tpu.memory_space<vmem>>[vector<16xi32>, vector<16xi32>], vector<16xf32>,
          %broadcast_in_dim3A_300 = arith.constant 25 : i32
          %broadcast_in_dim3A_301 = vector.broadcast %broadcast_in_dim3A_300 : i32 to vector<16xi32>
          %add3A_302 = vector.broadcast %multiple_of3A : i32 to vector<16xi32>
          %add3A_303 = arith.addi %add3A_302, %iota3A : vector<16xi32>
          %gather3A_304 = tpu.vector_load_idx %arg10[%select_n3A_149, %broadcast_in_dim3A_301] : memref<64x32xf32, #tpu.memory_space<vmem>>[vector<16xi32>, vector<16xi32>], vector<16xf32>,
          tpu.vector_store_idx %arg11[%add3A_303, %broadcast_in_dim3A_301], %gather3A_304 : memref<48x128xf32, #tpu.memory_space<vmem>>[vector<16xi32>, vector<16xi32>], vector<16xf32>,
          %broadcast_in_dim3A_305 = arith.constant 26 : i32
          %broadcast_in_dim3A_306 = vector.broadcast %broadcast_in_dim3A_305 : i32 to vector<16xi32>
          %add3A_307 = vector.broadcast %multiple_of3A : i32 to vector<16xi32>
          %add3A_308 = arith.addi %add3A_307, %iota3A : vector<16xi32>
          %gather3A_309 = tpu.vector_load_idx %arg10[%select_n3A_149, %broadcast_in_dim3A_306] : memref<64x32xf32, #tpu.memory_space<vmem>>[vector<16xi32>, vector<16xi32>], vector<16xf32>,
          tpu.vector_store_idx %arg11[%add3A_308, %broadcast_in_dim3A_306], %gather3A_309 : memref<48x128xf32, #tpu.memory_space<vmem>>[vector<16xi32>, vector<16xi32>], vector<16xf32>,
          %broadcast_in_dim3A_310 = arith.constant 27 : i32
          %broadcast_in_dim3A_311 = vector.broadcast %broadcast_in_dim3A_310 : i32 to vector<16xi32>
          %add3A_312 = vector.broadcast %multiple_of3A : i32 to vector<16xi32>
          %add3A_313 = arith.addi %add3A_312, %iota3A : vector<16xi32>
          %gather3A_314 = tpu.vector_load_idx %arg10[%select_n3A_149, %broadcast_in_dim3A_311] : memref<64x32xf32, #tpu.memory_space<vmem>>[vector<16xi32>, vector<16xi32>], vector<16xf32>,
          tpu.vector_store_idx %arg11[%add3A_313, %broadcast_in_dim3A_311], %gather3A_314 : memref<48x128xf32, #tpu.memory_space<vmem>>[vector<16xi32>, vector<16xi32>], vector<16xf32>,
          %broadcast_in_dim3A_315 = arith.constant 28 : i32
          %broadcast_in_dim3A_316 = vector.broadcast %broadcast_in_dim3A_315 : i32 to vector<16xi32>
          %add3A_317 = vector.broadcast %multiple_of3A : i32 to vector<16xi32>
          %add3A_318 = arith.addi %add3A_317, %iota3A : vector<16xi32>
          %gather3A_319 = tpu.vector_load_idx %arg10[%select_n3A_149, %broadcast_in_dim3A_316] : memref<64x32xf32, #tpu.memory_space<vmem>>[vector<16xi32>, vector<16xi32>], vector<16xf32>,
          tpu.vector_store_idx %arg11[%add3A_318, %broadcast_in_dim3A_316], %gather3A_319 : memref<48x128xf32, #tpu.memory_space<vmem>>[vector<16xi32>, vector<16xi32>], vector<16xf32>,
          %broadcast_in_dim3A_320 = arith.constant 29 : i32
          %broadcast_in_dim3A_321 = vector.broadcast %broadcast_in_dim3A_320 : i32 to vector<16xi32>
          %add3A_322 = vector.broadcast %multiple_of3A : i32 to vector<16xi32>
          %add3A_323 = arith.addi %add3A_322, %iota3A : vector<16xi32>
          %gather3A_324 = tpu.vector_load_idx %arg10[%select_n3A_149, %broadcast_in_dim3A_321] : memref<64x32xf32, #tpu.memory_space<vmem>>[vector<16xi32>, vector<16xi32>], vector<16xf32>,
          tpu.vector_store_idx %arg11[%add3A_323, %broadcast_in_dim3A_321], %gather3A_324 : memref<48x128xf32, #tpu.memory_space<vmem>>[vector<16xi32>, vector<16xi32>], vector<16xf32>,
          %broadcast_in_dim3A_325 = arith.constant 30 : i32
          %broadcast_in_dim3A_326 = vector.broadcast %broadcast_in_dim3A_325 : i32 to vector<16xi32>
          %add3A_327 = vector.broadcast %multiple_of3A : i32 to vector<16xi32>
          %add3A_328 = arith.addi %add3A_327, %iota3A : vector<16xi32>
          %gather3A_329 = tpu.vector_load_idx %arg10[%select_n3A_149, %broadcast_in_dim3A_326] : memref<64x32xf32, #tpu.memory_space<vmem>>[vector<16xi32>, vector<16xi32>], vector<16xf32>,
          tpu.vector_store_idx %arg11[%add3A_328, %broadcast_in_dim3A_326], %gather3A_329 : memref<48x128xf32, #tpu.memory_space<vmem>>[vector<16xi32>, vector<16xi32>], vector<16xf32>,
          %broadcast_in_dim3A_330 = arith.constant 31 : i32
          %broadcast_in_dim3A_331 = vector.broadcast %broadcast_in_dim3A_330 : i32 to vector<16xi32>
          %add3A_332 = vector.broadcast %multiple_of3A : i32 to vector<16xi32>
          %add3A_333 = arith.addi %add3A_332, %iota3A : vector<16xi32>
          %gather3A_334 = tpu.vector_load_idx %arg10[%select_n3A_149, %broadcast_in_dim3A_331] : memref<64x32xf32, #tpu.memory_space<vmem>>[vector<16xi32>, vector<16xi32>], vector<16xf32>,
          tpu.vector_store_idx %arg11[%add3A_333, %broadcast_in_dim3A_331], %gather3A_334 : memref<48x128xf32, #tpu.memory_space<vmem>>[vector<16xi32>, vector<16xi32>], vector<16xf32>,
          %dma_start3A = arith.constant 0 : i32
          %dma_start3A_335 = tpu.memref_slice %arg11[%multiple_of3A, %dma_start3A] : memref<48x128xf32, #tpu.memory_space<vmem>> -> memref<16x128xf32, #tpu.memory_space<vmem>>
          %dma_start3A_336 = arith.constant 0 : i32
          %dma_start3A_337 = arith.constant 0 : i32
          %dma_start3A_338 = tpu.memref_slice %arg5[%dma_start3A_336, %dma_start3A_337] : memref<16416x128xf32, #tpu.memory_space<hbm>> -> memref<16416x128xf32, #tpu.memory_space<hbm>>
          tpu.enqueue_indirect_dma source(%dma_start3A_335 : memref<16x128xf32, #tpu.memory_space<vmem>>) target(%dma_start3A_338 : memref<16416x128xf32, #tpu.memory_space<hbm>>) offsets(%select_n3A_143 : vector<16xi32>) semaphore(%arg14 : memref<!tpu.dma_semaphore, #tpu.memory_space<semaphore_mem>>)
          %add3A_339 = arith.constant 1 : i32
          %add3A_340 = arith.addi %get3A_152, %add3A_339 : i32
          %swap3A_341 = arith.constant 0 : i32
          %swap3A_342 = arith.index_cast %swap3A_341 : i32 to index
          %swap3A_343 = memref.load %arg12[%swap3A_342] : memref<8xi32, #tpu.memory_space<smem>>
          memref.store %add3A_340, %arg12[%swap3A_342] : memref<8xi32, #tpu.memory_space<smem>>
        } else {
        }
      }
      %while3A_98 = arith.constant 1 : i32
      scf.for %while3A_99 = %while3A_96 to %while3A_92 step %while3A_98  : i32 {
        %mul3A_100 = arith.constant 16 : i32
        %mul3A_101 = arith.muli %while3A_99, %mul3A_100 : i32
        %get3A_102 = arith.index_cast %mul3A_101 : i32 to index
        %get3A_103 = tpu.vector_load %arg7[%get3A_102] {strides = array<i32>} : memref<16384xi32, #tpu.memory_space<vmem>>, vector<16xi32>,
        %mul3A_104 = arith.constant 16 : i32
        %mul3A_105 = arith.muli %while3A_99, %mul3A_104 : i32
        %add3A_106 = vector.broadcast %mul3A_105 : i32 to vector<16xi32>
        %add3A_107 = arith.addi %add3A_106, %iota3A : vector<16xi32>
        %lt3A = vector.broadcast %reduce_max3A_38 : i32 to vector<16xi32>
        %lt3A_108 = arith.cmpi slt, %add3A_107, %lt3A : vector<16xi32>
        %and3A_109 = arith.constant 2047 : i32
        %and3A_110 = vector.broadcast %and3A_109 : i32 to vector<16xi32>
        %and3A_111 = arith.andi %get3A_103, %and3A_110 : vector<16xi32>
        %shift_right_arithmetic3A = arith.constant 11 : i32
        %shift_right_arithmetic3A_112 = vector.broadcast %shift_right_arithmetic3A : i32 to vector<16xi32>
        %shift_right_arithmetic3A_113 = arith.shrsi %get3A_103, %shift_right_arithmetic3A_112 : vector<16xi32>
        %and3A_114 = arith.constant 15 : i32
        %and3A_115 = vector.broadcast %and3A_114 : i32 to vector<16xi32>
        %and3A_116 = arith.andi %shift_right_arithmetic3A_113, %and3A_115 : vector<16xi32>
        %eq3A_117 = arith.constant 15 : i32
        %eq3A_118 = vector.broadcast %eq3A_117 : i32 to vector<16xi32>
        %eq3A_119 = arith.cmpi eq, %and3A_116, %eq3A_118 : vector<16xi32>
        %ge3A = arith.constant 512 : i32
        %ge3A_120 = vector.broadcast %ge3A : i32 to vector<16xi32>
        %ge3A_121 = arith.cmpi sge, %and3A_111, %ge3A_120 : vector<16xi32>
        %and3A_122 = arith.andi %eq3A_119, %ge3A_121 : vector<16xi1>
        %and3A_123 = arith.andi %lt3A_108, %and3A_122 : vector<16xi1>
        %reduce_or3A = arith.constant 1.000000e+00 : f32
        %reduce_or3A_124 = arith.constant 0.000000e+00 : f32
        %reduce_or3A_125 = vector.broadcast %reduce_or3A : f32 to vector<16xf32>
        %reduce_or3A_126 = vector.broadcast %reduce_or3A_124 : f32 to vector<16xf32>
        %reduce_or3A_127 = arith.select %and3A_123, %reduce_or3A_125, %reduce_or3A_126 : vector<16xi1>, vector<16xf32>
        %reduce_or3A_128 = arith.constant true
        %reduce_or3A_129 = vector.broadcast %reduce_or3A_128 : i1 to vector<16xi1>
        %reduce_or3A_130 = tpu.scan <max>, %reduce_or3A_127 masked %reduce_or3A_129 : vector<16xf32>, vector<16xi1> -> vector<16xf32>
        %reduce_or3A_131 = vector.extract %reduce_or3A_130[15] : f32 from vector<16xf32>
        %reduce_or3A_132 = arith.constant 0.000000e+00 : f32
        %reduce_or3A_133 = arith.cmpf ogt, %reduce_or3A_131, %reduce_or3A_132 : f32
        %convert_element_type3A_134 = arith.extui %reduce_or3A_133 : i1 to i32
        %cond3A_135 = arith.constant 0 : i32
        %cond3A_136 = arith.cmpi ne, %convert_element_type3A_134, %cond3A_135 : i32
        scf.if %cond3A_136 {
          %shift_right_arithmetic3A_137 = arith.constant 15 : i32
          %shift_right_arithmetic3A_138 = vector.broadcast %shift_right_arithmetic3A_137 : i32 to vector<16xi32>
          %shift_right_arithmetic3A_139 = arith.shrsi %get3A_103, %shift_right_arithmetic3A_138 : vector<16xi32>
          %add3A_140 = arith.constant 16384 : i32
          %add3A_141 = vector.broadcast %add3A_140 : i32 to vector<16xi32>
          %add3A_142 = arith.addi %add3A_141, %iota3A : vector<16xi32>
          %select_n3A_143 = arith.select %and3A_123, %shift_right_arithmetic3A_139, %add3A_142 : vector<16xi1>, vector<16xi32>
          %sub3A_144 = arith.constant 512 : i32
          %sub3A_145 = vector.broadcast %sub3A_144 : i32 to vector<16xi32>
          %sub3A_146 = arith.subi %and3A_111, %sub3A_145 : vector<16xi32>
          %jit3A_147 = arith.constant 0 : i32
          %broadcast_in_dim3A_148 = vector.broadcast %jit3A_147 : i32 to vector<16xi32>
          %select_n3A_149 = arith.select %and3A_123, %sub3A_146, %broadcast_in_dim3A_148 : vector<16xi1>, vector<16xi32>
          %get3A_150 = arith.constant 0 : i32
          %get3A_151 = arith.index_cast %get3A_150 : i32 to index
          %get3A_152 = memref.load %arg12[%get3A_151] : memref<8xi32, #tpu.memory_space<smem>>
          %jit3A_153 = arith.constant 3 : i32
          %eq3A_154 = arith.constant 0 : i32
          %eq3A_155 = arith.cmpi eq, %jit3A_153, %eq3A_154 : i32
          %jit3A_156 = arith.constant 1 : i32
          %select_n3A_157 = arith.select %eq3A_155, %jit3A_156, %jit3A_153 : i32
          %rem3A_158 = arith.remsi %get3A_152, %select_n3A_157 : i32
          %ne3A_159 = arith.constant 0 : i32
          %ne3A_160 = arith.cmpi ne, %rem3A_158, %ne3A_159 : i32
          %lt3A_161 = arith.constant 0 : i32
          %lt3A_162 = arith.cmpi slt, %rem3A_158, %lt3A_161 : i32
          %lt3A_163 = arith.constant 0 : i32
          %lt3A_164 = arith.cmpi slt, %select_n3A_157, %lt3A_163 : i32
          %ne3A_165 = arith.xori %lt3A_162, %lt3A_164 : i1
          %and3A_166 = arith.andi %ne3A_165, %ne3A_160 : i1
          %add3A_167 = arith.addi %rem3A_158, %select_n3A_157 : i32
          %select_n3A_168 = arith.select %and3A_166, %add3A_167, %rem3A_158 : i32
          %mul3A_169 = arith.constant 16 : i32
          %mul3A_170 = arith.muli %select_n3A_168, %mul3A_169 : i32
          %multiple_of3A = tpu.assume_multiple %mul3A_170, 16 : i32
          %ge3A_171 = arith.constant 3 : i32
          %ge3A_172 = arith.cmpi sge, %get3A_152, %ge3A_171 : i32
          %convert_element_type3A_173 = arith.extui %ge3A_172 : i1 to i32
          %cond3A_174 = arith.constant 0 : i32
          %cond3A_175 = arith.cmpi ne, %convert_element_type3A_173, %cond3A_174 : i32
          scf.if %cond3A_175 {
            %dma_wait3A = arith.constant 0 : i32
            %dma_wait3A_344 = arith.constant 0 : i32
            %dma_wait3A_345 = tpu.memref_slice %arg11[%dma_wait3A, %dma_wait3A_344] : memref<48x128xf32, #tpu.memory_space<vmem>> -> memref<16x128xf32, #tpu.memory_space<vmem>>
            %dma_wait3A_346 = arith.constant 0 : i32
            %dma_wait3A_347 = arith.constant 0 : i32
            %dma_wait3A_348 = tpu.memref_slice %arg3[%dma_wait3A_346, %dma_wait3A_347] : memref<32x1000000xf32, #tpu.memory_space<hbm>> -> memref<16x128xf32, #tpu.memory_space<hbm>>
            %dma_wait3A_349 = arith.constant 0 : i32
            %dma_wait3A_350 = arith.constant 0 : i32
            %dma_wait3A_351 = tpu.memref_slice %arg11[%dma_wait3A_349, %dma_wait3A_350] : memref<48x128xf32, #tpu.memory_space<vmem>> -> memref<16x128xf32, #tpu.memory_space<vmem>>
            %dma_wait3A_352 = arith.constant 0 : i32
            %dma_wait3A_353 = arith.constant 0 : i32
            %dma_wait3A_354 = tpu.memref_slice %arg3[%dma_wait3A_352, %dma_wait3A_353] : memref<32x1000000xf32, #tpu.memory_space<hbm>> -> memref<16x128xf32, #tpu.memory_space<hbm>>
            tpu.wait_dma2 semaphore(%arg14 : memref<!tpu.dma_semaphore, #tpu.memory_space<semaphore_mem>>) src(%dma_wait3A_354 : memref<16x128xf32, #tpu.memory_space<hbm>>) dst(%dma_wait3A_351 : memref<16x128xf32, #tpu.memory_space<vmem>>)
          } else {
          }
          %broadcast_in_dim3A_176 = arith.constant 0 : i32
          %broadcast_in_dim3A_177 = vector.broadcast %broadcast_in_dim3A_176 : i32 to vector<16xi32>
          %add3A_178 = vector.broadcast %multiple_of3A : i32 to vector<16xi32>
          %add3A_179 = arith.addi %add3A_178, %iota3A : vector<16xi32>
          %gather3A = tpu.vector_load_idx %arg10[%select_n3A_149, %broadcast_in_dim3A_177] : memref<64x32xf32, #tpu.memory_space<vmem>>[vector<16xi32>, vector<16xi32>], vector<16xf32>,
          tpu.vector_store_idx %arg11[%add3A_179, %broadcast_in_dim3A_177], %gather3A : memref<48x128xf32, #tpu.memory_space<vmem>>[vector<16xi32>, vector<16xi32>], vector<16xf32>,
          %broadcast_in_dim3A_180 = arith.constant 1 : i32
          %broadcast_in_dim3A_181 = vector.broadcast %broadcast_in_dim3A_180 : i32 to vector<16xi32>
          %add3A_182 = vector.broadcast %multiple_of3A : i32 to vector<16xi32>
          %add3A_183 = arith.addi %add3A_182, %iota3A : vector<16xi32>
          %gather3A_184 = tpu.vector_load_idx %arg10[%select_n3A_149, %broadcast_in_dim3A_181] : memref<64x32xf32, #tpu.memory_space<vmem>>[vector<16xi32>, vector<16xi32>], vector<16xf32>,
          tpu.vector_store_idx %arg11[%add3A_183, %broadcast_in_dim3A_181], %gather3A_184 : memref<48x128xf32, #tpu.memory_space<vmem>>[vector<16xi32>, vector<16xi32>], vector<16xf32>,
          %broadcast_in_dim3A_185 = arith.constant 2 : i32
          %broadcast_in_dim3A_186 = vector.broadcast %broadcast_in_dim3A_185 : i32 to vector<16xi32>
          %add3A_187 = vector.broadcast %multiple_of3A : i32 to vector<16xi32>
          %add3A_188 = arith.addi %add3A_187, %iota3A : vector<16xi32>
          %gather3A_189 = tpu.vector_load_idx %arg10[%select_n3A_149, %broadcast_in_dim3A_186] : memref<64x32xf32, #tpu.memory_space<vmem>>[vector<16xi32>, vector<16xi32>], vector<16xf32>,
          tpu.vector_store_idx %arg11[%add3A_188, %broadcast_in_dim3A_186], %gather3A_189 : memref<48x128xf32, #tpu.memory_space<vmem>>[vector<16xi32>, vector<16xi32>], vector<16xf32>,
          %broadcast_in_dim3A_190 = arith.constant 3 : i32
          %broadcast_in_dim3A_191 = vector.broadcast %broadcast_in_dim3A_190 : i32 to vector<16xi32>
          %add3A_192 = vector.broadcast %multiple_of3A : i32 to vector<16xi32>
          %add3A_193 = arith.addi %add3A_192, %iota3A : vector<16xi32>
          %gather3A_194 = tpu.vector_load_idx %arg10[%select_n3A_149, %broadcast_in_dim3A_191] : memref<64x32xf32, #tpu.memory_space<vmem>>[vector<16xi32>, vector<16xi32>], vector<16xf32>,
          tpu.vector_store_idx %arg11[%add3A_193, %broadcast_in_dim3A_191], %gather3A_194 : memref<48x128xf32, #tpu.memory_space<vmem>>[vector<16xi32>, vector<16xi32>], vector<16xf32>,
          %broadcast_in_dim3A_195 = arith.constant 4 : i32
          %broadcast_in_dim3A_196 = vector.broadcast %broadcast_in_dim3A_195 : i32 to vector<16xi32>
          %add3A_197 = vector.broadcast %multiple_of3A : i32 to vector<16xi32>
          %add3A_198 = arith.addi %add3A_197, %iota3A : vector<16xi32>
          %gather3A_199 = tpu.vector_load_idx %arg10[%select_n3A_149, %broadcast_in_dim3A_196] : memref<64x32xf32, #tpu.memory_space<vmem>>[vector<16xi32>, vector<16xi32>], vector<16xf32>,
          tpu.vector_store_idx %arg11[%add3A_198, %broadcast_in_dim3A_196], %gather3A_199 : memref<48x128xf32, #tpu.memory_space<vmem>>[vector<16xi32>, vector<16xi32>], vector<16xf32>,
          %broadcast_in_dim3A_200 = arith.constant 5 : i32
          %broadcast_in_dim3A_201 = vector.broadcast %broadcast_in_dim3A_200 : i32 to vector<16xi32>
          %add3A_202 = vector.broadcast %multiple_of3A : i32 to vector<16xi32>
          %add3A_203 = arith.addi %add3A_202, %iota3A : vector<16xi32>
          %gather3A_204 = tpu.vector_load_idx %arg10[%select_n3A_149, %broadcast_in_dim3A_201] : memref<64x32xf32, #tpu.memory_space<vmem>>[vector<16xi32>, vector<16xi32>], vector<16xf32>,
          tpu.vector_store_idx %arg11[%add3A_203, %broadcast_in_dim3A_201], %gather3A_204 : memref<48x128xf32, #tpu.memory_space<vmem>>[vector<16xi32>, vector<16xi32>], vector<16xf32>,
          %broadcast_in_dim3A_205 = arith.constant 6 : i32
          %broadcast_in_dim3A_206 = vector.broadcast %broadcast_in_dim3A_205 : i32 to vector<16xi32>
          %add3A_207 = vector.broadcast %multiple_of3A : i32 to vector<16xi32>
          %add3A_208 = arith.addi %add3A_207, %iota3A : vector<16xi32>
          %gather3A_209 = tpu.vector_load_idx %arg10[%select_n3A_149, %broadcast_in_dim3A_206] : memref<64x32xf32, #tpu.memory_space<vmem>>[vector<16xi32>, vector<16xi32>], vector<16xf32>,
          tpu.vector_store_idx %arg11[%add3A_208, %broadcast_in_dim3A_206], %gather3A_209 : memref<48x128xf32, #tpu.memory_space<vmem>>[vector<16xi32>, vector<16xi32>], vector<16xf32>,
          %broadcast_in_dim3A_210 = arith.constant 7 : i32
          %broadcast_in_dim3A_211 = vector.broadcast %broadcast_in_dim3A_210 : i32 to vector<16xi32>
          %add3A_212 = vector.broadcast %multiple_of3A : i32 to vector<16xi32>
          %add3A_213 = arith.addi %add3A_212, %iota3A : vector<16xi32>
          %gather3A_214 = tpu.vector_load_idx %arg10[%select_n3A_149, %broadcast_in_dim3A_211] : memref<64x32xf32, #tpu.memory_space<vmem>>[vector<16xi32>, vector<16xi32>], vector<16xf32>,
          tpu.vector_store_idx %arg11[%add3A_213, %broadcast_in_dim3A_211], %gather3A_214 : memref<48x128xf32, #tpu.memory_space<vmem>>[vector<16xi32>, vector<16xi32>], vector<16xf32>,
          %broadcast_in_dim3A_215 = arith.constant 8 : i32
          %broadcast_in_dim3A_216 = vector.broadcast %broadcast_in_dim3A_215 : i32 to vector<16xi32>
          %add3A_217 = vector.broadcast %multiple_of3A : i32 to vector<16xi32>
          %add3A_218 = arith.addi %add3A_217, %iota3A : vector<16xi32>
          %gather3A_219 = tpu.vector_load_idx %arg10[%select_n3A_149, %broadcast_in_dim3A_216] : memref<64x32xf32, #tpu.memory_space<vmem>>[vector<16xi32>, vector<16xi32>], vector<16xf32>,
          tpu.vector_store_idx %arg11[%add3A_218, %broadcast_in_dim3A_216], %gather3A_219 : memref<48x128xf32, #tpu.memory_space<vmem>>[vector<16xi32>, vector<16xi32>], vector<16xf32>,
          %broadcast_in_dim3A_220 = arith.constant 9 : i32
          %broadcast_in_dim3A_221 = vector.broadcast %broadcast_in_dim3A_220 : i32 to vector<16xi32>
          %add3A_222 = vector.broadcast %multiple_of3A : i32 to vector<16xi32>
          %add3A_223 = arith.addi %add3A_222, %iota3A : vector<16xi32>
          %gather3A_224 = tpu.vector_load_idx %arg10[%select_n3A_149, %broadcast_in_dim3A_221] : memref<64x32xf32, #tpu.memory_space<vmem>>[vector<16xi32>, vector<16xi32>], vector<16xf32>,
          tpu.vector_store_idx %arg11[%add3A_223, %broadcast_in_dim3A_221], %gather3A_224 : memref<48x128xf32, #tpu.memory_space<vmem>>[vector<16xi32>, vector<16xi32>], vector<16xf32>,
          %broadcast_in_dim3A_225 = arith.constant 10 : i32
          %broadcast_in_dim3A_226 = vector.broadcast %broadcast_in_dim3A_225 : i32 to vector<16xi32>
          %add3A_227 = vector.broadcast %multiple_of3A : i32 to vector<16xi32>
          %add3A_228 = arith.addi %add3A_227, %iota3A : vector<16xi32>
          %gather3A_229 = tpu.vector_load_idx %arg10[%select_n3A_149, %broadcast_in_dim3A_226] : memref<64x32xf32, #tpu.memory_space<vmem>>[vector<16xi32>, vector<16xi32>], vector<16xf32>,
          tpu.vector_store_idx %arg11[%add3A_228, %broadcast_in_dim3A_226], %gather3A_229 : memref<48x128xf32, #tpu.memory_space<vmem>>[vector<16xi32>, vector<16xi32>], vector<16xf32>,
          %broadcast_in_dim3A_230 = arith.constant 11 : i32
          %broadcast_in_dim3A_231 = vector.broadcast %broadcast_in_dim3A_230 : i32 to vector<16xi32>
          %add3A_232 = vector.broadcast %multiple_of3A : i32 to vector<16xi32>
          %add3A_233 = arith.addi %add3A_232, %iota3A : vector<16xi32>
          %gather3A_234 = tpu.vector_load_idx %arg10[%select_n3A_149, %broadcast_in_dim3A_231] : memref<64x32xf32, #tpu.memory_space<vmem>>[vector<16xi32>, vector<16xi32>], vector<16xf32>,
          tpu.vector_store_idx %arg11[%add3A_233, %broadcast_in_dim3A_231], %gather3A_234 : memref<48x128xf32, #tpu.memory_space<vmem>>[vector<16xi32>, vector<16xi32>], vector<16xf32>,
          %broadcast_in_dim3A_235 = arith.constant 12 : i32
          %broadcast_in_dim3A_236 = vector.broadcast %broadcast_in_dim3A_235 : i32 to vector<16xi32>
          %add3A_237 = vector.broadcast %multiple_of3A : i32 to vector<16xi32>
          %add3A_238 = arith.addi %add3A_237, %iota3A : vector<16xi32>
          %gather3A_239 = tpu.vector_load_idx %arg10[%select_n3A_149, %broadcast_in_dim3A_236] : memref<64x32xf32, #tpu.memory_space<vmem>>[vector<16xi32>, vector<16xi32>], vector<16xf32>,
          tpu.vector_store_idx %arg11[%add3A_238, %broadcast_in_dim3A_236], %gather3A_239 : memref<48x128xf32, #tpu.memory_space<vmem>>[vector<16xi32>, vector<16xi32>], vector<16xf32>,
          %broadcast_in_dim3A_240 = arith.constant 13 : i32
          %broadcast_in_dim3A_241 = vector.broadcast %broadcast_in_dim3A_240 : i32 to vector<16xi32>
          %add3A_242 = vector.broadcast %multiple_of3A : i32 to vector<16xi32>
          %add3A_243 = arith.addi %add3A_242, %iota3A : vector<16xi32>
          %gather3A_244 = tpu.vector_load_idx %arg10[%select_n3A_149, %broadcast_in_dim3A_241] : memref<64x32xf32, #tpu.memory_space<vmem>>[vector<16xi32>, vector<16xi32>], vector<16xf32>,
          tpu.vector_store_idx %arg11[%add3A_243, %broadcast_in_dim3A_241], %gather3A_244 : memref<48x128xf32, #tpu.memory_space<vmem>>[vector<16xi32>, vector<16xi32>], vector<16xf32>,
          %broadcast_in_dim3A_245 = arith.constant 14 : i32
          %broadcast_in_dim3A_246 = vector.broadcast %broadcast_in_dim3A_245 : i32 to vector<16xi32>
          %add3A_247 = vector.broadcast %multiple_of3A : i32 to vector<16xi32>
          %add3A_248 = arith.addi %add3A_247, %iota3A : vector<16xi32>
          %gather3A_249 = tpu.vector_load_idx %arg10[%select_n3A_149, %broadcast_in_dim3A_246] : memref<64x32xf32, #tpu.memory_space<vmem>>[vector<16xi32>, vector<16xi32>], vector<16xf32>,
          tpu.vector_store_idx %arg11[%add3A_248, %broadcast_in_dim3A_246], %gather3A_249 : memref<48x128xf32, #tpu.memory_space<vmem>>[vector<16xi32>, vector<16xi32>], vector<16xf32>,
          %broadcast_in_dim3A_250 = arith.constant 15 : i32
          %broadcast_in_dim3A_251 = vector.broadcast %broadcast_in_dim3A_250 : i32 to vector<16xi32>
          %add3A_252 = vector.broadcast %multiple_of3A : i32 to vector<16xi32>
          %add3A_253 = arith.addi %add3A_252, %iota3A : vector<16xi32>
          %gather3A_254 = tpu.vector_load_idx %arg10[%select_n3A_149, %broadcast_in_dim3A_251] : memref<64x32xf32, #tpu.memory_space<vmem>>[vector<16xi32>, vector<16xi32>], vector<16xf32>,
          tpu.vector_store_idx %arg11[%add3A_253, %broadcast_in_dim3A_251], %gather3A_254 : memref<48x128xf32, #tpu.memory_space<vmem>>[vector<16xi32>, vector<16xi32>], vector<16xf32>,
          %broadcast_in_dim3A_255 = arith.constant 16 : i32
          %broadcast_in_dim3A_256 = vector.broadcast %broadcast_in_dim3A_255 : i32 to vector<16xi32>
          %add3A_257 = vector.broadcast %multiple_of3A : i32 to vector<16xi32>
          %add3A_258 = arith.addi %add3A_257, %iota3A : vector<16xi32>
          %gather3A_259 = tpu.vector_load_idx %arg10[%select_n3A_149, %broadcast_in_dim3A_256] : memref<64x32xf32, #tpu.memory_space<vmem>>[vector<16xi32>, vector<16xi32>], vector<16xf32>,
          tpu.vector_store_idx %arg11[%add3A_258, %broadcast_in_dim3A_256], %gather3A_259 : memref<48x128xf32, #tpu.memory_space<vmem>>[vector<16xi32>, vector<16xi32>], vector<16xf32>,
          %broadcast_in_dim3A_260 = arith.constant 17 : i32
          %broadcast_in_dim3A_261 = vector.broadcast %broadcast_in_dim3A_260 : i32 to vector<16xi32>
          %add3A_262 = vector.broadcast %multiple_of3A : i32 to vector<16xi32>
          %add3A_263 = arith.addi %add3A_262, %iota3A : vector<16xi32>
          %gather3A_264 = tpu.vector_load_idx %arg10[%select_n3A_149, %broadcast_in_dim3A_261] : memref<64x32xf32, #tpu.memory_space<vmem>>[vector<16xi32>, vector<16xi32>], vector<16xf32>,
          tpu.vector_store_idx %arg11[%add3A_263, %broadcast_in_dim3A_261], %gather3A_264 : memref<48x128xf32, #tpu.memory_space<vmem>>[vector<16xi32>, vector<16xi32>], vector<16xf32>,
          %broadcast_in_dim3A_265 = arith.constant 18 : i32
          %broadcast_in_dim3A_266 = vector.broadcast %broadcast_in_dim3A_265 : i32 to vector<16xi32>
          %add3A_267 = vector.broadcast %multiple_of3A : i32 to vector<16xi32>
          %add3A_268 = arith.addi %add3A_267, %iota3A : vector<16xi32>
          %gather3A_269 = tpu.vector_load_idx %arg10[%select_n3A_149, %broadcast_in_dim3A_266] : memref<64x32xf32, #tpu.memory_space<vmem>>[vector<16xi32>, vector<16xi32>], vector<16xf32>,
          tpu.vector_store_idx %arg11[%add3A_268, %broadcast_in_dim3A_266], %gather3A_269 : memref<48x128xf32, #tpu.memory_space<vmem>>[vector<16xi32>, vector<16xi32>], vector<16xf32>,
          %broadcast_in_dim3A_270 = arith.constant 19 : i32
          %broadcast_in_dim3A_271 = vector.broadcast %broadcast_in_dim3A_270 : i32 to vector<16xi32>
          %add3A_272 = vector.broadcast %multiple_of3A : i32 to vector<16xi32>
          %add3A_273 = arith.addi %add3A_272, %iota3A : vector<16xi32>
          %gather3A_274 = tpu.vector_load_idx %arg10[%select_n3A_149, %broadcast_in_dim3A_271] : memref<64x32xf32, #tpu.memory_space<vmem>>[vector<16xi32>, vector<16xi32>], vector<16xf32>,
          tpu.vector_store_idx %arg11[%add3A_273, %broadcast_in_dim3A_271], %gather3A_274 : memref<48x128xf32, #tpu.memory_space<vmem>>[vector<16xi32>, vector<16xi32>], vector<16xf32>,
          %broadcast_in_dim3A_275 = arith.constant 20 : i32
          %broadcast_in_dim3A_276 = vector.broadcast %broadcast_in_dim3A_275 : i32 to vector<16xi32>
          %add3A_277 = vector.broadcast %multiple_of3A : i32 to vector<16xi32>
          %add3A_278 = arith.addi %add3A_277, %iota3A : vector<16xi32>
          %gather3A_279 = tpu.vector_load_idx %arg10[%select_n3A_149, %broadcast_in_dim3A_276] : memref<64x32xf32, #tpu.memory_space<vmem>>[vector<16xi32>, vector<16xi32>], vector<16xf32>,
          tpu.vector_store_idx %arg11[%add3A_278, %broadcast_in_dim3A_276], %gather3A_279 : memref<48x128xf32, #tpu.memory_space<vmem>>[vector<16xi32>, vector<16xi32>], vector<16xf32>,
          %broadcast_in_dim3A_280 = arith.constant 21 : i32
          %broadcast_in_dim3A_281 = vector.broadcast %broadcast_in_dim3A_280 : i32 to vector<16xi32>
          %add3A_282 = vector.broadcast %multiple_of3A : i32 to vector<16xi32>
          %add3A_283 = arith.addi %add3A_282, %iota3A : vector<16xi32>
          %gather3A_284 = tpu.vector_load_idx %arg10[%select_n3A_149, %broadcast_in_dim3A_281] : memref<64x32xf32, #tpu.memory_space<vmem>>[vector<16xi32>, vector<16xi32>], vector<16xf32>,
          tpu.vector_store_idx %arg11[%add3A_283, %broadcast_in_dim3A_281], %gather3A_284 : memref<48x128xf32, #tpu.memory_space<vmem>>[vector<16xi32>, vector<16xi32>], vector<16xf32>,
          %broadcast_in_dim3A_285 = arith.constant 22 : i32
          %broadcast_in_dim3A_286 = vector.broadcast %broadcast_in_dim3A_285 : i32 to vector<16xi32>
          %add3A_287 = vector.broadcast %multiple_of3A : i32 to vector<16xi32>
          %add3A_288 = arith.addi %add3A_287, %iota3A : vector<16xi32>
          %gather3A_289 = tpu.vector_load_idx %arg10[%select_n3A_149, %broadcast_in_dim3A_286] : memref<64x32xf32, #tpu.memory_space<vmem>>[vector<16xi32>, vector<16xi32>], vector<16xf32>,
          tpu.vector_store_idx %arg11[%add3A_288, %broadcast_in_dim3A_286], %gather3A_289 : memref<48x128xf32, #tpu.memory_space<vmem>>[vector<16xi32>, vector<16xi32>], vector<16xf32>,
          %broadcast_in_dim3A_290 = arith.constant 23 : i32
          %broadcast_in_dim3A_291 = vector.broadcast %broadcast_in_dim3A_290 : i32 to vector<16xi32>
          %add3A_292 = vector.broadcast %multiple_of3A : i32 to vector<16xi32>
          %add3A_293 = arith.addi %add3A_292, %iota3A : vector<16xi32>
          %gather3A_294 = tpu.vector_load_idx %arg10[%select_n3A_149, %broadcast_in_dim3A_291] : memref<64x32xf32, #tpu.memory_space<vmem>>[vector<16xi32>, vector<16xi32>], vector<16xf32>,
          tpu.vector_store_idx %arg11[%add3A_293, %broadcast_in_dim3A_291], %gather3A_294 : memref<48x128xf32, #tpu.memory_space<vmem>>[vector<16xi32>, vector<16xi32>], vector<16xf32>,
          %broadcast_in_dim3A_295 = arith.constant 24 : i32
          %broadcast_in_dim3A_296 = vector.broadcast %broadcast_in_dim3A_295 : i32 to vector<16xi32>
          %add3A_297 = vector.broadcast %multiple_of3A : i32 to vector<16xi32>
          %add3A_298 = arith.addi %add3A_297, %iota3A : vector<16xi32>
          %gather3A_299 = tpu.vector_load_idx %arg10[%select_n3A_149, %broadcast_in_dim3A_296] : memref<64x32xf32, #tpu.memory_space<vmem>>[vector<16xi32>, vector<16xi32>], vector<16xf32>,
          tpu.vector_store_idx %arg11[%add3A_298, %broadcast_in_dim3A_296], %gather3A_299 : memref<48x128xf32, #tpu.memory_space<vmem>>[vector<16xi32>, vector<16xi32>], vector<16xf32>,
          %broadcast_in_dim3A_300 = arith.constant 25 : i32
          %broadcast_in_dim3A_301 = vector.broadcast %broadcast_in_dim3A_300 : i32 to vector<16xi32>
          %add3A_302 = vector.broadcast %multiple_of3A : i32 to vector<16xi32>
          %add3A_303 = arith.addi %add3A_302, %iota3A : vector<16xi32>
          %gather3A_304 = tpu.vector_load_idx %arg10[%select_n3A_149, %broadcast_in_dim3A_301] : memref<64x32xf32, #tpu.memory_space<vmem>>[vector<16xi32>, vector<16xi32>], vector<16xf32>,
          tpu.vector_store_idx %arg11[%add3A_303, %broadcast_in_dim3A_301], %gather3A_304 : memref<48x128xf32, #tpu.memory_space<vmem>>[vector<16xi32>, vector<16xi32>], vector<16xf32>,
          %broadcast_in_dim3A_305 = arith.constant 26 : i32
          %broadcast_in_dim3A_306 = vector.broadcast %broadcast_in_dim3A_305 : i32 to vector<16xi32>
          %add3A_307 = vector.broadcast %multiple_of3A : i32 to vector<16xi32>
          %add3A_308 = arith.addi %add3A_307, %iota3A : vector<16xi32>
          %gather3A_309 = tpu.vector_load_idx %arg10[%select_n3A_149, %broadcast_in_dim3A_306] : memref<64x32xf32, #tpu.memory_space<vmem>>[vector<16xi32>, vector<16xi32>], vector<16xf32>,
          tpu.vector_store_idx %arg11[%add3A_308, %broadcast_in_dim3A_306], %gather3A_309 : memref<48x128xf32, #tpu.memory_space<vmem>>[vector<16xi32>, vector<16xi32>], vector<16xf32>,
          %broadcast_in_dim3A_310 = arith.constant 27 : i32
          %broadcast_in_dim3A_311 = vector.broadcast %broadcast_in_dim3A_310 : i32 to vector<16xi32>
          %add3A_312 = vector.broadcast %multiple_of3A : i32 to vector<16xi32>
          %add3A_313 = arith.addi %add3A_312, %iota3A : vector<16xi32>
          %gather3A_314 = tpu.vector_load_idx %arg10[%select_n3A_149, %broadcast_in_dim3A_311] : memref<64x32xf32, #tpu.memory_space<vmem>>[vector<16xi32>, vector<16xi32>], vector<16xf32>,
          tpu.vector_store_idx %arg11[%add3A_313, %broadcast_in_dim3A_311], %gather3A_314 : memref<48x128xf32, #tpu.memory_space<vmem>>[vector<16xi32>, vector<16xi32>], vector<16xf32>,
          %broadcast_in_dim3A_315 = arith.constant 28 : i32
          %broadcast_in_dim3A_316 = vector.broadcast %broadcast_in_dim3A_315 : i32 to vector<16xi32>
          %add3A_317 = vector.broadcast %multiple_of3A : i32 to vector<16xi32>
          %add3A_318 = arith.addi %add3A_317, %iota3A : vector<16xi32>
          %gather3A_319 = tpu.vector_load_idx %arg10[%select_n3A_149, %broadcast_in_dim3A_316] : memref<64x32xf32, #tpu.memory_space<vmem>>[vector<16xi32>, vector<16xi32>], vector<16xf32>,
          tpu.vector_store_idx %arg11[%add3A_318, %broadcast_in_dim3A_316], %gather3A_319 : memref<48x128xf32, #tpu.memory_space<vmem>>[vector<16xi32>, vector<16xi32>], vector<16xf32>,
          %broadcast_in_dim3A_320 = arith.constant 29 : i32
          %broadcast_in_dim3A_321 = vector.broadcast %broadcast_in_dim3A_320 : i32 to vector<16xi32>
          %add3A_322 = vector.broadcast %multiple_of3A : i32 to vector<16xi32>
          %add3A_323 = arith.addi %add3A_322, %iota3A : vector<16xi32>
          %gather3A_324 = tpu.vector_load_idx %arg10[%select_n3A_149, %broadcast_in_dim3A_321] : memref<64x32xf32, #tpu.memory_space<vmem>>[vector<16xi32>, vector<16xi32>], vector<16xf32>,
          tpu.vector_store_idx %arg11[%add3A_323, %broadcast_in_dim3A_321], %gather3A_324 : memref<48x128xf32, #tpu.memory_space<vmem>>[vector<16xi32>, vector<16xi32>], vector<16xf32>,
          %broadcast_in_dim3A_325 = arith.constant 30 : i32
          %broadcast_in_dim3A_326 = vector.broadcast %broadcast_in_dim3A_325 : i32 to vector<16xi32>
          %add3A_327 = vector.broadcast %multiple_of3A : i32 to vector<16xi32>
          %add3A_328 = arith.addi %add3A_327, %iota3A : vector<16xi32>
          %gather3A_329 = tpu.vector_load_idx %arg10[%select_n3A_149, %broadcast_in_dim3A_326] : memref<64x32xf32, #tpu.memory_space<vmem>>[vector<16xi32>, vector<16xi32>], vector<16xf32>,
          tpu.vector_store_idx %arg11[%add3A_328, %broadcast_in_dim3A_326], %gather3A_329 : memref<48x128xf32, #tpu.memory_space<vmem>>[vector<16xi32>, vector<16xi32>], vector<16xf32>,
          %broadcast_in_dim3A_330 = arith.constant 31 : i32
          %broadcast_in_dim3A_331 = vector.broadcast %broadcast_in_dim3A_330 : i32 to vector<16xi32>
          %add3A_332 = vector.broadcast %multiple_of3A : i32 to vector<16xi32>
          %add3A_333 = arith.addi %add3A_332, %iota3A : vector<16xi32>
          %gather3A_334 = tpu.vector_load_idx %arg10[%select_n3A_149, %broadcast_in_dim3A_331] : memref<64x32xf32, #tpu.memory_space<vmem>>[vector<16xi32>, vector<16xi32>], vector<16xf32>,
          tpu.vector_store_idx %arg11[%add3A_333, %broadcast_in_dim3A_331], %gather3A_334 : memref<48x128xf32, #tpu.memory_space<vmem>>[vector<16xi32>, vector<16xi32>], vector<16xf32>,
          %dma_start3A = arith.constant 0 : i32
          %dma_start3A_335 = tpu.memref_slice %arg11[%multiple_of3A, %dma_start3A] : memref<48x128xf32, #tpu.memory_space<vmem>> -> memref<16x128xf32, #tpu.memory_space<vmem>>
          %dma_start3A_336 = arith.constant 0 : i32
          %dma_start3A_337 = arith.constant 0 : i32
          %dma_start3A_338 = tpu.memref_slice %arg5[%dma_start3A_336, %dma_start3A_337] : memref<16416x128xf32, #tpu.memory_space<hbm>> -> memref<16416x128xf32, #tpu.memory_space<hbm>>
          tpu.enqueue_indirect_dma source(%dma_start3A_335 : memref<16x128xf32, #tpu.memory_space<vmem>>) target(%dma_start3A_338 : memref<16416x128xf32, #tpu.memory_space<hbm>>) offsets(%select_n3A_143 : vector<16xi32>) semaphore(%arg14 : memref<!tpu.dma_semaphore, #tpu.memory_space<semaphore_mem>>)
          %add3A_339 = arith.constant 1 : i32
          %add3A_340 = arith.addi %get3A_152, %add3A_339 : i32
          %swap3A_341 = arith.constant 0 : i32
          %swap3A_342 = arith.index_cast %swap3A_341 : i32 to index
          %swap3A_343 = memref.load %arg12[%swap3A_342] : memref<8xi32, #tpu.memory_space<smem>>
          memref.store %add3A_340, %arg12[%swap3A_342] : memref<8xi32, #tpu.memory_space<smem>>
        } else {
        }
      }
    } else {
    }
    %get3A = arith.constant 0 : i32
    %get3A_76 = arith.index_cast %get3A : i32 to index
    %get3A_77 = memref.load %arg12[%get3A_76] : memref<8xi32, #tpu.memory_space<smem>>
    %min3A = arith.constant 3 : i32
    %min3A_78 = arith.minsi %get3A_77, %min3A : i32
    %while3A_79 = arith.constant 0 : i32
    %while3A_80 = arith.constant 0 : i32
    %while3A_81 = arith.subi %min3A_78, %while3A_80 : i32
    %while3A_82 = arith.addi %while3A_80, %while3A_81 : i32
    %while3A_83 = arith.constant 1 : i32
    %while3A_84 = arith.divsi %while3A_81, %while3A_83 : i32
    %while3A_85 = arith.muli %while3A_84, %while3A_83 : i32
    %while3A_86 = arith.addi %while3A_80, %while3A_85 : i32
    %while3A_87 = arith.constant 1 : i32
    scf.for %while3A_89 = %while3A_80 to %while3A_86 step %while3A_87  : i32 {
      %dma_wait3A = arith.constant 0 : i32
      %dma_wait3A_90 = arith.constant 0 : i32
      %dma_wait3A_91 = tpu.memref_slice %arg11[%dma_wait3A, %dma_wait3A_90] : memref<48x128xf32, #tpu.memory_space<vmem>> -> memref<16x128xf32, #tpu.memory_space<vmem>>
      %dma_wait3A_92 = arith.constant 0 : i32
      %dma_wait3A_93 = arith.constant 0 : i32
      %dma_wait3A_94 = tpu.memref_slice %arg3[%dma_wait3A_92, %dma_wait3A_93] : memref<32x1000000xf32, #tpu.memory_space<hbm>> -> memref<16x128xf32, #tpu.memory_space<hbm>>
      %dma_wait3A_95 = arith.constant 0 : i32
      %dma_wait3A_96 = arith.constant 0 : i32
      %dma_wait3A_97 = tpu.memref_slice %arg11[%dma_wait3A_95, %dma_wait3A_96] : memref<48x128xf32, #tpu.memory_space<vmem>> -> memref<16x128xf32, #tpu.memory_space<vmem>>
      %dma_wait3A_98 = arith.constant 0 : i32
      %dma_wait3A_99 = arith.constant 0 : i32
      %dma_wait3A_100 = tpu.memref_slice %arg3[%dma_wait3A_98, %dma_wait3A_99] : memref<32x1000000xf32, #tpu.memory_space<hbm>> -> memref<16x128xf32, #tpu.memory_space<hbm>>
      tpu.wait_dma2 semaphore(%arg14 : memref<!tpu.dma_semaphore, #tpu.memory_space<semaphore_mem>>) src(%dma_wait3A_100 : memref<16x128xf32, #tpu.memory_space<hbm>>) dst(%dma_wait3A_97 : memref<16x128xf32, #tpu.memory_space<vmem>>)
    }
    %while3A_88 = arith.constant 1 : i32
    scf.for %while3A_89 = %while3A_86 to %while3A_82 step %while3A_88  : i32 {
      %dma_wait3A = arith.constant 0 : i32
      %dma_wait3A_90 = arith.constant 0 : i32
      %dma_wait3A_91 = tpu.memref_slice %arg11[%dma_wait3A, %dma_wait3A_90] : memref<48x128xf32, #tpu.memory_space<vmem>> -> memref<16x128xf32, #tpu.memory_space<vmem>>
      %dma_wait3A_92 = arith.constant 0 : i32
      %dma_wait3A_93 = arith.constant 0 : i32
      %dma_wait3A_94 = tpu.memref_slice %arg3[%dma_wait3A_92, %dma_wait3A_93] : memref<32x1000000xf32, #tpu.memory_space<hbm>> -> memref<16x128xf32, #tpu.memory_space<hbm>>
      %dma_wait3A_95 = arith.constant 0 : i32
      %dma_wait3A_96 = arith.constant 0 : i32
      %dma_wait3A_97 = tpu.memref_slice %arg11[%dma_wait3A_95, %dma_wait3A_96] : memref<48x128xf32, #tpu.memory_space<vmem>> -> memref<16x128xf32, #tpu.memory_space<vmem>>
      %dma_wait3A_98 = arith.constant 0 : i32
      %dma_wait3A_99 = arith.constant 0 : i32
      %dma_wait3A_100 = tpu.memref_slice %arg3[%dma_wait3A_98, %dma_wait3A_99] : memref<32x1000000xf32, #tpu.memory_space<hbm>> -> memref<16x128xf32, #tpu.memory_space<hbm>>
      tpu.wait_dma2 semaphore(%arg14 : memref<!tpu.dma_semaphore, #tpu.memory_space<semaphore_mem>>) src(%dma_wait3A_100 : memref<16x128xf32, #tpu.memory_space<hbm>>) dst(%dma_wait3A_97 : memref<16x128xf32, #tpu.memory_space<vmem>>)
    }
    return
  }
}

</mosaic_0001>

<sc_bundles>
// kernel: kernel.3.cloned.1.call-start
scs
__scs_entry_jumppad:
0x0: {  	(pc) =	sbr.rel $0x88, $3  }
0x1: {  	(tag) =	ssettag $0x0;
	lr =	simm.s32 $0x1  }
0x2: {  	[smem:$0x3F9F] =	sst lr;
	_ =	strace $0xD0000000  }
0x3: {  	_ = 	snop  }
0x4: {  	_ = 	snop  }
0x5: {  	_ = 	snop  }
0x6: {  	_ = 	snop  }
0x7: {  	_ = 	snop  }
__scs_overlays_trampoline_lowered:
0x8: {  	[smem:$0x3FAE] =	sst s0  }
0x9: {  	[smem:$0x3FAF] =	sst s1  }
0xa: {  	[smem:$0x3FB0] =	sst s2  }
0xb: {  	[smem:$0x3FB1] =	sst s3  }
0xc: {  	[smem:$0x3FB2] =	sst s4  }
0xd: {  	[smem:$0x3FB3] =	sst s5  }
0xe: {  	[smem:$0x3FB4] =	sst s6  }
0xf: {  	[smem:$0x3FB5] =	sst s7  }
0x10: {  	[smem:$0x3FB6] =	sst s8  }
0x11: {  	[smem:$0x3FB7] =	sst s9;
	s0 =	simm.s32 @!p0 $0x0  }
0x12: {  	s1 =	sld [smem:$0x3F9D];
	s0 =	simm.s32 @p0 $0x1  }
0x13: {  	[smem:$0x3FB8] =	sst s0;
	s0 =	simm.s32 @!p1 $0x0  }
0x14: {  	s2 =	sld [smem:$0x3F9C];
	s0 =	simm.s32 @p1 $0x1  }
0x15: {  	[smem:$0x3FB9] =	sst s0;
	s0 =	simm.s32 @!p2 $0x0  }
0x16: {  	s3 =	sld [smem:$0x3FDB];
	s0 =	simm.s32 @p2 $0x1  }
0x17: {  	s4 =	simm.s32 $0x1BF5;
	[smem:$0x3FBB] =	sst s0  }
0x18: {  	s0 =	sld [smem:$0x3F9E];
	_ =	swait.ge [sflag:s4], $0x0  }
0x19: {  	s7 =	sld [smem:$0x3F9F]  }
0x1a: {  	s8 =	sadd.s32 $0xFFFFE003, lr  }
0x1b: {  	s9 =	sadd.s32 $0xFFFFFEF7, lr;
	s5 =	simm.s32 $0xFFFFFFFF;
	p2 =	slt.u32 s8, $0xFFFFF086  }
0x1c: {  	p1 =	slt.u32 s9, $0xF7A;
	s5 =	simm.s32 @!p2 $0x0  }
0x1d: {  	s5 =	simm.s32 @p1 $0x1;
	p0 =	seq.s32 s7, s2  }
0x1e: {  	s7 =	smul.u32 @!p0 $0xF7A, s2;
	p2 =	seq.s32 @!p0 s5, $0x0  }
0x1f: {  	s9 =	smul.u32 $0xF7A, s1;
	s8 =	simm.s32 @!p0 $0x1BF5;
	p2 =	por !p2, p0  }
0x20: {  	[sflag:s8] =	ssyncset.s32 @!p0 $0xFFFFF086;
	s6 =	sadd.s32 @!p0 s3, s7;
	s7 =	simm.s32 @!p0 $0x108  }
0x21: {  	s3 =	sadd.s32 s3, s9;
	s6 =	sadd.s32 @!p0 $0x88, s6;
	s7 =	simm.s32 @p2 $0x1082  }
0x22: {  	[simem:s7], [sflag:s8] =	dma.local @!p0 [hbm:s6], $0xF7A  }
0x23: {  	s9 =	sor.u32 $0xD0000000, s2;
	s6 =	simm.s32 $0x108;
	_ =	swait.ge @!p0 [sflag:s8], $0x0  }
0x24: {  	s3 =	sadd.s32 $0x88, s3;
	s6 =	simm.s32 @!p1 $0x1082;
	[sflag:s4] =	ssyncset.s32 $0xFFFFF086  }
0x25: {  	[simem:s6], [sflag:s4] =	dma.local [hbm:s3], $0xF7A  }
0x26: {  	[smem:$0x3F9F] =	sst s1;
	(tag) =	ssettag s2;
	_ =	strace s9  }
0x27: {  	s1 =	sld [smem:$0x3FAF]  }
0x28: {  	s2 =	sld [smem:$0x3FB0]  }
0x29: {  	s4 =	sld [smem:$0x3FB2]  }
0x2a: {  	p0 =	seq.s32 s5, $0x0;
	s5 =	sld [smem:$0x3FB3]  }
0x2b: {  	s6 =	sld [smem:$0x3FB4]  }
0x2c: {  	s7 =	sld [smem:$0x3FB5]  }
0x2d: {  	s3 =	simm.s32 $0x108;
	s8 =	sld [smem:$0x3FB6]  }
0x2e: {  	s3 =	simm.s32 @!p0 $0x1082;
	s9 =	sld [smem:$0x3FB7]  }
0x2f: {  	lr =	sadd.s32 s0, s3;
	s0 =	sld [smem:$0x3FAE]  }
0x30: {  	s3 =	sld [smem:$0x3FB1]  }
0x31: {  	[smem:$0x3FBA] =	sst s10  }
0x32: {  	s10 =	sld [smem:$0x3FB8];
	_ =	sdelay $0x3  }
0x33: {  	p0 =	seq.s32 s10, $0x1;
	s10 =	sld [smem:$0x3FBA];
	_ =	sdelay $0x3  }
0x34: {  	[smem:$0x3FBA] =	sst s10  }
0x35: {  	s10 =	sld [smem:$0x3FB9];
	_ =	sdelay $0x3  }
0x36: {  	p1 =	seq.s32 s10, $0x1;
	s10 =	sld [smem:$0x3FBA];
	_ =	sdelay $0x3  }
0x37: {  	[smem:$0x3FBA] =	sst s10  }
0x38: {  	s10 =	sld [smem:$0x3FBB]  }
0x39: {  	_ = 	snop;
	(pc) =	sbr.ind lr, $3  }
0x3a: {  	_ = 	snop  }
0x3b: {  	_ = 	snop  }
0x3c: {  	p2 =	seq.s32 s10, $0x1;
	s10 =	sld [smem:$0x3FBA]  }
0x3d: {  	_ =	shalt  }
0x3e: {  	_ =	shalt  }
0x3f: {  	_ =	shalt  }
0x40: {  	_ =	shalt  }
0x41: {  	_ =	shalt  }
0x42: {  	_ =	shalt  }
0x43: {  	_ =	shalt  }
0x44: {  	_ =	shalt  }
0x45: {  	_ =	shalt  }
0x46: {  	_ =	shalt  }
0x47: {  	_ =	shalt  }
0x48: {  	_ =	shalt  }
0x49: {  	_ =	shalt  }
0x4a: {  	_ =	shalt  }
0x4b: {  	_ =	shalt  }
0x4c: {  	_ =	shalt  }
0x4d: {  	_ =	shalt  }
0x4e: {  	_ =	shalt  }
0x4f: {  	_ =	shalt  }
0x50: {  	_ =	shalt  }
0x51: {  	_ =	shalt  }
0x52: {  	_ =	shalt  }
0x53: {  	_ =	shalt  }
0x54: {  	_ =	shalt  }
0x55: {  	_ =	shalt  }
0x56: {  	_ =	shalt  }
0x57: {  	_ =	shalt  }
0x58: {  	_ =	shalt  }
0x59: {  	_ =	shalt  }
0x5a: {  	_ =	shalt  }
0x5b: {  	_ =	shalt  }
0x5c: {  	_ =	shalt  }
0x5d: {  	_ =	shalt  }
0x5e: {  	_ =	shalt  }
0x5f: {  	_ =	shalt  }
0x60: {  	_ =	shalt  }
0x61: {  	_ =	shalt  }
0x62: {  	_ =	shalt  }
0x63: {  	_ =	shalt  }
0x64: {  	_ =	shalt  }
0x65: {  	_ =	shalt  }
0x66: {  	_ =	shalt  }
0x67: {  	_ =	shalt  }
0x68: {  	_ =	shalt  }
0x69: {  	_ =	shalt  }
0x6a: {  	_ =	shalt  }
0x6b: {  	_ =	shalt  }
0x6c: {  	_ =	shalt  }
0x6d: {  	_ =	shalt  }
0x6e: {  	_ =	shalt  }
0x6f: {  	_ =	shalt  }
0x70: {  	_ =	shalt  }
0x71: {  	_ =	shalt  }
0x72: {  	_ =	shalt  }
0x73: {  	_ =	shalt  }
0x74: {  	_ =	shalt  }
0x75: {  	_ =	shalt  }
0x76: {  	_ =	shalt  }
0x77: {  	_ =	shalt  }
0x78: {  	_ =	shalt  }
0x79: {  	_ =	shalt  }
0x7a: {  	_ =	shalt  }
0x7b: {  	_ =	shalt  }
0x7c: {  	_ =	shalt  }
0x7d: {  	_ =	shalt  }
0x7e: {  	_ =	shalt  }
0x7f: {  	_ =	shalt  }
0x80: {  	_ =	shalt  }
0x81: {  	_ =	shalt  }
0x82: {  	_ =	shalt  }
0x83: {  	_ =	shalt  }
0x84: {  	_ =	shalt  }
0x85: {  	_ =	shalt  }
0x86: {  	_ =	shalt  }
0x87: {  	_ =	shalt  }
.Lfunc_end0:
.L_simem_size_0:
called_computation_lowered:
.L_overlay_start_0:
0x88: {  	s2 =	sld [smem:$0x3FD9]  }
0x89: {  	s3 =	sld [smem:$0x3FFE];
	_ =	sdelay $0x1  }
0x8a: {  	s1 =	srdreg.scid  }
0x8b: {  	s0 =	sand.u32 $0x1, s1  }
0x8c: {  	s17 =	sshll.u32 s0, $0xA;
	s2 =	sadd.s32 s3, s2  }
0x8d: {  	s2 =	sadd.s32 s2, s17  }
0x8e: {  	[smem:$0x3FC6] =	sst s2  }
0x8f: {  	_ = 	snop  }
0x90: {  	s2 =	sld [smem:$0x3FC9]  }
0x91: {  	s18 =	sld [smem:$0x3FC8]  }
0x92: {  	s4 =	sld [smem:$0x3FD0];
	(tm) =	ssettm $0x1  }
0x93: {  	s5 =	sld [smem:$0x3FFB];
	_ =	sdelay $0x3  }
0x94: {  	_ =	strace s5  }
0x95: {  	s5 =	sld [smem:$0x3FFC];
	_ =	sdelay $0x3  }
0x96: {  	_ =	strace s5  }
0x97: {  	s5 =	sld [smem:$0x3FFD];
	_ =	sdelay $0x3  }
0x98: {  	_ =	strace s5  }
0x99: {  	_ =	strace $0x8FFFFFFF  }
0x9a: {  	s19 =	sld [smem:$0x3FDB];
	_ =	sdelay $0x1  }
0x9b: {  	s6 =	simm.s32 $_scs_section_size  }
0x9c: {  	s7 =	simm.s32 $_size__tile_overlayer_lowered;
	s8 =	simm.s32 $_tile_overlayer_lowered  }
0x9d: {  	s22 =	simm.s32 $0x1BFF;
	s21 =	sshll.u32 s8, $0x1;
	s5 =	sadd.s32 s6, s19  }
0x9e: {  	s9 =	simm.s32 $0x0;
	s20 =	sshll.u32 s7, $0x1;
	s7 =	sadd.s32 s21, s5  }
0x9f: {  	[timem:s9], [sflag:s22] =	dma.local [hbm:s7], s20  }
0xa0: {  	_ =	swait.ge [sflag:s22], s20  }
0xa1: {  	s6 =	ssub.s32 $0x0, s20;
	[sflag:s22] =	ssyncset.done $0x0  }
0xa2: {  	[sflag:s22] =	ssyncadd.s32 s6;
	_ =	sdelay $0x1  }
0xa3: {  	s23 =	simm.s32 $0x1B8B  }
0xa4: {  	_ =	swait.ge [sflag:s23], $0x1  }
0xa5: {  	[sflag:s23] =	ssyncset.done $0x0  }
0xa6: {  	s25 =	simm.s32 $0x1B8E;
	s24 =	sld [smem:$0x3FFE];
	[sflag:s23] =	ssyncadd.s32 $0xFFFFFFFF  }
0xa7: {  	s26 =	simm.s32 $execute0_lowered;
	[smem:$0x3FD2] =	sst s25  }
0xa8: {  	s7 =	sshll.u32 s26, $0x1;
	_ =	strace $0x80000046;
	[dreg:$0x1] =	wrdreg $0xFFFFFFFF  }
0xa9: {  	s28 =	simm.s32 $_size_execute0_lowered;
	s5 =	sadd.s32 s5, s7;
	[dreg:$0x0] =	wrdreg $0x0  }
0xaa: {  	s7 =	sshll.u32 s28, $0x1;
	[dreg:$0x2] =	wrdreg s5  }
0xab: {  	[dreg:$0x3] =	wrdreg s7  }
0xac: {  	[dreg:$0x4] =	wrdreg $0xC0  }
0xad: {  	_ =	task [dreg:s9], $0x5FFFF  }
0xae: {  	[dreg:$0x1] =	wrdreg $0xFFFFFFFF  }
0xaf: {  	[dreg:$0x0] =	wrdreg $0x60  }
0xb0: {  	[dreg:$0x2] =	wrdreg s2  }
0xb1: {  	[dreg:$0x3] =	wrdreg s18  }
0xb2: {  	[dreg:$0x4] =	wrdreg s4  }
0xb3: {  	[dreg:$0x5] =	wrdreg s24  }
0xb4: {  	[dreg:$0x6] =	wrdreg $0x9  }
0xb5: {  	_ =	task.clear_ibuf [dreg:s9], $0x7FFFF;
	_ =	strace $0x90000046  }
0xb6: {  	s29 =	simm.s32 $0x9;
	_ =	strace $0x80000048  }
0xb7: {  	_ =	swait.ge [sflag:s29], $0x1  }
0xb8: {  	[sflag:s29] =	ssyncadd.s32 $0xFFFFFFFF  }
0xb9: {  	_ =	strace $0x90000048  }
0xba: {  	_ =	sfence  }
0xbb: {  	s30 =	sld [smem:$0x0];
	_ =	sdelay $0x2  }
0xbc: {  	s31 =	sshll.u32 s1, $0xD;
	s1 =	sshrl.u32 s1, $0x2  }
0xbd: {  	s3 =	sand.u32 $0x4000, s31;
	s1 =	sadd.s32 s1, s30  }
0xbe: {  	s0 =	sor.u32 s3, s0;
	s1 =	sshll.u32 s1, $0x11  }
0xbf: {  	s0 =	sor.u32 s1, s0  }
0xc0: {  	s0 =	sadd.s32 $0x8F2B, s0  }
0xc1: {  	[sflag:s0] =	ssyncadd.remote.s32 $0x1  }
0xc2: {  	_ =	sfence.sel $0xFFFF  }
0xc3: {  	[dreg:$0x0] =	wrdreg $0xFFFFFFFF;
	(pc) =	sbr.abs _section_cstart, $3  }
0xc4: {  	[dreg:$0x1] =	wrdreg $0xFFFFFFFF  }
0xc5: {  	_ =	task.clear_ibuf [dreg:s9], $0x2FFFF;
	_ =	strace $0x9FFFFFFF  }
0xc6: {  	(tm) =	ssettm $0x7FFFFFFF  }
0xc7: {  	_ =	shalt  }
tec
execute0_lowered:
.L_overlay_start_1:
0x0: {  	(tag) =	ssettag $0x1  }
0x1: {  	s1 =	rddreg [dreg:$0x0]  }
0x2: {  	s2 =	rddreg [dreg:$0x1]  }
0x3: {  	s3 =	rddreg [dreg:$0x2]  }
0x4: {  	s7 =	rddreg [dreg:$0x3]  }
0x5: {  	s0 =	rddreg [dreg:$0x4];
	s6 =	srdreg.scid;
	s5 =	simm.s32 $0x0  }
0x6: {  	s4 =	stileid.u32;
	s11 =	simm.s32 $0x3;
	s12 =	simm.s32 $0x1C000  }
0x7: {  	s13 =	simm.s32 $0x4000;
	s14 =	simm.s32 $0x8000;
	s15 =	simm.s32 $0xC000  }
0x8: {  	s16 =	simm.s32 $0x1E000;
	s17 =	simm.s32 $0x2;
	s18 =	simm.s32 $0x0  }
.Ltmp0:
0x9: {  	s6 =	sand.u32 $0x1, s6;
	[smem:$0x7FF] =	sst s5;
	(pc) =	sbr.rel .LBB2_1-.Ltmp0, $4  }
0xa: {  	s9 =	sshll.u32 s4, $0x1;
	s7 =	sadd.s32 $0x400, s7;
	s8 =	ssub.s32 $0x2, s6  }
0xb: {  	v1 =	vlaneseq.u32;
	v3 =	vimm.s32 $0x0;
	_ =	strace $0x80000047;
	s6 =	sor.u32 s6, s9;
	s10 =	sshrl.u32 s8, $0x1  }
0xc: {  	vm0 =	vmmov $0xffff;
	v6 =	vimm.f32 $0.0e+00;
	v2 =	vmul.u32 $0x8000, v1;
	s9 =	ssub.s32 $0x208, s6;
	p0 =	sne.s32 s6, $0x8;
	s10 =	ssub.s32 s8, s10  }
0xd: {  	v4 =	vor.u32 $0x4000, v1;
	v5 =	vmul.u32 $0x80, v1;
	v0 =	vmov s6;
	s8 =	sadd.s32 $0xF4000, s2;
	s9 =	sshrl.u32 s9, $0x5;
	s10 =	smax.u32 s10, $0x1  }
.LBB2_26:
0xe: {  	[sflag:s17] =	ssyncadd.s32 $0xFFFFF800  }
.LBB2_27:
0xf: {  	s18 =	sadd.s32 $0x1, s18  }
0x10: {  	p1 =	sne.s32 s18, s10  }
.Ltmp1:
0x11: {  	_ = 	snop;
	(pc) =	sbr.rel @!p1 .LBB2_28-.Ltmp1, $1  }
0x12: {  	_ =	sdelay $0x3  }
.LBB2_1:
0x13: {  	[tilespmem:s5], [sflag:$0x3] =	stream.linear.gather [hbm4b:s1+s5], $0x4000, $0x38;
	[tilespmem:$0x1F800] =	vst v63  }
0x14: {  	_ =	swait.ge [sflag:s11], $0x4000  }
0x15: {  	[sflag:s11] =	ssyncset.done $0x0  }
0x16: {  	[sflag:s11] =	ssyncadd.s32 $0xFFFFC000  }
0x17: {  	[tilespmem:s12], [sflag:$0x3] =	stream.linear.gather [hbm4b:s3+s5], $0x2000, $0x38;
	[tilespmem:$0x1F800] =	vst v63  }
0x18: {  	_ =	swait.ge [sflag:s11], $0x2000  }
0x19: {  	[sflag:s11] =	ssyncset.done $0x0  }
0x1a: {  	s20 =	simm.s32 $0x20;
	[sflag:s11] =	ssyncadd.s32 $0xFFFFE000  }
0x1b: {  	v8 =	vld [tilespmem:s20+$0xFFFFFFE0]  }
0x1c: {  	v7 =	vmov s5  }
0x1d: {  	s19 =	simm.s32 $0x40;
	s29 =	simm.s32 $0x20;
	s30 =	simm.s32 $0x30;
	v7 =	vshll.u32 v7, $0xF;
	v9 =	vld [tilespmem:s20+$0xFFFFFFF0]  }
0x1e: {  	s21 =	simm.s32 $0x10;
	s31 =	simm.s32 $0x50;
	v12 =	vmov s19;
	v13 =	vmov s29;
	v15 =	vmov s30;
	v11 =	vld [tilespmem:s20+$0x0]  }
0x1f: {  	v52 =	vmov s31;
	v10 =	vor.u32 v2, v7;
	v7 =	vmov s21  }
0x20: {  	v42 =	vshll.u32 v13, $0xF;
	v15 =	vshll.u32 v15, $0xF;
	v43 =	vld [tilespmem:s20+$0x10];
	v16 =	vshrl.u32 v8, $0xB  }
0x21: {  	v7 =	vshll.u32 v7, $0xF;
	v15 =	vor.u32 v2, v15;
	v16 =	vand.u32 $0x1F, v16  }
0x22: {  	v14 =	vor.u32 v2, v7;
	v17 =	vshrl.u32 v9, $0xB;
	vm4 =	veq.s32 v16, v0  }
0x23: {  	v18 =	vshrl.u32 v11, $0xB;
	v44 =	vand.u32 $0x1F, v17;
	v46 =	vsel vm4, $0x1, v3  }
0x24: {  	v7 =	vshll.u32 v12, $0xF;
	v45 =	vand.u32 $0x1F, v18;
	vm3 =	veq.s32 v44, v0;
	(xrf0) =	vadd.scan.msk.s32 $0xffff, v46  }
0x25: {  	v48 =	vshrl.u32 v43, $0xB;
	vm2 =	veq.s32 v45, v0;
	v47 =	vsel vm3, $0x1, v3  }
0x26: {  	v12 =	vor.u32 v2, v42;
	v16 =	vand.u32 $0x1F, v48;
	v49 =	vsel vm2, $0x1, v3;
	(xrf0) =	vadd.scan.msk.s32 $0xffff, v47  }
0x27: {  	v7 =	vor.u32 v2, v7;
	v50 =	vshra.s32 v8, $0x5;
	vm1 =	veq.s32 v16, v0;
	(xrf0) =	vadd.scan.msk.s32 $0xffff, v49  }
0x28: {  	v8 =	vand.u32 $0x7FF, v8;
	v20 =	vshra.s32 v9, $0x5;
	v53 =	vsel vm1, $0x1, v3  }
0x29: {  	v9 =	vand.u32 $0x7FF, v9;
	v22 =	vshra.s32 v43, $0x5;
	v13 =	vand.u32 $0x7FF, v43;
	(xrf0) =	vadd.scan.msk.s32 $0xffff, v53  }
0x2a: {  	v17 =	vshll.u32 v52, $0xF;
	v10 =	vor.u32 v10, v8;
	v19 =	vmpcnt.ones.xlane vm4;
	v56, _, _ =	vpop (xrf0)  }
0x2b: {  	v54 =	vand.u32 $0xFFFFF800, v20;
	v55 =	vmpcnt.ones.xlane vm3;
	v18 =	vadd.s32 v56, v3  }
0x2c: {  	v8 =	vor.u32 v2, v17;
	v19 =	vadd.s32 v3, v19;
	v57, _, _ =	vpop (xrf0);
	v18 =	vadd.s32 $0xFFFFFFFF, v18  }
0x2d: {  	v21 =	vmpcnt.ones.xlane vm2;
	v17 =	vadd.s32 v55, v19;
	v20 =	vadd.s32 v57, v19;
	v58, _, _ =	vpop (xrf0)  }
0x2e: {  	v61 =	vshra.s32 v11, $0x5;
	v20 =	vadd.s32 $0xFFFFFFFF, v20;
	v19 =	vadd.s32 v58, v17  }
0x2f: {  	v51 =	vand.u32 $0xFFFFF800, v50;
	v17 =	vadd.s32 v21, v17;
	v60, _, _ =	vpop (xrf0);
	v19 =	vadd.s32 $0xFFFFFFFF, v19  }
0x30: {  	v11 =	vand.u32 $0x7FF, v11;
	v10 =	vor.u32 v51, v10;
	v21 =	vadd.s32 v60, v17  }
0x31: {  	v9 =	vor.u32 v14, v9;
	v11 =	vor.u32 v12, v11;
	[tilespmem:v18+s13+$0x0] =	vst.idx.msk vm4, v10;
	v10 =	vadd.s32 $0xFFFFFFFF, v21  }
0x32: {  	v9 =	vor.u32 v54, v9;
	v16 =	vand.u32 $0xFFFFF800, v61;
	v59 =	vmpcnt.ones.xlane vm1  }
0x33: {  	s22 =	simm.s32 $0x60;
	v62 =	vand.u32 $0xFFFFF800, v22;
	v13 =	vor.u32 v15, v13;
	v63 =	vor.u32 v16, v11;
	[tilespmem:v20+s13+$0x0] =	vst.idx.msk vm3, v9  }
0x34: {  	s21 =	simm.s32 $0x60;
	[smem:$0x0] =	sst s5;
	s20 =	simm.s32 $0x80;
	v11 =	vor.u32 v62, v13;
	v9 =	vadd.s32 v59, v17;
	[tilespmem:v19+s13+$0x0] =	vst.idx.msk vm2, v63  }
.LBB2_2:
0x35: {  	p1 =	sne.s32 s20, $0x3FC0  }
0x36: {  	v12 =	vmov s20;
	s21 =	sadd.s32 $0x40, s21;
	[tilespmem:v10+s13+$0x0] =	vst.idx.msk vm1, v11;
	s23 =	smov.u32 s20;
	s20 =	sadd.s32 $0x40, s20  }
0x37: {  	v10 =	vshll.u32 v12, $0xF;
	v11 =	vld [tilespmem:s22+$0x0]  }
0x38: {  	s24 =	sadd.s32 $0x20, s19;
	v12 =	vld [tilespmem:s22+$0xFFFFFFE0]  }
0x39: {  	s25 =	sadd.s32 $0x30, s19;
	v14 =	vmov s24;
	s19 =	smov.u32 s23;
	v13 =	vld [tilespmem:s22+$0xFFFFFFF0]  }
0x3a: {  	v14 =	vshll.u32 v14, $0xF;
	v15 =	vld [tilespmem:s22+$0x10];
	s22 =	smov.u32 s21  }
0x3b: {  	v16 =	vmov s25;
	v14 =	vor.u32 v2, v14  }
0x3c: {  	v10 =	vor.u32 v2, v10;
	v16 =	vshll.u32 v16, $0xF;
	v17 =	vshrl.u32 v11, $0xB  }
0x3d: {  	v16 =	vor.u32 v2, v16;
	v18 =	vshrl.u32 v12, $0xB;
	v17 =	vand.u32 $0x1F, v17  }
0x3e: {  	v20 =	vshra.s32 v12, $0x5;
	v18 =	vand.u32 $0x1F, v18;
	v19 =	vshrl.u32 v13, $0xB  }
0x3f: {  	vm2 =	veq.s32 v18, v0;
	v18 =	vand.u32 $0x1F, v19;
	v19 =	vshrl.u32 v15, $0xB  }
0x40: {  	vm3 =	veq.s32 v18, v0;
	v18 =	vand.u32 $0x1F, v19;
	v19 =	vsel vm2, $0x1, v3  }
0x41: {  	vm4 =	veq.s32 v17, v0;
	v21 =	vmpcnt.ones.xlane vm2;
	v17 =	vsel vm3, $0x1, v3;
	(xrf0) =	vadd.scan.msk.s32 $0xffff, v19  }
0x42: {  	s23 =	sadd.s32 $0x10, s19;
	vm1 =	veq.s32 v18, v0;
	v18 =	vand.u32 $0xFFFFF800, v20;
	v19 =	vsel vm4, $0x1, v3;
	(xrf0) =	vadd.scan.msk.s32 $0xffff, v17  }
0x43: {  	v12 =	vand.u32 $0x7FF, v12;
	v17 =	vmov s23;
	v20 =	vsel vm1, $0x1, v3;
	(xrf0) =	vadd.scan.msk.s32 $0xffff, v19  }
0x44: {  	v12 =	vor.u32 v7, v12;
	v7 =	vmovc v10;
	v17 =	vshll.u32 v17, $0xF;
	v19 =	vshra.s32 v13, $0x5;
	(xrf0) =	vadd.scan.msk.s32 $0xffff, v20  }
0x45: {  	v12 =	vor.u32 v18, v12;
	v10 =	vor.u32 v2, v17;
	v17 =	vand.u32 $0xFFFFF800, v19  }
0x46: {  	v18 =	vshra.s32 v15, $0x5;
	v15 =	vand.u32 $0x7FF, v15;
	v13 =	vand.u32 $0x7FF, v13  }
0x47: {  	v13 =	vor.u32 v8, v13;
	v8 =	vmpcnt.ones.xlane vm3;
	v19 =	vmpcnt.ones.xlane vm1;
	v20, _, _ =	vpop (xrf0)  }
0x48: {  	v24 =	vmpcnt.ones.xlane vm4;
	v23 =	vadd.s32 v9, v21;
	v20 =	vadd.s32 v20, v9;
	v21, _, _ =	vpop (xrf0)  }
0x49: {  	v25 =	vadd.s32 v8, v23;
	v20 =	vadd.s32 $0xFFFFFFFF, v20;
	v21 =	vadd.s32 v21, v23;
	v9, _, _ =	vpop (xrf0)  }
0x4a: {  	v24 =	vadd.s32 v24, v25;
	v21 =	vadd.s32 $0xFFFFFFFF, v21;
	v9 =	vadd.s32 v9, v25;
	v22, _, _ =	vpop (xrf0)  }
0x4b: {  	v8 =	vmovc v10;
	v23 =	vadd.s32 $0xFFFFFFFF, v9;
	v22 =	vadd.s32 v22, v24;
	v9 =	vadd.s32 v19, v24  }
.Ltmp2:
0x4c: {  	v13 =	vor.u32 v17, v13;
	v17 =	vand.u32 $0xFFFFF800, v18;
	v10 =	vadd.s32 $0xFFFFFFFF, v22;
	(pc) =	sbr.rel @p1 .LBB2_2-.Ltmp2, $4  }
0x4d: {  	v15 =	vor.u32 v16, v15;
	v18 =	vshra.s32 v11, $0x5;
	v11 =	vand.u32 $0x7FF, v11  }
0x4e: {  	v16 =	vand.u32 $0xFFFFF800, v18;
	v11 =	vor.u32 v14, v11;
	[tilespmem:v20+s13+$0x0] =	vst.idx.msk vm2, v12  }
0x4f: {  	v12 =	vor.u32 v16, v11;
	[tilespmem:v21+s13+$0x0] =	vst.idx.msk vm3, v13  }
0x50: {  	v11 =	vor.u32 v17, v15;
	[tilespmem:v23+s13+$0x0] =	vst.idx.msk vm4, v12  }
0x51: {  	_ =	sdelay $0x4  }
0x52: {  	[tilespmem:v10+s13+$0x0] =	vst.idx.msk vm1, v11  }
0x53: {  	v10 =	vld [tilespmem:s22+$0x0]  }
0x54: {  	v11 =	vld [tilespmem:s22+$0xFFFFFFE0]  }
0x55: {  	v12 =	vld [tilespmem:s22+$0xFFFFFFF0]  }
0x56: {  	v13 =	vld [tilespmem:s22+$0x10];
	_ =	sdelay $0x3  }
0x57: {  	v14 =	vshrl.u32 v10, $0xB;
	v15 =	vshrl.u32 v11, $0xB  }
0x58: {  	v16 =	vshrl.u32 v12, $0xB;
	v47 =	vshrl.u32 v13, $0xB;
	v15 =	vand.u32 $0x1F, v15  }
0x59: {  	v14 =	vand.u32 $0x1F, v14;
	v46 =	vand.u32 $0x1F, v16;
	vm4 =	veq.s32 v15, v0  }
0x5a: {  	v48 =	vand.u32 $0x1F, v47;
	vm2 =	veq.s32 v46, v0;
	v49 =	vmpcnt.ones.xlane vm4  }
0x5b: {  	vm3 =	veq.s32 v14, v0;
	vm1 =	veq.s32 v48, v0;
	v50 =	vmpcnt.ones.xlane vm2  }
0x5c: {  	v17 =	vsel vm4, $0x1, v3;
	v51 =	vmpcnt.ones.xlane vm3;
	v16 =	vadd.s32 v9, v49  }
0x5d: {  	v18 =	vsel vm2, $0x1, v3;
	v52 =	vmpcnt.ones.xlane vm1;
	(xrf0) =	vadd.scan.msk.s32 $0xffff, v17;
	v14 =	vadd.s32 v50, v16  }
0x5e: {  	v19 =	vsel vm3, $0x1, v3;
	(xrf0) =	vadd.scan.msk.s32 $0xffff, v18;
	v15 =	vadd.s32 v51, v14  }
0x5f: {  	v53 =	vsel vm1, $0x1, v3;
	(xrf0) =	vadd.scan.msk.s32 $0xffff, v19;
	v17 =	vadd.s32 v52, v15  }
0x60: {  	(xrf0) =	vadd.scan.msk.s32 $0xffff, v53;
	v17 =	vxor.u32 $0x80000000, v17  }
0x61: {  	(xrf0) =	vmax.scan.msk.u32 $0xffff, v17;
	_ =	sdelay $0x1  }
0x62: {  	v54, _, _ =	vpop (xrf0)  }
0x63: {  	v55, _, _ =	vpop (xrf0)  }
0x64: {  	v19, _, _ =	vpop (xrf0)  }
0x65: {  	v20, _, _ =	vpop (xrf0)  }
0x66: {  	v21, _, _ =	vpop (xrf0)  }
0x67: {  	(v2sf) =	vpush v21, $0xF;
	_ =	sdelay $0xe  }
0x68: {  	s20 =	spop (v2sf)  }
0x69: {  	s21 =	sadd.s32 $0x8000000F, s20  }
0x6a: {  	s24 =	sadd.s32 $0x20, s19;
	s25 =	sadd.s32 $0x30, s19;
	s23 =	sand.u32 $0xF, s21  }
0x6b: {  	v56 =	vmov s24;
	v57 =	vmov s25;
	v22 =	vshra.s32 v11, $0x5;
	s26 =	sshra.s32 s21, $0x1F;
	p2 =	slt.s32 s21, $0x1;
	p1 =	sne.s32 s23, $0x0  }
0x6c: {  	v11 =	vand.u32 $0x7FF, v11;
	v60 =	vshra.s32 v12, $0x5;
	v12 =	vand.u32 $0x7FF, v12;
	s28 =	sshrl.u32 s26, $0x1C;
	p1 =	por !p2, !p1  }
0x6d: {  	v61 =	vshra.s32 v13, $0x5;
	v13 =	vand.u32 $0x7FF, v13;
	v62 =	vshra.s32 v10, $0x5;
	s19 =	sadd.s32 s28, s21;
	s21 =	simm.s32 $0x1;
	p1 =	por !p1, !p1  }
0x6e: {  	v10 =	vand.u32 $0x7FF, v10;
	v7 =	vor.u32 v7, v11;
	v58 =	vadd.s32 v54, v9;
	s19 =	sshra.s32 s19, $0x4;
	s21 =	simm.s32 @!p1 $0x0  }
0x6f: {  	v22 =	vand.u32 $0xFFFFF800, v22;
	v16 =	vadd.s32 v55, v16;
	v9 =	vadd.s32 $0xFFFFFFFF, v58;
	s19 =	ssub.s32 s19, s21  }
0x70: {  	v11 =	vshll.u32 v57, $0xF;
	v16 =	vadd.s32 $0xFFFFFFFF, v16;
	v14 =	vadd.s32 v19, v14;
	s21 =	sadd.s32 $0x3, s19  }
0x71: {  	v8 =	vor.u32 v8, v12;
	v14 =	vadd.s32 $0xFFFFFFFF, v14;
	v15 =	vadd.s32 v20, v15;
	s29 =	sand.u32 $0x3, s21  }
0x72: {  	v7 =	vor.u32 v22, v7;
	v15 =	vadd.s32 $0xFFFFFFFF, v15;
	v21 =	vshll.u32 v56, $0xF;
	p5 =	slt.s32 s19, $0xFFFFFFFE;
	p6 =	sne.s32 s29, $0x0  }
.Ltmp3:
0x73: {  	v11 =	vor.u32 v2, v11;
	v18 =	vand.u32 $0xFFFFF800, v60;
	v59 =	vor.u32 v2, v21;
	s30 =	sshrl.u32 s21, $0x1E;
	p1 =	por !p5, !p6;
	(pc) =	sbr.rel .LBB2_4-.Ltmp3, $4  }
0x74: {  	s22 =	simm.s32 $0x1;
	v12 =	vand.u32 $0xFFFFF800, v62;
	v8 =	vor.u32 v18, v8;
	[tilespmem:v9+s13+$0x0] =	vst.idx.msk vm4, v7;
	v10 =	vor.u32 v59, v10;
	s21 =	sadd.s32 s30, s21;
	p1 =	por !p1, !p1  }
0x75: {  	v63 =	vor.u32 v11, v13;
	v7 =	vand.u32 $0xFFFFF800, v61;
	[tilespmem:v16+s13+$0x0] =	vst.idx.msk vm2, v8;
	v10 =	vor.u32 v12, v10;
	s21 =	sshra.s32 s21, $0x2;
	s22 =	simm.s32 @!p1 $0x0  }
0x76: {  	v7 =	vor.u32 v7, v63;
	[tilespmem:v14+s13+$0x0] =	vst.idx.msk vm3, v10;
	s31 =	sxor.u32 $0x80000000, s20;
	s20 =	ssub.s32 s21, s22  }
0x77: {  	[tilespmem:v15+s13+$0x0] =	vst.idx.msk vm1, v7;
	v7 =	vmov s31;
	s21 =	simm.s32 $0x0;
	p1 =	slt.s32 s20, $0x1  }
.LBB2_16:
0x78: {  	_ =	sdelay $0x3  }
0x79: {  	[hbm4b:s7+s5] =	stream.indirect_vreg.scatter [tilespmem:s26], [sflag:$0x2], $0x80, v9, vm0, $0xb8;
	[tilespmem:$0x1F800] =	vst v63  }
.LBB2_17:
0x7a: {  	s21 =	sadd.s32 $0x1, s21  }
0x7b: {  	p2 =	sne.s32 s21, s9  }
.Ltmp4:
0x7c: {  	_ = 	snop;
	(pc) =	sbr.rel @!p2 .LBB2_18-.Ltmp4, $1  }
0x7d: {  	_ =	sdelay $0x3  }
.LBB2_4:
0x7e: {  	s22 =	sshll.u32 s21, $0x5  }
0x7f: {  	s22 =	sor.u32 s6, s22  }
0x80: {  	p2 =	sgt.s32 s22, $0x1E7  }
0x81: {  	p3 =	sne.s32 @p2 s22, $0x1E8  }
0x82: {  	p3 =	por p3, !p2  }
0x83: {  	s23 =	simm.s32 @!p3 $0x0;
	s24 =	simm.s32 @!p3 $0xC000  }
0x84: {  	[tilespmem:s24], [sflag:$0x1] =	stream.linear.gather @!p3 [hbm4b:s8+s23], $0x1000, $0x38;
	[tilespmem:$0x1F800] =	vst v63  }
0x85: {  	s25 =	simm.s32 @!p3 $0x10000;
	s24 =	sadd.s32 @!p3 $0xF4280, s8  }
0x86: {  	[tilespmem:s25], [sflag:$0x1] =	stream.linear.gather @!p3 [hbm4b:s24+s23], $0x1000, $0x38;
	[tilespmem:$0x1F800] =	vst v63  }
0x87: {  	s24 =	sadd.s32 @!p3 $0x1E8500, s8;
	s25 =	simm.s32 @!p3 $0x14000  }
0x88: {  	[tilespmem:s25], [sflag:$0x1] =	stream.linear.gather @!p3 [hbm4b:s24+s23], $0x1000, $0x38;
	[tilespmem:$0x1F800] =	vst v63  }
0x89: {  	s24 =	sadd.s32 @!p3 $0x2DC780, s8;
	s25 =	simm.s32 @!p3 $0x18000  }
0x8a: {  	[tilespmem:s25], [sflag:$0x1] =	stream.linear.gather @!p3 [hbm4b:s24+s23], $0x1000, $0x38;
	[tilespmem:$0x1F800] =	vst v63  }
.Ltmp5:
0x8b: {  	_ = 	snop;
	(pc) =	sbr.rel @p1 .LBB2_5-.Ltmp5, $4  }
0x8c: {  	s23 =	sshll.u32 @!p2 s22, $0xB  }
0x8d: {  	s26 =	simm.s32 @!p2 $0xC000;
	s23 =	sand.u32 @!p2 $0x1FFFF800, s23  }
0x8e: {  	s24 =	simm.s32 @!p2 $0x4000;
	s25 =	simm.s32 @!p2 $0x7A1400;
	s23 =	sadd.s32 @!p2 s2, s23  }
0x8f: {  	[tilespmem:s26], [sflag:$0x1] =	stream.strided.gather @!p2 [hbm4b:s23+s24], $0x10000, s25, s24, $0x38;
	[tilespmem:$0x1F800] =	vst v63  }
0x90: {  	p5 =	sne.s32 s20, $0x1  }
.Ltmp6:
0x91: {  	_ = 	snop;
	(pc) =	sbr.rel @!p5 .LBB2_7-.Ltmp6, $4  }
0x92: {  	p4 =	seq.s32 s22, $0x1E8;
	s22 =	simm.s32 $0x200  }
0x93: {  	v8 =	vmov s21;
	s31 =	simm.s32 $0x0;
	s23 =	simm.s32 $0x10;
	v10 =	vimm.s32 $0x0;
	s25 =	simm.s32 $0x20  }
0x94: {  	s26 =	simm.s32 $0x30;
	s22 =	simm.s32 @!p4 $0x800;
	v22 =	vor.u32 s31, v1;
	v11 =	vor.u32 s23, v1;
	v12 =	vor.u32 s25, v1  }
0x95: {  	s24 =	sadd.s32 $0xFFFFFFFF, s20;
	s23 =	simm.s32 $0x4020;
	v14 =	vor.u32 s26, v1;
	p4 =	por $0x0, $0x0;
	v9 =	vmov s22;
	vm1 =	vlt.s32 v11, v7  }
0x96: {  	v15 =	vld [tilespmem:s23+$0x0]  }
0x97: {  	v16 =	vld [tilespmem:s23+$0xFFFFFFF0]  }
0x98: {  	v17 =	vld [tilespmem:s23+$0xFFFFFFE0];
	_ =	sdelay $0x2  }
0x99: {  	s22 =	simm.s32 $0x40;
	vm2 =	vlt.s32 v22, v7;
	vm4 =	vlt.s32 v12, v7;
	vm5 =	vlt.s32 v14, v7  }
0x9a: {  	v18 =	vld [tilespmem:s23+$0x10];
	v11 =	vor.u32 s22, v1;
	v19 =	vand.u32 $0x7FF, v15;
	v12 =	vshrl.u32 v15, $0xB  }
0x9b: {  	v20 =	vand.u32 $0x7FF, v16;
	v13 =	vshrl.u32 v16, $0xB;
	v21 =	vand.u32 $0x7FF, v17  }
0x9c: {  	v14 =	vshrl.u32 v17, $0xB;
	v12 =	vand.u32 $0xF, v12;
	vm3 =	vlt.u32 v20, v9  }
0x9d: {  	v14 =	vand.u32 $0xF, v14;
	v13 =	vand.u32 $0xF, v13;
	vm6 =	vlt.u32 v19, v9  }
0x9e: {  	vm8 =	vlt.u32 v21, v9;
	vm7 =	veq.s32 v14, v8;
	vm9 =	veq.s32 v13, v8  }
0x9f: {  	v13 =	vand.u32 $0x7FF, v18;
	vm7 =	vmand vm8, vm7;
	vm3 =	vmand vm3, vm9  }
0xa0: {  	v14 =	vshrl.u32 v18, $0xB;
	vm2 =	vmand vm2, vm7;
	vm3 =	vmand vm1, vm3  }
0xa1: {  	vm1 =	veq.s32 v12, v8;
	v12 =	vand.u32 $0xF, v14;
	vm7 =	vlt.u32 v13, v9  }
0xa2: {  	v14 =	vsel vm2, $0x1, v3;
	vm1 =	vmand vm6, vm1;
	vm6 =	veq.s32 v12, v8  }
0xa3: {  	(xrf0) =	vadd.scan.msk.s32 $0xffff, v14;
	vm4 =	vmand vm4, vm1;
	vm1 =	vmand vm7, vm6;
	v14 =	vsel vm3, $0x1, v3  }
0xa4: {  	v17 =	vshra.s32 v17, $0x4;
	vm5 =	vmand vm5, vm1;
	v22 =	vsel vm4, $0x1, v3;
	(xrf0) =	vadd.scan.msk.s32 $0xffff, v14  }
0xa5: {  	v16 =	vshra.s32 v16, $0x4;
	v17 =	vand.u32 $0xFFFFF800, v17;
	v24 =	vsel vm5, $0x1, v3;
	(xrf0) =	vadd.scan.msk.s32 $0xffff, v22  }
0xa6: {  	v25 =	vmpcnt.ones.xlane vm2;
	v23 =	vmpcnt.ones.xlane vm4;
	v22 =	vshra.s32 v15, $0x4;
	(xrf0) =	vadd.scan.msk.s32 $0xffff, v24  }
0xa7: {  	v26 =	vmpcnt.ones.xlane vm5;
	v15 =	vshra.s32 v18, $0x4;
	v18 =	vand.u32 $0xFFFFF800, v16  }
0xa8: {  	s31 =	simm.s32 $0x50;
	v16 =	vor.u32 v21, v17;
	v21 =	vmpcnt.ones.xlane vm3;
	v22 =	vand.u32 $0xFFFFF800, v22  }
0xa9: {  	p5 =	sne.s32 s24, $0x1;
	v17 =	vor.u32 v20, v18;
	v18 =	vor.u32 v19, v22;
	v19 =	vor.u32 s31, v1;
	v20, _, _ =	vpop (xrf0)  }
.Ltmp7:
0xaa: {  	v22 =	vadd.s32 v10, v25;
	vm1 =	vlt.s32 v19, v7;
	v62, _, _ =	vpop (xrf0);
	v10 =	vadd.s32 v20, v10;
	(pc) =	sbr.rel @!p5 .LBB2_9-.Ltmp7, $4  }
0xab: {  	v21 =	vadd.s32 v21, v22;
	v63, _, _ =	vpop (xrf0);
	v19 =	vadd.s32 $0xFFFFFFFF, v10;
	v10 =	vadd.s32 v62, v22  }
0xac: {  	s30 =	simm.s32 $0x60;
	v22 =	vadd.s32 v23, v21;
	v23, _, _ =	vpop (xrf0);
	v20 =	vadd.s32 $0xFFFFFFFF, v10;
	v10 =	vadd.s32 v63, v21  }
0xad: {  	s25 =	simm.s32 $0x70;
	s23 =	simm.s32 $0x4060;
	v12 =	vor.u32 s30, v1;
	v23 =	vadd.s32 v23, v22;
	v21 =	vadd.s32 $0xFFFFFFFF, v10  }
0xae: {  	s24 =	sadd.s32 $0xFFFFFFFF, s24;
	p4 =	por $0x1, $0x1;
	v14 =	vor.u32 s25, v1;
	s25 =	simm.s32 $0x4060;
	v10 =	vadd.s32 v26, v22;
	v23 =	vadd.s32 $0xFFFFFFFF, v23  }
.LBB2_10:
0xaf: {  	p5 =	sne.s32 s24, $0x1;
	s22 =	sadd.s32 $0x40, s22;
	s25 =	sadd.s32 $0x40, s25  }
0xb0: {  	s24 =	sadd.s32 $0xFFFFFFFF, s24;
	s26 =	sadd.s32 $0x20, s22;
	s28 =	sadd.s32 $0x30, s22;
	v22 =	vor.u32 s22, v1;
	[tilespmem:v19+s14+$0x0] =	vst.idx.msk vm2, v16  }
0xb1: {  	v15 =	vand.u32 $0xFFFFF800, v15;
	v16 =	vor.u32 s26, v1;
	v19 =	vor.u32 s28, v1;
	[tilespmem:v20+s14+$0x0] =	vst.idx.msk vm3, v17  }
0xb2: {  	v13 =	vor.u32 v13, v15;
	[tilespmem:v21+s14+$0x0] =	vst.idx.msk vm4, v18  }
0xb3: {  	[tilespmem:v23+s14+$0x0] =	vst.idx.msk vm5, v13  }
0xb4: {  	v13 =	vld [tilespmem:s23+$0x0]  }
0xb5: {  	v15 =	vld [tilespmem:s23+$0xFFFFFFF0]  }
0xb6: {  	v17 =	vld [tilespmem:s23+$0xFFFFFFE0]  }
0xb7: {  	v18 =	vld [tilespmem:s23+$0x10];
	s23 =	smov.u32 s25  }
0xb8: {  	vm2 =	vlt.s32 v11, v7;
	v11 =	vmovc v22;
	vm4 =	vlt.s32 v12, v7;
	vm5 =	vlt.s32 v14, v7  }
0xb9: {  	v12 =	vmovc v16;
	v14 =	vmovc v19;
	v20 =	vand.u32 $0x7FF, v13;
	v21 =	vshrl.u32 v13, $0xB;
	v22 =	vshra.s32 v13, $0x4  }
0xba: {  	v19 =	vand.u32 $0x7FF, v15;
	v13 =	vshrl.u32 v15, $0xB;
	v16 =	vand.u32 $0xF, v21  }
0xbb: {  	v21 =	vand.u32 $0x7FF, v17;
	v23 =	vshrl.u32 v17, $0xB;
	vm3 =	vlt.u32 v19, v9  }
0xbc: {  	vm6 =	vlt.u32 v20, v9;
	v13 =	vand.u32 $0xF, v13;
	v23 =	vand.u32 $0xF, v23  }
0xbd: {  	vm8 =	vlt.u32 v21, v9;
	vm9 =	veq.s32 v13, v8;
	vm7 =	veq.s32 v23, v8  }
0xbe: {  	v13 =	vand.u32 $0x7FF, v18;
	vm3 =	vmand vm3, vm9;
	vm7 =	vmand vm8, vm7  }
0xbf: {  	v23 =	vshrl.u32 v18, $0xB;
	vm3 =	vmand vm1, vm3;
	vm2 =	vmand vm2, vm7  }
0xc0: {  	vm1 =	veq.s32 v16, v8;
	v16 =	vand.u32 $0xF, v23;
	v23 =	vsel vm2, $0x1, v3  }
0xc1: {  	vm1 =	vmand vm6, vm1;
	vm6 =	veq.s32 v16, v8;
	vm7 =	vlt.u32 v13, v9;
	(xrf0) =	vadd.scan.msk.s32 $0xffff, v23  }
0xc2: {  	v16 =	vsel vm3, $0x1, v3;
	vm4 =	vmand vm4, vm1;
	vm1 =	vmand vm7, vm6  }
0xc3: {  	vm5 =	vmand vm5, vm1;
	v23 =	vsel vm4, $0x1, v3;
	v24 =	vmpcnt.ones.xlane vm4;
	(xrf0) =	vadd.scan.msk.s32 $0xffff, v16  }
0xc4: {  	v25 =	vmpcnt.ones.xlane vm2;
	v26 =	vmpcnt.ones.xlane vm5;
	v16 =	vsel vm5, $0x1, v3;
	(xrf0) =	vadd.scan.msk.s32 $0xffff, v23  }
0xc5: {  	v17 =	vshra.s32 v17, $0x4;
	v23 =	vshra.s32 v15, $0x4;
	v15 =	vshra.s32 v18, $0x4;
	(xrf0) =	vadd.scan.msk.s32 $0xffff, v16  }
0xc6: {  	s26 =	sadd.s32 $0x10, s22;
	v18 =	vand.u32 $0xFFFFF800, v22;
	v16 =	vand.u32 $0xFFFFF800, v17;
	v17 =	vand.u32 $0xFFFFF800, v23  }
0xc7: {  	v18 =	vor.u32 v20, v18;
	v16 =	vor.u32 v21, v16;
	v17 =	vor.u32 v19, v17;
	v19, _, _ =	vpop (xrf0)  }
0xc8: {  	v22 =	vor.u32 s26, v1;
	v23 =	vmpcnt.ones.xlane vm3;
	v19 =	vadd.s32 v19, v10  }
.Ltmp8:
0xc9: {  	vm1 =	vlt.s32 v22, v7;
	v10 =	vadd.s32 v10, v25;
	v19 =	vadd.s32 $0xFFFFFFFF, v19;
	v20, _, _ =	vpop (xrf0);
	(pc) =	sbr.rel @p5 .LBB2_10-.Ltmp8, $4  }
0xca: {  	v20 =	vadd.s32 v20, v10;
	v10 =	vadd.s32 v23, v10;
	v21, _, _ =	vpop (xrf0)  }
0xcb: {  	v20 =	vadd.s32 $0xFFFFFFFF, v20;
	v21 =	vadd.s32 v21, v10;
	v10 =	vadd.s32 v24, v10;
	v22, _, _ =	vpop (xrf0)  }
0xcc: {  	v21 =	vadd.s32 $0xFFFFFFFF, v21;
	v22 =	vadd.s32 v22, v10;
	v10 =	vadd.s32 v26, v10  }
0xcd: {  	v23 =	vadd.s32 $0xFFFFFFFF, v22  }
0xce: {  	v22 =	vmov v11  }
.LBB2_12:
0xcf: {  	_ =	sdelay $0x4  }
0xd0: {  	[tilespmem:v19+s14+$0x0] =	vst.idx.msk @p4 vm2, v16  }
0xd1: {  	v11 =	vand.u32 @p4 $0xFFFFF800, v15;
	[tilespmem:v20+s14+$0x0] =	vst.idx.msk @p4 vm3, v17  }
0xd2: {  	v11 =	vor.u32 @p4 v13, v11;
	[tilespmem:v21+s14+$0x0] =	vst.idx.msk @p4 vm4, v18  }
0xd3: {  	[tilespmem:v23+s14+$0x0] =	vst.idx.msk @p4 vm5, v11  }
0xd4: {  	v11 =	vld [tilespmem:s23+$0x0]  }
0xd5: {  	v46 =	vld [tilespmem:s23+$0xFFFFFFF0]  }
0xd6: {  	v47 =	vld [tilespmem:s23+$0xFFFFFFE0]  }
0xd7: {  	v48 =	vld [tilespmem:s23+$0x10];
	_ =	sdelay $0x1  }
0xd8: {  	vm2 =	vlt.s32 v22, v7;
	vm3 =	vlt.s32 v12, v7  }
0xd9: {  	vm4 =	vlt.s32 v14, v7;
	v49 =	vand.u32 $0x7FF, v11;
	v50 =	vshrl.u32 v11, $0xB  }
0xda: {  	v51 =	vand.u32 $0x7FF, v46;
	v52 =	vshrl.u32 v46, $0xB;
	v53 =	vand.u32 $0x7FF, v47  }
0xdb: {  	v54 =	vshrl.u32 v47, $0xB;
	v55 =	vand.u32 $0x7FF, v48;
	v56 =	vshrl.u32 v48, $0xB  }
0xdc: {  	v16 =	vand.u32 $0xF, v50;
	vm15 =	vlt.u32 v51, v9;
	v20 =	vand.u32 $0xF, v54  }
0xdd: {  	v18 =	vand.u32 $0xF, v52;
	vm6 =	vlt.u32 v49, v9;
	vm8 =	vlt.u32 v53, v9  }
0xde: {  	v57 =	vand.u32 $0xF, v56;
	vm14 =	vlt.u32 v55, v9;
	vm7 =	veq.s32 v20, v8  }
0xdf: {  	vm9 =	veq.s32 v18, v8;
	vm12 =	veq.s32 v16, v8;
	vm7 =	vmand vm8, vm7  }
0xe0: {  	vm13 =	veq.s32 v57, v8;
	vm5 =	vmand vm15, vm9;
	vm2 =	vmand vm2, vm7  }
0xe1: {  	vm1 =	vmand vm1, vm5;
	vm5 =	vmand vm6, vm12;
	v58 =	vsel vm2, $0x1, v3  }
0xe2: {  	vm15 =	vmand vm14, vm13;
	vm3 =	vmand vm3, vm5;
	v8 =	vsel vm1, $0x1, v3;
	(xrf0) =	vadd.scan.msk.s32 $0xffff, v58  }
0xe3: {  	vm4 =	vmand vm4, vm15;
	v9 =	vsel vm3, $0x1, v3;
	(xrf0) =	vadd.scan.msk.s32 $0xffff, v8  }
0xe4: {  	v8 =	vsel vm4, $0x1, v3;
	(xrf0) =	vadd.scan.msk.s32 $0xffff, v9  }
0xe5: {  	(xrf0) =	vadd.scan.msk.s32 $0xffff, v8;
	_ =	sdelay $0x1  }
0xe6: {  	v8 =	vmpcnt.ones.xlane vm2  }
0xe7: {  	v59 =	vmpcnt.ones.xlane vm1;
	v9 =	vshra.s32 v11, $0x4;
	v11, _, _ =	vpop (xrf0)  }
0xe8: {  	v60 =	vmpcnt.ones.xlane vm3;
	v8 =	vadd.s32 v10, v8;
	v11 =	vadd.s32 v11, v10;
	v10, _, _ =	vpop (xrf0)  }
0xe9: {  	v11 =	vadd.s32 $0xFFFFFFFF, v11;
	v10 =	vadd.s32 v10, v8;
	v8 =	vadd.s32 v59, v8;
	v61, _, _ =	vpop (xrf0)  }
0xea: {  	v10 =	vadd.s32 $0xFFFFFFFF, v10;
	v16 =	vadd.s32 v61, v8;
	v8 =	vadd.s32 v60, v8;
	v62, _, _ =	vpop (xrf0)  }
0xeb: {  	v15 =	vshra.s32 v47, $0x4;
	v16 =	vadd.s32 $0xFFFFFFFF, v16;
	v20 =	vadd.s32 v62, v8  }
0xec: {  	v13 =	vshra.s32 v46, $0x4;
	v15 =	vand.u32 $0xFFFFF800, v15;
	v20 =	vadd.s32 $0xFFFFFFFF, v20  }
.Ltmp9:
0xed: {  	v12 =	vshra.s32 v48, $0x4;
	v13 =	vand.u32 $0xFFFFF800, v13;
	v15 =	vor.u32 v53, v15;
	(pc) =	sbr.rel .LBB2_13-.Ltmp9, $4  }
0xee: {  	v13 =	vor.u32 v51, v13;
	v63 =	vmpcnt.ones.xlane vm4;
	v9 =	vand.u32 $0xFFFFF800, v9;
	[tilespmem:v11+s14+$0x0] =	vst.idx.msk vm2, v15  }
0xef: {  	v9 =	vor.u32 v49, v9;
	[tilespmem:v10+s14+$0x0] =	vst.idx.msk vm1, v13;
	v10 =	vand.u32 $0xFFFFF800, v12  }
0xf0: {  	v8 =	vadd.s32 v63, v8;
	[tilespmem:v16+s14+$0x0] =	vst.idx.msk vm3, v9;
	v9 =	vor.u32 v55, v10  }
0xf1: {  	v8 =	vxor.u32 $0x80000000, v8;
	[tilespmem:v20+s14+$0x0] =	vst.idx.msk vm4, v9  }
.LBB2_5:
0xf2: {  	v8 =	vimm.s32 $0x80000000  }
.LBB2_13:
0xf3: {  	(xrf0) =	vmax.scan.msk.u32 $0xffff, v8;
	_ =	sdelay $0x5  }
0xf4: {  	v8, _, _ =	vpop (xrf0)  }
0xf5: {  	(v2sf) =	vpush v8, $0xF;
	_ =	sdelay $0xe  }
0xf6: {  	s22 =	simm.s32 @!p3 $0x1;
	s24 =	spop (v2sf)  }
0xf7: {  	_ =	swait.ge @!p3 [sflag:s22], $0x4000;
	s23 =	sadd.s32 $0x8000000F, s24  }
0xf8: {  	[sflag:s22] =	ssyncset.done @!p3 $0x0;
	s25 =	sand.u32 $0xF, s23  }
0xf9: {  	s30 =	sshra.s32 s23, $0x1F;
	p5 =	slt.s32 s23, $0x1;
	p4 =	sne.s32 s25, $0x0  }
0xfa: {  	[sflag:s22] =	ssyncadd.s32 @!p3 $0xFFFFC000;
	s31 =	sshrl.u32 s30, $0x1C;
	p6 =	por !p5, !p4  }
0xfb: {  	s22 =	sadd.s32 s31, s23;
	s23 =	simm.s32 $0x1;
	p3 =	por !p6, !p6  }
0xfc: {  	s22 =	sshra.s32 s22, $0x4;
	s23 =	simm.s32 @!p3 $0x0  }
0xfd: {  	s22 =	ssub.s32 s22, s23  }
0xfe: {  	p3 =	slt.s32 s22, $0x1  }
.Ltmp10:
0xff: {  	_ = 	snop;
	(pc) =	sbr.rel @p3 .LBB2_17-.Ltmp10, $4  }
0x100: {  	s25 =	simm.s32 @!p2 $0x1  }
0x101: {  	_ =	swait.ge @!p2 [sflag:s25], $0x10000  }
0x102: {  	[sflag:s25] =	ssyncset.done @!p2 $0x0  }
0x103: {  	[sflag:s25] =	ssyncadd.s32 @!p2 $0xFFFF0000  }
0x104: {  	s23 =	sld [smem:$0x0];
	_ =	sdelay $0x1  }
0x105: {  	s25 =	simm.s32 $0x8000  }
0x106: {  	v9 =	vld [tilespmem:s25+$0x0];
	s28 =	smulhi.u32 $0x55555556, s23;
	s26 =	sshra.s32 s23, $0x1F  }
0x107: {  	s26 =	smul.u32 $0x55555556, s26;
	_ =	sdelay $0x1  }
0x108: {  	s24 =	sxor.u32 $0x80000000, s24;
	s29 =	simm.s32 $0x0;
	s25 =	sadd.s32 s26, s28  }
0x109: {  	v8 =	vmov s24;
	v10 =	vor.u32 s29, v1;
	s30 =	sshrl.u32 s25, $0x1F  }
0x10a: {  	vm1 =	vlt.s32 v10, v8;
	v10 =	vand.u32 $0x7FF, v9;
	s24 =	sadd.s32 s30, s25  }
0x10b: {  	v10 =	vnsel vm1, $0x0, v10;
	s24 =	smul.u32 $0x3, s24  }
0x10c: {  	v11 =	vshll.u32 v10, $0x3  }
0x10d: {  	v10 =	vand.u32 $0x7F, v10;
	v11 =	vand.u32 $0x3C00, v11;
	s31 =	ssub.s32 s23, s24  }
0x10e: {  	p2 =	slt.s32 s23, $0x3;
	v10 =	vor.u32 v10, v11;
	s24 =	sshll.u32 s31, $0x4  }
0x10f: {  	s26 =	simm.s32 @!p2 $0x2;
	p3 =	slt.s32 s31, $0x0;
	s25 =	sadd.s32 $0x30, s24  }
0x110: {  	_ =	swait.ge @!p2 [sflag:s26], $0x800;
	s24 =	smov.u32 @p3 s25  }
0x111: {  	[sflag:s26] =	ssyncset.done @!p2 $0x0;
	v11 =	vmov s24  }
0x112: {  	[sflag:s26] =	ssyncadd.s32 @!p2 $0xFFFFF800;
	v11 =	vshll.u32 v11, $0x7  }
0x113: {  	v12 =	vld.idx.msk [tilespmem:v10+s15+$0x0], $0xffff;
	v11 =	vor.u32 v5, v11  }
0x114: {  	v13 =	vor.u32 $0x80, v10;
	_ =	sdelay $0x3  }
0x115: {  	[tilespmem:v11+s16+$0x0] =	vst.idx.msk $0xffff, v12  }
0x116: {  	v54 =	vor.u32 $0x1, v11;
	v12 =	vld.idx.msk [tilespmem:v13+s15+$0x0], $0xffff  }
0x117: {  	v14 =	vor.u32 $0x100, v10;
	_ =	sdelay $0x3  }
0x118: {  	[tilespmem:v54+s16+$0x0] =	vst.idx.msk $0xffff, v12  }
0x119: {  	v55 =	vor.u32 $0x2, v11;
	v12 =	vld.idx.msk [tilespmem:v14+s15+$0x0], $0xffff  }
0x11a: {  	v56 =	vor.u32 $0x180, v10;
	_ =	sdelay $0x3  }
0x11b: {  	[tilespmem:v55+s16+$0x0] =	vst.idx.msk $0xffff, v12  }
0x11c: {  	v57 =	vor.u32 $0x3, v11;
	v12 =	vld.idx.msk [tilespmem:v56+s15+$0x0], $0xffff  }
0x11d: {  	v58 =	vor.u32 $0x200, v10;
	_ =	sdelay $0x3  }
0x11e: {  	[tilespmem:v57+s16+$0x0] =	vst.idx.msk $0xffff, v12  }
0x11f: {  	v59 =	vor.u32 $0x4, v11;
	v12 =	vld.idx.msk [tilespmem:v58+s15+$0x0], $0xffff  }
0x120: {  	v60 =	vor.u32 $0x280, v10;
	_ =	sdelay $0x3  }
0x121: {  	[tilespmem:v59+s16+$0x0] =	vst.idx.msk $0xffff, v12  }
0x122: {  	v61 =	vor.u32 $0x5, v11;
	v12 =	vld.idx.msk [tilespmem:v60+s15+$0x0], $0xffff  }
0x123: {  	v62 =	vor.u32 $0x300, v10;
	_ =	sdelay $0x3  }
0x124: {  	[tilespmem:v61+s16+$0x0] =	vst.idx.msk $0xffff, v12  }
0x125: {  	v63 =	vor.u32 $0x6, v11;
	v12 =	vld.idx.msk [tilespmem:v62+s15+$0x0], $0xffff  }
0x126: {  	v16 =	vor.u32 $0x380, v10;
	_ =	sdelay $0x3  }
0x127: {  	[tilespmem:v63+s16+$0x0] =	vst.idx.msk $0xffff, v12  }
0x128: {  	v17 =	vor.u32 $0x7, v11;
	v12 =	vld.idx.msk [tilespmem:v16+s15+$0x0], $0xffff  }
0x129: {  	v18 =	vor.u32 $0x4000, v10;
	_ =	sdelay $0x3  }
0x12a: {  	[tilespmem:v17+s16+$0x0] =	vst.idx.msk $0xffff, v12  }
0x12b: {  	v19 =	vor.u32 $0x8, v11;
	v12 =	vld.idx.msk [tilespmem:v18+s15+$0x0], $0xffff  }
0x12c: {  	v20 =	vor.u32 $0x4080, v10;
	_ =	sdelay $0x3  }
0x12d: {  	[tilespmem:v19+s16+$0x0] =	vst.idx.msk $0xffff, v12  }
0x12e: {  	v21 =	vor.u32 $0x9, v11;
	v12 =	vld.idx.msk [tilespmem:v20+s15+$0x0], $0xffff  }
0x12f: {  	v22 =	vor.u32 $0x4100, v10;
	_ =	sdelay $0x3  }
0x130: {  	[tilespmem:v21+s16+$0x0] =	vst.idx.msk $0xffff, v12  }
0x131: {  	v23 =	vor.u32 $0xA, v11;
	v12 =	vld.idx.msk [tilespmem:v22+s15+$0x0], $0xffff  }
0x132: {  	v24 =	vor.u32 $0x4180, v10;
	_ =	sdelay $0x3  }
0x133: {  	[tilespmem:v23+s16+$0x0] =	vst.idx.msk $0xffff, v12  }
0x134: {  	v25 =	vor.u32 $0xB, v11;
	v12 =	vld.idx.msk [tilespmem:v24+s15+$0x0], $0xffff  }
0x135: {  	v26 =	vor.u32 $0x4200, v10;
	_ =	sdelay $0x3  }
0x136: {  	[tilespmem:v25+s16+$0x0] =	vst.idx.msk $0xffff, v12  }
0x137: {  	v27 =	vor.u32 $0xC, v11;
	v12 =	vld.idx.msk [tilespmem:v26+s15+$0x0], $0xffff  }
0x138: {  	v28 =	vor.u32 $0x4280, v10;
	_ =	sdelay $0x3  }
0x139: {  	[tilespmem:v27+s16+$0x0] =	vst.idx.msk $0xffff, v12  }
0x13a: {  	v29 =	vor.u32 $0xD, v11;
	v12 =	vld.idx.msk [tilespmem:v28+s15+$0x0], $0xffff  }
0x13b: {  	v30 =	vor.u32 $0x4300, v10;
	_ =	sdelay $0x3  }
0x13c: {  	[tilespmem:v29+s16+$0x0] =	vst.idx.msk $0xffff, v12  }
0x13d: {  	v31 =	vor.u32 $0xE, v11;
	v12 =	vld.idx.msk [tilespmem:v30+s15+$0x0], $0xffff  }
0x13e: {  	v32 =	vor.u32 $0x4380, v10;
	_ =	sdelay $0x3  }
0x13f: {  	[tilespmem:v31+s16+$0x0] =	vst.idx.msk $0xffff, v12  }
0x140: {  	v33 =	vor.u32 $0xF, v11;
	v12 =	vld.idx.msk [tilespmem:v32+s15+$0x0], $0xffff  }
0x141: {  	v34 =	vor.u32 $0x8000, v10;
	_ =	sdelay $0x3  }
0x142: {  	[tilespmem:v33+s16+$0x0] =	vst.idx.msk $0xffff, v12  }
0x143: {  	v35 =	vor.u32 $0x10, v11;
	v12 =	vld.idx.msk [tilespmem:v34+s15+$0x0], $0xffff  }
0x144: {  	v36 =	vor.u32 $0x8080, v10;
	_ =	sdelay $0x3  }
0x145: {  	[tilespmem:v35+s16+$0x0] =	vst.idx.msk $0xffff, v12  }
0x146: {  	v37 =	vor.u32 $0x11, v11;
	v12 =	vld.idx.msk [tilespmem:v36+s15+$0x0], $0xffff  }
0x147: {  	v38 =	vor.u32 $0x8100, v10;
	_ =	sdelay $0x3  }
0x148: {  	[tilespmem:v37+s16+$0x0] =	vst.idx.msk $0xffff, v12  }
0x149: {  	v39 =	vor.u32 $0x12, v11;
	v12 =	vld.idx.msk [tilespmem:v38+s15+$0x0], $0xffff  }
0x14a: {  	v40 =	vor.u32 $0x8180, v10;
	_ =	sdelay $0x3  }
0x14b: {  	[tilespmem:v39+s16+$0x0] =	vst.idx.msk $0xffff, v12  }
0x14c: {  	v41 =	vor.u32 $0x13, v11;
	v12 =	vld.idx.msk [tilespmem:v40+s15+$0x0], $0xffff  }
0x14d: {  	v42 =	vor.u32 $0x8200, v10;
	_ =	sdelay $0x3  }
0x14e: {  	[tilespmem:v41+s16+$0x0] =	vst.idx.msk $0xffff, v12  }
0x14f: {  	v43 =	vor.u32 $0x14, v11;
	v12 =	vld.idx.msk [tilespmem:v42+s15+$0x0], $0xffff  }
0x150: {  	v44 =	vor.u32 $0x8280, v10;
	_ =	sdelay $0x3  }
0x151: {  	[tilespmem:v43+s16+$0x0] =	vst.idx.msk $0xffff, v12  }
0x152: {  	v45 =	vor.u32 $0x15, v11;
	v12 =	vld.idx.msk [tilespmem:v44+s15+$0x0], $0xffff  }
0x153: {  	v46 =	vor.u32 $0x8300, v10;
	_ =	sdelay $0x3  }
0x154: {  	[tilespmem:v45+s16+$0x0] =	vst.idx.msk $0xffff, v12  }
0x155: {  	v47 =	vor.u32 $0x16, v11;
	v12 =	vld.idx.msk [tilespmem:v46+s15+$0x0], $0xffff  }
0x156: {  	v48 =	vor.u32 $0x8380, v10;
	_ =	sdelay $0x3  }
0x157: {  	[tilespmem:v47+s16+$0x0] =	vst.idx.msk $0xffff, v12  }
0x158: {  	v49 =	vor.u32 $0x17, v11;
	v12 =	vld.idx.msk [tilespmem:v48+s15+$0x0], $0xffff  }
0x159: {  	v50 =	vor.u32 $0xC000, v10;
	_ =	sdelay $0x3  }
0x15a: {  	[tilespmem:v49+s16+$0x0] =	vst.idx.msk $0xffff, v12  }
0x15b: {  	v51 =	vor.u32 $0x18, v11;
	v12 =	vld.idx.msk [tilespmem:v50+s15+$0x0], $0xffff  }
0x15c: {  	v52 =	vor.u32 $0xC080, v10;
	_ =	sdelay $0x3  }
0x15d: {  	[tilespmem:v51+s16+$0x0] =	vst.idx.msk $0xffff, v12  }
0x15e: {  	v53 =	vor.u32 $0x19, v11;
	v12 =	vld.idx.msk [tilespmem:v52+s15+$0x0], $0xffff  }
0x15f: {  	v54 =	vor.u32 $0xC100, v10;
	_ =	sdelay $0x3  }
0x160: {  	[tilespmem:v53+s16+$0x0] =	vst.idx.msk $0xffff, v12  }
0x161: {  	v55 =	vor.u32 $0x1A, v11;
	v12 =	vld.idx.msk [tilespmem:v54+s15+$0x0], $0xffff  }
0x162: {  	v56 =	vor.u32 $0xC180, v10;
	_ =	sdelay $0x3  }
0x163: {  	[tilespmem:v55+s16+$0x0] =	vst.idx.msk $0xffff, v12  }
0x164: {  	v57 =	vor.u32 $0x1B, v11;
	v12 =	vld.idx.msk [tilespmem:v56+s15+$0x0], $0xffff  }
0x165: {  	v58 =	vor.u32 $0xC200, v10;
	_ =	sdelay $0x3  }
0x166: {  	[tilespmem:v57+s16+$0x0] =	vst.idx.msk $0xffff, v12  }
0x167: {  	v59 =	vor.u32 $0x1C, v11;
	v12 =	vld.idx.msk [tilespmem:v58+s15+$0x0], $0xffff  }
0x168: {  	v60 =	vor.u32 $0xC280, v10;
	_ =	sdelay $0x3  }
0x169: {  	[tilespmem:v59+s16+$0x0] =	vst.idx.msk $0xffff, v12  }
0x16a: {  	v61 =	vor.u32 $0x1D, v11;
	v12 =	vld.idx.msk [tilespmem:v60+s15+$0x0], $0xffff  }
0x16b: {  	v62 =	vor.u32 $0xC300, v10;
	_ =	sdelay $0x3  }
0x16c: {  	[tilespmem:v61+s16+$0x0] =	vst.idx.msk $0xffff, v12  }
0x16d: {  	v63 =	vor.u32 $0x1E, v11;
	v12 =	vld.idx.msk [tilespmem:v62+s15+$0x0], $0xffff  }
0x16e: {  	v10 =	vor.u32 $0xC380, v10;
	_ =	sdelay $0x3  }
0x16f: {  	s22 =	sadd.s32 $0xFFFFFFFF, s22;
	[tilespmem:v63+s16+$0x0] =	vst.idx.msk $0xffff, v12  }
0x170: {  	v9 =	vshra.s32 v9, $0xB;
	p2 =	sne.s32 s22, $0x0;
	v11 =	vor.u32 $0x1F, v11;
	v10 =	vld.idx.msk [tilespmem:v10+s15+$0x0], $0xffff  }
.Ltmp11:
0x171: {  	v9 =	vsel vm1, v9, v4;
	(pc) =	sbr.rel @!p2 .LBB2_16-.Ltmp11, $4  }
0x172: {  	_ = 	snop  }
0x173: {  	s23 =	sadd.s32 $0x1, s23;
	s24 =	sshll.u32 s24, $0x9  }
0x174: {  	[smem:$0x0] =	sst s23;
	s24 =	sshra.s32 s24, $0x2  }
0x175: {  	s25 =	simm.s32 $0x10;
	s26 =	sadd.s32 $0x1E000, s24;
	s24 =	simm.s32 $0x8010;
	[tilespmem:v11+s16+$0x0] =	vst.idx.msk $0xffff, v10  }
.LBB2_15:
0x176: {  	[hbm4b:s7+s5] =	stream.indirect_vreg.scatter [tilespmem:s26], [sflag:$0x2], $0x80, v9, vm0, $0xb8;
	[tilespmem:$0x1F800] =	vst v63  }
0x177: {  	s22 =	sadd.s32 $0xFFFFFFFF, s22;
	v9 =	vld [tilespmem:s24+$0x0]  }
0x178: {  	s26 =	smulhi.u32 $0x55555556, s23;
	s28 =	sshra.s32 s23, $0x1F;
	p2 =	sne.s32 s22, $0x0  }
0x179: {  	s28 =	smul.u32 $0x55555556, s28;
	_ =	sdelay $0x1  }
0x17a: {  	v10 =	vor.u32 s25, v1;
	s26 =	sadd.s32 s28, s26  }
0x17b: {  	vm1 =	vlt.s32 v10, v8;
	s28 =	sshrl.u32 s26, $0x1F;
	v10 =	vshra.s32 v9, $0xB;
	v11 =	vand.u32 $0x7FF, v9  }
0x17c: {  	s26 =	sadd.s32 s28, s26;
	v9 =	vsel vm1, v10, v4;
	v10 =	vnsel vm1, $0x0, v11  }
0x17d: {  	s26 =	smul.u32 $0x3, s26;
	v11 =	vshll.u32 v10, $0x3  }
0x17e: {  	v10 =	vand.u32 $0x7F, v10;
	v11 =	vand.u32 $0x3C00, v11  }
0x17f: {  	p3 =	slt.s32 s23, $0x3;
	s26 =	ssub.s32 s23, s26;
	v10 =	vor.u32 v10, v11  }
0x180: {  	s29 =	simm.s32 @!p3 $0x2;
	s28 =	sshll.u32 s26, $0x4  }
0x181: {  	p4 =	slt.s32 s26, $0x0;
	s26 =	sadd.s32 $0x30, s28;
	_ =	swait.ge @!p3 [sflag:s29], $0x800  }
0x182: {  	s28 =	smov.u32 @p4 s26;
	[sflag:s29] =	ssyncset.done @!p3 $0x0  }
0x183: {  	s23 =	sadd.s32 $0x1, s23;
	v11 =	vmov s28;
	s26 =	sshll.u32 s28, $0x9;
	[sflag:s29] =	ssyncadd.s32 @!p3 $0xFFFFF800  }
0x184: {  	v11 =	vshll.u32 v11, $0x7;
	s26 =	sshra.s32 s26, $0x2;
	v12 =	vld.idx.msk [tilespmem:v10+s15+$0x0], $0xffff;
	[smem:$0x0] =	sst s23  }
0x185: {  	v11 =	vor.u32 v5, v11  }
0x186: {  	v13 =	vor.u32 $0x80, v10;
	_ =	sdelay $0x3  }
0x187: {  	[tilespmem:v11+s16+$0x0] =	vst.idx.msk $0xffff, v12  }
0x188: {  	v12 =	vld.idx.msk [tilespmem:v13+s15+$0x0], $0xffff  }
0x189: {  	v13 =	vor.u32 $0x1, v11  }
0x18a: {  	v14 =	vor.u32 $0x100, v10;
	_ =	sdelay $0x3  }
0x18b: {  	[tilespmem:v13+s16+$0x0] =	vst.idx.msk $0xffff, v12  }
0x18c: {  	v12 =	vld.idx.msk [tilespmem:v14+s15+$0x0], $0xffff  }
0x18d: {  	v13 =	vor.u32 $0x2, v11  }
0x18e: {  	v14 =	vor.u32 $0x180, v10;
	_ =	sdelay $0x3  }
0x18f: {  	[tilespmem:v13+s16+$0x0] =	vst.idx.msk $0xffff, v12  }
0x190: {  	v12 =	vld.idx.msk [tilespmem:v14+s15+$0x0], $0xffff  }
0x191: {  	v13 =	vor.u32 $0x3, v11  }
0x192: {  	v14 =	vor.u32 $0x200, v10;
	_ =	sdelay $0x3  }
0x193: {  	[tilespmem:v13+s16+$0x0] =	vst.idx.msk $0xffff, v12  }
0x194: {  	v12 =	vld.idx.msk [tilespmem:v14+s15+$0x0], $0xffff  }
0x195: {  	v13 =	vor.u32 $0x4, v11  }
0x196: {  	v14 =	vor.u32 $0x280, v10;
	_ =	sdelay $0x3  }
0x197: {  	[tilespmem:v13+s16+$0x0] =	vst.idx.msk $0xffff, v12  }
0x198: {  	v12 =	vld.idx.msk [tilespmem:v14+s15+$0x0], $0xffff  }
0x199: {  	v13 =	vor.u32 $0x5, v11  }
0x19a: {  	v14 =	vor.u32 $0x300, v10;
	_ =	sdelay $0x3  }
0x19b: {  	[tilespmem:v13+s16+$0x0] =	vst.idx.msk $0xffff, v12  }
0x19c: {  	v12 =	vld.idx.msk [tilespmem:v14+s15+$0x0], $0xffff  }
0x19d: {  	v13 =	vor.u32 $0x6, v11  }
0x19e: {  	v14 =	vor.u32 $0x380, v10;
	_ =	sdelay $0x3  }
0x19f: {  	[tilespmem:v13+s16+$0x0] =	vst.idx.msk $0xffff, v12  }
0x1a0: {  	v12 =	vld.idx.msk [tilespmem:v14+s15+$0x0], $0xffff  }
0x1a1: {  	v13 =	vor.u32 $0x7, v11  }
0x1a2: {  	v14 =	vor.u32 $0x4000, v10;
	_ =	sdelay $0x3  }
0x1a3: {  	[tilespmem:v13+s16+$0x0] =	vst.idx.msk $0xffff, v12  }
0x1a4: {  	v12 =	vld.idx.msk [tilespmem:v14+s15+$0x0], $0xffff  }
0x1a5: {  	v13 =	vor.u32 $0x8, v11  }
0x1a6: {  	v14 =	vor.u32 $0x4080, v10;
	_ =	sdelay $0x3  }
0x1a7: {  	[tilespmem:v13+s16+$0x0] =	vst.idx.msk $0xffff, v12  }
0x1a8: {  	v12 =	vld.idx.msk [tilespmem:v14+s15+$0x0], $0xffff  }
0x1a9: {  	v13 =	vor.u32 $0x9, v11  }
0x1aa: {  	v14 =	vor.u32 $0x4100, v10;
	_ =	sdelay $0x3  }
0x1ab: {  	[tilespmem:v13+s16+$0x0] =	vst.idx.msk $0xffff, v12  }
0x1ac: {  	v12 =	vld.idx.msk [tilespmem:v14+s15+$0x0], $0xffff  }
0x1ad: {  	v13 =	vor.u32 $0xA, v11  }
0x1ae: {  	v14 =	vor.u32 $0x4180, v10;
	_ =	sdelay $0x3  }
0x1af: {  	[tilespmem:v13+s16+$0x0] =	vst.idx.msk $0xffff, v12  }
0x1b0: {  	v12 =	vld.idx.msk [tilespmem:v14+s15+$0x0], $0xffff  }
0x1b1: {  	v13 =	vor.u32 $0xB, v11  }
0x1b2: {  	v14 =	vor.u32 $0x4200, v10;
	_ =	sdelay $0x3  }
0x1b3: {  	[tilespmem:v13+s16+$0x0] =	vst.idx.msk $0xffff, v12  }
0x1b4: {  	v12 =	vld.idx.msk [tilespmem:v14+s15+$0x0], $0xffff  }
0x1b5: {  	v13 =	vor.u32 $0xC, v11  }
0x1b6: {  	v14 =	vor.u32 $0x4280, v10;
	_ =	sdelay $0x3  }
0x1b7: {  	[tilespmem:v13+s16+$0x0] =	vst.idx.msk $0xffff, v12  }
0x1b8: {  	v12 =	vld.idx.msk [tilespmem:v14+s15+$0x0], $0xffff  }
0x1b9: {  	v13 =	vor.u32 $0xD, v11  }
0x1ba: {  	v14 =	vor.u32 $0x4300, v10;
	_ =	sdelay $0x3  }
0x1bb: {  	[tilespmem:v13+s16+$0x0] =	vst.idx.msk $0xffff, v12  }
0x1bc: {  	v12 =	vld.idx.msk [tilespmem:v14+s15+$0x0], $0xffff  }
0x1bd: {  	v13 =	vor.u32 $0xE, v11  }
0x1be: {  	v14 =	vor.u32 $0x4380, v10;
	_ =	sdelay $0x3  }
0x1bf: {  	[tilespmem:v13+s16+$0x0] =	vst.idx.msk $0xffff, v12  }
0x1c0: {  	v12 =	vld.idx.msk [tilespmem:v14+s15+$0x0], $0xffff  }
0x1c1: {  	v13 =	vor.u32 $0xF, v11  }
0x1c2: {  	v14 =	vor.u32 $0x8000, v10;
	_ =	sdelay $0x3  }
0x1c3: {  	[tilespmem:v13+s16+$0x0] =	vst.idx.msk $0xffff, v12  }
0x1c4: {  	v12 =	vld.idx.msk [tilespmem:v14+s15+$0x0], $0xffff  }
0x1c5: {  	v13 =	vor.u32 $0x10, v11  }
0x1c6: {  	v14 =	vor.u32 $0x8080, v10;
	_ =	sdelay $0x3  }
0x1c7: {  	[tilespmem:v13+s16+$0x0] =	vst.idx.msk $0xffff, v12  }
0x1c8: {  	v12 =	vld.idx.msk [tilespmem:v14+s15+$0x0], $0xffff  }
0x1c9: {  	v13 =	vor.u32 $0x11, v11  }
0x1ca: {  	v14 =	vor.u32 $0x8100, v10;
	_ =	sdelay $0x3  }
0x1cb: {  	[tilespmem:v13+s16+$0x0] =	vst.idx.msk $0xffff, v12  }
0x1cc: {  	v12 =	vld.idx.msk [tilespmem:v14+s15+$0x0], $0xffff  }
0x1cd: {  	v13 =	vor.u32 $0x12, v11  }
0x1ce: {  	v14 =	vor.u32 $0x8180, v10;
	_ =	sdelay $0x3  }
0x1cf: {  	[tilespmem:v13+s16+$0x0] =	vst.idx.msk $0xffff, v12  }
0x1d0: {  	v12 =	vld.idx.msk [tilespmem:v14+s15+$0x0], $0xffff  }
0x1d1: {  	v13 =	vor.u32 $0x13, v11  }
0x1d2: {  	v14 =	vor.u32 $0x8200, v10;
	_ =	sdelay $0x3  }
0x1d3: {  	[tilespmem:v13+s16+$0x0] =	vst.idx.msk $0xffff, v12  }
0x1d4: {  	v12 =	vld.idx.msk [tilespmem:v14+s15+$0x0], $0xffff  }
0x1d5: {  	v13 =	vor.u32 $0x14, v11  }
0x1d6: {  	v14 =	vor.u32 $0x8280, v10;
	_ =	sdelay $0x3  }
0x1d7: {  	[tilespmem:v13+s16+$0x0] =	vst.idx.msk $0xffff, v12  }
0x1d8: {  	v12 =	vld.idx.msk [tilespmem:v14+s15+$0x0], $0xffff  }
0x1d9: {  	v13 =	vor.u32 $0x15, v11  }
0x1da: {  	v14 =	vor.u32 $0x8300, v10;
	_ =	sdelay $0x3  }
0x1db: {  	[tilespmem:v13+s16+$0x0] =	vst.idx.msk $0xffff, v12  }
0x1dc: {  	v12 =	vld.idx.msk [tilespmem:v14+s15+$0x0], $0xffff  }
0x1dd: {  	v13 =	vor.u32 $0x16, v11  }
0x1de: {  	v14 =	vor.u32 $0x8380, v10;
	_ =	sdelay $0x3  }
0x1df: {  	[tilespmem:v13+s16+$0x0] =	vst.idx.msk $0xffff, v12  }
0x1e0: {  	v12 =	vld.idx.msk [tilespmem:v14+s15+$0x0], $0xffff  }
0x1e1: {  	v13 =	vor.u32 $0x17, v11  }
0x1e2: {  	v14 =	vor.u32 $0xC000, v10;
	_ =	sdelay $0x3  }
0x1e3: {  	[tilespmem:v13+s16+$0x0] =	vst.idx.msk $0xffff, v12  }
0x1e4: {  	v12 =	vld.idx.msk [tilespmem:v14+s15+$0x0], $0xffff  }
0x1e5: {  	v13 =	vor.u32 $0x18, v11  }
0x1e6: {  	v14 =	vor.u32 $0xC080, v10;
	_ =	sdelay $0x3  }
0x1e7: {  	[tilespmem:v13+s16+$0x0] =	vst.idx.msk $0xffff, v12  }
0x1e8: {  	v12 =	vld.idx.msk [tilespmem:v14+s15+$0x0], $0xffff  }
0x1e9: {  	v13 =	vor.u32 $0x19, v11  }
0x1ea: {  	v14 =	vor.u32 $0xC100, v10;
	_ =	sdelay $0x3  }
0x1eb: {  	[tilespmem:v13+s16+$0x0] =	vst.idx.msk $0xffff, v12  }
0x1ec: {  	v12 =	vld.idx.msk [tilespmem:v14+s15+$0x0], $0xffff  }
0x1ed: {  	v13 =	vor.u32 $0x1A, v11  }
0x1ee: {  	v14 =	vor.u32 $0xC180, v10;
	_ =	sdelay $0x3  }
0x1ef: {  	[tilespmem:v13+s16+$0x0] =	vst.idx.msk $0xffff, v12  }
0x1f0: {  	v12 =	vld.idx.msk [tilespmem:v14+s15+$0x0], $0xffff  }
0x1f1: {  	v13 =	vor.u32 $0x1B, v11  }
0x1f2: {  	v14 =	vor.u32 $0xC200, v10;
	_ =	sdelay $0x3  }
0x1f3: {  	[tilespmem:v13+s16+$0x0] =	vst.idx.msk $0xffff, v12  }
0x1f4: {  	v12 =	vld.idx.msk [tilespmem:v14+s15+$0x0], $0xffff  }
0x1f5: {  	v13 =	vor.u32 $0x1C, v11  }
0x1f6: {  	v14 =	vor.u32 $0xC280, v10;
	_ =	sdelay $0x3  }
0x1f7: {  	[tilespmem:v13+s16+$0x0] =	vst.idx.msk $0xffff, v12  }
0x1f8: {  	v12 =	vld.idx.msk [tilespmem:v14+s15+$0x0], $0xffff  }
0x1f9: {  	v13 =	vor.u32 $0x1D, v11  }
0x1fa: {  	v14 =	vor.u32 $0xC300, v10;
	_ =	sdelay $0x3  }
0x1fb: {  	[tilespmem:v13+s16+$0x0] =	vst.idx.msk $0xffff, v12  }
0x1fc: {  	v12 =	vld.idx.msk [tilespmem:v14+s15+$0x0], $0xffff  }
0x1fd: {  	v13 =	vor.u32 $0x1E, v11  }
0x1fe: {  	v10 =	vor.u32 $0xC380, v10;
	_ =	sdelay $0x3  }
0x1ff: {  	[tilespmem:v13+s16+$0x0] =	vst.idx.msk $0xffff, v12  }
0x200: {  	v10 =	vld.idx.msk [tilespmem:v10+s15+$0x0], $0xffff  }
0x201: {  	v11 =	vor.u32 $0x1F, v11  }
.Ltmp12:
0x202: {  	(pc) =	sbr.rel @p2 .LBB2_15-.Ltmp12, $2  }
0x203: {  	_ =	sdelay $0x2  }
0x204: {  	s25 =	sadd.s32 $0x10, s25;
	s24 =	sadd.s32 $0x10, s24;
	s26 =	sadd.s32 $0x1E000, s26;
	[tilespmem:v11+s16+$0x0] =	vst.idx.msk $0xffff, v10  }
.Ltmp13:
0x205: {  	_ = 	snop;
	(pc) =	sbr.rel .LBB2_16-.Ltmp13, $1  }
0x206: {  	_ =	sdelay $0x3  }
.LBB2_7:
.Ltmp14:
0x207: {  	(pc) =	sbr.rel .LBB2_12-.Ltmp14, $2  }
0x208: {  	_ =	sdelay $0x2  }
0x209: {  	_ = 	snop  }
.LBB2_9:
.Ltmp15:
0x20a: {  	(pc) =	sbr.rel .LBB2_12-.Ltmp15, $2  }
0x20b: {  	_ =	sdelay $0x2  }
0x20c: {  	s23 =	simm.s32 $0x4060;
	v22 =	vmov v11  }
.LBB2_18:
0x20d: {  	p1 =	slt.s32 @!p0 s19, $0x1  }
0x20e: {  	p1 =	por p0, p1  }
.Ltmp16:
0x20f: {  	_ = 	snop;
	(pc) =	sbr.rel @p1 .LBB2_23-.Ltmp16, $1  }
0x210: {  	_ =	sdelay $0x3  }
.Ltmp17:
0x211: {  	(pc) =	sbr.rel .LBB2_20-.Ltmp17, $2  }
0x212: {  	_ =	sdelay $0x2  }
0x213: {  	s20 =	simm.s32 $0x4000;
	s21 =	simm.s32 $0x0  }
.LBB2_22:
0x214: {  	s19 =	sadd.s32 $0xFFFFFFFF, s19  }
0x215: {  	p1 =	sne.s32 s19, $0x0  }
.Ltmp18:
0x216: {  	_ = 	snop;
	(pc) =	sbr.rel @!p1 .LBB2_23-.Ltmp18, $2  }
0x217: {  	_ =	sdelay $0x2  }
0x218: {  	s20 =	sadd.s32 $0x10, s20;
	s21 =	sadd.s32 $0x10, s21  }
.LBB2_20:
0x219: {  	v8 =	vld [tilespmem:s20+$0x0];
	_ =	sdelay $0x4  }
0x21a: {  	v9 =	vand.u32 $0x7FF, v8;
	v10 =	vand.u32 $0x7800, v8  }
0x21b: {  	v11 =	vor.u32 s21, v1;
	vm1 =	veq.s32 v10, $0x7800;
	vm2 =	vgt.u32 v9, $0x1FF  }
0x21c: {  	vm3 =	vlt.s32 v11, v7;
	vm1 =	vmand vm1, vm2  }
0x21d: {  	vm1 =	vmand vm3, vm1  }
0x21e: {  	v10 =	vsel vm1, $0x3F800000, v6  }
0x21f: {  	(xrf0) =	vmax.scan.msk.f32 $0xffff, v10;
	_ =	sdelay $0x5  }
0x220: {  	v10, _, _ =	vpop (xrf0)  }
0x221: {  	(v2sf) =	vpush v10, $0xF;
	_ =	sdelay $0xe  }
0x222: {  	s22 =	spop (v2sf)  }
0x223: {  	p1 =	sgt.f32 s22, $0.0e+00  }
.Ltmp19:
0x224: {  	_ = 	snop;
	(pc) =	sbr.rel @!p1 .LBB2_22-.Ltmp19, $1  }
0x225: {  	_ =	sdelay $0x3  }
0x226: {  	s22 =	sld [smem:$0x0];
	_ =	sdelay $0x2  }
0x227: {  	s23 =	smulhi.u32 $0x55555556, s22;
	s24 =	sshra.s32 s22, $0x1F  }
0x228: {  	s24 =	smul.u32 $0x55555556, s24;
	_ =	sdelay $0x1  }
0x229: {  	s23 =	sadd.s32 s24, s23  }
0x22a: {  	s24 =	sshrl.u32 s23, $0x1F  }
0x22b: {  	s23 =	sadd.s32 s24, s23  }
0x22c: {  	s23 =	smul.u32 $0x3, s23  }
0x22d: {  	v9 =	vshll.u32 v9, $0x7  }
0x22e: {  	v9 =	vadd.s32 $0xFFFF0000, v9;
	s31 =	ssub.s32 s22, s23  }
0x22f: {  	v9 =	vnsel vm1, $0x0, v9;
	p1 =	slt.s32 s22, $0x3;
	s23 =	sshll.u32 s31, $0x4  }
0x230: {  	s25 =	simm.s32 @!p1 $0x2;
	p2 =	slt.s32 s31, $0x0;
	s24 =	sadd.s32 $0x30, s23  }
0x231: {  	_ =	swait.ge @!p1 [sflag:s25], $0x800;
	s23 =	smov.u32 @p2 s24  }
0x232: {  	[sflag:s25] =	ssyncset.done @!p1 $0x0;
	v10 =	vmov s23  }
0x233: {  	[sflag:s25] =	ssyncadd.s32 @!p1 $0xFFFFF800;
	v10 =	vshll.u32 v10, $0x7  }
0x234: {  	v11 =	vld.idx.msk [tilespmem:v9+s12+$0x0], $0xffff;
	v10 =	vor.u32 v5, v10  }
0x235: {  	v12 =	vor.u32 $0x1, v9;
	_ =	sdelay $0x3  }
0x236: {  	[tilespmem:v10+s16+$0x0] =	vst.idx.msk $0xffff, v11  }
0x237: {  	v54 =	vor.u32 $0x1, v10;
	v11 =	vld.idx.msk [tilespmem:v12+s12+$0x0], $0xffff  }
0x238: {  	v13 =	vor.u32 $0x2, v9;
	_ =	sdelay $0x3  }
0x239: {  	[tilespmem:v54+s16+$0x0] =	vst.idx.msk $0xffff, v11  }
0x23a: {  	v55 =	vor.u32 $0x2, v10;
	v11 =	vld.idx.msk [tilespmem:v13+s12+$0x0], $0xffff  }
0x23b: {  	v56 =	vor.u32 $0x3, v9;
	_ =	sdelay $0x3  }
0x23c: {  	[tilespmem:v55+s16+$0x0] =	vst.idx.msk $0xffff, v11  }
0x23d: {  	v57 =	vor.u32 $0x3, v10;
	v11 =	vld.idx.msk [tilespmem:v56+s12+$0x0], $0xffff  }
0x23e: {  	v58 =	vor.u32 $0x4, v9;
	_ =	sdelay $0x3  }
0x23f: {  	[tilespmem:v57+s16+$0x0] =	vst.idx.msk $0xffff, v11  }
0x240: {  	v59 =	vor.u32 $0x4, v10;
	v11 =	vld.idx.msk [tilespmem:v58+s12+$0x0], $0xffff  }
0x241: {  	v60 =	vor.u32 $0x5, v9;
	_ =	sdelay $0x3  }
0x242: {  	[tilespmem:v59+s16+$0x0] =	vst.idx.msk $0xffff, v11  }
0x243: {  	v61 =	vor.u32 $0x5, v10;
	v11 =	vld.idx.msk [tilespmem:v60+s12+$0x0], $0xffff  }
0x244: {  	v62 =	vor.u32 $0x6, v9;
	_ =	sdelay $0x3  }
0x245: {  	[tilespmem:v61+s16+$0x0] =	vst.idx.msk $0xffff, v11  }
0x246: {  	v63 =	vor.u32 $0x6, v10;
	v11 =	vld.idx.msk [tilespmem:v62+s12+$0x0], $0xffff  }
0x247: {  	v16 =	vor.u32 $0x7, v9;
	_ =	sdelay $0x3  }
0x248: {  	[tilespmem:v63+s16+$0x0] =	vst.idx.msk $0xffff, v11  }
0x249: {  	v17 =	vor.u32 $0x7, v10;
	v11 =	vld.idx.msk [tilespmem:v16+s12+$0x0], $0xffff  }
0x24a: {  	v18 =	vor.u32 $0x8, v9;
	_ =	sdelay $0x3  }
0x24b: {  	[tilespmem:v17+s16+$0x0] =	vst.idx.msk $0xffff, v11  }
0x24c: {  	v19 =	vor.u32 $0x8, v10;
	v11 =	vld.idx.msk [tilespmem:v18+s12+$0x0], $0xffff  }
0x24d: {  	v20 =	vor.u32 $0x9, v9;
	_ =	sdelay $0x3  }
0x24e: {  	[tilespmem:v19+s16+$0x0] =	vst.idx.msk $0xffff, v11  }
0x24f: {  	v21 =	vor.u32 $0x9, v10;
	v11 =	vld.idx.msk [tilespmem:v20+s12+$0x0], $0xffff  }
0x250: {  	v22 =	vor.u32 $0xA, v9;
	_ =	sdelay $0x3  }
0x251: {  	[tilespmem:v21+s16+$0x0] =	vst.idx.msk $0xffff, v11  }
0x252: {  	v23 =	vor.u32 $0xA, v10;
	v11 =	vld.idx.msk [tilespmem:v22+s12+$0x0], $0xffff  }
0x253: {  	v24 =	vor.u32 $0xB, v9;
	_ =	sdelay $0x3  }
0x254: {  	[tilespmem:v23+s16+$0x0] =	vst.idx.msk $0xffff, v11  }
0x255: {  	v25 =	vor.u32 $0xB, v10;
	v11 =	vld.idx.msk [tilespmem:v24+s12+$0x0], $0xffff  }
0x256: {  	v26 =	vor.u32 $0xC, v9;
	_ =	sdelay $0x3  }
0x257: {  	[tilespmem:v25+s16+$0x0] =	vst.idx.msk $0xffff, v11  }
0x258: {  	v27 =	vor.u32 $0xC, v10;
	v11 =	vld.idx.msk [tilespmem:v26+s12+$0x0], $0xffff  }
0x259: {  	v28 =	vor.u32 $0xD, v9;
	_ =	sdelay $0x3  }
0x25a: {  	[tilespmem:v27+s16+$0x0] =	vst.idx.msk $0xffff, v11  }
0x25b: {  	v29 =	vor.u32 $0xD, v10;
	v11 =	vld.idx.msk [tilespmem:v28+s12+$0x0], $0xffff  }
0x25c: {  	v30 =	vor.u32 $0xE, v9;
	_ =	sdelay $0x3  }
0x25d: {  	[tilespmem:v29+s16+$0x0] =	vst.idx.msk $0xffff, v11  }
0x25e: {  	v31 =	vor.u32 $0xE, v10;
	v11 =	vld.idx.msk [tilespmem:v30+s12+$0x0], $0xffff  }
0x25f: {  	v32 =	vor.u32 $0xF, v9;
	_ =	sdelay $0x3  }
0x260: {  	[tilespmem:v31+s16+$0x0] =	vst.idx.msk $0xffff, v11  }
0x261: {  	v33 =	vor.u32 $0xF, v10;
	v11 =	vld.idx.msk [tilespmem:v32+s12+$0x0], $0xffff  }
0x262: {  	v34 =	vor.u32 $0x10, v9;
	_ =	sdelay $0x3  }
0x263: {  	[tilespmem:v33+s16+$0x0] =	vst.idx.msk $0xffff, v11  }
0x264: {  	v35 =	vor.u32 $0x10, v10;
	v11 =	vld.idx.msk [tilespmem:v34+s12+$0x0], $0xffff  }
0x265: {  	v36 =	vor.u32 $0x11, v9;
	_ =	sdelay $0x3  }
0x266: {  	[tilespmem:v35+s16+$0x0] =	vst.idx.msk $0xffff, v11  }
0x267: {  	v37 =	vor.u32 $0x11, v10;
	v11 =	vld.idx.msk [tilespmem:v36+s12+$0x0], $0xffff  }
0x268: {  	v38 =	vor.u32 $0x12, v9;
	_ =	sdelay $0x3  }
0x269: {  	[tilespmem:v37+s16+$0x0] =	vst.idx.msk $0xffff, v11  }
0x26a: {  	v39 =	vor.u32 $0x12, v10;
	v11 =	vld.idx.msk [tilespmem:v38+s12+$0x0], $0xffff  }
0x26b: {  	v40 =	vor.u32 $0x13, v9;
	_ =	sdelay $0x3  }
0x26c: {  	[tilespmem:v39+s16+$0x0] =	vst.idx.msk $0xffff, v11  }
0x26d: {  	v41 =	vor.u32 $0x13, v10;
	v11 =	vld.idx.msk [tilespmem:v40+s12+$0x0], $0xffff  }
0x26e: {  	v42 =	vor.u32 $0x14, v9;
	_ =	sdelay $0x3  }
0x26f: {  	[tilespmem:v41+s16+$0x0] =	vst.idx.msk $0xffff, v11  }
0x270: {  	v43 =	vor.u32 $0x14, v10;
	v11 =	vld.idx.msk [tilespmem:v42+s12+$0x0], $0xffff  }
0x271: {  	v44 =	vor.u32 $0x15, v9;
	_ =	sdelay $0x3  }
0x272: {  	[tilespmem:v43+s16+$0x0] =	vst.idx.msk $0xffff, v11  }
0x273: {  	v45 =	vor.u32 $0x15, v10;
	v11 =	vld.idx.msk [tilespmem:v44+s12+$0x0], $0xffff  }
0x274: {  	v46 =	vor.u32 $0x16, v9;
	_ =	sdelay $0x3  }
0x275: {  	[tilespmem:v45+s16+$0x0] =	vst.idx.msk $0xffff, v11  }
0x276: {  	v47 =	vor.u32 $0x16, v10;
	v11 =	vld.idx.msk [tilespmem:v46+s12+$0x0], $0xffff  }
0x277: {  	v48 =	vor.u32 $0x17, v9;
	_ =	sdelay $0x3  }
0x278: {  	[tilespmem:v47+s16+$0x0] =	vst.idx.msk $0xffff, v11  }
0x279: {  	v49 =	vor.u32 $0x17, v10;
	v11 =	vld.idx.msk [tilespmem:v48+s12+$0x0], $0xffff  }
0x27a: {  	v50 =	vor.u32 $0x18, v9;
	_ =	sdelay $0x3  }
0x27b: {  	[tilespmem:v49+s16+$0x0] =	vst.idx.msk $0xffff, v11  }
0x27c: {  	v51 =	vor.u32 $0x18, v10;
	v11 =	vld.idx.msk [tilespmem:v50+s12+$0x0], $0xffff  }
0x27d: {  	v52 =	vor.u32 $0x19, v9;
	_ =	sdelay $0x3  }
0x27e: {  	[tilespmem:v51+s16+$0x0] =	vst.idx.msk $0xffff, v11  }
0x27f: {  	v53 =	vor.u32 $0x19, v10;
	v11 =	vld.idx.msk [tilespmem:v52+s12+$0x0], $0xffff  }
0x280: {  	v54 =	vor.u32 $0x1A, v9;
	_ =	sdelay $0x3  }
0x281: {  	[tilespmem:v53+s16+$0x0] =	vst.idx.msk $0xffff, v11  }
0x282: {  	v55 =	vor.u32 $0x1A, v10;
	v11 =	vld.idx.msk [tilespmem:v54+s12+$0x0], $0xffff  }
0x283: {  	v56 =	vor.u32 $0x1B, v9;
	_ =	sdelay $0x3  }
0x284: {  	[tilespmem:v55+s16+$0x0] =	vst.idx.msk $0xffff, v11  }
0x285: {  	v57 =	vor.u32 $0x1B, v10;
	v11 =	vld.idx.msk [tilespmem:v56+s12+$0x0], $0xffff  }
0x286: {  	v58 =	vor.u32 $0x1C, v9;
	_ =	sdelay $0x3  }
0x287: {  	[tilespmem:v57+s16+$0x0] =	vst.idx.msk $0xffff, v11  }
0x288: {  	v59 =	vor.u32 $0x1C, v10;
	v11 =	vld.idx.msk [tilespmem:v58+s12+$0x0], $0xffff  }
0x289: {  	v60 =	vor.u32 $0x1D, v9;
	_ =	sdelay $0x3  }
0x28a: {  	[tilespmem:v59+s16+$0x0] =	vst.idx.msk $0xffff, v11  }
0x28b: {  	v61 =	vor.u32 $0x1D, v10;
	v11 =	vld.idx.msk [tilespmem:v60+s12+$0x0], $0xffff  }
0x28c: {  	v62 =	vor.u32 $0x1E, v9;
	_ =	sdelay $0x3  }
0x28d: {  	[tilespmem:v61+s16+$0x0] =	vst.idx.msk $0xffff, v11  }
0x28e: {  	v63 =	vor.u32 $0x1E, v10;
	v11 =	vld.idx.msk [tilespmem:v62+s12+$0x0], $0xffff  }
0x28f: {  	v9 =	vor.u32 $0x1F, v9;
	_ =	sdelay $0x3  }
0x290: {  	[tilespmem:v63+s16+$0x0] =	vst.idx.msk $0xffff, v11  }
0x291: {  	v8 =	vshra.s32 v8, $0xF;
	v10 =	vor.u32 $0x1F, v10;
	v9 =	vld.idx.msk [tilespmem:v9+s12+$0x0], $0xffff  }
0x292: {  	v8 =	vsel vm1, v8, v4  }
.Ltmp20:
0x293: {  	_ = 	snop;
	(pc) =	sbr.rel .LBB2_22-.Ltmp20, $4  }
0x294: {  	s23 =	sshll.u32 s23, $0x9  }
0x295: {  	s22 =	sadd.s32 $0x1, s22;
	s23 =	sshra.s32 s23, $0x2  }
0x296: {  	[smem:$0x0] =	sst s22;
	s23 =	sadd.s32 $0x1E000, s23;
	[tilespmem:v10+s16+$0x0] =	vst.idx.msk $0xffff, v9  }
0x297: {  	[hbm4b:s7+s5] =	stream.indirect_vreg.scatter [tilespmem:s23], [sflag:$0x2], $0x80, v8, vm0, $0xb8;
	[tilespmem:$0x1F800] =	vst v63  }
.LBB2_23:
0x298: {  	s19 =	sld [smem:$0x0];
	_ =	sdelay $0x2  }
0x299: {  	p1 =	slt.s32 s19, $0x1  }
.Ltmp21:
0x29a: {  	_ = 	snop;
	(pc) =	sbr.rel @p1 .LBB2_27-.Ltmp21, $1  }
0x29b: {  	_ =	sdelay $0x3  }
0x29c: {  	p1 =	slt.s32 s19, $0x3  }
0x29d: {  	s19 =	simm.s32 @!p1 $0x3  }
0x29e: {  	p1 =	sne.s32 s19, $0x1  }
.Ltmp22:
0x29f: {  	_ = 	snop;
	(pc) =	sbr.rel @!p1 .LBB2_26-.Ltmp22, $3  }
0x2a0: {  	_ =	sdelay $0x1  }
0x2a1: {  	_ =	swait.ge [sflag:s17], $0x800  }
0x2a2: {  	[sflag:s17] =	ssyncset.done $0x0;
	s19 =	sadd.s32 $0xFFFFFFFF, s19  }
.LBB2_25:
0x2a3: {  	p1 =	sne.s32 s19, $0x1;
	s19 =	sadd.s32 $0xFFFFFFFF, s19;
	[sflag:s17] =	ssyncadd.s32 $0xFFFFF800  }
.Ltmp23:
0x2a4: {  	(pc) =	sbr.rel @p1 .LBB2_25-.Ltmp23, $3  }
0x2a5: {  	_ =	sdelay $0x1  }
0x2a6: {  	_ =	swait.ge [sflag:s17], $0x800  }
0x2a7: {  	[sflag:s17] =	ssyncset.done $0x0  }
.Ltmp24:
0x2a8: {  	_ = 	snop;
	(pc) =	sbr.rel .LBB2_26-.Ltmp24, $1  }
0x2a9: {  	_ =	sdelay $0x3  }
.LBB2_28:
0x2aa: {  	_ =	sfence.sel $0x180000  }
0x2ab: {  	[bflag:$0x0] =	sbarrier.arrive $0xFFFF  }
0x2ac: {  	p0 =	sne.s32 s4, $0x0;
	_ =	strace $0x90000047  }
0x2ad: {  	s0 =	sadd.s32 @!p0 $0x100000, s0;
	[bflag:$0x2] =	sbarrier.arrive $0xFFFF  }
0x2ae: {  	[sflag:s0] =	ssyncadd.tile.s32 @!p0 $0x1;
	_ =	shalt  }
.Lfunc_end2:
_tile_overlayer_lowered:
.L_overlay_start_2:
0x2af: {  	(tag) =	ssettag $0x2  }
0x2b0: {  	s0 =	rddreg [dreg:$0x0];
	s2 =	stileid.u32  }
0x2b1: {  	s1 =	rddreg [dreg:$0x1];
	p0 =	sne.s32 s2, $0x0  }
0x2b2: {  	s3 =	rddreg [dreg:$0x2];
	[bflag:$0x3] =	sbarrier.arrive $0xFFFF;
	s2 =	simm.s32 @!p0 $0x1C03  }
0x2b3: {  	[timem:s3], [sflag:s2] =	dma.local @!p0 [hbm:s0], s1  }
0x2b4: {  	s0 =	simm.s32 @!p0 $0x3  }
0x2b5: {  	_ =	swait.ge @!p0 [sflag:s0], s1  }
0x2b6: {  	s1 =	ssub.s32 @!p0 $0x0, s1;
	[sflag:s0] =	ssyncset.done @!p0 $0x0  }
0x2b7: {  	[sflag:s0] =	ssyncadd.s32 @!p0 s1  }
0x2b8: {  	[bflag:$0x3] =	sbarrier.arrive $0xFFFF  }
0x2b9: {  	_ =	shalt  }

</sc_bundles>
